<compile_context>
chip_gen: v7x
topology: tpu7x:2x2x1
jax: 0.10.2.dev20260603
libtpu: 0.0.44.dev20260713+nightly
codegen_flags: <defaults>
</compile_context>

<pallas_src>
import functools

import jax
import jax.numpy as jnp
from jax import lax
from jax.experimental import pallas as pl
from jax.experimental.pallas import tpu as pltpu
from jax.experimental.pallas import tpu_sc as plsc

N_NODES = 10000
N_EDGES = 320000
D = 128

NC = 2
NS = 16
NW = NC * NS
CHUNK = 64
CHUNKS_PER_W = 160
HALF = CHUNKS_PER_W // 4
EDGES_PER_W = CHUNK * CHUNKS_PER_W
E_PAD = NW * EDGES_PER_W
ROWS_PER_TILE = 640
ACC_ROWS = NS * ROWS_PER_TILE


E_ROWS = N_EDGES // CHUNK
TAIL_REAL = E_ROWS - (NW - 1) * CHUNKS_PER_W
PAD_ROWS = NW * CHUNKS_PER_W - E_ROWS
DEPTH = 4


def _seg_body(h_hbm, edges_hbm, padc_hbm, out_hbm,
              src_v, dst_v, rows0, rows1, rows2, rows3, acc,
              sem0, sem1, sem2, sem3):
    cid = lax.axis_index("c")
    sid = lax.axis_index("s")
    wid = cid * NS + sid
    rows = [rows0, rows1, rows2, rows3]
    sems = [sem0, sem1, sem2, sem3]

    zvec = jnp.zeros((16,), jnp.float32)

    def zrow(r, _):
        for c in range(8):
            rows0[r, pl.ds(c * 16, 16)] = zvec
        return 0

    lax.fori_loop(0, CHUNK, zrow, 0)
    for i in range(ROWS_PER_TILE // CHUNK):
        pltpu.sync_copy(rows0, acc.at[pl.ds(sid * ROWS_PER_TILE + i * CHUNK, CHUNK)])

    for half in range(4):
        row0 = wid * CHUNKS_PER_W + half * HALF

        @pl.when(wid < NW - 1)
        def _():
            pltpu.sync_copy(edges_hbm.at[1, pl.ds(row0, HALF)], src_v)
            pltpu.sync_copy(edges_hbm.at[0, pl.ds(row0, HALF)], dst_v)

        @pl.when(wid == NW - 1)
        def _():
            pltpu.sync_copy(padc_hbm.at[1, pl.ds(half * HALF, HALF)], src_v)
            pltpu.sync_copy(padc_hbm.at[0, pl.ds(half * HALF, HALF)], dst_v)

        for k in range(DEPTH):
            pltpu.async_copy(h_hbm.at[src_v.at[k]], rows[k], sems[k])

        if half == 0:
            plsc.subcore_barrier()

        def body(g, _):
            c0 = DEPTH * g
            for k in range(DEPTH):
                pltpu.make_async_copy(h_hbm.at[src_v.at[c0 + k]],
                                      rows[k], sems[k]).wait()
                pltpu.sync_copy(rows[k], acc.at[dst_v.at[c0 + k]], add=True)

                @pl.when(c0 + DEPTH + k < HALF)
                def _():
                    pltpu.async_copy(h_hbm.at[src_v.at[c0 + DEPTH + k]],
                                     rows[k], sems[k])

            return 0

        lax.fori_loop(0, HALF // DEPTH, body, 0)

    plsc.subcore_barrier()
    pltpu.sync_copy(acc.at[pl.ds(sid * ROWS_PER_TILE, ROWS_PER_TILE)],
                    out_hbm.at[cid, pl.ds(sid * ROWS_PER_TILE, ROWS_PER_TILE)])


_seg_sum = pl.kernel(
    _seg_body,
    out_type=jax.ShapeDtypeStruct((NC, ACC_ROWS, D), jnp.float32),
    mesh=plsc.VectorSubcoreMesh(core_axis_name="c", subcore_axis_name="s",
                                num_cores=NC, num_subcores=NS),
    scratch_types=[
        pltpu.VMEM((HALF, CHUNK), jnp.int32),
        pltpu.VMEM((HALF, CHUNK), jnp.int32),
        pltpu.VMEM((CHUNK, D), jnp.float32),
        pltpu.VMEM((CHUNK, D), jnp.float32),
        pltpu.VMEM((CHUNK, D), jnp.float32),
        pltpu.VMEM((CHUNK, D), jnp.float32),
        pltpu.VMEM_SHARED((ACC_ROWS, D), jnp.float32),
        pltpu.SemaphoreType.DMA,
        pltpu.SemaphoreType.DMA,
        pltpu.SemaphoreType.DMA,
        pltpu.SemaphoreType.DMA,
    ],
)


ROW_BLK = 2000
GRID = N_NODES // ROW_BLK


def _mid_body(p0_ref, p1_ref, w1_ref, o_ref):
    o_ref[...] = jax.nn.relu(
        lax.dot_general(p0_ref[0] + p1_ref[0], w1_ref[...],
                        (((1,), (1,)), ((), ())),
                        preferred_element_type=jnp.float32))


def _mid_matmul(p, w1):
    return pl.pallas_call(
        _mid_body,
        grid=(GRID,),
        in_specs=[
            pl.BlockSpec((1, ROW_BLK, D), lambda i: (0, i, 0)),
            pl.BlockSpec((1, ROW_BLK, D), lambda i: (1, i, 0)),
            pl.BlockSpec((D, D), lambda i: (0, 0)),
        ],
        out_specs=pl.BlockSpec((ROW_BLK, D), lambda i: (i, 0)),
        out_shape=jax.ShapeDtypeStruct((N_NODES, D), jnp.float32),
    )(p, p, w1)


def _final_body(q0_ref, q1_ref, w2_ref, o_ref):
    o_ref[...] = jax.nn.relu(
        lax.dot_general(q0_ref[0] + q1_ref[0], w2_ref[...],
                        (((1,), (1,)), ((), ())),
                        preferred_element_type=jnp.float32))


def _final_matmul(q, w2):
    return pl.pallas_call(
        _final_body,
        grid=(GRID,),
        in_specs=[
            pl.BlockSpec((1, ROW_BLK, D), lambda i: (0, i, 0)),
            pl.BlockSpec((1, ROW_BLK, D), lambda i: (1, i, 0)),
            pl.BlockSpec((D, D), lambda i: (0, 0)),
        ],
        out_specs=pl.BlockSpec((ROW_BLK, D), lambda i: (i, 0)),
        out_shape=jax.ShapeDtypeStruct((N_NODES, D), jnp.float32),
    )(q, q, w2)


def kernel(X_mask, edge_index, W1, W2):
    edges3 = edge_index.astype(jnp.int32).reshape(2, E_ROWS, CHUNK)
    k = jnp.arange(PAD_ROWS * CHUNK, dtype=jnp.int32)
    pad_const = jnp.stack([N_NODES + k % (ACC_ROWS - N_NODES), k % N_NODES]
                          ).reshape(2, PAD_ROWS, CHUNK)
    padc = jnp.concatenate([edges3[:, E_ROWS - TAIL_REAL:], pad_const], axis=1)

    p = _seg_sum(X_mask, edges3, padc)
    h1 = _mid_matmul(p, W1)
    q = _seg_sum(h1, edges3, padc)
    return _final_matmul(q, W2)

# --- scband reference (transcript-rebuilt; emitter-appended) ---
"""Pipeline reference for scband-gene-gcn-5342939316652 (READ-ONLY COPY).

The authoritative reference and input builder live on the scoring server;
editing this copy changes nothing except your own understanding.
"""

import jax, jax.numpy as jnp
import numpy as np

N_NODES = 10000
N_EDGES = 320000
T_IN = 128
GCN_DIM1 = 128
GCN_DIM2 = 128


def setup_inputs(seed: int = 0) -> dict:
    key = jax.random.key(seed)
    k1, k2, k3, k4 = jax.random.split(key, 4)
    X_mask = jax.random.normal(k1, (N_NODES, T_IN), dtype=jnp.float32)
    edge_index = jax.random.randint(k2, (2, N_EDGES), 0, N_NODES, dtype=jnp.int64)
    # nn.Linear(din, dout, bias=False) weights: shape [dout, din], y = x @ W.T
    s1 = 1.0 / np.sqrt(T_IN)
    s2 = 1.0 / np.sqrt(GCN_DIM1)
    W1 = jax.random.uniform(k3, (GCN_DIM1, T_IN), dtype=jnp.float32, minval=-s1, maxval=s1)
    W2 = jax.random.uniform(k4, (GCN_DIM2, GCN_DIM1), dtype=jnp.float32, minval=-s2, maxval=s2)
    return {"X_mask": X_mask, "edge_index": edge_index, "W1": W1, "W2": W2}


def reference(X_mask, edge_index, W1, W2):
    # adj is a binary sparse COO matrix: row = edge_index[0] (dst), col = edge_index[1] (src)
    dst = edge_index[0]
    src = edge_index[1]
    # layer 1: relu(adj @ (x @ W1.T))
    h = X_mask @ W1.T
    agg = jax.ops.segment_sum(jnp.take(h, src, axis=0), dst, num_segments=N_NODES)
    h1 = jax.nn.relu(agg)
    # layer 2: relu(adj @ (h1 @ W2.T))
    h2 = h1 @ W2.T
    agg2 = jax.ops.segment_sum(jnp.take(h2, src, axis=0), dst, num_segments=N_NODES)
    return jax.nn.relu(agg2)

if __name__ == "__main__":
    import jax
    _d = setup_inputs()
    print(jax.jit(kernel)(*tuple(_d.values())))

</pallas_src>

<mosaic_0001>
#map = affine_map<(d0, d1) -> (0, 0)>
#map1 = affine_map<(d0, d1) -> (0, 0, 0)>
module attributes {stable_mosaic.version = 14 : i64} {
  func.func @_seg_body(%arg0: i32, %arg1: i32, %arg2: memref<10000x128xf32, #tpu.memory_space<hbm>>, %arg3: memref<2x5000x64xi32, #tpu.memory_space<hbm>>, %arg4: memref<2x160x64xi32, #tpu.memory_space<hbm>>, %arg5: memref<2x10240x128xf32, #tpu.memory_space<hbm>>, %arg6: memref<40x64xi32, #tpu.memory_space<vmem>>, %arg7: memref<40x64xi32, #tpu.memory_space<vmem>>, %arg8: memref<64x128xf32, #tpu.memory_space<vmem>>, %arg9: memref<64x128xf32, #tpu.memory_space<vmem>>, %arg10: memref<64x128xf32, #tpu.memory_space<vmem>>, %arg11: memref<64x128xf32, #tpu.memory_space<vmem>>, %arg12: memref<10240x128xf32, #tpu.memory_space<vmem_shared>>, %arg13: memref<!tpu.dma_semaphore, #tpu.memory_space<semaphore_mem>>, %arg14: memref<!tpu.dma_semaphore, #tpu.memory_space<semaphore_mem>>, %arg15: memref<!tpu.dma_semaphore, #tpu.memory_space<semaphore_mem>>, %arg16: memref<!tpu.dma_semaphore, #tpu.memory_space<semaphore_mem>>) attributes {dimension_semantics = [#tpu.dimension_semantics<core_parallel>, #tpu.dimension_semantics<subcore_parallel>], iteration_bounds = array<i64: 2, 16>, scalar_prefetch = 0 : i64, scratch_operands = 11 : i64, tpu.core_type = #tpu.core_type<sc_vector_subcore>, window_params = [{transform_indices = #map}, {transform_indices = #map1}, {transform_indices = #map1}, {transform_indices = #map1}]} {
    %mul3A = arith.constant 16 : i32
    %mul3A_0 = arith.muli %arg0, %mul3A : i32
    %add3A = arith.addi %mul3A_0, %arg1 : i32
    %broadcast_in_dim3A = arith.constant 0.000000e+00 : f32
    %broadcast_in_dim3A_1 = vector.broadcast %broadcast_in_dim3A : f32 to vector<16xf32>
    %scan3A = arith.constant 0 : i32
    %scan3A_2 = arith.constant 0 : i32
    %scan3A_3 = arith.constant 64 : i32
    %scan3A_4 = arith.addi %scan3A_2, %scan3A_3 : i32
    %scan3A_5 = arith.constant 1 : i32
    %scan3A_6 = scf.for %scan3A_244 = %scan3A_2 to %scan3A_4 step %scan3A_5 iter_args(%scan3A_245 = %scan3A) -> (i32)  : i32 {
      %swap3A = arith.index_cast %scan3A_244 : i32 to index
      %swap3A_246 = arith.constant 0 : index
      %swap3A_247 = tpu.vector_load %arg8[%swap3A, %swap3A_246] {strides = array<i32>} : memref<64x128xf32, #tpu.memory_space<vmem>>, vector<1x16xf32>,
      %swap3A_248 = vector.shape_cast %swap3A_247 : vector<1x16xf32> to vector<16xf32>
      %swap3A_249 = vector.shape_cast %broadcast_in_dim3A_1 : vector<16xf32> to vector<1x16xf32>
      tpu.vector_store %arg8[%swap3A, %swap3A_246], %swap3A_249 {strides = array<i32>} : memref<64x128xf32, #tpu.memory_space<vmem>>, vector<1x16xf32>,
      %swap3A_250 = arith.index_cast %scan3A_244 : i32 to index
      %swap3A_251 = arith.constant 16 : index
      %swap3A_252 = tpu.vector_load %arg8[%swap3A_250, %swap3A_251] {strides = array<i32>} : memref<64x128xf32, #tpu.memory_space<vmem>>, vector<1x16xf32>,
      %swap3A_253 = vector.shape_cast %swap3A_252 : vector<1x16xf32> to vector<16xf32>
      %swap3A_254 = vector.shape_cast %broadcast_in_dim3A_1 : vector<16xf32> to vector<1x16xf32>
      tpu.vector_store %arg8[%swap3A_250, %swap3A_251], %swap3A_254 {strides = array<i32>} : memref<64x128xf32, #tpu.memory_space<vmem>>, vector<1x16xf32>,
      %swap3A_255 = arith.index_cast %scan3A_244 : i32 to index
      %swap3A_256 = arith.constant 32 : index
      %swap3A_257 = tpu.vector_load %arg8[%swap3A_255, %swap3A_256] {strides = array<i32>} : memref<64x128xf32, #tpu.memory_space<vmem>>, vector<1x16xf32>,
      %swap3A_258 = vector.shape_cast %swap3A_257 : vector<1x16xf32> to vector<16xf32>
      %swap3A_259 = vector.shape_cast %broadcast_in_dim3A_1 : vector<16xf32> to vector<1x16xf32>
      tpu.vector_store %arg8[%swap3A_255, %swap3A_256], %swap3A_259 {strides = array<i32>} : memref<64x128xf32, #tpu.memory_space<vmem>>, vector<1x16xf32>,
      %swap3A_260 = arith.index_cast %scan3A_244 : i32 to index
      %swap3A_261 = arith.constant 48 : index
      %swap3A_262 = tpu.vector_load %arg8[%swap3A_260, %swap3A_261] {strides = array<i32>} : memref<64x128xf32, #tpu.memory_space<vmem>>, vector<1x16xf32>,
      %swap3A_263 = vector.shape_cast %swap3A_262 : vector<1x16xf32> to vector<16xf32>
      %swap3A_264 = vector.shape_cast %broadcast_in_dim3A_1 : vector<16xf32> to vector<1x16xf32>
      tpu.vector_store %arg8[%swap3A_260, %swap3A_261], %swap3A_264 {strides = array<i32>} : memref<64x128xf32, #tpu.memory_space<vmem>>, vector<1x16xf32>,
      %swap3A_265 = arith.index_cast %scan3A_244 : i32 to index
      %swap3A_266 = arith.constant 64 : index
      %swap3A_267 = tpu.vector_load %arg8[%swap3A_265, %swap3A_266] {strides = array<i32>} : memref<64x128xf32, #tpu.memory_space<vmem>>, vector<1x16xf32>,
      %swap3A_268 = vector.shape_cast %swap3A_267 : vector<1x16xf32> to vector<16xf32>
      %swap3A_269 = vector.shape_cast %broadcast_in_dim3A_1 : vector<16xf32> to vector<1x16xf32>
      tpu.vector_store %arg8[%swap3A_265, %swap3A_266], %swap3A_269 {strides = array<i32>} : memref<64x128xf32, #tpu.memory_space<vmem>>, vector<1x16xf32>,
      %swap3A_270 = arith.index_cast %scan3A_244 : i32 to index
      %swap3A_271 = arith.constant 80 : index
      %swap3A_272 = tpu.vector_load %arg8[%swap3A_270, %swap3A_271] {strides = array<i32>} : memref<64x128xf32, #tpu.memory_space<vmem>>, vector<1x16xf32>,
      %swap3A_273 = vector.shape_cast %swap3A_272 : vector<1x16xf32> to vector<16xf32>
      %swap3A_274 = vector.shape_cast %broadcast_in_dim3A_1 : vector<16xf32> to vector<1x16xf32>
      tpu.vector_store %arg8[%swap3A_270, %swap3A_271], %swap3A_274 {strides = array<i32>} : memref<64x128xf32, #tpu.memory_space<vmem>>, vector<1x16xf32>,
      %swap3A_275 = arith.index_cast %scan3A_244 : i32 to index
      %swap3A_276 = arith.constant 96 : index
      %swap3A_277 = tpu.vector_load %arg8[%swap3A_275, %swap3A_276] {strides = array<i32>} : memref<64x128xf32, #tpu.memory_space<vmem>>, vector<1x16xf32>,
      %swap3A_278 = vector.shape_cast %swap3A_277 : vector<1x16xf32> to vector<16xf32>
      %swap3A_279 = vector.shape_cast %broadcast_in_dim3A_1 : vector<16xf32> to vector<1x16xf32>
      tpu.vector_store %arg8[%swap3A_275, %swap3A_276], %swap3A_279 {strides = array<i32>} : memref<64x128xf32, #tpu.memory_space<vmem>>, vector<1x16xf32>,
      %swap3A_280 = arith.index_cast %scan3A_244 : i32 to index
      %swap3A_281 = arith.constant 112 : index
      %swap3A_282 = tpu.vector_load %arg8[%swap3A_280, %swap3A_281] {strides = array<i32>} : memref<64x128xf32, #tpu.memory_space<vmem>>, vector<1x16xf32>,
      %swap3A_283 = vector.shape_cast %swap3A_282 : vector<1x16xf32> to vector<16xf32>
      %swap3A_284 = vector.shape_cast %broadcast_in_dim3A_1 : vector<16xf32> to vector<1x16xf32>
      tpu.vector_store %arg8[%swap3A_280, %swap3A_281], %swap3A_284 {strides = array<i32>} : memref<64x128xf32, #tpu.memory_space<vmem>>, vector<1x16xf32>,
      %scan3A_285 = arith.constant 0 : i32
      scf.yield %scan3A_285 : i32
    }
    %scan3A_7 = arith.constant 64 : i32
    %mul3A_8 = arith.constant 640 : i32
    %mul3A_9 = arith.muli %arg1, %mul3A_8 : i32
    %add3A_10 = arith.constant 0 : i32
    %add3A_11 = arith.addi %mul3A_9, %add3A_10 : i32
    "tpu.region"() ({
      %run_scoped3A = tpu.sem_alloc : memref<!tpu.dma_semaphore, #tpu.memory_space<semaphore_mem>>
      %dma_start3A_244 = arith.constant 0 : i32
      %dma_start3A_245 = tpu.memref_slice %arg12[%add3A_11, %dma_start3A_244] : memref<10240x128xf32, #tpu.memory_space<vmem_shared>> -> memref<64x128xf32, #tpu.memory_space<vmem_shared>>
      %dma_start3A_246 = arith.constant 0 : i32
      %dma_start3A_247 = tpu.memref_slice %arg12[%add3A_11, %dma_start3A_246] : memref<10240x128xf32, #tpu.memory_space<vmem_shared>> -> memref<64x128xf32, #tpu.memory_space<vmem_shared>>
      tpu.enqueue_dma source(%arg8 : memref<64x128xf32, #tpu.memory_space<vmem>>) target(%dma_start3A_247 : memref<64x128xf32, #tpu.memory_space<vmem_shared>>) target_semaphore(%run_scoped3A : memref<!tpu.dma_semaphore, #tpu.memory_space<semaphore_mem>>)
      %dma_wait3A = arith.constant 0 : i32
      %dma_wait3A_248 = tpu.memref_slice %arg12[%add3A_11, %dma_wait3A] : memref<10240x128xf32, #tpu.memory_space<vmem_shared>> -> memref<64x128xf32, #tpu.memory_space<vmem_shared>>
      %dma_wait3A_249 = arith.constant 0 : i32
      %dma_wait3A_250 = tpu.memref_slice %arg12[%add3A_11, %dma_wait3A_249] : memref<10240x128xf32, #tpu.memory_space<vmem_shared>> -> memref<64x128xf32, #tpu.memory_space<vmem_shared>>
      tpu.wait_dma2 semaphore(%run_scoped3A : memref<!tpu.dma_semaphore, #tpu.memory_space<semaphore_mem>>) src(%arg8 : memref<64x128xf32, #tpu.memory_space<vmem>>) dst(%dma_wait3A_250 : memref<64x128xf32, #tpu.memory_space<vmem_shared>>)
      tpu.yield
    }) : () -> ()
    %mul3A_12 = arith.constant 640 : i32
    %mul3A_13 = arith.muli %arg1, %mul3A_12 : i32
    %add3A_14 = arith.constant 64 : i32
    %add3A_15 = arith.addi %mul3A_13, %add3A_14 : i32
    "tpu.region"() ({
      %run_scoped3A = tpu.sem_alloc : memref<!tpu.dma_semaphore, #tpu.memory_space<semaphore_mem>>
      %dma_start3A_244 = arith.constant 0 : i32
      %dma_start3A_245 = tpu.memref_slice %arg12[%add3A_15, %dma_start3A_244] : memref<10240x128xf32, #tpu.memory_space<vmem_shared>> -> memref<64x128xf32, #tpu.memory_space<vmem_shared>>
      %dma_start3A_246 = arith.constant 0 : i32
      %dma_start3A_247 = tpu.memref_slice %arg12[%add3A_15, %dma_start3A_246] : memref<10240x128xf32, #tpu.memory_space<vmem_shared>> -> memref<64x128xf32, #tpu.memory_space<vmem_shared>>
      tpu.enqueue_dma source(%arg8 : memref<64x128xf32, #tpu.memory_space<vmem>>) target(%dma_start3A_247 : memref<64x128xf32, #tpu.memory_space<vmem_shared>>) target_semaphore(%run_scoped3A : memref<!tpu.dma_semaphore, #tpu.memory_space<semaphore_mem>>)
      %dma_wait3A = arith.constant 0 : i32
      %dma_wait3A_248 = tpu.memref_slice %arg12[%add3A_15, %dma_wait3A] : memref<10240x128xf32, #tpu.memory_space<vmem_shared>> -> memref<64x128xf32, #tpu.memory_space<vmem_shared>>
      %dma_wait3A_249 = arith.constant 0 : i32
      %dma_wait3A_250 = tpu.memref_slice %arg12[%add3A_15, %dma_wait3A_249] : memref<10240x128xf32, #tpu.memory_space<vmem_shared>> -> memref<64x128xf32, #tpu.memory_space<vmem_shared>>
      tpu.wait_dma2 semaphore(%run_scoped3A : memref<!tpu.dma_semaphore, #tpu.memory_space<semaphore_mem>>) src(%arg8 : memref<64x128xf32, #tpu.memory_space<vmem>>) dst(%dma_wait3A_250 : memref<64x128xf32, #tpu.memory_space<vmem_shared>>)
      tpu.yield
    }) : () -> ()
    %mul3A_16 = arith.constant 640 : i32
    %mul3A_17 = arith.muli %arg1, %mul3A_16 : i32
    %add3A_18 = arith.constant 128 : i32
    %add3A_19 = arith.addi %mul3A_17, %add3A_18 : i32
    "tpu.region"() ({
      %run_scoped3A = tpu.sem_alloc : memref<!tpu.dma_semaphore, #tpu.memory_space<semaphore_mem>>
      %dma_start3A_244 = arith.constant 0 : i32
      %dma_start3A_245 = tpu.memref_slice %arg12[%add3A_19, %dma_start3A_244] : memref<10240x128xf32, #tpu.memory_space<vmem_shared>> -> memref<64x128xf32, #tpu.memory_space<vmem_shared>>
      %dma_start3A_246 = arith.constant 0 : i32
      %dma_start3A_247 = tpu.memref_slice %arg12[%add3A_19, %dma_start3A_246] : memref<10240x128xf32, #tpu.memory_space<vmem_shared>> -> memref<64x128xf32, #tpu.memory_space<vmem_shared>>
      tpu.enqueue_dma source(%arg8 : memref<64x128xf32, #tpu.memory_space<vmem>>) target(%dma_start3A_247 : memref<64x128xf32, #tpu.memory_space<vmem_shared>>) target_semaphore(%run_scoped3A : memref<!tpu.dma_semaphore, #tpu.memory_space<semaphore_mem>>)
      %dma_wait3A = arith.constant 0 : i32
      %dma_wait3A_248 = tpu.memref_slice %arg12[%add3A_19, %dma_wait3A] : memref<10240x128xf32, #tpu.memory_space<vmem_shared>> -> memref<64x128xf32, #tpu.memory_space<vmem_shared>>
      %dma_wait3A_249 = arith.constant 0 : i32
      %dma_wait3A_250 = tpu.memref_slice %arg12[%add3A_19, %dma_wait3A_249] : memref<10240x128xf32, #tpu.memory_space<vmem_shared>> -> memref<64x128xf32, #tpu.memory_space<vmem_shared>>
      tpu.wait_dma2 semaphore(%run_scoped3A : memref<!tpu.dma_semaphore, #tpu.memory_space<semaphore_mem>>) src(%arg8 : memref<64x128xf32, #tpu.memory_space<vmem>>) dst(%dma_wait3A_250 : memref<64x128xf32, #tpu.memory_space<vmem_shared>>)
      tpu.yield
    }) : () -> ()
    %mul3A_20 = arith.constant 640 : i32
    %mul3A_21 = arith.muli %arg1, %mul3A_20 : i32
    %add3A_22 = arith.constant 192 : i32
    %add3A_23 = arith.addi %mul3A_21, %add3A_22 : i32
    "tpu.region"() ({
      %run_scoped3A = tpu.sem_alloc : memref<!tpu.dma_semaphore, #tpu.memory_space<semaphore_mem>>
      %dma_start3A_244 = arith.constant 0 : i32
      %dma_start3A_245 = tpu.memref_slice %arg12[%add3A_23, %dma_start3A_244] : memref<10240x128xf32, #tpu.memory_space<vmem_shared>> -> memref<64x128xf32, #tpu.memory_space<vmem_shared>>
      %dma_start3A_246 = arith.constant 0 : i32
      %dma_start3A_247 = tpu.memref_slice %arg12[%add3A_23, %dma_start3A_246] : memref<10240x128xf32, #tpu.memory_space<vmem_shared>> -> memref<64x128xf32, #tpu.memory_space<vmem_shared>>
      tpu.enqueue_dma source(%arg8 : memref<64x128xf32, #tpu.memory_space<vmem>>) target(%dma_start3A_247 : memref<64x128xf32, #tpu.memory_space<vmem_shared>>) target_semaphore(%run_scoped3A : memref<!tpu.dma_semaphore, #tpu.memory_space<semaphore_mem>>)
      %dma_wait3A = arith.constant 0 : i32
      %dma_wait3A_248 = tpu.memref_slice %arg12[%add3A_23, %dma_wait3A] : memref<10240x128xf32, #tpu.memory_space<vmem_shared>> -> memref<64x128xf32, #tpu.memory_space<vmem_shared>>
      %dma_wait3A_249 = arith.constant 0 : i32
      %dma_wait3A_250 = tpu.memref_slice %arg12[%add3A_23, %dma_wait3A_249] : memref<10240x128xf32, #tpu.memory_space<vmem_shared>> -> memref<64x128xf32, #tpu.memory_space<vmem_shared>>
      tpu.wait_dma2 semaphore(%run_scoped3A : memref<!tpu.dma_semaphore, #tpu.memory_space<semaphore_mem>>) src(%arg8 : memref<64x128xf32, #tpu.memory_space<vmem>>) dst(%dma_wait3A_250 : memref<64x128xf32, #tpu.memory_space<vmem_shared>>)
      tpu.yield
    }) : () -> ()
    %mul3A_24 = arith.constant 640 : i32
    %mul3A_25 = arith.muli %arg1, %mul3A_24 : i32
    %add3A_26 = arith.constant 256 : i32
    %add3A_27 = arith.addi %mul3A_25, %add3A_26 : i32
    "tpu.region"() ({
      %run_scoped3A = tpu.sem_alloc : memref<!tpu.dma_semaphore, #tpu.memory_space<semaphore_mem>>
      %dma_start3A_244 = arith.constant 0 : i32
      %dma_start3A_245 = tpu.memref_slice %arg12[%add3A_27, %dma_start3A_244] : memref<10240x128xf32, #tpu.memory_space<vmem_shared>> -> memref<64x128xf32, #tpu.memory_space<vmem_shared>>
      %dma_start3A_246 = arith.constant 0 : i32
      %dma_start3A_247 = tpu.memref_slice %arg12[%add3A_27, %dma_start3A_246] : memref<10240x128xf32, #tpu.memory_space<vmem_shared>> -> memref<64x128xf32, #tpu.memory_space<vmem_shared>>
      tpu.enqueue_dma source(%arg8 : memref<64x128xf32, #tpu.memory_space<vmem>>) target(%dma_start3A_247 : memref<64x128xf32, #tpu.memory_space<vmem_shared>>) target_semaphore(%run_scoped3A : memref<!tpu.dma_semaphore, #tpu.memory_space<semaphore_mem>>)
      %dma_wait3A = arith.constant 0 : i32
      %dma_wait3A_248 = tpu.memref_slice %arg12[%add3A_27, %dma_wait3A] : memref<10240x128xf32, #tpu.memory_space<vmem_shared>> -> memref<64x128xf32, #tpu.memory_space<vmem_shared>>
      %dma_wait3A_249 = arith.constant 0 : i32
      %dma_wait3A_250 = tpu.memref_slice %arg12[%add3A_27, %dma_wait3A_249] : memref<10240x128xf32, #tpu.memory_space<vmem_shared>> -> memref<64x128xf32, #tpu.memory_space<vmem_shared>>
      tpu.wait_dma2 semaphore(%run_scoped3A : memref<!tpu.dma_semaphore, #tpu.memory_space<semaphore_mem>>) src(%arg8 : memref<64x128xf32, #tpu.memory_space<vmem>>) dst(%dma_wait3A_250 : memref<64x128xf32, #tpu.memory_space<vmem_shared>>)
      tpu.yield
    }) : () -> ()
    %mul3A_28 = arith.constant 640 : i32
    %mul3A_29 = arith.muli %arg1, %mul3A_28 : i32
    %add3A_30 = arith.constant 320 : i32
    %add3A_31 = arith.addi %mul3A_29, %add3A_30 : i32
    "tpu.region"() ({
      %run_scoped3A = tpu.sem_alloc : memref<!tpu.dma_semaphore, #tpu.memory_space<semaphore_mem>>
      %dma_start3A_244 = arith.constant 0 : i32
      %dma_start3A_245 = tpu.memref_slice %arg12[%add3A_31, %dma_start3A_244] : memref<10240x128xf32, #tpu.memory_space<vmem_shared>> -> memref<64x128xf32, #tpu.memory_space<vmem_shared>>
      %dma_start3A_246 = arith.constant 0 : i32
      %dma_start3A_247 = tpu.memref_slice %arg12[%add3A_31, %dma_start3A_246] : memref<10240x128xf32, #tpu.memory_space<vmem_shared>> -> memref<64x128xf32, #tpu.memory_space<vmem_shared>>
      tpu.enqueue_dma source(%arg8 : memref<64x128xf32, #tpu.memory_space<vmem>>) target(%dma_start3A_247 : memref<64x128xf32, #tpu.memory_space<vmem_shared>>) target_semaphore(%run_scoped3A : memref<!tpu.dma_semaphore, #tpu.memory_space<semaphore_mem>>)
      %dma_wait3A = arith.constant 0 : i32
      %dma_wait3A_248 = tpu.memref_slice %arg12[%add3A_31, %dma_wait3A] : memref<10240x128xf32, #tpu.memory_space<vmem_shared>> -> memref<64x128xf32, #tpu.memory_space<vmem_shared>>
      %dma_wait3A_249 = arith.constant 0 : i32
      %dma_wait3A_250 = tpu.memref_slice %arg12[%add3A_31, %dma_wait3A_249] : memref<10240x128xf32, #tpu.memory_space<vmem_shared>> -> memref<64x128xf32, #tpu.memory_space<vmem_shared>>
      tpu.wait_dma2 semaphore(%run_scoped3A : memref<!tpu.dma_semaphore, #tpu.memory_space<semaphore_mem>>) src(%arg8 : memref<64x128xf32, #tpu.memory_space<vmem>>) dst(%dma_wait3A_250 : memref<64x128xf32, #tpu.memory_space<vmem_shared>>)
      tpu.yield
    }) : () -> ()
    %mul3A_32 = arith.constant 640 : i32
    %mul3A_33 = arith.muli %arg1, %mul3A_32 : i32
    %add3A_34 = arith.constant 384 : i32
    %add3A_35 = arith.addi %mul3A_33, %add3A_34 : i32
    "tpu.region"() ({
      %run_scoped3A = tpu.sem_alloc : memref<!tpu.dma_semaphore, #tpu.memory_space<semaphore_mem>>
      %dma_start3A_244 = arith.constant 0 : i32
      %dma_start3A_245 = tpu.memref_slice %arg12[%add3A_35, %dma_start3A_244] : memref<10240x128xf32, #tpu.memory_space<vmem_shared>> -> memref<64x128xf32, #tpu.memory_space<vmem_shared>>
      %dma_start3A_246 = arith.constant 0 : i32
      %dma_start3A_247 = tpu.memref_slice %arg12[%add3A_35, %dma_start3A_246] : memref<10240x128xf32, #tpu.memory_space<vmem_shared>> -> memref<64x128xf32, #tpu.memory_space<vmem_shared>>
      tpu.enqueue_dma source(%arg8 : memref<64x128xf32, #tpu.memory_space<vmem>>) target(%dma_start3A_247 : memref<64x128xf32, #tpu.memory_space<vmem_shared>>) target_semaphore(%run_scoped3A : memref<!tpu.dma_semaphore, #tpu.memory_space<semaphore_mem>>)
      %dma_wait3A = arith.constant 0 : i32
      %dma_wait3A_248 = tpu.memref_slice %arg12[%add3A_35, %dma_wait3A] : memref<10240x128xf32, #tpu.memory_space<vmem_shared>> -> memref<64x128xf32, #tpu.memory_space<vmem_shared>>
      %dma_wait3A_249 = arith.constant 0 : i32
      %dma_wait3A_250 = tpu.memref_slice %arg12[%add3A_35, %dma_wait3A_249] : memref<10240x128xf32, #tpu.memory_space<vmem_shared>> -> memref<64x128xf32, #tpu.memory_space<vmem_shared>>
      tpu.wait_dma2 semaphore(%run_scoped3A : memref<!tpu.dma_semaphore, #tpu.memory_space<semaphore_mem>>) src(%arg8 : memref<64x128xf32, #tpu.memory_space<vmem>>) dst(%dma_wait3A_250 : memref<64x128xf32, #tpu.memory_space<vmem_shared>>)
      tpu.yield
    }) : () -> ()
    %mul3A_36 = arith.constant 640 : i32
    %mul3A_37 = arith.muli %arg1, %mul3A_36 : i32
    %add3A_38 = arith.constant 448 : i32
    %add3A_39 = arith.addi %mul3A_37, %add3A_38 : i32
    "tpu.region"() ({
      %run_scoped3A = tpu.sem_alloc : memref<!tpu.dma_semaphore, #tpu.memory_space<semaphore_mem>>
      %dma_start3A_244 = arith.constant 0 : i32
      %dma_start3A_245 = tpu.memref_slice %arg12[%add3A_39, %dma_start3A_244] : memref<10240x128xf32, #tpu.memory_space<vmem_shared>> -> memref<64x128xf32, #tpu.memory_space<vmem_shared>>
      %dma_start3A_246 = arith.constant 0 : i32
      %dma_start3A_247 = tpu.memref_slice %arg12[%add3A_39, %dma_start3A_246] : memref<10240x128xf32, #tpu.memory_space<vmem_shared>> -> memref<64x128xf32, #tpu.memory_space<vmem_shared>>
      tpu.enqueue_dma source(%arg8 : memref<64x128xf32, #tpu.memory_space<vmem>>) target(%dma_start3A_247 : memref<64x128xf32, #tpu.memory_space<vmem_shared>>) target_semaphore(%run_scoped3A : memref<!tpu.dma_semaphore, #tpu.memory_space<semaphore_mem>>)
      %dma_wait3A = arith.constant 0 : i32
      %dma_wait3A_248 = tpu.memref_slice %arg12[%add3A_39, %dma_wait3A] : memref<10240x128xf32, #tpu.memory_space<vmem_shared>> -> memref<64x128xf32, #tpu.memory_space<vmem_shared>>
      %dma_wait3A_249 = arith.constant 0 : i32
      %dma_wait3A_250 = tpu.memref_slice %arg12[%add3A_39, %dma_wait3A_249] : memref<10240x128xf32, #tpu.memory_space<vmem_shared>> -> memref<64x128xf32, #tpu.memory_space<vmem_shared>>
      tpu.wait_dma2 semaphore(%run_scoped3A : memref<!tpu.dma_semaphore, #tpu.memory_space<semaphore_mem>>) src(%arg8 : memref<64x128xf32, #tpu.memory_space<vmem>>) dst(%dma_wait3A_250 : memref<64x128xf32, #tpu.memory_space<vmem_shared>>)
      tpu.yield
    }) : () -> ()
    %mul3A_40 = arith.constant 640 : i32
    %mul3A_41 = arith.muli %arg1, %mul3A_40 : i32
    %add3A_42 = arith.constant 512 : i32
    %add3A_43 = arith.addi %mul3A_41, %add3A_42 : i32
    "tpu.region"() ({
      %run_scoped3A = tpu.sem_alloc : memref<!tpu.dma_semaphore, #tpu.memory_space<semaphore_mem>>
      %dma_start3A_244 = arith.constant 0 : i32
      %dma_start3A_245 = tpu.memref_slice %arg12[%add3A_43, %dma_start3A_244] : memref<10240x128xf32, #tpu.memory_space<vmem_shared>> -> memref<64x128xf32, #tpu.memory_space<vmem_shared>>
      %dma_start3A_246 = arith.constant 0 : i32
      %dma_start3A_247 = tpu.memref_slice %arg12[%add3A_43, %dma_start3A_246] : memref<10240x128xf32, #tpu.memory_space<vmem_shared>> -> memref<64x128xf32, #tpu.memory_space<vmem_shared>>
      tpu.enqueue_dma source(%arg8 : memref<64x128xf32, #tpu.memory_space<vmem>>) target(%dma_start3A_247 : memref<64x128xf32, #tpu.memory_space<vmem_shared>>) target_semaphore(%run_scoped3A : memref<!tpu.dma_semaphore, #tpu.memory_space<semaphore_mem>>)
      %dma_wait3A = arith.constant 0 : i32
      %dma_wait3A_248 = tpu.memref_slice %arg12[%add3A_43, %dma_wait3A] : memref<10240x128xf32, #tpu.memory_space<vmem_shared>> -> memref<64x128xf32, #tpu.memory_space<vmem_shared>>
      %dma_wait3A_249 = arith.constant 0 : i32
      %dma_wait3A_250 = tpu.memref_slice %arg12[%add3A_43, %dma_wait3A_249] : memref<10240x128xf32, #tpu.memory_space<vmem_shared>> -> memref<64x128xf32, #tpu.memory_space<vmem_shared>>
      tpu.wait_dma2 semaphore(%run_scoped3A : memref<!tpu.dma_semaphore, #tpu.memory_space<semaphore_mem>>) src(%arg8 : memref<64x128xf32, #tpu.memory_space<vmem>>) dst(%dma_wait3A_250 : memref<64x128xf32, #tpu.memory_space<vmem_shared>>)
      tpu.yield
    }) : () -> ()
    %mul3A_44 = arith.constant 640 : i32
    %mul3A_45 = arith.muli %arg1, %mul3A_44 : i32
    %add3A_46 = arith.constant 576 : i32
    %add3A_47 = arith.addi %mul3A_45, %add3A_46 : i32
    "tpu.region"() ({
      %run_scoped3A = tpu.sem_alloc : memref<!tpu.dma_semaphore, #tpu.memory_space<semaphore_mem>>
      %dma_start3A_244 = arith.constant 0 : i32
      %dma_start3A_245 = tpu.memref_slice %arg12[%add3A_47, %dma_start3A_244] : memref<10240x128xf32, #tpu.memory_space<vmem_shared>> -> memref<64x128xf32, #tpu.memory_space<vmem_shared>>
      %dma_start3A_246 = arith.constant 0 : i32
      %dma_start3A_247 = tpu.memref_slice %arg12[%add3A_47, %dma_start3A_246] : memref<10240x128xf32, #tpu.memory_space<vmem_shared>> -> memref<64x128xf32, #tpu.memory_space<vmem_shared>>
      tpu.enqueue_dma source(%arg8 : memref<64x128xf32, #tpu.memory_space<vmem>>) target(%dma_start3A_247 : memref<64x128xf32, #tpu.memory_space<vmem_shared>>) target_semaphore(%run_scoped3A : memref<!tpu.dma_semaphore, #tpu.memory_space<semaphore_mem>>)
      %dma_wait3A = arith.constant 0 : i32
      %dma_wait3A_248 = tpu.memref_slice %arg12[%add3A_47, %dma_wait3A] : memref<10240x128xf32, #tpu.memory_space<vmem_shared>> -> memref<64x128xf32, #tpu.memory_space<vmem_shared>>
      %dma_wait3A_249 = arith.constant 0 : i32
      %dma_wait3A_250 = tpu.memref_slice %arg12[%add3A_47, %dma_wait3A_249] : memref<10240x128xf32, #tpu.memory_space<vmem_shared>> -> memref<64x128xf32, #tpu.memory_space<vmem_shared>>
      tpu.wait_dma2 semaphore(%run_scoped3A : memref<!tpu.dma_semaphore, #tpu.memory_space<semaphore_mem>>) src(%arg8 : memref<64x128xf32, #tpu.memory_space<vmem>>) dst(%dma_wait3A_250 : memref<64x128xf32, #tpu.memory_space<vmem_shared>>)
      tpu.yield
    }) : () -> ()
    %mul3A_48 = arith.constant 160 : i32
    %mul3A_49 = arith.muli %add3A, %mul3A_48 : i32
    %add3A_50 = arith.constant 0 : i32
    %add3A_51 = arith.addi %mul3A_49, %add3A_50 : i32
    %lt3A = arith.constant 31 : i32
    %lt3A_52 = arith.cmpi slt, %add3A, %lt3A : i32
    %convert_element_type3A = arith.extui %lt3A_52 : i1 to i32
    %cond3A = arith.constant 0 : i32
    %cond3A_53 = arith.cmpi ne, %convert_element_type3A, %cond3A : i32
    scf.if %cond3A_53 {
      %run_scoped3A = arith.constant 1 : i32
      "tpu.region"() ({
        %run_scoped3A_245 = tpu.sem_alloc : memref<!tpu.dma_semaphore, #tpu.memory_space<semaphore_mem>>
        %dma_start3A_246 = arith.constant 0 : i32
        %dma_start3A_247 = tpu.memref_slice %arg3[%run_scoped3A, %add3A_51, %dma_start3A_246] : memref<2x5000x64xi32, #tpu.memory_space<hbm>> -> memref<1x40x64xi32, #tpu.memory_space<hbm>>
        %dma_start3A_248 = tpu.memref_squeeze %dma_start3A_247 : memref<1x40x64xi32, #tpu.memory_space<hbm>> -> memref<40x64xi32, #tpu.memory_space<hbm>>
        %dma_start3A_249 = arith.constant 0 : i32
        %dma_start3A_250 = tpu.memref_slice %arg3[%run_scoped3A, %add3A_51, %dma_start3A_249] : memref<2x5000x64xi32, #tpu.memory_space<hbm>> -> memref<1x40x64xi32, #tpu.memory_space<hbm>>
        %dma_start3A_251 = tpu.memref_squeeze %dma_start3A_250 : memref<1x40x64xi32, #tpu.memory_space<hbm>> -> memref<40x64xi32, #tpu.memory_space<hbm>>
        tpu.enqueue_dma source(%dma_start3A_251 : memref<40x64xi32, #tpu.memory_space<hbm>>) target(%arg6 : memref<40x64xi32, #tpu.memory_space<vmem>>) target_semaphore(%run_scoped3A_245 : memref<!tpu.dma_semaphore, #tpu.memory_space<semaphore_mem>>)
        %dma_wait3A = arith.constant 0 : i32
        %dma_wait3A_252 = tpu.memref_slice %arg3[%run_scoped3A, %add3A_51, %dma_wait3A] : memref<2x5000x64xi32, #tpu.memory_space<hbm>> -> memref<1x40x64xi32, #tpu.memory_space<hbm>>
        %dma_wait3A_253 = tpu.memref_squeeze %dma_wait3A_252 : memref<1x40x64xi32, #tpu.memory_space<hbm>> -> memref<40x64xi32, #tpu.memory_space<hbm>>
        %dma_wait3A_254 = arith.constant 0 : i32
        %dma_wait3A_255 = tpu.memref_slice %arg3[%run_scoped3A, %add3A_51, %dma_wait3A_254] : memref<2x5000x64xi32, #tpu.memory_space<hbm>> -> memref<1x40x64xi32, #tpu.memory_space<hbm>>
        %dma_wait3A_256 = tpu.memref_squeeze %dma_wait3A_255 : memref<1x40x64xi32, #tpu.memory_space<hbm>> -> memref<40x64xi32, #tpu.memory_space<hbm>>
        tpu.wait_dma2 semaphore(%run_scoped3A_245 : memref<!tpu.dma_semaphore, #tpu.memory_space<semaphore_mem>>) src(%dma_wait3A_256 : memref<40x64xi32, #tpu.memory_space<hbm>>) dst(%arg6 : memref<40x64xi32, #tpu.memory_space<vmem>>)
        tpu.yield
      }) : () -> ()
      %run_scoped3A_244 = arith.constant 0 : i32
      "tpu.region"() ({
        %run_scoped3A_245 = tpu.sem_alloc : memref<!tpu.dma_semaphore, #tpu.memory_space<semaphore_mem>>
        %dma_start3A_246 = arith.constant 0 : i32
        %dma_start3A_247 = tpu.memref_slice %arg3[%run_scoped3A_244, %add3A_51, %dma_start3A_246] : memref<2x5000x64xi32, #tpu.memory_space<hbm>> -> memref<1x40x64xi32, #tpu.memory_space<hbm>>
        %dma_start3A_248 = tpu.memref_squeeze %dma_start3A_247 : memref<1x40x64xi32, #tpu.memory_space<hbm>> -> memref<40x64xi32, #tpu.memory_space<hbm>>
        %dma_start3A_249 = arith.constant 0 : i32
        %dma_start3A_250 = tpu.memref_slice %arg3[%run_scoped3A_244, %add3A_51, %dma_start3A_249] : memref<2x5000x64xi32, #tpu.memory_space<hbm>> -> memref<1x40x64xi32, #tpu.memory_space<hbm>>
        %dma_start3A_251 = tpu.memref_squeeze %dma_start3A_250 : memref<1x40x64xi32, #tpu.memory_space<hbm>> -> memref<40x64xi32, #tpu.memory_space<hbm>>
        tpu.enqueue_dma source(%dma_start3A_251 : memref<40x64xi32, #tpu.memory_space<hbm>>) target(%arg7 : memref<40x64xi32, #tpu.memory_space<vmem>>) target_semaphore(%run_scoped3A_245 : memref<!tpu.dma_semaphore, #tpu.memory_space<semaphore_mem>>)
        %dma_wait3A = arith.constant 0 : i32
        %dma_wait3A_252 = tpu.memref_slice %arg3[%run_scoped3A_244, %add3A_51, %dma_wait3A] : memref<2x5000x64xi32, #tpu.memory_space<hbm>> -> memref<1x40x64xi32, #tpu.memory_space<hbm>>
        %dma_wait3A_253 = tpu.memref_squeeze %dma_wait3A_252 : memref<1x40x64xi32, #tpu.memory_space<hbm>> -> memref<40x64xi32, #tpu.memory_space<hbm>>
        %dma_wait3A_254 = arith.constant 0 : i32
        %dma_wait3A_255 = tpu.memref_slice %arg3[%run_scoped3A_244, %add3A_51, %dma_wait3A_254] : memref<2x5000x64xi32, #tpu.memory_space<hbm>> -> memref<1x40x64xi32, #tpu.memory_space<hbm>>
        %dma_wait3A_256 = tpu.memref_squeeze %dma_wait3A_255 : memref<1x40x64xi32, #tpu.memory_space<hbm>> -> memref<40x64xi32, #tpu.memory_space<hbm>>
        tpu.wait_dma2 semaphore(%run_scoped3A_245 : memref<!tpu.dma_semaphore, #tpu.memory_space<semaphore_mem>>) src(%dma_wait3A_256 : memref<40x64xi32, #tpu.memory_space<hbm>>) dst(%arg7 : memref<40x64xi32, #tpu.memory_space<vmem>>)
        tpu.yield
      }) : () -> ()
    } else {
    }
    %eq3A = arith.constant 31 : i32
    %eq3A_54 = arith.cmpi eq, %add3A, %eq3A : i32
    %convert_element_type3A_55 = arith.extui %eq3A_54 : i1 to i32
    %cond3A_56 = arith.constant 0 : i32
    %cond3A_57 = arith.cmpi ne, %convert_element_type3A_55, %cond3A_56 : i32
    scf.if %cond3A_57 {
      %run_scoped3A = arith.constant 1 : i32
      "tpu.region"() ({
        %run_scoped3A_245 = tpu.sem_alloc : memref<!tpu.dma_semaphore, #tpu.memory_space<semaphore_mem>>
        %dma_start3A_246 = arith.constant 0 : i32
        %dma_start3A_247 = arith.constant 0 : i32
        %dma_start3A_248 = tpu.memref_slice %arg4[%run_scoped3A, %dma_start3A_246, %dma_start3A_247] : memref<2x160x64xi32, #tpu.memory_space<hbm>> -> memref<1x40x64xi32, #tpu.memory_space<hbm>>
        %dma_start3A_249 = tpu.memref_squeeze %dma_start3A_248 : memref<1x40x64xi32, #tpu.memory_space<hbm>> -> memref<40x64xi32, #tpu.memory_space<hbm>>
        %dma_start3A_250 = arith.constant 0 : i32
        %dma_start3A_251 = arith.constant 0 : i32
        %dma_start3A_252 = tpu.memref_slice %arg4[%run_scoped3A, %dma_start3A_250, %dma_start3A_251] : memref<2x160x64xi32, #tpu.memory_space<hbm>> -> memref<1x40x64xi32, #tpu.memory_space<hbm>>
        %dma_start3A_253 = tpu.memref_squeeze %dma_start3A_252 : memref<1x40x64xi32, #tpu.memory_space<hbm>> -> memref<40x64xi32, #tpu.memory_space<hbm>>
        tpu.enqueue_dma source(%dma_start3A_253 : memref<40x64xi32, #tpu.memory_space<hbm>>) target(%arg6 : memref<40x64xi32, #tpu.memory_space<vmem>>) target_semaphore(%run_scoped3A_245 : memref<!tpu.dma_semaphore, #tpu.memory_space<semaphore_mem>>)
        %dma_wait3A = arith.constant 0 : i32
        %dma_wait3A_254 = arith.constant 0 : i32
        %dma_wait3A_255 = tpu.memref_slice %arg4[%run_scoped3A, %dma_wait3A, %dma_wait3A_254] : memref<2x160x64xi32, #tpu.memory_space<hbm>> -> memref<1x40x64xi32, #tpu.memory_space<hbm>>
        %dma_wait3A_256 = tpu.memref_squeeze %dma_wait3A_255 : memref<1x40x64xi32, #tpu.memory_space<hbm>> -> memref<40x64xi32, #tpu.memory_space<hbm>>
        %dma_wait3A_257 = arith.constant 0 : i32
        %dma_wait3A_258 = arith.constant 0 : i32
        %dma_wait3A_259 = tpu.memref_slice %arg4[%run_scoped3A, %dma_wait3A_257, %dma_wait3A_258] : memref<2x160x64xi32, #tpu.memory_space<hbm>> -> memref<1x40x64xi32, #tpu.memory_space<hbm>>
        %dma_wait3A_260 = tpu.memref_squeeze %dma_wait3A_259 : memref<1x40x64xi32, #tpu.memory_space<hbm>> -> memref<40x64xi32, #tpu.memory_space<hbm>>
        tpu.wait_dma2 semaphore(%run_scoped3A_245 : memref<!tpu.dma_semaphore, #tpu.memory_space<semaphore_mem>>) src(%dma_wait3A_260 : memref<40x64xi32, #tpu.memory_space<hbm>>) dst(%arg6 : memref<40x64xi32, #tpu.memory_space<vmem>>)
        tpu.yield
      }) : () -> ()
      %run_scoped3A_244 = arith.constant 0 : i32
      "tpu.region"() ({
        %run_scoped3A_245 = tpu.sem_alloc : memref<!tpu.dma_semaphore, #tpu.memory_space<semaphore_mem>>
        %dma_start3A_246 = arith.constant 0 : i32
        %dma_start3A_247 = arith.constant 0 : i32
        %dma_start3A_248 = tpu.memref_slice %arg4[%run_scoped3A_244, %dma_start3A_246, %dma_start3A_247] : memref<2x160x64xi32, #tpu.memory_space<hbm>> -> memref<1x40x64xi32, #tpu.memory_space<hbm>>
        %dma_start3A_249 = tpu.memref_squeeze %dma_start3A_248 : memref<1x40x64xi32, #tpu.memory_space<hbm>> -> memref<40x64xi32, #tpu.memory_space<hbm>>
        %dma_start3A_250 = arith.constant 0 : i32
        %dma_start3A_251 = arith.constant 0 : i32
        %dma_start3A_252 = tpu.memref_slice %arg4[%run_scoped3A_244, %dma_start3A_250, %dma_start3A_251] : memref<2x160x64xi32, #tpu.memory_space<hbm>> -> memref<1x40x64xi32, #tpu.memory_space<hbm>>
        %dma_start3A_253 = tpu.memref_squeeze %dma_start3A_252 : memref<1x40x64xi32, #tpu.memory_space<hbm>> -> memref<40x64xi32, #tpu.memory_space<hbm>>
        tpu.enqueue_dma source(%dma_start3A_253 : memref<40x64xi32, #tpu.memory_space<hbm>>) target(%arg7 : memref<40x64xi32, #tpu.memory_space<vmem>>) target_semaphore(%run_scoped3A_245 : memref<!tpu.dma_semaphore, #tpu.memory_space<semaphore_mem>>)
        %dma_wait3A = arith.constant 0 : i32
        %dma_wait3A_254 = arith.constant 0 : i32
        %dma_wait3A_255 = tpu.memref_slice %arg4[%run_scoped3A_244, %dma_wait3A, %dma_wait3A_254] : memref<2x160x64xi32, #tpu.memory_space<hbm>> -> memref<1x40x64xi32, #tpu.memory_space<hbm>>
        %dma_wait3A_256 = tpu.memref_squeeze %dma_wait3A_255 : memref<1x40x64xi32, #tpu.memory_space<hbm>> -> memref<40x64xi32, #tpu.memory_space<hbm>>
        %dma_wait3A_257 = arith.constant 0 : i32
        %dma_wait3A_258 = arith.constant 0 : i32
        %dma_wait3A_259 = tpu.memref_slice %arg4[%run_scoped3A_244, %dma_wait3A_257, %dma_wait3A_258] : memref<2x160x64xi32, #tpu.memory_space<hbm>> -> memref<1x40x64xi32, #tpu.memory_space<hbm>>
        %dma_wait3A_260 = tpu.memref_squeeze %dma_wait3A_259 : memref<1x40x64xi32, #tpu.memory_space<hbm>> -> memref<40x64xi32, #tpu.memory_space<hbm>>
        tpu.wait_dma2 semaphore(%run_scoped3A_245 : memref<!tpu.dma_semaphore, #tpu.memory_space<semaphore_mem>>) src(%dma_wait3A_260 : memref<40x64xi32, #tpu.memory_space<hbm>>) dst(%arg7 : memref<40x64xi32, #tpu.memory_space<vmem>>)
        tpu.yield
      }) : () -> ()
    } else {
    }
    %dma_start3A = arith.constant 0 : i32
    %dma_start3A_58 = arith.constant 0 : i32
    %dma_start3A_59 = tpu.memref_slice %arg6[%dma_start3A, %dma_start3A_58] : memref<40x64xi32, #tpu.memory_space<vmem>> -> memref<1x64xi32, #tpu.memory_space<vmem>>
    %dma_start3A_60 = tpu.memref_squeeze %dma_start3A_59 : memref<1x64xi32, #tpu.memory_space<vmem>> -> memref<64xi32, #tpu.memory_space<vmem>>
    %dma_start3A_61 = arith.constant 0 : i32
    %dma_start3A_62 = arith.constant 0 : i32
    %dma_start3A_63 = tpu.memref_slice %arg2[%dma_start3A_61, %dma_start3A_62] : memref<10000x128xf32, #tpu.memory_space<hbm>> -> memref<10000x128xf32, #tpu.memory_space<hbm>>
    tpu.enqueue_indirect_dma source(%dma_start3A_63 : memref<10000x128xf32, #tpu.memory_space<hbm>>) target(%arg8 : memref<64x128xf32, #tpu.memory_space<vmem>>) offsets(%dma_start3A_60 : memref<64xi32, #tpu.memory_space<vmem>>) semaphore(%arg13 : memref<!tpu.dma_semaphore, #tpu.memory_space<semaphore_mem>>)
    %dma_start3A_64 = arith.constant 1 : i32
    %dma_start3A_65 = arith.constant 0 : i32
    %dma_start3A_66 = tpu.memref_slice %arg6[%dma_start3A_64, %dma_start3A_65] : memref<40x64xi32, #tpu.memory_space<vmem>> -> memref<1x64xi32, #tpu.memory_space<vmem>>
    %dma_start3A_67 = tpu.memref_squeeze %dma_start3A_66 : memref<1x64xi32, #tpu.memory_space<vmem>> -> memref<64xi32, #tpu.memory_space<vmem>>
    %dma_start3A_68 = arith.constant 0 : i32
    %dma_start3A_69 = arith.constant 0 : i32
    %dma_start3A_70 = tpu.memref_slice %arg2[%dma_start3A_68, %dma_start3A_69] : memref<10000x128xf32, #tpu.memory_space<hbm>> -> memref<10000x128xf32, #tpu.memory_space<hbm>>
    tpu.enqueue_indirect_dma source(%dma_start3A_70 : memref<10000x128xf32, #tpu.memory_space<hbm>>) target(%arg9 : memref<64x128xf32, #tpu.memory_space<vmem>>) offsets(%dma_start3A_67 : memref<64xi32, #tpu.memory_space<vmem>>) semaphore(%arg14 : memref<!tpu.dma_semaphore, #tpu.memory_space<semaphore_mem>>)
    %dma_start3A_71 = arith.constant 2 : i32
    %dma_start3A_72 = arith.constant 0 : i32
    %dma_start3A_73 = tpu.memref_slice %arg6[%dma_start3A_71, %dma_start3A_72] : memref<40x64xi32, #tpu.memory_space<vmem>> -> memref<1x64xi32, #tpu.memory_space<vmem>>
    %dma_start3A_74 = tpu.memref_squeeze %dma_start3A_73 : memref<1x64xi32, #tpu.memory_space<vmem>> -> memref<64xi32, #tpu.memory_space<vmem>>
    %dma_start3A_75 = arith.constant 0 : i32
    %dma_start3A_76 = arith.constant 0 : i32
    %dma_start3A_77 = tpu.memref_slice %arg2[%dma_start3A_75, %dma_start3A_76] : memref<10000x128xf32, #tpu.memory_space<hbm>> -> memref<10000x128xf32, #tpu.memory_space<hbm>>
    tpu.enqueue_indirect_dma source(%dma_start3A_77 : memref<10000x128xf32, #tpu.memory_space<hbm>>) target(%arg10 : memref<64x128xf32, #tpu.memory_space<vmem>>) offsets(%dma_start3A_74 : memref<64xi32, #tpu.memory_space<vmem>>) semaphore(%arg15 : memref<!tpu.dma_semaphore, #tpu.memory_space<semaphore_mem>>)
    %dma_start3A_78 = arith.constant 3 : i32
    %dma_start3A_79 = arith.constant 0 : i32
    %dma_start3A_80 = tpu.memref_slice %arg6[%dma_start3A_78, %dma_start3A_79] : memref<40x64xi32, #tpu.memory_space<vmem>> -> memref<1x64xi32, #tpu.memory_space<vmem>>
    %dma_start3A_81 = tpu.memref_squeeze %dma_start3A_80 : memref<1x64xi32, #tpu.memory_space<vmem>> -> memref<64xi32, #tpu.memory_space<vmem>>
    %dma_start3A_82 = arith.constant 0 : i32
    %dma_start3A_83 = arith.constant 0 : i32
    %dma_start3A_84 = tpu.memref_slice %arg2[%dma_start3A_82, %dma_start3A_83] : memref<10000x128xf32, #tpu.memory_space<hbm>> -> memref<10000x128xf32, #tpu.memory_space<hbm>>
    tpu.enqueue_indirect_dma source(%dma_start3A_84 : memref<10000x128xf32, #tpu.memory_space<hbm>>) target(%arg11 : memref<64x128xf32, #tpu.memory_space<vmem>>) offsets(%dma_start3A_81 : memref<64xi32, #tpu.memory_space<vmem>>) semaphore(%arg16 : memref<!tpu.dma_semaphore, #tpu.memory_space<semaphore_mem>>)
    %barrier3A = arith.constant 0 : index
    tpu.barrier barrier_id(%barrier3A)
    %scan3A_85 = arith.constant 0 : i32
    %scan3A_86 = arith.constant 0 : i32
    %scan3A_87 = arith.constant 10 : i32
    %scan3A_88 = arith.addi %scan3A_86, %scan3A_87 : i32
    %scan3A_89 = arith.constant 1 : i32
    %scan3A_90 = scf.for %scan3A_244 = %scan3A_86 to %scan3A_88 step %scan3A_89 iter_args(%scan3A_245 = %scan3A_85) -> (i32)  : i32 {
      %mul3A_246 = arith.constant 4 : i32
      %mul3A_247 = arith.muli %mul3A_246, %scan3A_244 : i32
      %add3A_248 = arith.constant 0 : i32
      %add3A_249 = arith.addi %mul3A_247, %add3A_248 : i32
      %dma_wait3A = arith.constant 0 : i32
      %dma_wait3A_250 = tpu.memref_slice %arg6[%add3A_249, %dma_wait3A] : memref<40x64xi32, #tpu.memory_space<vmem>> -> memref<1x64xi32, #tpu.memory_space<vmem>>
      %dma_wait3A_251 = tpu.memref_squeeze %dma_wait3A_250 : memref<1x64xi32, #tpu.memory_space<vmem>> -> memref<64xi32, #tpu.memory_space<vmem>>
      %dma_wait3A_252 = arith.constant 0 : i32
      %dma_wait3A_253 = arith.constant 0 : i32
      %dma_wait3A_254 = tpu.memref_slice %arg2[%dma_wait3A_252, %dma_wait3A_253] : memref<10000x128xf32, #tpu.memory_space<hbm>> -> memref<10000x128xf32, #tpu.memory_space<hbm>>
      tpu.wait_indirect_dma semaphore(%arg13 : memref<!tpu.dma_semaphore, #tpu.memory_space<semaphore_mem>>) src(%dma_wait3A_254 : memref<10000x128xf32, #tpu.memory_space<hbm>>) dst(%arg8 : memref<64x128xf32, #tpu.memory_space<vmem>>)
      %add3A_255 = arith.constant 0 : i32
      %add3A_256 = arith.addi %mul3A_247, %add3A_255 : i32
      "tpu.region"() ({
        %run_scoped3A = tpu.sem_alloc : memref<!tpu.dma_semaphore, #tpu.memory_space<semaphore_mem>>
        %dma_start3A_324 = arith.constant 0 : i32
        %dma_start3A_325 = tpu.memref_slice %arg7[%add3A_256, %dma_start3A_324] : memref<40x64xi32, #tpu.memory_space<vmem>> -> memref<1x64xi32, #tpu.memory_space<vmem>>
        %dma_start3A_326 = tpu.memref_squeeze %dma_start3A_325 : memref<1x64xi32, #tpu.memory_space<vmem>> -> memref<64xi32, #tpu.memory_space<vmem>>
        %dma_start3A_327 = arith.constant 0 : i32
        %dma_start3A_328 = arith.constant 0 : i32
        %dma_start3A_329 = tpu.memref_slice %arg12[%dma_start3A_327, %dma_start3A_328] : memref<10240x128xf32, #tpu.memory_space<vmem_shared>> -> memref<10240x128xf32, #tpu.memory_space<vmem_shared>>
        tpu.enqueue_indirect_dma source(%arg8 : memref<64x128xf32, #tpu.memory_space<vmem>>) target(%dma_start3A_329 : memref<10240x128xf32, #tpu.memory_space<vmem_shared>>) offsets(%dma_start3A_326 : memref<64xi32, #tpu.memory_space<vmem>>) semaphore(%run_scoped3A : memref<!tpu.dma_semaphore, #tpu.memory_space<semaphore_mem>>) {add = true}
        %dma_wait3A_330 = arith.constant 0 : i32
        %dma_wait3A_331 = tpu.memref_slice %arg7[%add3A_256, %dma_wait3A_330] : memref<40x64xi32, #tpu.memory_space<vmem>> -> memref<1x64xi32, #tpu.memory_space<vmem>>
        %dma_wait3A_332 = tpu.memref_squeeze %dma_wait3A_331 : memref<1x64xi32, #tpu.memory_space<vmem>> -> memref<64xi32, #tpu.memory_space<vmem>>
        %dma_wait3A_333 = arith.constant 0 : i32
        %dma_wait3A_334 = arith.constant 0 : i32
        %dma_wait3A_335 = tpu.memref_slice %arg12[%dma_wait3A_333, %dma_wait3A_334] : memref<10240x128xf32, #tpu.memory_space<vmem_shared>> -> memref<10240x128xf32, #tpu.memory_space<vmem_shared>>
        tpu.wait_indirect_dma semaphore(%run_scoped3A : memref<!tpu.dma_semaphore, #tpu.memory_space<semaphore_mem>>) src(%arg8 : memref<64x128xf32, #tpu.memory_space<vmem>>) dst(%dma_wait3A_335 : memref<10240x128xf32, #tpu.memory_space<vmem_shared>>)
        tpu.yield
      }) : () -> ()
      %add3A_257 = arith.constant 4 : i32
      %add3A_258 = arith.addi %mul3A_247, %add3A_257 : i32
      %add3A_259 = arith.constant 0 : i32
      %add3A_260 = arith.addi %add3A_258, %add3A_259 : i32
      %lt3A_261 = arith.constant 40 : i32
      %lt3A_262 = arith.cmpi slt, %add3A_260, %lt3A_261 : i32
      %convert_element_type3A_263 = arith.extui %lt3A_262 : i1 to i32
      %cond3A_264 = arith.constant 0 : i32
      %cond3A_265 = arith.cmpi ne, %convert_element_type3A_263, %cond3A_264 : i32
      scf.if %cond3A_265 {
        %add3A_324 = arith.constant 4 : i32
        %add3A_325 = arith.addi %mul3A_247, %add3A_324 : i32
        %add3A_326 = arith.constant 0 : i32
        %add3A_327 = arith.addi %add3A_325, %add3A_326 : i32
        %dma_start3A_328 = arith.constant 0 : i32
        %dma_start3A_329 = tpu.memref_slice %arg6[%add3A_327, %dma_start3A_328] : memref<40x64xi32, #tpu.memory_space<vmem>> -> memref<1x64xi32, #tpu.memory_space<vmem>>
        %dma_start3A_330 = tpu.memref_squeeze %dma_start3A_329 : memref<1x64xi32, #tpu.memory_space<vmem>> -> memref<64xi32, #tpu.memory_space<vmem>>
        %dma_start3A_331 = arith.constant 0 : i32
        %dma_start3A_332 = arith.constant 0 : i32
        %dma_start3A_333 = tpu.memref_slice %arg2[%dma_start3A_331, %dma_start3A_332] : memref<10000x128xf32, #tpu.memory_space<hbm>> -> memref<10000x128xf32, #tpu.memory_space<hbm>>
        tpu.enqueue_indirect_dma source(%dma_start3A_333 : memref<10000x128xf32, #tpu.memory_space<hbm>>) target(%arg8 : memref<64x128xf32, #tpu.memory_space<vmem>>) offsets(%dma_start3A_330 : memref<64xi32, #tpu.memory_space<vmem>>) semaphore(%arg13 : memref<!tpu.dma_semaphore, #tpu.memory_space<semaphore_mem>>)
      } else {
      }
      %add3A_266 = arith.constant 1 : i32
      %add3A_267 = arith.addi %mul3A_247, %add3A_266 : i32
      %dma_wait3A_268 = arith.constant 0 : i32
      %dma_wait3A_269 = tpu.memref_slice %arg6[%add3A_267, %dma_wait3A_268] : memref<40x64xi32, #tpu.memory_space<vmem>> -> memref<1x64xi32, #tpu.memory_space<vmem>>
      %dma_wait3A_270 = tpu.memref_squeeze %dma_wait3A_269 : memref<1x64xi32, #tpu.memory_space<vmem>> -> memref<64xi32, #tpu.memory_space<vmem>>
      %dma_wait3A_271 = arith.constant 0 : i32
      %dma_wait3A_272 = arith.constant 0 : i32
      %dma_wait3A_273 = tpu.memref_slice %arg2[%dma_wait3A_271, %dma_wait3A_272] : memref<10000x128xf32, #tpu.memory_space<hbm>> -> memref<10000x128xf32, #tpu.memory_space<hbm>>
      tpu.wait_indirect_dma semaphore(%arg14 : memref<!tpu.dma_semaphore, #tpu.memory_space<semaphore_mem>>) src(%dma_wait3A_273 : memref<10000x128xf32, #tpu.memory_space<hbm>>) dst(%arg9 : memref<64x128xf32, #tpu.memory_space<vmem>>)
      %add3A_274 = arith.constant 1 : i32
      %add3A_275 = arith.addi %mul3A_247, %add3A_274 : i32
      "tpu.region"() ({
        %run_scoped3A = tpu.sem_alloc : memref<!tpu.dma_semaphore, #tpu.memory_space<semaphore_mem>>
        %dma_start3A_324 = arith.constant 0 : i32
        %dma_start3A_325 = tpu.memref_slice %arg7[%add3A_275, %dma_start3A_324] : memref<40x64xi32, #tpu.memory_space<vmem>> -> memref<1x64xi32, #tpu.memory_space<vmem>>
        %dma_start3A_326 = tpu.memref_squeeze %dma_start3A_325 : memref<1x64xi32, #tpu.memory_space<vmem>> -> memref<64xi32, #tpu.memory_space<vmem>>
        %dma_start3A_327 = arith.constant 0 : i32
        %dma_start3A_328 = arith.constant 0 : i32
        %dma_start3A_329 = tpu.memref_slice %arg12[%dma_start3A_327, %dma_start3A_328] : memref<10240x128xf32, #tpu.memory_space<vmem_shared>> -> memref<10240x128xf32, #tpu.memory_space<vmem_shared>>
        tpu.enqueue_indirect_dma source(%arg9 : memref<64x128xf32, #tpu.memory_space<vmem>>) target(%dma_start3A_329 : memref<10240x128xf32, #tpu.memory_space<vmem_shared>>) offsets(%dma_start3A_326 : memref<64xi32, #tpu.memory_space<vmem>>) semaphore(%run_scoped3A : memref<!tpu.dma_semaphore, #tpu.memory_space<semaphore_mem>>) {add = true}
        %dma_wait3A_330 = arith.constant 0 : i32
        %dma_wait3A_331 = tpu.memref_slice %arg7[%add3A_275, %dma_wait3A_330] : memref<40x64xi32, #tpu.memory_space<vmem>> -> memref<1x64xi32, #tpu.memory_space<vmem>>
        %dma_wait3A_332 = tpu.memref_squeeze %dma_wait3A_331 : memref<1x64xi32, #tpu.memory_space<vmem>> -> memref<64xi32, #tpu.memory_space<vmem>>
        %dma_wait3A_333 = arith.constant 0 : i32
        %dma_wait3A_334 = arith.constant 0 : i32
        %dma_wait3A_335 = tpu.memref_slice %arg12[%dma_wait3A_333, %dma_wait3A_334] : memref<10240x128xf32, #tpu.memory_space<vmem_shared>> -> memref<10240x128xf32, #tpu.memory_space<vmem_shared>>
        tpu.wait_indirect_dma semaphore(%run_scoped3A : memref<!tpu.dma_semaphore, #tpu.memory_space<semaphore_mem>>) src(%arg9 : memref<64x128xf32, #tpu.memory_space<vmem>>) dst(%dma_wait3A_335 : memref<10240x128xf32, #tpu.memory_space<vmem_shared>>)
        tpu.yield
      }) : () -> ()
      %add3A_276 = arith.constant 4 : i32
      %add3A_277 = arith.addi %mul3A_247, %add3A_276 : i32
      %add3A_278 = arith.constant 1 : i32
      %add3A_279 = arith.addi %add3A_277, %add3A_278 : i32
      %lt3A_280 = arith.constant 40 : i32
      %lt3A_281 = arith.cmpi slt, %add3A_279, %lt3A_280 : i32
      %convert_element_type3A_282 = arith.extui %lt3A_281 : i1 to i32
      %cond3A_283 = arith.constant 0 : i32
      %cond3A_284 = arith.cmpi ne, %convert_element_type3A_282, %cond3A_283 : i32
      scf.if %cond3A_284 {
        %add3A_324 = arith.constant 4 : i32
        %add3A_325 = arith.addi %mul3A_247, %add3A_324 : i32
        %add3A_326 = arith.constant 1 : i32
        %add3A_327 = arith.addi %add3A_325, %add3A_326 : i32
        %dma_start3A_328 = arith.constant 0 : i32
        %dma_start3A_329 = tpu.memref_slice %arg6[%add3A_327, %dma_start3A_328] : memref<40x64xi32, #tpu.memory_space<vmem>> -> memref<1x64xi32, #tpu.memory_space<vmem>>
        %dma_start3A_330 = tpu.memref_squeeze %dma_start3A_329 : memref<1x64xi32, #tpu.memory_space<vmem>> -> memref<64xi32, #tpu.memory_space<vmem>>
        %dma_start3A_331 = arith.constant 0 : i32
        %dma_start3A_332 = arith.constant 0 : i32
        %dma_start3A_333 = tpu.memref_slice %arg2[%dma_start3A_331, %dma_start3A_332] : memref<10000x128xf32, #tpu.memory_space<hbm>> -> memref<10000x128xf32, #tpu.memory_space<hbm>>
        tpu.enqueue_indirect_dma source(%dma_start3A_333 : memref<10000x128xf32, #tpu.memory_space<hbm>>) target(%arg9 : memref<64x128xf32, #tpu.memory_space<vmem>>) offsets(%dma_start3A_330 : memref<64xi32, #tpu.memory_space<vmem>>) semaphore(%arg14 : memref<!tpu.dma_semaphore, #tpu.memory_space<semaphore_mem>>)
      } else {
      }
      %add3A_285 = arith.constant 2 : i32
      %add3A_286 = arith.addi %mul3A_247, %add3A_285 : i32
      %dma_wait3A_287 = arith.constant 0 : i32
      %dma_wait3A_288 = tpu.memref_slice %arg6[%add3A_286, %dma_wait3A_287] : memref<40x64xi32, #tpu.memory_space<vmem>> -> memref<1x64xi32, #tpu.memory_space<vmem>>
      %dma_wait3A_289 = tpu.memref_squeeze %dma_wait3A_288 : memref<1x64xi32, #tpu.memory_space<vmem>> -> memref<64xi32, #tpu.memory_space<vmem>>
      %dma_wait3A_290 = arith.constant 0 : i32
      %dma_wait3A_291 = arith.constant 0 : i32
      %dma_wait3A_292 = tpu.memref_slice %arg2[%dma_wait3A_290, %dma_wait3A_291] : memref<10000x128xf32, #tpu.memory_space<hbm>> -> memref<10000x128xf32, #tpu.memory_space<hbm>>
      tpu.wait_indirect_dma semaphore(%arg15 : memref<!tpu.dma_semaphore, #tpu.memory_space<semaphore_mem>>) src(%dma_wait3A_292 : memref<10000x128xf32, #tpu.memory_space<hbm>>) dst(%arg10 : memref<64x128xf32, #tpu.memory_space<vmem>>)
      %add3A_293 = arith.constant 2 : i32
      %add3A_294 = arith.addi %mul3A_247, %add3A_293 : i32
      "tpu.region"() ({
        %run_scoped3A = tpu.sem_alloc : memref<!tpu.dma_semaphore, #tpu.memory_space<semaphore_mem>>
        %dma_start3A_324 = arith.constant 0 : i32
        %dma_start3A_325 = tpu.memref_slice %arg7[%add3A_294, %dma_start3A_324] : memref<40x64xi32, #tpu.memory_space<vmem>> -> memref<1x64xi32, #tpu.memory_space<vmem>>
        %dma_start3A_326 = tpu.memref_squeeze %dma_start3A_325 : memref<1x64xi32, #tpu.memory_space<vmem>> -> memref<64xi32, #tpu.memory_space<vmem>>
        %dma_start3A_327 = arith.constant 0 : i32
        %dma_start3A_328 = arith.constant 0 : i32
        %dma_start3A_329 = tpu.memref_slice %arg12[%dma_start3A_327, %dma_start3A_328] : memref<10240x128xf32, #tpu.memory_space<vmem_shared>> -> memref<10240x128xf32, #tpu.memory_space<vmem_shared>>
        tpu.enqueue_indirect_dma source(%arg10 : memref<64x128xf32, #tpu.memory_space<vmem>>) target(%dma_start3A_329 : memref<10240x128xf32, #tpu.memory_space<vmem_shared>>) offsets(%dma_start3A_326 : memref<64xi32, #tpu.memory_space<vmem>>) semaphore(%run_scoped3A : memref<!tpu.dma_semaphore, #tpu.memory_space<semaphore_mem>>) {add = true}
        %dma_wait3A_330 = arith.constant 0 : i32
        %dma_wait3A_331 = tpu.memref_slice %arg7[%add3A_294, %dma_wait3A_330] : memref<40x64xi32, #tpu.memory_space<vmem>> -> memref<1x64xi32, #tpu.memory_space<vmem>>
        %dma_wait3A_332 = tpu.memref_squeeze %dma_wait3A_331 : memref<1x64xi32, #tpu.memory_space<vmem>> -> memref<64xi32, #tpu.memory_space<vmem>>
        %dma_wait3A_333 = arith.constant 0 : i32
        %dma_wait3A_334 = arith.constant 0 : i32
        %dma_wait3A_335 = tpu.memref_slice %arg12[%dma_wait3A_333, %dma_wait3A_334] : memref<10240x128xf32, #tpu.memory_space<vmem_shared>> -> memref<10240x128xf32, #tpu.memory_space<vmem_shared>>
        tpu.wait_indirect_dma semaphore(%run_scoped3A : memref<!tpu.dma_semaphore, #tpu.memory_space<semaphore_mem>>) src(%arg10 : memref<64x128xf32, #tpu.memory_space<vmem>>) dst(%dma_wait3A_335 : memref<10240x128xf32, #tpu.memory_space<vmem_shared>>)
        tpu.yield
      }) : () -> ()
      %add3A_295 = arith.constant 4 : i32
      %add3A_296 = arith.addi %mul3A_247, %add3A_295 : i32
      %add3A_297 = arith.constant 2 : i32
      %add3A_298 = arith.addi %add3A_296, %add3A_297 : i32
      %lt3A_299 = arith.constant 40 : i32
      %lt3A_300 = arith.cmpi slt, %add3A_298, %lt3A_299 : i32
      %convert_element_type3A_301 = arith.extui %lt3A_300 : i1 to i32
      %cond3A_302 = arith.constant 0 : i32
      %cond3A_303 = arith.cmpi ne, %convert_element_type3A_301, %cond3A_302 : i32
      scf.if %cond3A_303 {
        %add3A_324 = arith.constant 4 : i32
        %add3A_325 = arith.addi %mul3A_247, %add3A_324 : i32
        %add3A_326 = arith.constant 2 : i32
        %add3A_327 = arith.addi %add3A_325, %add3A_326 : i32
        %dma_start3A_328 = arith.constant 0 : i32
        %dma_start3A_329 = tpu.memref_slice %arg6[%add3A_327, %dma_start3A_328] : memref<40x64xi32, #tpu.memory_space<vmem>> -> memref<1x64xi32, #tpu.memory_space<vmem>>
        %dma_start3A_330 = tpu.memref_squeeze %dma_start3A_329 : memref<1x64xi32, #tpu.memory_space<vmem>> -> memref<64xi32, #tpu.memory_space<vmem>>
        %dma_start3A_331 = arith.constant 0 : i32
        %dma_start3A_332 = arith.constant 0 : i32
        %dma_start3A_333 = tpu.memref_slice %arg2[%dma_start3A_331, %dma_start3A_332] : memref<10000x128xf32, #tpu.memory_space<hbm>> -> memref<10000x128xf32, #tpu.memory_space<hbm>>
        tpu.enqueue_indirect_dma source(%dma_start3A_333 : memref<10000x128xf32, #tpu.memory_space<hbm>>) target(%arg10 : memref<64x128xf32, #tpu.memory_space<vmem>>) offsets(%dma_start3A_330 : memref<64xi32, #tpu.memory_space<vmem>>) semaphore(%arg15 : memref<!tpu.dma_semaphore, #tpu.memory_space<semaphore_mem>>)
      } else {
      }
      %add3A_304 = arith.constant 3 : i32
      %add3A_305 = arith.addi %mul3A_247, %add3A_304 : i32
      %dma_wait3A_306 = arith.constant 0 : i32
      %dma_wait3A_307 = tpu.memref_slice %arg6[%add3A_305, %dma_wait3A_306] : memref<40x64xi32, #tpu.memory_space<vmem>> -> memref<1x64xi32, #tpu.memory_space<vmem>>
      %dma_wait3A_308 = tpu.memref_squeeze %dma_wait3A_307 : memref<1x64xi32, #tpu.memory_space<vmem>> -> memref<64xi32, #tpu.memory_space<vmem>>
      %dma_wait3A_309 = arith.constant 0 : i32
      %dma_wait3A_310 = arith.constant 0 : i32
      %dma_wait3A_311 = tpu.memref_slice %arg2[%dma_wait3A_309, %dma_wait3A_310] : memref<10000x128xf32, #tpu.memory_space<hbm>> -> memref<10000x128xf32, #tpu.memory_space<hbm>>
      tpu.wait_indirect_dma semaphore(%arg16 : memref<!tpu.dma_semaphore, #tpu.memory_space<semaphore_mem>>) src(%dma_wait3A_311 : memref<10000x128xf32, #tpu.memory_space<hbm>>) dst(%arg11 : memref<64x128xf32, #tpu.memory_space<vmem>>)
      %add3A_312 = arith.constant 3 : i32
      %add3A_313 = arith.addi %mul3A_247, %add3A_312 : i32
      "tpu.region"() ({
        %run_scoped3A = tpu.sem_alloc : memref<!tpu.dma_semaphore, #tpu.memory_space<semaphore_mem>>
        %dma_start3A_324 = arith.constant 0 : i32
        %dma_start3A_325 = tpu.memref_slice %arg7[%add3A_313, %dma_start3A_324] : memref<40x64xi32, #tpu.memory_space<vmem>> -> memref<1x64xi32, #tpu.memory_space<vmem>>
        %dma_start3A_326 = tpu.memref_squeeze %dma_start3A_325 : memref<1x64xi32, #tpu.memory_space<vmem>> -> memref<64xi32, #tpu.memory_space<vmem>>
        %dma_start3A_327 = arith.constant 0 : i32
        %dma_start3A_328 = arith.constant 0 : i32
        %dma_start3A_329 = tpu.memref_slice %arg12[%dma_start3A_327, %dma_start3A_328] : memref<10240x128xf32, #tpu.memory_space<vmem_shared>> -> memref<10240x128xf32, #tpu.memory_space<vmem_shared>>
        tpu.enqueue_indirect_dma source(%arg11 : memref<64x128xf32, #tpu.memory_space<vmem>>) target(%dma_start3A_329 : memref<10240x128xf32, #tpu.memory_space<vmem_shared>>) offsets(%dma_start3A_326 : memref<64xi32, #tpu.memory_space<vmem>>) semaphore(%run_scoped3A : memref<!tpu.dma_semaphore, #tpu.memory_space<semaphore_mem>>) {add = true}
        %dma_wait3A_330 = arith.constant 0 : i32
        %dma_wait3A_331 = tpu.memref_slice %arg7[%add3A_313, %dma_wait3A_330] : memref<40x64xi32, #tpu.memory_space<vmem>> -> memref<1x64xi32, #tpu.memory_space<vmem>>
        %dma_wait3A_332 = tpu.memref_squeeze %dma_wait3A_331 : memref<1x64xi32, #tpu.memory_space<vmem>> -> memref<64xi32, #tpu.memory_space<vmem>>
        %dma_wait3A_333 = arith.constant 0 : i32
        %dma_wait3A_334 = arith.constant 0 : i32
        %dma_wait3A_335 = tpu.memref_slice %arg12[%dma_wait3A_333, %dma_wait3A_334] : memref<10240x128xf32, #tpu.memory_space<vmem_shared>> -> memref<10240x128xf32, #tpu.memory_space<vmem_shared>>
        tpu.wait_indirect_dma semaphore(%run_scoped3A : memref<!tpu.dma_semaphore, #tpu.memory_space<semaphore_mem>>) src(%arg11 : memref<64x128xf32, #tpu.memory_space<vmem>>) dst(%dma_wait3A_335 : memref<10240x128xf32, #tpu.memory_space<vmem_shared>>)
        tpu.yield
      }) : () -> ()
      %add3A_314 = arith.constant 4 : i32
      %add3A_315 = arith.addi %mul3A_247, %add3A_314 : i32
      %add3A_316 = arith.constant 3 : i32
      %add3A_317 = arith.addi %add3A_315, %add3A_316 : i32
      %lt3A_318 = arith.constant 40 : i32
      %lt3A_319 = arith.cmpi slt, %add3A_317, %lt3A_318 : i32
      %convert_element_type3A_320 = arith.extui %lt3A_319 : i1 to i32
      %cond3A_321 = arith.constant 0 : i32
      %cond3A_322 = arith.cmpi ne, %convert_element_type3A_320, %cond3A_321 : i32
      scf.if %cond3A_322 {
        %add3A_324 = arith.constant 4 : i32
        %add3A_325 = arith.addi %mul3A_247, %add3A_324 : i32
        %add3A_326 = arith.constant 3 : i32
        %add3A_327 = arith.addi %add3A_325, %add3A_326 : i32
        %dma_start3A_328 = arith.constant 0 : i32
        %dma_start3A_329 = tpu.memref_slice %arg6[%add3A_327, %dma_start3A_328] : memref<40x64xi32, #tpu.memory_space<vmem>> -> memref<1x64xi32, #tpu.memory_space<vmem>>
        %dma_start3A_330 = tpu.memref_squeeze %dma_start3A_329 : memref<1x64xi32, #tpu.memory_space<vmem>> -> memref<64xi32, #tpu.memory_space<vmem>>
        %dma_start3A_331 = arith.constant 0 : i32
        %dma_start3A_332 = arith.constant 0 : i32
        %dma_start3A_333 = tpu.memref_slice %arg2[%dma_start3A_331, %dma_start3A_332] : memref<10000x128xf32, #tpu.memory_space<hbm>> -> memref<10000x128xf32, #tpu.memory_space<hbm>>
        tpu.enqueue_indirect_dma source(%dma_start3A_333 : memref<10000x128xf32, #tpu.memory_space<hbm>>) target(%arg11 : memref<64x128xf32, #tpu.memory_space<vmem>>) offsets(%dma_start3A_330 : memref<64xi32, #tpu.memory_space<vmem>>) semaphore(%arg16 : memref<!tpu.dma_semaphore, #tpu.memory_space<semaphore_mem>>)
      } else {
      }
      %scan3A_323 = arith.constant 0 : i32
      scf.yield %scan3A_323 : i32
    }
    %scan3A_91 = arith.constant 10 : i32
    %mul3A_92 = arith.constant 160 : i32
    %mul3A_93 = arith.muli %add3A, %mul3A_92 : i32
    %add3A_94 = arith.constant 40 : i32
    %add3A_95 = arith.addi %mul3A_93, %add3A_94 : i32
    %lt3A_96 = arith.constant 31 : i32
    %lt3A_97 = arith.cmpi slt, %add3A, %lt3A_96 : i32
    %convert_element_type3A_98 = arith.extui %lt3A_97 : i1 to i32
    %cond3A_99 = arith.constant 0 : i32
    %cond3A_100 = arith.cmpi ne, %convert_element_type3A_98, %cond3A_99 : i32
    scf.if %cond3A_100 {
      %run_scoped3A = arith.constant 1 : i32
      "tpu.region"() ({
        %run_scoped3A_245 = tpu.sem_alloc : memref<!tpu.dma_semaphore, #tpu.memory_space<semaphore_mem>>
        %dma_start3A_246 = arith.constant 0 : i32
        %dma_start3A_247 = tpu.memref_slice %arg3[%run_scoped3A, %add3A_95, %dma_start3A_246] : memref<2x5000x64xi32, #tpu.memory_space<hbm>> -> memref<1x40x64xi32, #tpu.memory_space<hbm>>
        %dma_start3A_248 = tpu.memref_squeeze %dma_start3A_247 : memref<1x40x64xi32, #tpu.memory_space<hbm>> -> memref<40x64xi32, #tpu.memory_space<hbm>>
        %dma_start3A_249 = arith.constant 0 : i32
        %dma_start3A_250 = tpu.memref_slice %arg3[%run_scoped3A, %add3A_95, %dma_start3A_249] : memref<2x5000x64xi32, #tpu.memory_space<hbm>> -> memref<1x40x64xi32, #tpu.memory_space<hbm>>
        %dma_start3A_251 = tpu.memref_squeeze %dma_start3A_250 : memref<1x40x64xi32, #tpu.memory_space<hbm>> -> memref<40x64xi32, #tpu.memory_space<hbm>>
        tpu.enqueue_dma source(%dma_start3A_251 : memref<40x64xi32, #tpu.memory_space<hbm>>) target(%arg6 : memref<40x64xi32, #tpu.memory_space<vmem>>) target_semaphore(%run_scoped3A_245 : memref<!tpu.dma_semaphore, #tpu.memory_space<semaphore_mem>>)
        %dma_wait3A = arith.constant 0 : i32
        %dma_wait3A_252 = tpu.memref_slice %arg3[%run_scoped3A, %add3A_95, %dma_wait3A] : memref<2x5000x64xi32, #tpu.memory_space<hbm>> -> memref<1x40x64xi32, #tpu.memory_space<hbm>>
        %dma_wait3A_253 = tpu.memref_squeeze %dma_wait3A_252 : memref<1x40x64xi32, #tpu.memory_space<hbm>> -> memref<40x64xi32, #tpu.memory_space<hbm>>
        %dma_wait3A_254 = arith.constant 0 : i32
        %dma_wait3A_255 = tpu.memref_slice %arg3[%run_scoped3A, %add3A_95, %dma_wait3A_254] : memref<2x5000x64xi32, #tpu.memory_space<hbm>> -> memref<1x40x64xi32, #tpu.memory_space<hbm>>
        %dma_wait3A_256 = tpu.memref_squeeze %dma_wait3A_255 : memref<1x40x64xi32, #tpu.memory_space<hbm>> -> memref<40x64xi32, #tpu.memory_space<hbm>>
        tpu.wait_dma2 semaphore(%run_scoped3A_245 : memref<!tpu.dma_semaphore, #tpu.memory_space<semaphore_mem>>) src(%dma_wait3A_256 : memref<40x64xi32, #tpu.memory_space<hbm>>) dst(%arg6 : memref<40x64xi32, #tpu.memory_space<vmem>>)
        tpu.yield
      }) : () -> ()
      %run_scoped3A_244 = arith.constant 0 : i32
      "tpu.region"() ({
        %run_scoped3A_245 = tpu.sem_alloc : memref<!tpu.dma_semaphore, #tpu.memory_space<semaphore_mem>>
        %dma_start3A_246 = arith.constant 0 : i32
        %dma_start3A_247 = tpu.memref_slice %arg3[%run_scoped3A_244, %add3A_95, %dma_start3A_246] : memref<2x5000x64xi32, #tpu.memory_space<hbm>> -> memref<1x40x64xi32, #tpu.memory_space<hbm>>
        %dma_start3A_248 = tpu.memref_squeeze %dma_start3A_247 : memref<1x40x64xi32, #tpu.memory_space<hbm>> -> memref<40x64xi32, #tpu.memory_space<hbm>>
        %dma_start3A_249 = arith.constant 0 : i32
        %dma_start3A_250 = tpu.memref_slice %arg3[%run_scoped3A_244, %add3A_95, %dma_start3A_249] : memref<2x5000x64xi32, #tpu.memory_space<hbm>> -> memref<1x40x64xi32, #tpu.memory_space<hbm>>
        %dma_start3A_251 = tpu.memref_squeeze %dma_start3A_250 : memref<1x40x64xi32, #tpu.memory_space<hbm>> -> memref<40x64xi32, #tpu.memory_space<hbm>>
        tpu.enqueue_dma source(%dma_start3A_251 : memref<40x64xi32, #tpu.memory_space<hbm>>) target(%arg7 : memref<40x64xi32, #tpu.memory_space<vmem>>) target_semaphore(%run_scoped3A_245 : memref<!tpu.dma_semaphore, #tpu.memory_space<semaphore_mem>>)
        %dma_wait3A = arith.constant 0 : i32
        %dma_wait3A_252 = tpu.memref_slice %arg3[%run_scoped3A_244, %add3A_95, %dma_wait3A] : memref<2x5000x64xi32, #tpu.memory_space<hbm>> -> memref<1x40x64xi32, #tpu.memory_space<hbm>>
        %dma_wait3A_253 = tpu.memref_squeeze %dma_wait3A_252 : memref<1x40x64xi32, #tpu.memory_space<hbm>> -> memref<40x64xi32, #tpu.memory_space<hbm>>
        %dma_wait3A_254 = arith.constant 0 : i32
        %dma_wait3A_255 = tpu.memref_slice %arg3[%run_scoped3A_244, %add3A_95, %dma_wait3A_254] : memref<2x5000x64xi32, #tpu.memory_space<hbm>> -> memref<1x40x64xi32, #tpu.memory_space<hbm>>
        %dma_wait3A_256 = tpu.memref_squeeze %dma_wait3A_255 : memref<1x40x64xi32, #tpu.memory_space<hbm>> -> memref<40x64xi32, #tpu.memory_space<hbm>>
        tpu.wait_dma2 semaphore(%run_scoped3A_245 : memref<!tpu.dma_semaphore, #tpu.memory_space<semaphore_mem>>) src(%dma_wait3A_256 : memref<40x64xi32, #tpu.memory_space<hbm>>) dst(%arg7 : memref<40x64xi32, #tpu.memory_space<vmem>>)
        tpu.yield
      }) : () -> ()
    } else {
    }
    %eq3A_101 = arith.constant 31 : i32
    %eq3A_102 = arith.cmpi eq, %add3A, %eq3A_101 : i32
    %convert_element_type3A_103 = arith.extui %eq3A_102 : i1 to i32
    %cond3A_104 = arith.constant 0 : i32
    %cond3A_105 = arith.cmpi ne, %convert_element_type3A_103, %cond3A_104 : i32
    scf.if %cond3A_105 {
      %run_scoped3A = arith.constant 1 : i32
      "tpu.region"() ({
        %run_scoped3A_245 = tpu.sem_alloc : memref<!tpu.dma_semaphore, #tpu.memory_space<semaphore_mem>>
        %dma_start3A_246 = arith.constant 40 : i32
        %dma_start3A_247 = arith.constant 0 : i32
        %dma_start3A_248 = tpu.memref_slice %arg4[%run_scoped3A, %dma_start3A_246, %dma_start3A_247] : memref<2x160x64xi32, #tpu.memory_space<hbm>> -> memref<1x40x64xi32, #tpu.memory_space<hbm>>
        %dma_start3A_249 = tpu.memref_squeeze %dma_start3A_248 : memref<1x40x64xi32, #tpu.memory_space<hbm>> -> memref<40x64xi32, #tpu.memory_space<hbm>>
        %dma_start3A_250 = arith.constant 40 : i32
        %dma_start3A_251 = arith.constant 0 : i32
        %dma_start3A_252 = tpu.memref_slice %arg4[%run_scoped3A, %dma_start3A_250, %dma_start3A_251] : memref<2x160x64xi32, #tpu.memory_space<hbm>> -> memref<1x40x64xi32, #tpu.memory_space<hbm>>
        %dma_start3A_253 = tpu.memref_squeeze %dma_start3A_252 : memref<1x40x64xi32, #tpu.memory_space<hbm>> -> memref<40x64xi32, #tpu.memory_space<hbm>>
        tpu.enqueue_dma source(%dma_start3A_253 : memref<40x64xi32, #tpu.memory_space<hbm>>) target(%arg6 : memref<40x64xi32, #tpu.memory_space<vmem>>) target_semaphore(%run_scoped3A_245 : memref<!tpu.dma_semaphore, #tpu.memory_space<semaphore_mem>>)
        %dma_wait3A = arith.constant 40 : i32
        %dma_wait3A_254 = arith.constant 0 : i32
        %dma_wait3A_255 = tpu.memref_slice %arg4[%run_scoped3A, %dma_wait3A, %dma_wait3A_254] : memref<2x160x64xi32, #tpu.memory_space<hbm>> -> memref<1x40x64xi32, #tpu.memory_space<hbm>>
        %dma_wait3A_256 = tpu.memref_squeeze %dma_wait3A_255 : memref<1x40x64xi32, #tpu.memory_space<hbm>> -> memref<40x64xi32, #tpu.memory_space<hbm>>
        %dma_wait3A_257 = arith.constant 40 : i32
        %dma_wait3A_258 = arith.constant 0 : i32
        %dma_wait3A_259 = tpu.memref_slice %arg4[%run_scoped3A, %dma_wait3A_257, %dma_wait3A_258] : memref<2x160x64xi32, #tpu.memory_space<hbm>> -> memref<1x40x64xi32, #tpu.memory_space<hbm>>
        %dma_wait3A_260 = tpu.memref_squeeze %dma_wait3A_259 : memref<1x40x64xi32, #tpu.memory_space<hbm>> -> memref<40x64xi32, #tpu.memory_space<hbm>>
        tpu.wait_dma2 semaphore(%run_scoped3A_245 : memref<!tpu.dma_semaphore, #tpu.memory_space<semaphore_mem>>) src(%dma_wait3A_260 : memref<40x64xi32, #tpu.memory_space<hbm>>) dst(%arg6 : memref<40x64xi32, #tpu.memory_space<vmem>>)
        tpu.yield
      }) : () -> ()
      %run_scoped3A_244 = arith.constant 0 : i32
      "tpu.region"() ({
        %run_scoped3A_245 = tpu.sem_alloc : memref<!tpu.dma_semaphore, #tpu.memory_space<semaphore_mem>>
        %dma_start3A_246 = arith.constant 40 : i32
        %dma_start3A_247 = arith.constant 0 : i32
        %dma_start3A_248 = tpu.memref_slice %arg4[%run_scoped3A_244, %dma_start3A_246, %dma_start3A_247] : memref<2x160x64xi32, #tpu.memory_space<hbm>> -> memref<1x40x64xi32, #tpu.memory_space<hbm>>
        %dma_start3A_249 = tpu.memref_squeeze %dma_start3A_248 : memref<1x40x64xi32, #tpu.memory_space<hbm>> -> memref<40x64xi32, #tpu.memory_space<hbm>>
        %dma_start3A_250 = arith.constant 40 : i32
        %dma_start3A_251 = arith.constant 0 : i32
        %dma_start3A_252 = tpu.memref_slice %arg4[%run_scoped3A_244, %dma_start3A_250, %dma_start3A_251] : memref<2x160x64xi32, #tpu.memory_space<hbm>> -> memref<1x40x64xi32, #tpu.memory_space<hbm>>
        %dma_start3A_253 = tpu.memref_squeeze %dma_start3A_252 : memref<1x40x64xi32, #tpu.memory_space<hbm>> -> memref<40x64xi32, #tpu.memory_space<hbm>>
        tpu.enqueue_dma source(%dma_start3A_253 : memref<40x64xi32, #tpu.memory_space<hbm>>) target(%arg7 : memref<40x64xi32, #tpu.memory_space<vmem>>) target_semaphore(%run_scoped3A_245 : memref<!tpu.dma_semaphore, #tpu.memory_space<semaphore_mem>>)
        %dma_wait3A = arith.constant 40 : i32
        %dma_wait3A_254 = arith.constant 0 : i32
        %dma_wait3A_255 = tpu.memref_slice %arg4[%run_scoped3A_244, %dma_wait3A, %dma_wait3A_254] : memref<2x160x64xi32, #tpu.memory_space<hbm>> -> memref<1x40x64xi32, #tpu.memory_space<hbm>>
        %dma_wait3A_256 = tpu.memref_squeeze %dma_wait3A_255 : memref<1x40x64xi32, #tpu.memory_space<hbm>> -> memref<40x64xi32, #tpu.memory_space<hbm>>
        %dma_wait3A_257 = arith.constant 40 : i32
        %dma_wait3A_258 = arith.constant 0 : i32
        %dma_wait3A_259 = tpu.memref_slice %arg4[%run_scoped3A_244, %dma_wait3A_257, %dma_wait3A_258] : memref<2x160x64xi32, #tpu.memory_space<hbm>> -> memref<1x40x64xi32, #tpu.memory_space<hbm>>
        %dma_wait3A_260 = tpu.memref_squeeze %dma_wait3A_259 : memref<1x40x64xi32, #tpu.memory_space<hbm>> -> memref<40x64xi32, #tpu.memory_space<hbm>>
        tpu.wait_dma2 semaphore(%run_scoped3A_245 : memref<!tpu.dma_semaphore, #tpu.memory_space<semaphore_mem>>) src(%dma_wait3A_260 : memref<40x64xi32, #tpu.memory_space<hbm>>) dst(%arg7 : memref<40x64xi32, #tpu.memory_space<vmem>>)
        tpu.yield
      }) : () -> ()
    } else {
    }
    %dma_start3A_106 = arith.constant 0 : i32
    %dma_start3A_107 = arith.constant 0 : i32
    %dma_start3A_108 = tpu.memref_slice %arg6[%dma_start3A_106, %dma_start3A_107] : memref<40x64xi32, #tpu.memory_space<vmem>> -> memref<1x64xi32, #tpu.memory_space<vmem>>
    %dma_start3A_109 = tpu.memref_squeeze %dma_start3A_108 : memref<1x64xi32, #tpu.memory_space<vmem>> -> memref<64xi32, #tpu.memory_space<vmem>>
    %dma_start3A_110 = arith.constant 0 : i32
    %dma_start3A_111 = arith.constant 0 : i32
    %dma_start3A_112 = tpu.memref_slice %arg2[%dma_start3A_110, %dma_start3A_111] : memref<10000x128xf32, #tpu.memory_space<hbm>> -> memref<10000x128xf32, #tpu.memory_space<hbm>>
    tpu.enqueue_indirect_dma source(%dma_start3A_112 : memref<10000x128xf32, #tpu.memory_space<hbm>>) target(%arg8 : memref<64x128xf32, #tpu.memory_space<vmem>>) offsets(%dma_start3A_109 : memref<64xi32, #tpu.memory_space<vmem>>) semaphore(%arg13 : memref<!tpu.dma_semaphore, #tpu.memory_space<semaphore_mem>>)
    %dma_start3A_113 = arith.constant 1 : i32
    %dma_start3A_114 = arith.constant 0 : i32
    %dma_start3A_115 = tpu.memref_slice %arg6[%dma_start3A_113, %dma_start3A_114] : memref<40x64xi32, #tpu.memory_space<vmem>> -> memref<1x64xi32, #tpu.memory_space<vmem>>
    %dma_start3A_116 = tpu.memref_squeeze %dma_start3A_115 : memref<1x64xi32, #tpu.memory_space<vmem>> -> memref<64xi32, #tpu.memory_space<vmem>>
    %dma_start3A_117 = arith.constant 0 : i32
    %dma_start3A_118 = arith.constant 0 : i32
    %dma_start3A_119 = tpu.memref_slice %arg2[%dma_start3A_117, %dma_start3A_118] : memref<10000x128xf32, #tpu.memory_space<hbm>> -> memref<10000x128xf32, #tpu.memory_space<hbm>>
    tpu.enqueue_indirect_dma source(%dma_start3A_119 : memref<10000x128xf32, #tpu.memory_space<hbm>>) target(%arg9 : memref<64x128xf32, #tpu.memory_space<vmem>>) offsets(%dma_start3A_116 : memref<64xi32, #tpu.memory_space<vmem>>) semaphore(%arg14 : memref<!tpu.dma_semaphore, #tpu.memory_space<semaphore_mem>>)
    %dma_start3A_120 = arith.constant 2 : i32
    %dma_start3A_121 = arith.constant 0 : i32
    %dma_start3A_122 = tpu.memref_slice %arg6[%dma_start3A_120, %dma_start3A_121] : memref<40x64xi32, #tpu.memory_space<vmem>> -> memref<1x64xi32, #tpu.memory_space<vmem>>
    %dma_start3A_123 = tpu.memref_squeeze %dma_start3A_122 : memref<1x64xi32, #tpu.memory_space<vmem>> -> memref<64xi32, #tpu.memory_space<vmem>>
    %dma_start3A_124 = arith.constant 0 : i32
    %dma_start3A_125 = arith.constant 0 : i32
    %dma_start3A_126 = tpu.memref_slice %arg2[%dma_start3A_124, %dma_start3A_125] : memref<10000x128xf32, #tpu.memory_space<hbm>> -> memref<10000x128xf32, #tpu.memory_space<hbm>>
    tpu.enqueue_indirect_dma source(%dma_start3A_126 : memref<10000x128xf32, #tpu.memory_space<hbm>>) target(%arg10 : memref<64x128xf32, #tpu.memory_space<vmem>>) offsets(%dma_start3A_123 : memref<64xi32, #tpu.memory_space<vmem>>) semaphore(%arg15 : memref<!tpu.dma_semaphore, #tpu.memory_space<semaphore_mem>>)
    %dma_start3A_127 = arith.constant 3 : i32
    %dma_start3A_128 = arith.constant 0 : i32
    %dma_start3A_129 = tpu.memref_slice %arg6[%dma_start3A_127, %dma_start3A_128] : memref<40x64xi32, #tpu.memory_space<vmem>> -> memref<1x64xi32, #tpu.memory_space<vmem>>
    %dma_start3A_130 = tpu.memref_squeeze %dma_start3A_129 : memref<1x64xi32, #tpu.memory_space<vmem>> -> memref<64xi32, #tpu.memory_space<vmem>>
    %dma_start3A_131 = arith.constant 0 : i32
    %dma_start3A_132 = arith.constant 0 : i32
    %dma_start3A_133 = tpu.memref_slice %arg2[%dma_start3A_131, %dma_start3A_132] : memref<10000x128xf32, #tpu.memory_space<hbm>> -> memref<10000x128xf32, #tpu.memory_space<hbm>>
    tpu.enqueue_indirect_dma source(%dma_start3A_133 : memref<10000x128xf32, #tpu.memory_space<hbm>>) target(%arg11 : memref<64x128xf32, #tpu.memory_space<vmem>>) offsets(%dma_start3A_130 : memref<64xi32, #tpu.memory_space<vmem>>) semaphore(%arg16 : memref<!tpu.dma_semaphore, #tpu.memory_space<semaphore_mem>>)
    %scan3A_134 = arith.constant 0 : i32
    %scan3A_135 = arith.constant 0 : i32
    %scan3A_136 = arith.constant 10 : i32
    %scan3A_137 = arith.addi %scan3A_135, %scan3A_136 : i32
    %scan3A_138 = arith.constant 1 : i32
    %scan3A_139 = scf.for %scan3A_244 = %scan3A_135 to %scan3A_137 step %scan3A_138 iter_args(%scan3A_245 = %scan3A_134) -> (i32)  : i32 {
      %mul3A_246 = arith.constant 4 : i32
      %mul3A_247 = arith.muli %mul3A_246, %scan3A_244 : i32
      %add3A_248 = arith.constant 0 : i32
      %add3A_249 = arith.addi %mul3A_247, %add3A_248 : i32
      %dma_wait3A = arith.constant 0 : i32
      %dma_wait3A_250 = tpu.memref_slice %arg6[%add3A_249, %dma_wait3A] : memref<40x64xi32, #tpu.memory_space<vmem>> -> memref<1x64xi32, #tpu.memory_space<vmem>>
      %dma_wait3A_251 = tpu.memref_squeeze %dma_wait3A_250 : memref<1x64xi32, #tpu.memory_space<vmem>> -> memref<64xi32, #tpu.memory_space<vmem>>
      %dma_wait3A_252 = arith.constant 0 : i32
      %dma_wait3A_253 = arith.constant 0 : i32
      %dma_wait3A_254 = tpu.memref_slice %arg2[%dma_wait3A_252, %dma_wait3A_253] : memref<10000x128xf32, #tpu.memory_space<hbm>> -> memref<10000x128xf32, #tpu.memory_space<hbm>>
      tpu.wait_indirect_dma semaphore(%arg13 : memref<!tpu.dma_semaphore, #tpu.memory_space<semaphore_mem>>) src(%dma_wait3A_254 : memref<10000x128xf32, #tpu.memory_space<hbm>>) dst(%arg8 : memref<64x128xf32, #tpu.memory_space<vmem>>)
      %add3A_255 = arith.constant 0 : i32
      %add3A_256 = arith.addi %mul3A_247, %add3A_255 : i32
      "tpu.region"() ({
        %run_scoped3A = tpu.sem_alloc : memref<!tpu.dma_semaphore, #tpu.memory_space<semaphore_mem>>
        %dma_start3A_324 = arith.constant 0 : i32
        %dma_start3A_325 = tpu.memref_slice %arg7[%add3A_256, %dma_start3A_324] : memref<40x64xi32, #tpu.memory_space<vmem>> -> memref<1x64xi32, #tpu.memory_space<vmem>>
        %dma_start3A_326 = tpu.memref_squeeze %dma_start3A_325 : memref<1x64xi32, #tpu.memory_space<vmem>> -> memref<64xi32, #tpu.memory_space<vmem>>
        %dma_start3A_327 = arith.constant 0 : i32
        %dma_start3A_328 = arith.constant 0 : i32
        %dma_start3A_329 = tpu.memref_slice %arg12[%dma_start3A_327, %dma_start3A_328] : memref<10240x128xf32, #tpu.memory_space<vmem_shared>> -> memref<10240x128xf32, #tpu.memory_space<vmem_shared>>
        tpu.enqueue_indirect_dma source(%arg8 : memref<64x128xf32, #tpu.memory_space<vmem>>) target(%dma_start3A_329 : memref<10240x128xf32, #tpu.memory_space<vmem_shared>>) offsets(%dma_start3A_326 : memref<64xi32, #tpu.memory_space<vmem>>) semaphore(%run_scoped3A : memref<!tpu.dma_semaphore, #tpu.memory_space<semaphore_mem>>) {add = true}
        %dma_wait3A_330 = arith.constant 0 : i32
        %dma_wait3A_331 = tpu.memref_slice %arg7[%add3A_256, %dma_wait3A_330] : memref<40x64xi32, #tpu.memory_space<vmem>> -> memref<1x64xi32, #tpu.memory_space<vmem>>
        %dma_wait3A_332 = tpu.memref_squeeze %dma_wait3A_331 : memref<1x64xi32, #tpu.memory_space<vmem>> -> memref<64xi32, #tpu.memory_space<vmem>>
        %dma_wait3A_333 = arith.constant 0 : i32
        %dma_wait3A_334 = arith.constant 0 : i32
        %dma_wait3A_335 = tpu.memref_slice %arg12[%dma_wait3A_333, %dma_wait3A_334] : memref<10240x128xf32, #tpu.memory_space<vmem_shared>> -> memref<10240x128xf32, #tpu.memory_space<vmem_shared>>
        tpu.wait_indirect_dma semaphore(%run_scoped3A : memref<!tpu.dma_semaphore, #tpu.memory_space<semaphore_mem>>) src(%arg8 : memref<64x128xf32, #tpu.memory_space<vmem>>) dst(%dma_wait3A_335 : memref<10240x128xf32, #tpu.memory_space<vmem_shared>>)
        tpu.yield
      }) : () -> ()
      %add3A_257 = arith.constant 4 : i32
      %add3A_258 = arith.addi %mul3A_247, %add3A_257 : i32
      %add3A_259 = arith.constant 0 : i32
      %add3A_260 = arith.addi %add3A_258, %add3A_259 : i32
      %lt3A_261 = arith.constant 40 : i32
      %lt3A_262 = arith.cmpi slt, %add3A_260, %lt3A_261 : i32
      %convert_element_type3A_263 = arith.extui %lt3A_262 : i1 to i32
      %cond3A_264 = arith.constant 0 : i32
      %cond3A_265 = arith.cmpi ne, %convert_element_type3A_263, %cond3A_264 : i32
      scf.if %cond3A_265 {
        %add3A_324 = arith.constant 4 : i32
        %add3A_325 = arith.addi %mul3A_247, %add3A_324 : i32
        %add3A_326 = arith.constant 0 : i32
        %add3A_327 = arith.addi %add3A_325, %add3A_326 : i32
        %dma_start3A_328 = arith.constant 0 : i32
        %dma_start3A_329 = tpu.memref_slice %arg6[%add3A_327, %dma_start3A_328] : memref<40x64xi32, #tpu.memory_space<vmem>> -> memref<1x64xi32, #tpu.memory_space<vmem>>
        %dma_start3A_330 = tpu.memref_squeeze %dma_start3A_329 : memref<1x64xi32, #tpu.memory_space<vmem>> -> memref<64xi32, #tpu.memory_space<vmem>>
        %dma_start3A_331 = arith.constant 0 : i32
        %dma_start3A_332 = arith.constant 0 : i32
        %dma_start3A_333 = tpu.memref_slice %arg2[%dma_start3A_331, %dma_start3A_332] : memref<10000x128xf32, #tpu.memory_space<hbm>> -> memref<10000x128xf32, #tpu.memory_space<hbm>>
        tpu.enqueue_indirect_dma source(%dma_start3A_333 : memref<10000x128xf32, #tpu.memory_space<hbm>>) target(%arg8 : memref<64x128xf32, #tpu.memory_space<vmem>>) offsets(%dma_start3A_330 : memref<64xi32, #tpu.memory_space<vmem>>) semaphore(%arg13 : memref<!tpu.dma_semaphore, #tpu.memory_space<semaphore_mem>>)
      } else {
      }
      %add3A_266 = arith.constant 1 : i32
      %add3A_267 = arith.addi %mul3A_247, %add3A_266 : i32
      %dma_wait3A_268 = arith.constant 0 : i32
      %dma_wait3A_269 = tpu.memref_slice %arg6[%add3A_267, %dma_wait3A_268] : memref<40x64xi32, #tpu.memory_space<vmem>> -> memref<1x64xi32, #tpu.memory_space<vmem>>
      %dma_wait3A_270 = tpu.memref_squeeze %dma_wait3A_269 : memref<1x64xi32, #tpu.memory_space<vmem>> -> memref<64xi32, #tpu.memory_space<vmem>>
      %dma_wait3A_271 = arith.constant 0 : i32
      %dma_wait3A_272 = arith.constant 0 : i32
      %dma_wait3A_273 = tpu.memref_slice %arg2[%dma_wait3A_271, %dma_wait3A_272] : memref<10000x128xf32, #tpu.memory_space<hbm>> -> memref<10000x128xf32, #tpu.memory_space<hbm>>
      tpu.wait_indirect_dma semaphore(%arg14 : memref<!tpu.dma_semaphore, #tpu.memory_space<semaphore_mem>>) src(%dma_wait3A_273 : memref<10000x128xf32, #tpu.memory_space<hbm>>) dst(%arg9 : memref<64x128xf32, #tpu.memory_space<vmem>>)
      %add3A_274 = arith.constant 1 : i32
      %add3A_275 = arith.addi %mul3A_247, %add3A_274 : i32
      "tpu.region"() ({
        %run_scoped3A = tpu.sem_alloc : memref<!tpu.dma_semaphore, #tpu.memory_space<semaphore_mem>>
        %dma_start3A_324 = arith.constant 0 : i32
        %dma_start3A_325 = tpu.memref_slice %arg7[%add3A_275, %dma_start3A_324] : memref<40x64xi32, #tpu.memory_space<vmem>> -> memref<1x64xi32, #tpu.memory_space<vmem>>
        %dma_start3A_326 = tpu.memref_squeeze %dma_start3A_325 : memref<1x64xi32, #tpu.memory_space<vmem>> -> memref<64xi32, #tpu.memory_space<vmem>>
        %dma_start3A_327 = arith.constant 0 : i32
        %dma_start3A_328 = arith.constant 0 : i32
        %dma_start3A_329 = tpu.memref_slice %arg12[%dma_start3A_327, %dma_start3A_328] : memref<10240x128xf32, #tpu.memory_space<vmem_shared>> -> memref<10240x128xf32, #tpu.memory_space<vmem_shared>>
        tpu.enqueue_indirect_dma source(%arg9 : memref<64x128xf32, #tpu.memory_space<vmem>>) target(%dma_start3A_329 : memref<10240x128xf32, #tpu.memory_space<vmem_shared>>) offsets(%dma_start3A_326 : memref<64xi32, #tpu.memory_space<vmem>>) semaphore(%run_scoped3A : memref<!tpu.dma_semaphore, #tpu.memory_space<semaphore_mem>>) {add = true}
        %dma_wait3A_330 = arith.constant 0 : i32
        %dma_wait3A_331 = tpu.memref_slice %arg7[%add3A_275, %dma_wait3A_330] : memref<40x64xi32, #tpu.memory_space<vmem>> -> memref<1x64xi32, #tpu.memory_space<vmem>>
        %dma_wait3A_332 = tpu.memref_squeeze %dma_wait3A_331 : memref<1x64xi32, #tpu.memory_space<vmem>> -> memref<64xi32, #tpu.memory_space<vmem>>
        %dma_wait3A_333 = arith.constant 0 : i32
        %dma_wait3A_334 = arith.constant 0 : i32
        %dma_wait3A_335 = tpu.memref_slice %arg12[%dma_wait3A_333, %dma_wait3A_334] : memref<10240x128xf32, #tpu.memory_space<vmem_shared>> -> memref<10240x128xf32, #tpu.memory_space<vmem_shared>>
        tpu.wait_indirect_dma semaphore(%run_scoped3A : memref<!tpu.dma_semaphore, #tpu.memory_space<semaphore_mem>>) src(%arg9 : memref<64x128xf32, #tpu.memory_space<vmem>>) dst(%dma_wait3A_335 : memref<10240x128xf32, #tpu.memory_space<vmem_shared>>)
        tpu.yield
      }) : () -> ()
      %add3A_276 = arith.constant 4 : i32
      %add3A_277 = arith.addi %mul3A_247, %add3A_276 : i32
      %add3A_278 = arith.constant 1 : i32
      %add3A_279 = arith.addi %add3A_277, %add3A_278 : i32
      %lt3A_280 = arith.constant 40 : i32
      %lt3A_281 = arith.cmpi slt, %add3A_279, %lt3A_280 : i32
      %convert_element_type3A_282 = arith.extui %lt3A_281 : i1 to i32
      %cond3A_283 = arith.constant 0 : i32
      %cond3A_284 = arith.cmpi ne, %convert_element_type3A_282, %cond3A_283 : i32
      scf.if %cond3A_284 {
        %add3A_324 = arith.constant 4 : i32
        %add3A_325 = arith.addi %mul3A_247, %add3A_324 : i32
        %add3A_326 = arith.constant 1 : i32
        %add3A_327 = arith.addi %add3A_325, %add3A_326 : i32
        %dma_start3A_328 = arith.constant 0 : i32
        %dma_start3A_329 = tpu.memref_slice %arg6[%add3A_327, %dma_start3A_328] : memref<40x64xi32, #tpu.memory_space<vmem>> -> memref<1x64xi32, #tpu.memory_space<vmem>>
        %dma_start3A_330 = tpu.memref_squeeze %dma_start3A_329 : memref<1x64xi32, #tpu.memory_space<vmem>> -> memref<64xi32, #tpu.memory_space<vmem>>
        %dma_start3A_331 = arith.constant 0 : i32
        %dma_start3A_332 = arith.constant 0 : i32
        %dma_start3A_333 = tpu.memref_slice %arg2[%dma_start3A_331, %dma_start3A_332] : memref<10000x128xf32, #tpu.memory_space<hbm>> -> memref<10000x128xf32, #tpu.memory_space<hbm>>
        tpu.enqueue_indirect_dma source(%dma_start3A_333 : memref<10000x128xf32, #tpu.memory_space<hbm>>) target(%arg9 : memref<64x128xf32, #tpu.memory_space<vmem>>) offsets(%dma_start3A_330 : memref<64xi32, #tpu.memory_space<vmem>>) semaphore(%arg14 : memref<!tpu.dma_semaphore, #tpu.memory_space<semaphore_mem>>)
      } else {
      }
      %add3A_285 = arith.constant 2 : i32
      %add3A_286 = arith.addi %mul3A_247, %add3A_285 : i32
      %dma_wait3A_287 = arith.constant 0 : i32
      %dma_wait3A_288 = tpu.memref_slice %arg6[%add3A_286, %dma_wait3A_287] : memref<40x64xi32, #tpu.memory_space<vmem>> -> memref<1x64xi32, #tpu.memory_space<vmem>>
      %dma_wait3A_289 = tpu.memref_squeeze %dma_wait3A_288 : memref<1x64xi32, #tpu.memory_space<vmem>> -> memref<64xi32, #tpu.memory_space<vmem>>
      %dma_wait3A_290 = arith.constant 0 : i32
      %dma_wait3A_291 = arith.constant 0 : i32
      %dma_wait3A_292 = tpu.memref_slice %arg2[%dma_wait3A_290, %dma_wait3A_291] : memref<10000x128xf32, #tpu.memory_space<hbm>> -> memref<10000x128xf32, #tpu.memory_space<hbm>>
      tpu.wait_indirect_dma semaphore(%arg15 : memref<!tpu.dma_semaphore, #tpu.memory_space<semaphore_mem>>) src(%dma_wait3A_292 : memref<10000x128xf32, #tpu.memory_space<hbm>>) dst(%arg10 : memref<64x128xf32, #tpu.memory_space<vmem>>)
      %add3A_293 = arith.constant 2 : i32
      %add3A_294 = arith.addi %mul3A_247, %add3A_293 : i32
      "tpu.region"() ({
        %run_scoped3A = tpu.sem_alloc : memref<!tpu.dma_semaphore, #tpu.memory_space<semaphore_mem>>
        %dma_start3A_324 = arith.constant 0 : i32
        %dma_start3A_325 = tpu.memref_slice %arg7[%add3A_294, %dma_start3A_324] : memref<40x64xi32, #tpu.memory_space<vmem>> -> memref<1x64xi32, #tpu.memory_space<vmem>>
        %dma_start3A_326 = tpu.memref_squeeze %dma_start3A_325 : memref<1x64xi32, #tpu.memory_space<vmem>> -> memref<64xi32, #tpu.memory_space<vmem>>
        %dma_start3A_327 = arith.constant 0 : i32
        %dma_start3A_328 = arith.constant 0 : i32
        %dma_start3A_329 = tpu.memref_slice %arg12[%dma_start3A_327, %dma_start3A_328] : memref<10240x128xf32, #tpu.memory_space<vmem_shared>> -> memref<10240x128xf32, #tpu.memory_space<vmem_shared>>
        tpu.enqueue_indirect_dma source(%arg10 : memref<64x128xf32, #tpu.memory_space<vmem>>) target(%dma_start3A_329 : memref<10240x128xf32, #tpu.memory_space<vmem_shared>>) offsets(%dma_start3A_326 : memref<64xi32, #tpu.memory_space<vmem>>) semaphore(%run_scoped3A : memref<!tpu.dma_semaphore, #tpu.memory_space<semaphore_mem>>) {add = true}
        %dma_wait3A_330 = arith.constant 0 : i32
        %dma_wait3A_331 = tpu.memref_slice %arg7[%add3A_294, %dma_wait3A_330] : memref<40x64xi32, #tpu.memory_space<vmem>> -> memref<1x64xi32, #tpu.memory_space<vmem>>
        %dma_wait3A_332 = tpu.memref_squeeze %dma_wait3A_331 : memref<1x64xi32, #tpu.memory_space<vmem>> -> memref<64xi32, #tpu.memory_space<vmem>>
        %dma_wait3A_333 = arith.constant 0 : i32
        %dma_wait3A_334 = arith.constant 0 : i32
        %dma_wait3A_335 = tpu.memref_slice %arg12[%dma_wait3A_333, %dma_wait3A_334] : memref<10240x128xf32, #tpu.memory_space<vmem_shared>> -> memref<10240x128xf32, #tpu.memory_space<vmem_shared>>
        tpu.wait_indirect_dma semaphore(%run_scoped3A : memref<!tpu.dma_semaphore, #tpu.memory_space<semaphore_mem>>) src(%arg10 : memref<64x128xf32, #tpu.memory_space<vmem>>) dst(%dma_wait3A_335 : memref<10240x128xf32, #tpu.memory_space<vmem_shared>>)
        tpu.yield
      }) : () -> ()
      %add3A_295 = arith.constant 4 : i32
      %add3A_296 = arith.addi %mul3A_247, %add3A_295 : i32
      %add3A_297 = arith.constant 2 : i32
      %add3A_298 = arith.addi %add3A_296, %add3A_297 : i32
      %lt3A_299 = arith.constant 40 : i32
      %lt3A_300 = arith.cmpi slt, %add3A_298, %lt3A_299 : i32
      %convert_element_type3A_301 = arith.extui %lt3A_300 : i1 to i32
      %cond3A_302 = arith.constant 0 : i32
      %cond3A_303 = arith.cmpi ne, %convert_element_type3A_301, %cond3A_302 : i32
      scf.if %cond3A_303 {
        %add3A_324 = arith.constant 4 : i32
        %add3A_325 = arith.addi %mul3A_247, %add3A_324 : i32
        %add3A_326 = arith.constant 2 : i32
        %add3A_327 = arith.addi %add3A_325, %add3A_326 : i32
        %dma_start3A_328 = arith.constant 0 : i32
        %dma_start3A_329 = tpu.memref_slice %arg6[%add3A_327, %dma_start3A_328] : memref<40x64xi32, #tpu.memory_space<vmem>> -> memref<1x64xi32, #tpu.memory_space<vmem>>
        %dma_start3A_330 = tpu.memref_squeeze %dma_start3A_329 : memref<1x64xi32, #tpu.memory_space<vmem>> -> memref<64xi32, #tpu.memory_space<vmem>>
        %dma_start3A_331 = arith.constant 0 : i32
        %dma_start3A_332 = arith.constant 0 : i32
        %dma_start3A_333 = tpu.memref_slice %arg2[%dma_start3A_331, %dma_start3A_332] : memref<10000x128xf32, #tpu.memory_space<hbm>> -> memref<10000x128xf32, #tpu.memory_space<hbm>>
        tpu.enqueue_indirect_dma source(%dma_start3A_333 : memref<10000x128xf32, #tpu.memory_space<hbm>>) target(%arg10 : memref<64x128xf32, #tpu.memory_space<vmem>>) offsets(%dma_start3A_330 : memref<64xi32, #tpu.memory_space<vmem>>) semaphore(%arg15 : memref<!tpu.dma_semaphore, #tpu.memory_space<semaphore_mem>>)
      } else {
      }
      %add3A_304 = arith.constant 3 : i32
      %add3A_305 = arith.addi %mul3A_247, %add3A_304 : i32
      %dma_wait3A_306 = arith.constant 0 : i32
      %dma_wait3A_307 = tpu.memref_slice %arg6[%add3A_305, %dma_wait3A_306] : memref<40x64xi32, #tpu.memory_space<vmem>> -> memref<1x64xi32, #tpu.memory_space<vmem>>
      %dma_wait3A_308 = tpu.memref_squeeze %dma_wait3A_307 : memref<1x64xi32, #tpu.memory_space<vmem>> -> memref<64xi32, #tpu.memory_space<vmem>>
      %dma_wait3A_309 = arith.constant 0 : i32
      %dma_wait3A_310 = arith.constant 0 : i32
      %dma_wait3A_311 = tpu.memref_slice %arg2[%dma_wait3A_309, %dma_wait3A_310] : memref<10000x128xf32, #tpu.memory_space<hbm>> -> memref<10000x128xf32, #tpu.memory_space<hbm>>
      tpu.wait_indirect_dma semaphore(%arg16 : memref<!tpu.dma_semaphore, #tpu.memory_space<semaphore_mem>>) src(%dma_wait3A_311 : memref<10000x128xf32, #tpu.memory_space<hbm>>) dst(%arg11 : memref<64x128xf32, #tpu.memory_space<vmem>>)
      %add3A_312 = arith.constant 3 : i32
      %add3A_313 = arith.addi %mul3A_247, %add3A_312 : i32
      "tpu.region"() ({
        %run_scoped3A = tpu.sem_alloc : memref<!tpu.dma_semaphore, #tpu.memory_space<semaphore_mem>>
        %dma_start3A_324 = arith.constant 0 : i32
        %dma_start3A_325 = tpu.memref_slice %arg7[%add3A_313, %dma_start3A_324] : memref<40x64xi32, #tpu.memory_space<vmem>> -> memref<1x64xi32, #tpu.memory_space<vmem>>
        %dma_start3A_326 = tpu.memref_squeeze %dma_start3A_325 : memref<1x64xi32, #tpu.memory_space<vmem>> -> memref<64xi32, #tpu.memory_space<vmem>>
        %dma_start3A_327 = arith.constant 0 : i32
        %dma_start3A_328 = arith.constant 0 : i32
        %dma_start3A_329 = tpu.memref_slice %arg12[%dma_start3A_327, %dma_start3A_328] : memref<10240x128xf32, #tpu.memory_space<vmem_shared>> -> memref<10240x128xf32, #tpu.memory_space<vmem_shared>>
        tpu.enqueue_indirect_dma source(%arg11 : memref<64x128xf32, #tpu.memory_space<vmem>>) target(%dma_start3A_329 : memref<10240x128xf32, #tpu.memory_space<vmem_shared>>) offsets(%dma_start3A_326 : memref<64xi32, #tpu.memory_space<vmem>>) semaphore(%run_scoped3A : memref<!tpu.dma_semaphore, #tpu.memory_space<semaphore_mem>>) {add = true}
        %dma_wait3A_330 = arith.constant 0 : i32
        %dma_wait3A_331 = tpu.memref_slice %arg7[%add3A_313, %dma_wait3A_330] : memref<40x64xi32, #tpu.memory_space<vmem>> -> memref<1x64xi32, #tpu.memory_space<vmem>>
        %dma_wait3A_332 = tpu.memref_squeeze %dma_wait3A_331 : memref<1x64xi32, #tpu.memory_space<vmem>> -> memref<64xi32, #tpu.memory_space<vmem>>
        %dma_wait3A_333 = arith.constant 0 : i32
        %dma_wait3A_334 = arith.constant 0 : i32
        %dma_wait3A_335 = tpu.memref_slice %arg12[%dma_wait3A_333, %dma_wait3A_334] : memref<10240x128xf32, #tpu.memory_space<vmem_shared>> -> memref<10240x128xf32, #tpu.memory_space<vmem_shared>>
        tpu.wait_indirect_dma semaphore(%run_scoped3A : memref<!tpu.dma_semaphore, #tpu.memory_space<semaphore_mem>>) src(%arg11 : memref<64x128xf32, #tpu.memory_space<vmem>>) dst(%dma_wait3A_335 : memref<10240x128xf32, #tpu.memory_space<vmem_shared>>)
        tpu.yield
      }) : () -> ()
      %add3A_314 = arith.constant 4 : i32
      %add3A_315 = arith.addi %mul3A_247, %add3A_314 : i32
      %add3A_316 = arith.constant 3 : i32
      %add3A_317 = arith.addi %add3A_315, %add3A_316 : i32
      %lt3A_318 = arith.constant 40 : i32
      %lt3A_319 = arith.cmpi slt, %add3A_317, %lt3A_318 : i32
      %convert_element_type3A_320 = arith.extui %lt3A_319 : i1 to i32
      %cond3A_321 = arith.constant 0 : i32
      %cond3A_322 = arith.cmpi ne, %convert_element_type3A_320, %cond3A_321 : i32
      scf.if %cond3A_322 {
        %add3A_324 = arith.constant 4 : i32
        %add3A_325 = arith.addi %mul3A_247, %add3A_324 : i32
        %add3A_326 = arith.constant 3 : i32
        %add3A_327 = arith.addi %add3A_325, %add3A_326 : i32
        %dma_start3A_328 = arith.constant 0 : i32
        %dma_start3A_329 = tpu.memref_slice %arg6[%add3A_327, %dma_start3A_328] : memref<40x64xi32, #tpu.memory_space<vmem>> -> memref<1x64xi32, #tpu.memory_space<vmem>>
        %dma_start3A_330 = tpu.memref_squeeze %dma_start3A_329 : memref<1x64xi32, #tpu.memory_space<vmem>> -> memref<64xi32, #tpu.memory_space<vmem>>
        %dma_start3A_331 = arith.constant 0 : i32
        %dma_start3A_332 = arith.constant 0 : i32
        %dma_start3A_333 = tpu.memref_slice %arg2[%dma_start3A_331, %dma_start3A_332] : memref<10000x128xf32, #tpu.memory_space<hbm>> -> memref<10000x128xf32, #tpu.memory_space<hbm>>
        tpu.enqueue_indirect_dma source(%dma_start3A_333 : memref<10000x128xf32, #tpu.memory_space<hbm>>) target(%arg11 : memref<64x128xf32, #tpu.memory_space<vmem>>) offsets(%dma_start3A_330 : memref<64xi32, #tpu.memory_space<vmem>>) semaphore(%arg16 : memref<!tpu.dma_semaphore, #tpu.memory_space<semaphore_mem>>)
      } else {
      }
      %scan3A_323 = arith.constant 0 : i32
      scf.yield %scan3A_323 : i32
    }
    %scan3A_140 = arith.constant 10 : i32
    %mul3A_141 = arith.constant 160 : i32
    %mul3A_142 = arith.muli %add3A, %mul3A_141 : i32
    %add3A_143 = arith.constant 80 : i32
    %add3A_144 = arith.addi %mul3A_142, %add3A_143 : i32
    %lt3A_145 = arith.constant 31 : i32
    %lt3A_146 = arith.cmpi slt, %add3A, %lt3A_145 : i32
    %convert_element_type3A_147 = arith.extui %lt3A_146 : i1 to i32
    %cond3A_148 = arith.constant 0 : i32
    %cond3A_149 = arith.cmpi ne, %convert_element_type3A_147, %cond3A_148 : i32
    scf.if %cond3A_149 {
      %run_scoped3A = arith.constant 1 : i32
      "tpu.region"() ({
        %run_scoped3A_245 = tpu.sem_alloc : memref<!tpu.dma_semaphore, #tpu.memory_space<semaphore_mem>>
        %dma_start3A_246 = arith.constant 0 : i32
        %dma_start3A_247 = tpu.memref_slice %arg3[%run_scoped3A, %add3A_144, %dma_start3A_246] : memref<2x5000x64xi32, #tpu.memory_space<hbm>> -> memref<1x40x64xi32, #tpu.memory_space<hbm>>
        %dma_start3A_248 = tpu.memref_squeeze %dma_start3A_247 : memref<1x40x64xi32, #tpu.memory_space<hbm>> -> memref<40x64xi32, #tpu.memory_space<hbm>>
        %dma_start3A_249 = arith.constant 0 : i32
        %dma_start3A_250 = tpu.memref_slice %arg3[%run_scoped3A, %add3A_144, %dma_start3A_249] : memref<2x5000x64xi32, #tpu.memory_space<hbm>> -> memref<1x40x64xi32, #tpu.memory_space<hbm>>
        %dma_start3A_251 = tpu.memref_squeeze %dma_start3A_250 : memref<1x40x64xi32, #tpu.memory_space<hbm>> -> memref<40x64xi32, #tpu.memory_space<hbm>>
        tpu.enqueue_dma source(%dma_start3A_251 : memref<40x64xi32, #tpu.memory_space<hbm>>) target(%arg6 : memref<40x64xi32, #tpu.memory_space<vmem>>) target_semaphore(%run_scoped3A_245 : memref<!tpu.dma_semaphore, #tpu.memory_space<semaphore_mem>>)
        %dma_wait3A = arith.constant 0 : i32
        %dma_wait3A_252 = tpu.memref_slice %arg3[%run_scoped3A, %add3A_144, %dma_wait3A] : memref<2x5000x64xi32, #tpu.memory_space<hbm>> -> memref<1x40x64xi32, #tpu.memory_space<hbm>>
        %dma_wait3A_253 = tpu.memref_squeeze %dma_wait3A_252 : memref<1x40x64xi32, #tpu.memory_space<hbm>> -> memref<40x64xi32, #tpu.memory_space<hbm>>
        %dma_wait3A_254 = arith.constant 0 : i32
        %dma_wait3A_255 = tpu.memref_slice %arg3[%run_scoped3A, %add3A_144, %dma_wait3A_254] : memref<2x5000x64xi32, #tpu.memory_space<hbm>> -> memref<1x40x64xi32, #tpu.memory_space<hbm>>
        %dma_wait3A_256 = tpu.memref_squeeze %dma_wait3A_255 : memref<1x40x64xi32, #tpu.memory_space<hbm>> -> memref<40x64xi32, #tpu.memory_space<hbm>>
        tpu.wait_dma2 semaphore(%run_scoped3A_245 : memref<!tpu.dma_semaphore, #tpu.memory_space<semaphore_mem>>) src(%dma_wait3A_256 : memref<40x64xi32, #tpu.memory_space<hbm>>) dst(%arg6 : memref<40x64xi32, #tpu.memory_space<vmem>>)
        tpu.yield
      }) : () -> ()
      %run_scoped3A_244 = arith.constant 0 : i32
      "tpu.region"() ({
        %run_scoped3A_245 = tpu.sem_alloc : memref<!tpu.dma_semaphore, #tpu.memory_space<semaphore_mem>>
        %dma_start3A_246 = arith.constant 0 : i32
        %dma_start3A_247 = tpu.memref_slice %arg3[%run_scoped3A_244, %add3A_144, %dma_start3A_246] : memref<2x5000x64xi32, #tpu.memory_space<hbm>> -> memref<1x40x64xi32, #tpu.memory_space<hbm>>
        %dma_start3A_248 = tpu.memref_squeeze %dma_start3A_247 : memref<1x40x64xi32, #tpu.memory_space<hbm>> -> memref<40x64xi32, #tpu.memory_space<hbm>>
        %dma_start3A_249 = arith.constant 0 : i32
        %dma_start3A_250 = tpu.memref_slice %arg3[%run_scoped3A_244, %add3A_144, %dma_start3A_249] : memref<2x5000x64xi32, #tpu.memory_space<hbm>> -> memref<1x40x64xi32, #tpu.memory_space<hbm>>
        %dma_start3A_251 = tpu.memref_squeeze %dma_start3A_250 : memref<1x40x64xi32, #tpu.memory_space<hbm>> -> memref<40x64xi32, #tpu.memory_space<hbm>>
        tpu.enqueue_dma source(%dma_start3A_251 : memref<40x64xi32, #tpu.memory_space<hbm>>) target(%arg7 : memref<40x64xi32, #tpu.memory_space<vmem>>) target_semaphore(%run_scoped3A_245 : memref<!tpu.dma_semaphore, #tpu.memory_space<semaphore_mem>>)
        %dma_wait3A = arith.constant 0 : i32
        %dma_wait3A_252 = tpu.memref_slice %arg3[%run_scoped3A_244, %add3A_144, %dma_wait3A] : memref<2x5000x64xi32, #tpu.memory_space<hbm>> -> memref<1x40x64xi32, #tpu.memory_space<hbm>>
        %dma_wait3A_253 = tpu.memref_squeeze %dma_wait3A_252 : memref<1x40x64xi32, #tpu.memory_space<hbm>> -> memref<40x64xi32, #tpu.memory_space<hbm>>
        %dma_wait3A_254 = arith.constant 0 : i32
        %dma_wait3A_255 = tpu.memref_slice %arg3[%run_scoped3A_244, %add3A_144, %dma_wait3A_254] : memref<2x5000x64xi32, #tpu.memory_space<hbm>> -> memref<1x40x64xi32, #tpu.memory_space<hbm>>
        %dma_wait3A_256 = tpu.memref_squeeze %dma_wait3A_255 : memref<1x40x64xi32, #tpu.memory_space<hbm>> -> memref<40x64xi32, #tpu.memory_space<hbm>>
        tpu.wait_dma2 semaphore(%run_scoped3A_245 : memref<!tpu.dma_semaphore, #tpu.memory_space<semaphore_mem>>) src(%dma_wait3A_256 : memref<40x64xi32, #tpu.memory_space<hbm>>) dst(%arg7 : memref<40x64xi32, #tpu.memory_space<vmem>>)
        tpu.yield
      }) : () -> ()
    } else {
    }
    %eq3A_150 = arith.constant 31 : i32
    %eq3A_151 = arith.cmpi eq, %add3A, %eq3A_150 : i32
    %convert_element_type3A_152 = arith.extui %eq3A_151 : i1 to i32
    %cond3A_153 = arith.constant 0 : i32
    %cond3A_154 = arith.cmpi ne, %convert_element_type3A_152, %cond3A_153 : i32
    scf.if %cond3A_154 {
      %run_scoped3A = arith.constant 1 : i32
      "tpu.region"() ({
        %run_scoped3A_245 = tpu.sem_alloc : memref<!tpu.dma_semaphore, #tpu.memory_space<semaphore_mem>>
        %dma_start3A_246 = arith.constant 80 : i32
        %dma_start3A_247 = arith.constant 0 : i32
        %dma_start3A_248 = tpu.memref_slice %arg4[%run_scoped3A, %dma_start3A_246, %dma_start3A_247] : memref<2x160x64xi32, #tpu.memory_space<hbm>> -> memref<1x40x64xi32, #tpu.memory_space<hbm>>
        %dma_start3A_249 = tpu.memref_squeeze %dma_start3A_248 : memref<1x40x64xi32, #tpu.memory_space<hbm>> -> memref<40x64xi32, #tpu.memory_space<hbm>>
        %dma_start3A_250 = arith.constant 80 : i32
        %dma_start3A_251 = arith.constant 0 : i32
        %dma_start3A_252 = tpu.memref_slice %arg4[%run_scoped3A, %dma_start3A_250, %dma_start3A_251] : memref<2x160x64xi32, #tpu.memory_space<hbm>> -> memref<1x40x64xi32, #tpu.memory_space<hbm>>
        %dma_start3A_253 = tpu.memref_squeeze %dma_start3A_252 : memref<1x40x64xi32, #tpu.memory_space<hbm>> -> memref<40x64xi32, #tpu.memory_space<hbm>>
        tpu.enqueue_dma source(%dma_start3A_253 : memref<40x64xi32, #tpu.memory_space<hbm>>) target(%arg6 : memref<40x64xi32, #tpu.memory_space<vmem>>) target_semaphore(%run_scoped3A_245 : memref<!tpu.dma_semaphore, #tpu.memory_space<semaphore_mem>>)
        %dma_wait3A = arith.constant 80 : i32
        %dma_wait3A_254 = arith.constant 0 : i32
        %dma_wait3A_255 = tpu.memref_slice %arg4[%run_scoped3A, %dma_wait3A, %dma_wait3A_254] : memref<2x160x64xi32, #tpu.memory_space<hbm>> -> memref<1x40x64xi32, #tpu.memory_space<hbm>>
        %dma_wait3A_256 = tpu.memref_squeeze %dma_wait3A_255 : memref<1x40x64xi32, #tpu.memory_space<hbm>> -> memref<40x64xi32, #tpu.memory_space<hbm>>
        %dma_wait3A_257 = arith.constant 80 : i32
        %dma_wait3A_258 = arith.constant 0 : i32
        %dma_wait3A_259 = tpu.memref_slice %arg4[%run_scoped3A, %dma_wait3A_257, %dma_wait3A_258] : memref<2x160x64xi32, #tpu.memory_space<hbm>> -> memref<1x40x64xi32, #tpu.memory_space<hbm>>
        %dma_wait3A_260 = tpu.memref_squeeze %dma_wait3A_259 : memref<1x40x64xi32, #tpu.memory_space<hbm>> -> memref<40x64xi32, #tpu.memory_space<hbm>>
        tpu.wait_dma2 semaphore(%run_scoped3A_245 : memref<!tpu.dma_semaphore, #tpu.memory_space<semaphore_mem>>) src(%dma_wait3A_260 : memref<40x64xi32, #tpu.memory_space<hbm>>) dst(%arg6 : memref<40x64xi32, #tpu.memory_space<vmem>>)
        tpu.yield
      }) : () -> ()
      %run_scoped3A_244 = arith.constant 0 : i32
      "tpu.region"() ({
        %run_scoped3A_245 = tpu.sem_alloc : memref<!tpu.dma_semaphore, #tpu.memory_space<semaphore_mem>>
        %dma_start3A_246 = arith.constant 80 : i32
        %dma_start3A_247 = arith.constant 0 : i32
        %dma_start3A_248 = tpu.memref_slice %arg4[%run_scoped3A_244, %dma_start3A_246, %dma_start3A_247] : memref<2x160x64xi32, #tpu.memory_space<hbm>> -> memref<1x40x64xi32, #tpu.memory_space<hbm>>
        %dma_start3A_249 = tpu.memref_squeeze %dma_start3A_248 : memref<1x40x64xi32, #tpu.memory_space<hbm>> -> memref<40x64xi32, #tpu.memory_space<hbm>>
        %dma_start3A_250 = arith.constant 80 : i32
        %dma_start3A_251 = arith.constant 0 : i32
        %dma_start3A_252 = tpu.memref_slice %arg4[%run_scoped3A_244, %dma_start3A_250, %dma_start3A_251] : memref<2x160x64xi32, #tpu.memory_space<hbm>> -> memref<1x40x64xi32, #tpu.memory_space<hbm>>
        %dma_start3A_253 = tpu.memref_squeeze %dma_start3A_252 : memref<1x40x64xi32, #tpu.memory_space<hbm>> -> memref<40x64xi32, #tpu.memory_space<hbm>>
        tpu.enqueue_dma source(%dma_start3A_253 : memref<40x64xi32, #tpu.memory_space<hbm>>) target(%arg7 : memref<40x64xi32, #tpu.memory_space<vmem>>) target_semaphore(%run_scoped3A_245 : memref<!tpu.dma_semaphore, #tpu.memory_space<semaphore_mem>>)
        %dma_wait3A = arith.constant 80 : i32
        %dma_wait3A_254 = arith.constant 0 : i32
        %dma_wait3A_255 = tpu.memref_slice %arg4[%run_scoped3A_244, %dma_wait3A, %dma_wait3A_254] : memref<2x160x64xi32, #tpu.memory_space<hbm>> -> memref<1x40x64xi32, #tpu.memory_space<hbm>>
        %dma_wait3A_256 = tpu.memref_squeeze %dma_wait3A_255 : memref<1x40x64xi32, #tpu.memory_space<hbm>> -> memref<40x64xi32, #tpu.memory_space<hbm>>
        %dma_wait3A_257 = arith.constant 80 : i32
        %dma_wait3A_258 = arith.constant 0 : i32
        %dma_wait3A_259 = tpu.memref_slice %arg4[%run_scoped3A_244, %dma_wait3A_257, %dma_wait3A_258] : memref<2x160x64xi32, #tpu.memory_space<hbm>> -> memref<1x40x64xi32, #tpu.memory_space<hbm>>
        %dma_wait3A_260 = tpu.memref_squeeze %dma_wait3A_259 : memref<1x40x64xi32, #tpu.memory_space<hbm>> -> memref<40x64xi32, #tpu.memory_space<hbm>>
        tpu.wait_dma2 semaphore(%run_scoped3A_245 : memref<!tpu.dma_semaphore, #tpu.memory_space<semaphore_mem>>) src(%dma_wait3A_260 : memref<40x64xi32, #tpu.memory_space<hbm>>) dst(%arg7 : memref<40x64xi32, #tpu.memory_space<vmem>>)
        tpu.yield
      }) : () -> ()
    } else {
    }
    %dma_start3A_155 = arith.constant 0 : i32
    %dma_start3A_156 = arith.constant 0 : i32
    %dma_start3A_157 = tpu.memref_slice %arg6[%dma_start3A_155, %dma_start3A_156] : memref<40x64xi32, #tpu.memory_space<vmem>> -> memref<1x64xi32, #tpu.memory_space<vmem>>
    %dma_start3A_158 = tpu.memref_squeeze %dma_start3A_157 : memref<1x64xi32, #tpu.memory_space<vmem>> -> memref<64xi32, #tpu.memory_space<vmem>>
    %dma_start3A_159 = arith.constant 0 : i32
    %dma_start3A_160 = arith.constant 0 : i32
    %dma_start3A_161 = tpu.memref_slice %arg2[%dma_start3A_159, %dma_start3A_160] : memref<10000x128xf32, #tpu.memory_space<hbm>> -> memref<10000x128xf32, #tpu.memory_space<hbm>>
    tpu.enqueue_indirect_dma source(%dma_start3A_161 : memref<10000x128xf32, #tpu.memory_space<hbm>>) target(%arg8 : memref<64x128xf32, #tpu.memory_space<vmem>>) offsets(%dma_start3A_158 : memref<64xi32, #tpu.memory_space<vmem>>) semaphore(%arg13 : memref<!tpu.dma_semaphore, #tpu.memory_space<semaphore_mem>>)
    %dma_start3A_162 = arith.constant 1 : i32
    %dma_start3A_163 = arith.constant 0 : i32
    %dma_start3A_164 = tpu.memref_slice %arg6[%dma_start3A_162, %dma_start3A_163] : memref<40x64xi32, #tpu.memory_space<vmem>> -> memref<1x64xi32, #tpu.memory_space<vmem>>
    %dma_start3A_165 = tpu.memref_squeeze %dma_start3A_164 : memref<1x64xi32, #tpu.memory_space<vmem>> -> memref<64xi32, #tpu.memory_space<vmem>>
    %dma_start3A_166 = arith.constant 0 : i32
    %dma_start3A_167 = arith.constant 0 : i32
    %dma_start3A_168 = tpu.memref_slice %arg2[%dma_start3A_166, %dma_start3A_167] : memref<10000x128xf32, #tpu.memory_space<hbm>> -> memref<10000x128xf32, #tpu.memory_space<hbm>>
    tpu.enqueue_indirect_dma source(%dma_start3A_168 : memref<10000x128xf32, #tpu.memory_space<hbm>>) target(%arg9 : memref<64x128xf32, #tpu.memory_space<vmem>>) offsets(%dma_start3A_165 : memref<64xi32, #tpu.memory_space<vmem>>) semaphore(%arg14 : memref<!tpu.dma_semaphore, #tpu.memory_space<semaphore_mem>>)
    %dma_start3A_169 = arith.constant 2 : i32
    %dma_start3A_170 = arith.constant 0 : i32
    %dma_start3A_171 = tpu.memref_slice %arg6[%dma_start3A_169, %dma_start3A_170] : memref<40x64xi32, #tpu.memory_space<vmem>> -> memref<1x64xi32, #tpu.memory_space<vmem>>
    %dma_start3A_172 = tpu.memref_squeeze %dma_start3A_171 : memref<1x64xi32, #tpu.memory_space<vmem>> -> memref<64xi32, #tpu.memory_space<vmem>>
    %dma_start3A_173 = arith.constant 0 : i32
    %dma_start3A_174 = arith.constant 0 : i32
    %dma_start3A_175 = tpu.memref_slice %arg2[%dma_start3A_173, %dma_start3A_174] : memref<10000x128xf32, #tpu.memory_space<hbm>> -> memref<10000x128xf32, #tpu.memory_space<hbm>>
    tpu.enqueue_indirect_dma source(%dma_start3A_175 : memref<10000x128xf32, #tpu.memory_space<hbm>>) target(%arg10 : memref<64x128xf32, #tpu.memory_space<vmem>>) offsets(%dma_start3A_172 : memref<64xi32, #tpu.memory_space<vmem>>) semaphore(%arg15 : memref<!tpu.dma_semaphore, #tpu.memory_space<semaphore_mem>>)
    %dma_start3A_176 = arith.constant 3 : i32
    %dma_start3A_177 = arith.constant 0 : i32
    %dma_start3A_178 = tpu.memref_slice %arg6[%dma_start3A_176, %dma_start3A_177] : memref<40x64xi32, #tpu.memory_space<vmem>> -> memref<1x64xi32, #tpu.memory_space<vmem>>
    %dma_start3A_179 = tpu.memref_squeeze %dma_start3A_178 : memref<1x64xi32, #tpu.memory_space<vmem>> -> memref<64xi32, #tpu.memory_space<vmem>>
    %dma_start3A_180 = arith.constant 0 : i32
    %dma_start3A_181 = arith.constant 0 : i32
    %dma_start3A_182 = tpu.memref_slice %arg2[%dma_start3A_180, %dma_start3A_181] : memref<10000x128xf32, #tpu.memory_space<hbm>> -> memref<10000x128xf32, #tpu.memory_space<hbm>>
    tpu.enqueue_indirect_dma source(%dma_start3A_182 : memref<10000x128xf32, #tpu.memory_space<hbm>>) target(%arg11 : memref<64x128xf32, #tpu.memory_space<vmem>>) offsets(%dma_start3A_179 : memref<64xi32, #tpu.memory_space<vmem>>) semaphore(%arg16 : memref<!tpu.dma_semaphore, #tpu.memory_space<semaphore_mem>>)
    %scan3A_183 = arith.constant 0 : i32
    %scan3A_184 = arith.constant 0 : i32
    %scan3A_185 = arith.constant 10 : i32
    %scan3A_186 = arith.addi %scan3A_184, %scan3A_185 : i32
    %scan3A_187 = arith.constant 1 : i32
    %scan3A_188 = scf.for %scan3A_244 = %scan3A_184 to %scan3A_186 step %scan3A_187 iter_args(%scan3A_245 = %scan3A_183) -> (i32)  : i32 {
      %mul3A_246 = arith.constant 4 : i32
      %mul3A_247 = arith.muli %mul3A_246, %scan3A_244 : i32
      %add3A_248 = arith.constant 0 : i32
      %add3A_249 = arith.addi %mul3A_247, %add3A_248 : i32
      %dma_wait3A = arith.constant 0 : i32
      %dma_wait3A_250 = tpu.memref_slice %arg6[%add3A_249, %dma_wait3A] : memref<40x64xi32, #tpu.memory_space<vmem>> -> memref<1x64xi32, #tpu.memory_space<vmem>>
      %dma_wait3A_251 = tpu.memref_squeeze %dma_wait3A_250 : memref<1x64xi32, #tpu.memory_space<vmem>> -> memref<64xi32, #tpu.memory_space<vmem>>
      %dma_wait3A_252 = arith.constant 0 : i32
      %dma_wait3A_253 = arith.constant 0 : i32
      %dma_wait3A_254 = tpu.memref_slice %arg2[%dma_wait3A_252, %dma_wait3A_253] : memref<10000x128xf32, #tpu.memory_space<hbm>> -> memref<10000x128xf32, #tpu.memory_space<hbm>>
      tpu.wait_indirect_dma semaphore(%arg13 : memref<!tpu.dma_semaphore, #tpu.memory_space<semaphore_mem>>) src(%dma_wait3A_254 : memref<10000x128xf32, #tpu.memory_space<hbm>>) dst(%arg8 : memref<64x128xf32, #tpu.memory_space<vmem>>)
      %add3A_255 = arith.constant 0 : i32
      %add3A_256 = arith.addi %mul3A_247, %add3A_255 : i32
      "tpu.region"() ({
        %run_scoped3A = tpu.sem_alloc : memref<!tpu.dma_semaphore, #tpu.memory_space<semaphore_mem>>
        %dma_start3A_324 = arith.constant 0 : i32
        %dma_start3A_325 = tpu.memref_slice %arg7[%add3A_256, %dma_start3A_324] : memref<40x64xi32, #tpu.memory_space<vmem>> -> memref<1x64xi32, #tpu.memory_space<vmem>>
        %dma_start3A_326 = tpu.memref_squeeze %dma_start3A_325 : memref<1x64xi32, #tpu.memory_space<vmem>> -> memref<64xi32, #tpu.memory_space<vmem>>
        %dma_start3A_327 = arith.constant 0 : i32
        %dma_start3A_328 = arith.constant 0 : i32
        %dma_start3A_329 = tpu.memref_slice %arg12[%dma_start3A_327, %dma_start3A_328] : memref<10240x128xf32, #tpu.memory_space<vmem_shared>> -> memref<10240x128xf32, #tpu.memory_space<vmem_shared>>
        tpu.enqueue_indirect_dma source(%arg8 : memref<64x128xf32, #tpu.memory_space<vmem>>) target(%dma_start3A_329 : memref<10240x128xf32, #tpu.memory_space<vmem_shared>>) offsets(%dma_start3A_326 : memref<64xi32, #tpu.memory_space<vmem>>) semaphore(%run_scoped3A : memref<!tpu.dma_semaphore, #tpu.memory_space<semaphore_mem>>) {add = true}
        %dma_wait3A_330 = arith.constant 0 : i32
        %dma_wait3A_331 = tpu.memref_slice %arg7[%add3A_256, %dma_wait3A_330] : memref<40x64xi32, #tpu.memory_space<vmem>> -> memref<1x64xi32, #tpu.memory_space<vmem>>
        %dma_wait3A_332 = tpu.memref_squeeze %dma_wait3A_331 : memref<1x64xi32, #tpu.memory_space<vmem>> -> memref<64xi32, #tpu.memory_space<vmem>>
        %dma_wait3A_333 = arith.constant 0 : i32
        %dma_wait3A_334 = arith.constant 0 : i32
        %dma_wait3A_335 = tpu.memref_slice %arg12[%dma_wait3A_333, %dma_wait3A_334] : memref<10240x128xf32, #tpu.memory_space<vmem_shared>> -> memref<10240x128xf32, #tpu.memory_space<vmem_shared>>
        tpu.wait_indirect_dma semaphore(%run_scoped3A : memref<!tpu.dma_semaphore, #tpu.memory_space<semaphore_mem>>) src(%arg8 : memref<64x128xf32, #tpu.memory_space<vmem>>) dst(%dma_wait3A_335 : memref<10240x128xf32, #tpu.memory_space<vmem_shared>>)
        tpu.yield
      }) : () -> ()
      %add3A_257 = arith.constant 4 : i32
      %add3A_258 = arith.addi %mul3A_247, %add3A_257 : i32
      %add3A_259 = arith.constant 0 : i32
      %add3A_260 = arith.addi %add3A_258, %add3A_259 : i32
      %lt3A_261 = arith.constant 40 : i32
      %lt3A_262 = arith.cmpi slt, %add3A_260, %lt3A_261 : i32
      %convert_element_type3A_263 = arith.extui %lt3A_262 : i1 to i32
      %cond3A_264 = arith.constant 0 : i32
      %cond3A_265 = arith.cmpi ne, %convert_element_type3A_263, %cond3A_264 : i32
      scf.if %cond3A_265 {
        %add3A_324 = arith.constant 4 : i32
        %add3A_325 = arith.addi %mul3A_247, %add3A_324 : i32
        %add3A_326 = arith.constant 0 : i32
        %add3A_327 = arith.addi %add3A_325, %add3A_326 : i32
        %dma_start3A_328 = arith.constant 0 : i32
        %dma_start3A_329 = tpu.memref_slice %arg6[%add3A_327, %dma_start3A_328] : memref<40x64xi32, #tpu.memory_space<vmem>> -> memref<1x64xi32, #tpu.memory_space<vmem>>
        %dma_start3A_330 = tpu.memref_squeeze %dma_start3A_329 : memref<1x64xi32, #tpu.memory_space<vmem>> -> memref<64xi32, #tpu.memory_space<vmem>>
        %dma_start3A_331 = arith.constant 0 : i32
        %dma_start3A_332 = arith.constant 0 : i32
        %dma_start3A_333 = tpu.memref_slice %arg2[%dma_start3A_331, %dma_start3A_332] : memref<10000x128xf32, #tpu.memory_space<hbm>> -> memref<10000x128xf32, #tpu.memory_space<hbm>>
        tpu.enqueue_indirect_dma source(%dma_start3A_333 : memref<10000x128xf32, #tpu.memory_space<hbm>>) target(%arg8 : memref<64x128xf32, #tpu.memory_space<vmem>>) offsets(%dma_start3A_330 : memref<64xi32, #tpu.memory_space<vmem>>) semaphore(%arg13 : memref<!tpu.dma_semaphore, #tpu.memory_space<semaphore_mem>>)
      } else {
      }
      %add3A_266 = arith.constant 1 : i32
      %add3A_267 = arith.addi %mul3A_247, %add3A_266 : i32
      %dma_wait3A_268 = arith.constant 0 : i32
      %dma_wait3A_269 = tpu.memref_slice %arg6[%add3A_267, %dma_wait3A_268] : memref<40x64xi32, #tpu.memory_space<vmem>> -> memref<1x64xi32, #tpu.memory_space<vmem>>
      %dma_wait3A_270 = tpu.memref_squeeze %dma_wait3A_269 : memref<1x64xi32, #tpu.memory_space<vmem>> -> memref<64xi32, #tpu.memory_space<vmem>>
      %dma_wait3A_271 = arith.constant 0 : i32
      %dma_wait3A_272 = arith.constant 0 : i32
      %dma_wait3A_273 = tpu.memref_slice %arg2[%dma_wait3A_271, %dma_wait3A_272] : memref<10000x128xf32, #tpu.memory_space<hbm>> -> memref<10000x128xf32, #tpu.memory_space<hbm>>
      tpu.wait_indirect_dma semaphore(%arg14 : memref<!tpu.dma_semaphore, #tpu.memory_space<semaphore_mem>>) src(%dma_wait3A_273 : memref<10000x128xf32, #tpu.memory_space<hbm>>) dst(%arg9 : memref<64x128xf32, #tpu.memory_space<vmem>>)
      %add3A_274 = arith.constant 1 : i32
      %add3A_275 = arith.addi %mul3A_247, %add3A_274 : i32
      "tpu.region"() ({
        %run_scoped3A = tpu.sem_alloc : memref<!tpu.dma_semaphore, #tpu.memory_space<semaphore_mem>>
        %dma_start3A_324 = arith.constant 0 : i32
        %dma_start3A_325 = tpu.memref_slice %arg7[%add3A_275, %dma_start3A_324] : memref<40x64xi32, #tpu.memory_space<vmem>> -> memref<1x64xi32, #tpu.memory_space<vmem>>
        %dma_start3A_326 = tpu.memref_squeeze %dma_start3A_325 : memref<1x64xi32, #tpu.memory_space<vmem>> -> memref<64xi32, #tpu.memory_space<vmem>>
        %dma_start3A_327 = arith.constant 0 : i32
        %dma_start3A_328 = arith.constant 0 : i32
        %dma_start3A_329 = tpu.memref_slice %arg12[%dma_start3A_327, %dma_start3A_328] : memref<10240x128xf32, #tpu.memory_space<vmem_shared>> -> memref<10240x128xf32, #tpu.memory_space<vmem_shared>>
        tpu.enqueue_indirect_dma source(%arg9 : memref<64x128xf32, #tpu.memory_space<vmem>>) target(%dma_start3A_329 : memref<10240x128xf32, #tpu.memory_space<vmem_shared>>) offsets(%dma_start3A_326 : memref<64xi32, #tpu.memory_space<vmem>>) semaphore(%run_scoped3A : memref<!tpu.dma_semaphore, #tpu.memory_space<semaphore_mem>>) {add = true}
        %dma_wait3A_330 = arith.constant 0 : i32
        %dma_wait3A_331 = tpu.memref_slice %arg7[%add3A_275, %dma_wait3A_330] : memref<40x64xi32, #tpu.memory_space<vmem>> -> memref<1x64xi32, #tpu.memory_space<vmem>>
        %dma_wait3A_332 = tpu.memref_squeeze %dma_wait3A_331 : memref<1x64xi32, #tpu.memory_space<vmem>> -> memref<64xi32, #tpu.memory_space<vmem>>
        %dma_wait3A_333 = arith.constant 0 : i32
        %dma_wait3A_334 = arith.constant 0 : i32
        %dma_wait3A_335 = tpu.memref_slice %arg12[%dma_wait3A_333, %dma_wait3A_334] : memref<10240x128xf32, #tpu.memory_space<vmem_shared>> -> memref<10240x128xf32, #tpu.memory_space<vmem_shared>>
        tpu.wait_indirect_dma semaphore(%run_scoped3A : memref<!tpu.dma_semaphore, #tpu.memory_space<semaphore_mem>>) src(%arg9 : memref<64x128xf32, #tpu.memory_space<vmem>>) dst(%dma_wait3A_335 : memref<10240x128xf32, #tpu.memory_space<vmem_shared>>)
        tpu.yield
      }) : () -> ()
      %add3A_276 = arith.constant 4 : i32
      %add3A_277 = arith.addi %mul3A_247, %add3A_276 : i32
      %add3A_278 = arith.constant 1 : i32
      %add3A_279 = arith.addi %add3A_277, %add3A_278 : i32
      %lt3A_280 = arith.constant 40 : i32
      %lt3A_281 = arith.cmpi slt, %add3A_279, %lt3A_280 : i32
      %convert_element_type3A_282 = arith.extui %lt3A_281 : i1 to i32
      %cond3A_283 = arith.constant 0 : i32
      %cond3A_284 = arith.cmpi ne, %convert_element_type3A_282, %cond3A_283 : i32
      scf.if %cond3A_284 {
        %add3A_324 = arith.constant 4 : i32
        %add3A_325 = arith.addi %mul3A_247, %add3A_324 : i32
        %add3A_326 = arith.constant 1 : i32
        %add3A_327 = arith.addi %add3A_325, %add3A_326 : i32
        %dma_start3A_328 = arith.constant 0 : i32
        %dma_start3A_329 = tpu.memref_slice %arg6[%add3A_327, %dma_start3A_328] : memref<40x64xi32, #tpu.memory_space<vmem>> -> memref<1x64xi32, #tpu.memory_space<vmem>>
        %dma_start3A_330 = tpu.memref_squeeze %dma_start3A_329 : memref<1x64xi32, #tpu.memory_space<vmem>> -> memref<64xi32, #tpu.memory_space<vmem>>
        %dma_start3A_331 = arith.constant 0 : i32
        %dma_start3A_332 = arith.constant 0 : i32
        %dma_start3A_333 = tpu.memref_slice %arg2[%dma_start3A_331, %dma_start3A_332] : memref<10000x128xf32, #tpu.memory_space<hbm>> -> memref<10000x128xf32, #tpu.memory_space<hbm>>
        tpu.enqueue_indirect_dma source(%dma_start3A_333 : memref<10000x128xf32, #tpu.memory_space<hbm>>) target(%arg9 : memref<64x128xf32, #tpu.memory_space<vmem>>) offsets(%dma_start3A_330 : memref<64xi32, #tpu.memory_space<vmem>>) semaphore(%arg14 : memref<!tpu.dma_semaphore, #tpu.memory_space<semaphore_mem>>)
      } else {
      }
      %add3A_285 = arith.constant 2 : i32
      %add3A_286 = arith.addi %mul3A_247, %add3A_285 : i32
      %dma_wait3A_287 = arith.constant 0 : i32
      %dma_wait3A_288 = tpu.memref_slice %arg6[%add3A_286, %dma_wait3A_287] : memref<40x64xi32, #tpu.memory_space<vmem>> -> memref<1x64xi32, #tpu.memory_space<vmem>>
      %dma_wait3A_289 = tpu.memref_squeeze %dma_wait3A_288 : memref<1x64xi32, #tpu.memory_space<vmem>> -> memref<64xi32, #tpu.memory_space<vmem>>
      %dma_wait3A_290 = arith.constant 0 : i32
      %dma_wait3A_291 = arith.constant 0 : i32
      %dma_wait3A_292 = tpu.memref_slice %arg2[%dma_wait3A_290, %dma_wait3A_291] : memref<10000x128xf32, #tpu.memory_space<hbm>> -> memref<10000x128xf32, #tpu.memory_space<hbm>>
      tpu.wait_indirect_dma semaphore(%arg15 : memref<!tpu.dma_semaphore, #tpu.memory_space<semaphore_mem>>) src(%dma_wait3A_292 : memref<10000x128xf32, #tpu.memory_space<hbm>>) dst(%arg10 : memref<64x128xf32, #tpu.memory_space<vmem>>)
      %add3A_293 = arith.constant 2 : i32
      %add3A_294 = arith.addi %mul3A_247, %add3A_293 : i32
      "tpu.region"() ({
        %run_scoped3A = tpu.sem_alloc : memref<!tpu.dma_semaphore, #tpu.memory_space<semaphore_mem>>
        %dma_start3A_324 = arith.constant 0 : i32
        %dma_start3A_325 = tpu.memref_slice %arg7[%add3A_294, %dma_start3A_324] : memref<40x64xi32, #tpu.memory_space<vmem>> -> memref<1x64xi32, #tpu.memory_space<vmem>>
        %dma_start3A_326 = tpu.memref_squeeze %dma_start3A_325 : memref<1x64xi32, #tpu.memory_space<vmem>> -> memref<64xi32, #tpu.memory_space<vmem>>
        %dma_start3A_327 = arith.constant 0 : i32
        %dma_start3A_328 = arith.constant 0 : i32
        %dma_start3A_329 = tpu.memref_slice %arg12[%dma_start3A_327, %dma_start3A_328] : memref<10240x128xf32, #tpu.memory_space<vmem_shared>> -> memref<10240x128xf32, #tpu.memory_space<vmem_shared>>
        tpu.enqueue_indirect_dma source(%arg10 : memref<64x128xf32, #tpu.memory_space<vmem>>) target(%dma_start3A_329 : memref<10240x128xf32, #tpu.memory_space<vmem_shared>>) offsets(%dma_start3A_326 : memref<64xi32, #tpu.memory_space<vmem>>) semaphore(%run_scoped3A : memref<!tpu.dma_semaphore, #tpu.memory_space<semaphore_mem>>) {add = true}
        %dma_wait3A_330 = arith.constant 0 : i32
        %dma_wait3A_331 = tpu.memref_slice %arg7[%add3A_294, %dma_wait3A_330] : memref<40x64xi32, #tpu.memory_space<vmem>> -> memref<1x64xi32, #tpu.memory_space<vmem>>
        %dma_wait3A_332 = tpu.memref_squeeze %dma_wait3A_331 : memref<1x64xi32, #tpu.memory_space<vmem>> -> memref<64xi32, #tpu.memory_space<vmem>>
        %dma_wait3A_333 = arith.constant 0 : i32
        %dma_wait3A_334 = arith.constant 0 : i32
        %dma_wait3A_335 = tpu.memref_slice %arg12[%dma_wait3A_333, %dma_wait3A_334] : memref<10240x128xf32, #tpu.memory_space<vmem_shared>> -> memref<10240x128xf32, #tpu.memory_space<vmem_shared>>
        tpu.wait_indirect_dma semaphore(%run_scoped3A : memref<!tpu.dma_semaphore, #tpu.memory_space<semaphore_mem>>) src(%arg10 : memref<64x128xf32, #tpu.memory_space<vmem>>) dst(%dma_wait3A_335 : memref<10240x128xf32, #tpu.memory_space<vmem_shared>>)
        tpu.yield
      }) : () -> ()
      %add3A_295 = arith.constant 4 : i32
      %add3A_296 = arith.addi %mul3A_247, %add3A_295 : i32
      %add3A_297 = arith.constant 2 : i32
      %add3A_298 = arith.addi %add3A_296, %add3A_297 : i32
      %lt3A_299 = arith.constant 40 : i32
      %lt3A_300 = arith.cmpi slt, %add3A_298, %lt3A_299 : i32
      %convert_element_type3A_301 = arith.extui %lt3A_300 : i1 to i32
      %cond3A_302 = arith.constant 0 : i32
      %cond3A_303 = arith.cmpi ne, %convert_element_type3A_301, %cond3A_302 : i32
      scf.if %cond3A_303 {
        %add3A_324 = arith.constant 4 : i32
        %add3A_325 = arith.addi %mul3A_247, %add3A_324 : i32
        %add3A_326 = arith.constant 2 : i32
        %add3A_327 = arith.addi %add3A_325, %add3A_326 : i32
        %dma_start3A_328 = arith.constant 0 : i32
        %dma_start3A_329 = tpu.memref_slice %arg6[%add3A_327, %dma_start3A_328] : memref<40x64xi32, #tpu.memory_space<vmem>> -> memref<1x64xi32, #tpu.memory_space<vmem>>
        %dma_start3A_330 = tpu.memref_squeeze %dma_start3A_329 : memref<1x64xi32, #tpu.memory_space<vmem>> -> memref<64xi32, #tpu.memory_space<vmem>>
        %dma_start3A_331 = arith.constant 0 : i32
        %dma_start3A_332 = arith.constant 0 : i32
        %dma_start3A_333 = tpu.memref_slice %arg2[%dma_start3A_331, %dma_start3A_332] : memref<10000x128xf32, #tpu.memory_space<hbm>> -> memref<10000x128xf32, #tpu.memory_space<hbm>>
        tpu.enqueue_indirect_dma source(%dma_start3A_333 : memref<10000x128xf32, #tpu.memory_space<hbm>>) target(%arg10 : memref<64x128xf32, #tpu.memory_space<vmem>>) offsets(%dma_start3A_330 : memref<64xi32, #tpu.memory_space<vmem>>) semaphore(%arg15 : memref<!tpu.dma_semaphore, #tpu.memory_space<semaphore_mem>>)
      } else {
      }
      %add3A_304 = arith.constant 3 : i32
      %add3A_305 = arith.addi %mul3A_247, %add3A_304 : i32
      %dma_wait3A_306 = arith.constant 0 : i32
      %dma_wait3A_307 = tpu.memref_slice %arg6[%add3A_305, %dma_wait3A_306] : memref<40x64xi32, #tpu.memory_space<vmem>> -> memref<1x64xi32, #tpu.memory_space<vmem>>
      %dma_wait3A_308 = tpu.memref_squeeze %dma_wait3A_307 : memref<1x64xi32, #tpu.memory_space<vmem>> -> memref<64xi32, #tpu.memory_space<vmem>>
      %dma_wait3A_309 = arith.constant 0 : i32
      %dma_wait3A_310 = arith.constant 0 : i32
      %dma_wait3A_311 = tpu.memref_slice %arg2[%dma_wait3A_309, %dma_wait3A_310] : memref<10000x128xf32, #tpu.memory_space<hbm>> -> memref<10000x128xf32, #tpu.memory_space<hbm>>
      tpu.wait_indirect_dma semaphore(%arg16 : memref<!tpu.dma_semaphore, #tpu.memory_space<semaphore_mem>>) src(%dma_wait3A_311 : memref<10000x128xf32, #tpu.memory_space<hbm>>) dst(%arg11 : memref<64x128xf32, #tpu.memory_space<vmem>>)
      %add3A_312 = arith.constant 3 : i32
      %add3A_313 = arith.addi %mul3A_247, %add3A_312 : i32
      "tpu.region"() ({
        %run_scoped3A = tpu.sem_alloc : memref<!tpu.dma_semaphore, #tpu.memory_space<semaphore_mem>>
        %dma_start3A_324 = arith.constant 0 : i32
        %dma_start3A_325 = tpu.memref_slice %arg7[%add3A_313, %dma_start3A_324] : memref<40x64xi32, #tpu.memory_space<vmem>> -> memref<1x64xi32, #tpu.memory_space<vmem>>
        %dma_start3A_326 = tpu.memref_squeeze %dma_start3A_325 : memref<1x64xi32, #tpu.memory_space<vmem>> -> memref<64xi32, #tpu.memory_space<vmem>>
        %dma_start3A_327 = arith.constant 0 : i32
        %dma_start3A_328 = arith.constant 0 : i32
        %dma_start3A_329 = tpu.memref_slice %arg12[%dma_start3A_327, %dma_start3A_328] : memref<10240x128xf32, #tpu.memory_space<vmem_shared>> -> memref<10240x128xf32, #tpu.memory_space<vmem_shared>>
        tpu.enqueue_indirect_dma source(%arg11 : memref<64x128xf32, #tpu.memory_space<vmem>>) target(%dma_start3A_329 : memref<10240x128xf32, #tpu.memory_space<vmem_shared>>) offsets(%dma_start3A_326 : memref<64xi32, #tpu.memory_space<vmem>>) semaphore(%run_scoped3A : memref<!tpu.dma_semaphore, #tpu.memory_space<semaphore_mem>>) {add = true}
        %dma_wait3A_330 = arith.constant 0 : i32
        %dma_wait3A_331 = tpu.memref_slice %arg7[%add3A_313, %dma_wait3A_330] : memref<40x64xi32, #tpu.memory_space<vmem>> -> memref<1x64xi32, #tpu.memory_space<vmem>>
        %dma_wait3A_332 = tpu.memref_squeeze %dma_wait3A_331 : memref<1x64xi32, #tpu.memory_space<vmem>> -> memref<64xi32, #tpu.memory_space<vmem>>
        %dma_wait3A_333 = arith.constant 0 : i32
        %dma_wait3A_334 = arith.constant 0 : i32
        %dma_wait3A_335 = tpu.memref_slice %arg12[%dma_wait3A_333, %dma_wait3A_334] : memref<10240x128xf32, #tpu.memory_space<vmem_shared>> -> memref<10240x128xf32, #tpu.memory_space<vmem_shared>>
        tpu.wait_indirect_dma semaphore(%run_scoped3A : memref<!tpu.dma_semaphore, #tpu.memory_space<semaphore_mem>>) src(%arg11 : memref<64x128xf32, #tpu.memory_space<vmem>>) dst(%dma_wait3A_335 : memref<10240x128xf32, #tpu.memory_space<vmem_shared>>)
        tpu.yield
      }) : () -> ()
      %add3A_314 = arith.constant 4 : i32
      %add3A_315 = arith.addi %mul3A_247, %add3A_314 : i32
      %add3A_316 = arith.constant 3 : i32
      %add3A_317 = arith.addi %add3A_315, %add3A_316 : i32
      %lt3A_318 = arith.constant 40 : i32
      %lt3A_319 = arith.cmpi slt, %add3A_317, %lt3A_318 : i32
      %convert_element_type3A_320 = arith.extui %lt3A_319 : i1 to i32
      %cond3A_321 = arith.constant 0 : i32
      %cond3A_322 = arith.cmpi ne, %convert_element_type3A_320, %cond3A_321 : i32
      scf.if %cond3A_322 {
        %add3A_324 = arith.constant 4 : i32
        %add3A_325 = arith.addi %mul3A_247, %add3A_324 : i32
        %add3A_326 = arith.constant 3 : i32
        %add3A_327 = arith.addi %add3A_325, %add3A_326 : i32
        %dma_start3A_328 = arith.constant 0 : i32
        %dma_start3A_329 = tpu.memref_slice %arg6[%add3A_327, %dma_start3A_328] : memref<40x64xi32, #tpu.memory_space<vmem>> -> memref<1x64xi32, #tpu.memory_space<vmem>>
        %dma_start3A_330 = tpu.memref_squeeze %dma_start3A_329 : memref<1x64xi32, #tpu.memory_space<vmem>> -> memref<64xi32, #tpu.memory_space<vmem>>
        %dma_start3A_331 = arith.constant 0 : i32
        %dma_start3A_332 = arith.constant 0 : i32
        %dma_start3A_333 = tpu.memref_slice %arg2[%dma_start3A_331, %dma_start3A_332] : memref<10000x128xf32, #tpu.memory_space<hbm>> -> memref<10000x128xf32, #tpu.memory_space<hbm>>
        tpu.enqueue_indirect_dma source(%dma_start3A_333 : memref<10000x128xf32, #tpu.memory_space<hbm>>) target(%arg11 : memref<64x128xf32, #tpu.memory_space<vmem>>) offsets(%dma_start3A_330 : memref<64xi32, #tpu.memory_space<vmem>>) semaphore(%arg16 : memref<!tpu.dma_semaphore, #tpu.memory_space<semaphore_mem>>)
      } else {
      }
      %scan3A_323 = arith.constant 0 : i32
      scf.yield %scan3A_323 : i32
    }
    %scan3A_189 = arith.constant 10 : i32
    %mul3A_190 = arith.constant 160 : i32
    %mul3A_191 = arith.muli %add3A, %mul3A_190 : i32
    %add3A_192 = arith.constant 120 : i32
    %add3A_193 = arith.addi %mul3A_191, %add3A_192 : i32
    %lt3A_194 = arith.constant 31 : i32
    %lt3A_195 = arith.cmpi slt, %add3A, %lt3A_194 : i32
    %convert_element_type3A_196 = arith.extui %lt3A_195 : i1 to i32
    %cond3A_197 = arith.constant 0 : i32
    %cond3A_198 = arith.cmpi ne, %convert_element_type3A_196, %cond3A_197 : i32
    scf.if %cond3A_198 {
      %run_scoped3A = arith.constant 1 : i32
      "tpu.region"() ({
        %run_scoped3A_245 = tpu.sem_alloc : memref<!tpu.dma_semaphore, #tpu.memory_space<semaphore_mem>>
        %dma_start3A_246 = arith.constant 0 : i32
        %dma_start3A_247 = tpu.memref_slice %arg3[%run_scoped3A, %add3A_193, %dma_start3A_246] : memref<2x5000x64xi32, #tpu.memory_space<hbm>> -> memref<1x40x64xi32, #tpu.memory_space<hbm>>
        %dma_start3A_248 = tpu.memref_squeeze %dma_start3A_247 : memref<1x40x64xi32, #tpu.memory_space<hbm>> -> memref<40x64xi32, #tpu.memory_space<hbm>>
        %dma_start3A_249 = arith.constant 0 : i32
        %dma_start3A_250 = tpu.memref_slice %arg3[%run_scoped3A, %add3A_193, %dma_start3A_249] : memref<2x5000x64xi32, #tpu.memory_space<hbm>> -> memref<1x40x64xi32, #tpu.memory_space<hbm>>
        %dma_start3A_251 = tpu.memref_squeeze %dma_start3A_250 : memref<1x40x64xi32, #tpu.memory_space<hbm>> -> memref<40x64xi32, #tpu.memory_space<hbm>>
        tpu.enqueue_dma source(%dma_start3A_251 : memref<40x64xi32, #tpu.memory_space<hbm>>) target(%arg6 : memref<40x64xi32, #tpu.memory_space<vmem>>) target_semaphore(%run_scoped3A_245 : memref<!tpu.dma_semaphore, #tpu.memory_space<semaphore_mem>>)
        %dma_wait3A = arith.constant 0 : i32
        %dma_wait3A_252 = tpu.memref_slice %arg3[%run_scoped3A, %add3A_193, %dma_wait3A] : memref<2x5000x64xi32, #tpu.memory_space<hbm>> -> memref<1x40x64xi32, #tpu.memory_space<hbm>>
        %dma_wait3A_253 = tpu.memref_squeeze %dma_wait3A_252 : memref<1x40x64xi32, #tpu.memory_space<hbm>> -> memref<40x64xi32, #tpu.memory_space<hbm>>
        %dma_wait3A_254 = arith.constant 0 : i32
        %dma_wait3A_255 = tpu.memref_slice %arg3[%run_scoped3A, %add3A_193, %dma_wait3A_254] : memref<2x5000x64xi32, #tpu.memory_space<hbm>> -> memref<1x40x64xi32, #tpu.memory_space<hbm>>
        %dma_wait3A_256 = tpu.memref_squeeze %dma_wait3A_255 : memref<1x40x64xi32, #tpu.memory_space<hbm>> -> memref<40x64xi32, #tpu.memory_space<hbm>>
        tpu.wait_dma2 semaphore(%run_scoped3A_245 : memref<!tpu.dma_semaphore, #tpu.memory_space<semaphore_mem>>) src(%dma_wait3A_256 : memref<40x64xi32, #tpu.memory_space<hbm>>) dst(%arg6 : memref<40x64xi32, #tpu.memory_space<vmem>>)
        tpu.yield
      }) : () -> ()
      %run_scoped3A_244 = arith.constant 0 : i32
      "tpu.region"() ({
        %run_scoped3A_245 = tpu.sem_alloc : memref<!tpu.dma_semaphore, #tpu.memory_space<semaphore_mem>>
        %dma_start3A_246 = arith.constant 0 : i32
        %dma_start3A_247 = tpu.memref_slice %arg3[%run_scoped3A_244, %add3A_193, %dma_start3A_246] : memref<2x5000x64xi32, #tpu.memory_space<hbm>> -> memref<1x40x64xi32, #tpu.memory_space<hbm>>
        %dma_start3A_248 = tpu.memref_squeeze %dma_start3A_247 : memref<1x40x64xi32, #tpu.memory_space<hbm>> -> memref<40x64xi32, #tpu.memory_space<hbm>>
        %dma_start3A_249 = arith.constant 0 : i32
        %dma_start3A_250 = tpu.memref_slice %arg3[%run_scoped3A_244, %add3A_193, %dma_start3A_249] : memref<2x5000x64xi32, #tpu.memory_space<hbm>> -> memref<1x40x64xi32, #tpu.memory_space<hbm>>
        %dma_start3A_251 = tpu.memref_squeeze %dma_start3A_250 : memref<1x40x64xi32, #tpu.memory_space<hbm>> -> memref<40x64xi32, #tpu.memory_space<hbm>>
        tpu.enqueue_dma source(%dma_start3A_251 : memref<40x64xi32, #tpu.memory_space<hbm>>) target(%arg7 : memref<40x64xi32, #tpu.memory_space<vmem>>) target_semaphore(%run_scoped3A_245 : memref<!tpu.dma_semaphore, #tpu.memory_space<semaphore_mem>>)
        %dma_wait3A = arith.constant 0 : i32
        %dma_wait3A_252 = tpu.memref_slice %arg3[%run_scoped3A_244, %add3A_193, %dma_wait3A] : memref<2x5000x64xi32, #tpu.memory_space<hbm>> -> memref<1x40x64xi32, #tpu.memory_space<hbm>>
        %dma_wait3A_253 = tpu.memref_squeeze %dma_wait3A_252 : memref<1x40x64xi32, #tpu.memory_space<hbm>> -> memref<40x64xi32, #tpu.memory_space<hbm>>
        %dma_wait3A_254 = arith.constant 0 : i32
        %dma_wait3A_255 = tpu.memref_slice %arg3[%run_scoped3A_244, %add3A_193, %dma_wait3A_254] : memref<2x5000x64xi32, #tpu.memory_space<hbm>> -> memref<1x40x64xi32, #tpu.memory_space<hbm>>
        %dma_wait3A_256 = tpu.memref_squeeze %dma_wait3A_255 : memref<1x40x64xi32, #tpu.memory_space<hbm>> -> memref<40x64xi32, #tpu.memory_space<hbm>>
        tpu.wait_dma2 semaphore(%run_scoped3A_245 : memref<!tpu.dma_semaphore, #tpu.memory_space<semaphore_mem>>) src(%dma_wait3A_256 : memref<40x64xi32, #tpu.memory_space<hbm>>) dst(%arg7 : memref<40x64xi32, #tpu.memory_space<vmem>>)
        tpu.yield
      }) : () -> ()
    } else {
    }
    %eq3A_199 = arith.constant 31 : i32
    %eq3A_200 = arith.cmpi eq, %add3A, %eq3A_199 : i32
    %convert_element_type3A_201 = arith.extui %eq3A_200 : i1 to i32
    %cond3A_202 = arith.constant 0 : i32
    %cond3A_203 = arith.cmpi ne, %convert_element_type3A_201, %cond3A_202 : i32
    scf.if %cond3A_203 {
      %run_scoped3A = arith.constant 1 : i32
      "tpu.region"() ({
        %run_scoped3A_245 = tpu.sem_alloc : memref<!tpu.dma_semaphore, #tpu.memory_space<semaphore_mem>>
        %dma_start3A_246 = arith.constant 120 : i32
        %dma_start3A_247 = arith.constant 0 : i32
        %dma_start3A_248 = tpu.memref_slice %arg4[%run_scoped3A, %dma_start3A_246, %dma_start3A_247] : memref<2x160x64xi32, #tpu.memory_space<hbm>> -> memref<1x40x64xi32, #tpu.memory_space<hbm>>
        %dma_start3A_249 = tpu.memref_squeeze %dma_start3A_248 : memref<1x40x64xi32, #tpu.memory_space<hbm>> -> memref<40x64xi32, #tpu.memory_space<hbm>>
        %dma_start3A_250 = arith.constant 120 : i32
        %dma_start3A_251 = arith.constant 0 : i32
        %dma_start3A_252 = tpu.memref_slice %arg4[%run_scoped3A, %dma_start3A_250, %dma_start3A_251] : memref<2x160x64xi32, #tpu.memory_space<hbm>> -> memref<1x40x64xi32, #tpu.memory_space<hbm>>
        %dma_start3A_253 = tpu.memref_squeeze %dma_start3A_252 : memref<1x40x64xi32, #tpu.memory_space<hbm>> -> memref<40x64xi32, #tpu.memory_space<hbm>>
        tpu.enqueue_dma source(%dma_start3A_253 : memref<40x64xi32, #tpu.memory_space<hbm>>) target(%arg6 : memref<40x64xi32, #tpu.memory_space<vmem>>) target_semaphore(%run_scoped3A_245 : memref<!tpu.dma_semaphore, #tpu.memory_space<semaphore_mem>>)
        %dma_wait3A = arith.constant 120 : i32
        %dma_wait3A_254 = arith.constant 0 : i32
        %dma_wait3A_255 = tpu.memref_slice %arg4[%run_scoped3A, %dma_wait3A, %dma_wait3A_254] : memref<2x160x64xi32, #tpu.memory_space<hbm>> -> memref<1x40x64xi32, #tpu.memory_space<hbm>>
        %dma_wait3A_256 = tpu.memref_squeeze %dma_wait3A_255 : memref<1x40x64xi32, #tpu.memory_space<hbm>> -> memref<40x64xi32, #tpu.memory_space<hbm>>
        %dma_wait3A_257 = arith.constant 120 : i32
        %dma_wait3A_258 = arith.constant 0 : i32
        %dma_wait3A_259 = tpu.memref_slice %arg4[%run_scoped3A, %dma_wait3A_257, %dma_wait3A_258] : memref<2x160x64xi32, #tpu.memory_space<hbm>> -> memref<1x40x64xi32, #tpu.memory_space<hbm>>
        %dma_wait3A_260 = tpu.memref_squeeze %dma_wait3A_259 : memref<1x40x64xi32, #tpu.memory_space<hbm>> -> memref<40x64xi32, #tpu.memory_space<hbm>>
        tpu.wait_dma2 semaphore(%run_scoped3A_245 : memref<!tpu.dma_semaphore, #tpu.memory_space<semaphore_mem>>) src(%dma_wait3A_260 : memref<40x64xi32, #tpu.memory_space<hbm>>) dst(%arg6 : memref<40x64xi32, #tpu.memory_space<vmem>>)
        tpu.yield
      }) : () -> ()
      %run_scoped3A_244 = arith.constant 0 : i32
      "tpu.region"() ({
        %run_scoped3A_245 = tpu.sem_alloc : memref<!tpu.dma_semaphore, #tpu.memory_space<semaphore_mem>>
        %dma_start3A_246 = arith.constant 120 : i32
        %dma_start3A_247 = arith.constant 0 : i32
        %dma_start3A_248 = tpu.memref_slice %arg4[%run_scoped3A_244, %dma_start3A_246, %dma_start3A_247] : memref<2x160x64xi32, #tpu.memory_space<hbm>> -> memref<1x40x64xi32, #tpu.memory_space<hbm>>
        %dma_start3A_249 = tpu.memref_squeeze %dma_start3A_248 : memref<1x40x64xi32, #tpu.memory_space<hbm>> -> memref<40x64xi32, #tpu.memory_space<hbm>>
        %dma_start3A_250 = arith.constant 120 : i32
        %dma_start3A_251 = arith.constant 0 : i32
        %dma_start3A_252 = tpu.memref_slice %arg4[%run_scoped3A_244, %dma_start3A_250, %dma_start3A_251] : memref<2x160x64xi32, #tpu.memory_space<hbm>> -> memref<1x40x64xi32, #tpu.memory_space<hbm>>
        %dma_start3A_253 = tpu.memref_squeeze %dma_start3A_252 : memref<1x40x64xi32, #tpu.memory_space<hbm>> -> memref<40x64xi32, #tpu.memory_space<hbm>>
        tpu.enqueue_dma source(%dma_start3A_253 : memref<40x64xi32, #tpu.memory_space<hbm>>) target(%arg7 : memref<40x64xi32, #tpu.memory_space<vmem>>) target_semaphore(%run_scoped3A_245 : memref<!tpu.dma_semaphore, #tpu.memory_space<semaphore_mem>>)
        %dma_wait3A = arith.constant 120 : i32
        %dma_wait3A_254 = arith.constant 0 : i32
        %dma_wait3A_255 = tpu.memref_slice %arg4[%run_scoped3A_244, %dma_wait3A, %dma_wait3A_254] : memref<2x160x64xi32, #tpu.memory_space<hbm>> -> memref<1x40x64xi32, #tpu.memory_space<hbm>>
        %dma_wait3A_256 = tpu.memref_squeeze %dma_wait3A_255 : memref<1x40x64xi32, #tpu.memory_space<hbm>> -> memref<40x64xi32, #tpu.memory_space<hbm>>
        %dma_wait3A_257 = arith.constant 120 : i32
        %dma_wait3A_258 = arith.constant 0 : i32
        %dma_wait3A_259 = tpu.memref_slice %arg4[%run_scoped3A_244, %dma_wait3A_257, %dma_wait3A_258] : memref<2x160x64xi32, #tpu.memory_space<hbm>> -> memref<1x40x64xi32, #tpu.memory_space<hbm>>
        %dma_wait3A_260 = tpu.memref_squeeze %dma_wait3A_259 : memref<1x40x64xi32, #tpu.memory_space<hbm>> -> memref<40x64xi32, #tpu.memory_space<hbm>>
        tpu.wait_dma2 semaphore(%run_scoped3A_245 : memref<!tpu.dma_semaphore, #tpu.memory_space<semaphore_mem>>) src(%dma_wait3A_260 : memref<40x64xi32, #tpu.memory_space<hbm>>) dst(%arg7 : memref<40x64xi32, #tpu.memory_space<vmem>>)
        tpu.yield
      }) : () -> ()
    } else {
    }
    %dma_start3A_204 = arith.constant 0 : i32
    %dma_start3A_205 = arith.constant 0 : i32
    %dma_start3A_206 = tpu.memref_slice %arg6[%dma_start3A_204, %dma_start3A_205] : memref<40x64xi32, #tpu.memory_space<vmem>> -> memref<1x64xi32, #tpu.memory_space<vmem>>
    %dma_start3A_207 = tpu.memref_squeeze %dma_start3A_206 : memref<1x64xi32, #tpu.memory_space<vmem>> -> memref<64xi32, #tpu.memory_space<vmem>>
    %dma_start3A_208 = arith.constant 0 : i32
    %dma_start3A_209 = arith.constant 0 : i32
    %dma_start3A_210 = tpu.memref_slice %arg2[%dma_start3A_208, %dma_start3A_209] : memref<10000x128xf32, #tpu.memory_space<hbm>> -> memref<10000x128xf32, #tpu.memory_space<hbm>>
    tpu.enqueue_indirect_dma source(%dma_start3A_210 : memref<10000x128xf32, #tpu.memory_space<hbm>>) target(%arg8 : memref<64x128xf32, #tpu.memory_space<vmem>>) offsets(%dma_start3A_207 : memref<64xi32, #tpu.memory_space<vmem>>) semaphore(%arg13 : memref<!tpu.dma_semaphore, #tpu.memory_space<semaphore_mem>>)
    %dma_start3A_211 = arith.constant 1 : i32
    %dma_start3A_212 = arith.constant 0 : i32
    %dma_start3A_213 = tpu.memref_slice %arg6[%dma_start3A_211, %dma_start3A_212] : memref<40x64xi32, #tpu.memory_space<vmem>> -> memref<1x64xi32, #tpu.memory_space<vmem>>
    %dma_start3A_214 = tpu.memref_squeeze %dma_start3A_213 : memref<1x64xi32, #tpu.memory_space<vmem>> -> memref<64xi32, #tpu.memory_space<vmem>>
    %dma_start3A_215 = arith.constant 0 : i32
    %dma_start3A_216 = arith.constant 0 : i32
    %dma_start3A_217 = tpu.memref_slice %arg2[%dma_start3A_215, %dma_start3A_216] : memref<10000x128xf32, #tpu.memory_space<hbm>> -> memref<10000x128xf32, #tpu.memory_space<hbm>>
    tpu.enqueue_indirect_dma source(%dma_start3A_217 : memref<10000x128xf32, #tpu.memory_space<hbm>>) target(%arg9 : memref<64x128xf32, #tpu.memory_space<vmem>>) offsets(%dma_start3A_214 : memref<64xi32, #tpu.memory_space<vmem>>) semaphore(%arg14 : memref<!tpu.dma_semaphore, #tpu.memory_space<semaphore_mem>>)
    %dma_start3A_218 = arith.constant 2 : i32
    %dma_start3A_219 = arith.constant 0 : i32
    %dma_start3A_220 = tpu.memref_slice %arg6[%dma_start3A_218, %dma_start3A_219] : memref<40x64xi32, #tpu.memory_space<vmem>> -> memref<1x64xi32, #tpu.memory_space<vmem>>
    %dma_start3A_221 = tpu.memref_squeeze %dma_start3A_220 : memref<1x64xi32, #tpu.memory_space<vmem>> -> memref<64xi32, #tpu.memory_space<vmem>>
    %dma_start3A_222 = arith.constant 0 : i32
    %dma_start3A_223 = arith.constant 0 : i32
    %dma_start3A_224 = tpu.memref_slice %arg2[%dma_start3A_222, %dma_start3A_223] : memref<10000x128xf32, #tpu.memory_space<hbm>> -> memref<10000x128xf32, #tpu.memory_space<hbm>>
    tpu.enqueue_indirect_dma source(%dma_start3A_224 : memref<10000x128xf32, #tpu.memory_space<hbm>>) target(%arg10 : memref<64x128xf32, #tpu.memory_space<vmem>>) offsets(%dma_start3A_221 : memref<64xi32, #tpu.memory_space<vmem>>) semaphore(%arg15 : memref<!tpu.dma_semaphore, #tpu.memory_space<semaphore_mem>>)
    %dma_start3A_225 = arith.constant 3 : i32
    %dma_start3A_226 = arith.constant 0 : i32
    %dma_start3A_227 = tpu.memref_slice %arg6[%dma_start3A_225, %dma_start3A_226] : memref<40x64xi32, #tpu.memory_space<vmem>> -> memref<1x64xi32, #tpu.memory_space<vmem>>
    %dma_start3A_228 = tpu.memref_squeeze %dma_start3A_227 : memref<1x64xi32, #tpu.memory_space<vmem>> -> memref<64xi32, #tpu.memory_space<vmem>>
    %dma_start3A_229 = arith.constant 0 : i32
    %dma_start3A_230 = arith.constant 0 : i32
    %dma_start3A_231 = tpu.memref_slice %arg2[%dma_start3A_229, %dma_start3A_230] : memref<10000x128xf32, #tpu.memory_space<hbm>> -> memref<10000x128xf32, #tpu.memory_space<hbm>>
    tpu.enqueue_indirect_dma source(%dma_start3A_231 : memref<10000x128xf32, #tpu.memory_space<hbm>>) target(%arg11 : memref<64x128xf32, #tpu.memory_space<vmem>>) offsets(%dma_start3A_228 : memref<64xi32, #tpu.memory_space<vmem>>) semaphore(%arg16 : memref<!tpu.dma_semaphore, #tpu.memory_space<semaphore_mem>>)
    %scan3A_232 = arith.constant 0 : i32
    %scan3A_233 = arith.constant 0 : i32
    %scan3A_234 = arith.constant 10 : i32
    %scan3A_235 = arith.addi %scan3A_233, %scan3A_234 : i32
    %scan3A_236 = arith.constant 1 : i32
    %scan3A_237 = scf.for %scan3A_244 = %scan3A_233 to %scan3A_235 step %scan3A_236 iter_args(%scan3A_245 = %scan3A_232) -> (i32)  : i32 {
      %mul3A_246 = arith.constant 4 : i32
      %mul3A_247 = arith.muli %mul3A_246, %scan3A_244 : i32
      %add3A_248 = arith.constant 0 : i32
      %add3A_249 = arith.addi %mul3A_247, %add3A_248 : i32
      %dma_wait3A = arith.constant 0 : i32
      %dma_wait3A_250 = tpu.memref_slice %arg6[%add3A_249, %dma_wait3A] : memref<40x64xi32, #tpu.memory_space<vmem>> -> memref<1x64xi32, #tpu.memory_space<vmem>>
      %dma_wait3A_251 = tpu.memref_squeeze %dma_wait3A_250 : memref<1x64xi32, #tpu.memory_space<vmem>> -> memref<64xi32, #tpu.memory_space<vmem>>
      %dma_wait3A_252 = arith.constant 0 : i32
      %dma_wait3A_253 = arith.constant 0 : i32
      %dma_wait3A_254 = tpu.memref_slice %arg2[%dma_wait3A_252, %dma_wait3A_253] : memref<10000x128xf32, #tpu.memory_space<hbm>> -> memref<10000x128xf32, #tpu.memory_space<hbm>>
      tpu.wait_indirect_dma semaphore(%arg13 : memref<!tpu.dma_semaphore, #tpu.memory_space<semaphore_mem>>) src(%dma_wait3A_254 : memref<10000x128xf32, #tpu.memory_space<hbm>>) dst(%arg8 : memref<64x128xf32, #tpu.memory_space<vmem>>)
      %add3A_255 = arith.constant 0 : i32
      %add3A_256 = arith.addi %mul3A_247, %add3A_255 : i32
      "tpu.region"() ({
        %run_scoped3A = tpu.sem_alloc : memref<!tpu.dma_semaphore, #tpu.memory_space<semaphore_mem>>
        %dma_start3A_324 = arith.constant 0 : i32
        %dma_start3A_325 = tpu.memref_slice %arg7[%add3A_256, %dma_start3A_324] : memref<40x64xi32, #tpu.memory_space<vmem>> -> memref<1x64xi32, #tpu.memory_space<vmem>>
        %dma_start3A_326 = tpu.memref_squeeze %dma_start3A_325 : memref<1x64xi32, #tpu.memory_space<vmem>> -> memref<64xi32, #tpu.memory_space<vmem>>
        %dma_start3A_327 = arith.constant 0 : i32
        %dma_start3A_328 = arith.constant 0 : i32
        %dma_start3A_329 = tpu.memref_slice %arg12[%dma_start3A_327, %dma_start3A_328] : memref<10240x128xf32, #tpu.memory_space<vmem_shared>> -> memref<10240x128xf32, #tpu.memory_space<vmem_shared>>
        tpu.enqueue_indirect_dma source(%arg8 : memref<64x128xf32, #tpu.memory_space<vmem>>) target(%dma_start3A_329 : memref<10240x128xf32, #tpu.memory_space<vmem_shared>>) offsets(%dma_start3A_326 : memref<64xi32, #tpu.memory_space<vmem>>) semaphore(%run_scoped3A : memref<!tpu.dma_semaphore, #tpu.memory_space<semaphore_mem>>) {add = true}
        %dma_wait3A_330 = arith.constant 0 : i32
        %dma_wait3A_331 = tpu.memref_slice %arg7[%add3A_256, %dma_wait3A_330] : memref<40x64xi32, #tpu.memory_space<vmem>> -> memref<1x64xi32, #tpu.memory_space<vmem>>
        %dma_wait3A_332 = tpu.memref_squeeze %dma_wait3A_331 : memref<1x64xi32, #tpu.memory_space<vmem>> -> memref<64xi32, #tpu.memory_space<vmem>>
        %dma_wait3A_333 = arith.constant 0 : i32
        %dma_wait3A_334 = arith.constant 0 : i32
        %dma_wait3A_335 = tpu.memref_slice %arg12[%dma_wait3A_333, %dma_wait3A_334] : memref<10240x128xf32, #tpu.memory_space<vmem_shared>> -> memref<10240x128xf32, #tpu.memory_space<vmem_shared>>
        tpu.wait_indirect_dma semaphore(%run_scoped3A : memref<!tpu.dma_semaphore, #tpu.memory_space<semaphore_mem>>) src(%arg8 : memref<64x128xf32, #tpu.memory_space<vmem>>) dst(%dma_wait3A_335 : memref<10240x128xf32, #tpu.memory_space<vmem_shared>>)
        tpu.yield
      }) : () -> ()
      %add3A_257 = arith.constant 4 : i32
      %add3A_258 = arith.addi %mul3A_247, %add3A_257 : i32
      %add3A_259 = arith.constant 0 : i32
      %add3A_260 = arith.addi %add3A_258, %add3A_259 : i32
      %lt3A_261 = arith.constant 40 : i32
      %lt3A_262 = arith.cmpi slt, %add3A_260, %lt3A_261 : i32
      %convert_element_type3A_263 = arith.extui %lt3A_262 : i1 to i32
      %cond3A_264 = arith.constant 0 : i32
      %cond3A_265 = arith.cmpi ne, %convert_element_type3A_263, %cond3A_264 : i32
      scf.if %cond3A_265 {
        %add3A_324 = arith.constant 4 : i32
        %add3A_325 = arith.addi %mul3A_247, %add3A_324 : i32
        %add3A_326 = arith.constant 0 : i32
        %add3A_327 = arith.addi %add3A_325, %add3A_326 : i32
        %dma_start3A_328 = arith.constant 0 : i32
        %dma_start3A_329 = tpu.memref_slice %arg6[%add3A_327, %dma_start3A_328] : memref<40x64xi32, #tpu.memory_space<vmem>> -> memref<1x64xi32, #tpu.memory_space<vmem>>
        %dma_start3A_330 = tpu.memref_squeeze %dma_start3A_329 : memref<1x64xi32, #tpu.memory_space<vmem>> -> memref<64xi32, #tpu.memory_space<vmem>>
        %dma_start3A_331 = arith.constant 0 : i32
        %dma_start3A_332 = arith.constant 0 : i32
        %dma_start3A_333 = tpu.memref_slice %arg2[%dma_start3A_331, %dma_start3A_332] : memref<10000x128xf32, #tpu.memory_space<hbm>> -> memref<10000x128xf32, #tpu.memory_space<hbm>>
        tpu.enqueue_indirect_dma source(%dma_start3A_333 : memref<10000x128xf32, #tpu.memory_space<hbm>>) target(%arg8 : memref<64x128xf32, #tpu.memory_space<vmem>>) offsets(%dma_start3A_330 : memref<64xi32, #tpu.memory_space<vmem>>) semaphore(%arg13 : memref<!tpu.dma_semaphore, #tpu.memory_space<semaphore_mem>>)
      } else {
      }
      %add3A_266 = arith.constant 1 : i32
      %add3A_267 = arith.addi %mul3A_247, %add3A_266 : i32
      %dma_wait3A_268 = arith.constant 0 : i32
      %dma_wait3A_269 = tpu.memref_slice %arg6[%add3A_267, %dma_wait3A_268] : memref<40x64xi32, #tpu.memory_space<vmem>> -> memref<1x64xi32, #tpu.memory_space<vmem>>
      %dma_wait3A_270 = tpu.memref_squeeze %dma_wait3A_269 : memref<1x64xi32, #tpu.memory_space<vmem>> -> memref<64xi32, #tpu.memory_space<vmem>>
      %dma_wait3A_271 = arith.constant 0 : i32
      %dma_wait3A_272 = arith.constant 0 : i32
      %dma_wait3A_273 = tpu.memref_slice %arg2[%dma_wait3A_271, %dma_wait3A_272] : memref<10000x128xf32, #tpu.memory_space<hbm>> -> memref<10000x128xf32, #tpu.memory_space<hbm>>
      tpu.wait_indirect_dma semaphore(%arg14 : memref<!tpu.dma_semaphore, #tpu.memory_space<semaphore_mem>>) src(%dma_wait3A_273 : memref<10000x128xf32, #tpu.memory_space<hbm>>) dst(%arg9 : memref<64x128xf32, #tpu.memory_space<vmem>>)
      %add3A_274 = arith.constant 1 : i32
      %add3A_275 = arith.addi %mul3A_247, %add3A_274 : i32
      "tpu.region"() ({
        %run_scoped3A = tpu.sem_alloc : memref<!tpu.dma_semaphore, #tpu.memory_space<semaphore_mem>>
        %dma_start3A_324 = arith.constant 0 : i32
        %dma_start3A_325 = tpu.memref_slice %arg7[%add3A_275, %dma_start3A_324] : memref<40x64xi32, #tpu.memory_space<vmem>> -> memref<1x64xi32, #tpu.memory_space<vmem>>
        %dma_start3A_326 = tpu.memref_squeeze %dma_start3A_325 : memref<1x64xi32, #tpu.memory_space<vmem>> -> memref<64xi32, #tpu.memory_space<vmem>>
        %dma_start3A_327 = arith.constant 0 : i32
        %dma_start3A_328 = arith.constant 0 : i32
        %dma_start3A_329 = tpu.memref_slice %arg12[%dma_start3A_327, %dma_start3A_328] : memref<10240x128xf32, #tpu.memory_space<vmem_shared>> -> memref<10240x128xf32, #tpu.memory_space<vmem_shared>>
        tpu.enqueue_indirect_dma source(%arg9 : memref<64x128xf32, #tpu.memory_space<vmem>>) target(%dma_start3A_329 : memref<10240x128xf32, #tpu.memory_space<vmem_shared>>) offsets(%dma_start3A_326 : memref<64xi32, #tpu.memory_space<vmem>>) semaphore(%run_scoped3A : memref<!tpu.dma_semaphore, #tpu.memory_space<semaphore_mem>>) {add = true}
        %dma_wait3A_330 = arith.constant 0 : i32
        %dma_wait3A_331 = tpu.memref_slice %arg7[%add3A_275, %dma_wait3A_330] : memref<40x64xi32, #tpu.memory_space<vmem>> -> memref<1x64xi32, #tpu.memory_space<vmem>>
        %dma_wait3A_332 = tpu.memref_squeeze %dma_wait3A_331 : memref<1x64xi32, #tpu.memory_space<vmem>> -> memref<64xi32, #tpu.memory_space<vmem>>
        %dma_wait3A_333 = arith.constant 0 : i32
        %dma_wait3A_334 = arith.constant 0 : i32
        %dma_wait3A_335 = tpu.memref_slice %arg12[%dma_wait3A_333, %dma_wait3A_334] : memref<10240x128xf32, #tpu.memory_space<vmem_shared>> -> memref<10240x128xf32, #tpu.memory_space<vmem_shared>>
        tpu.wait_indirect_dma semaphore(%run_scoped3A : memref<!tpu.dma_semaphore, #tpu.memory_space<semaphore_mem>>) src(%arg9 : memref<64x128xf32, #tpu.memory_space<vmem>>) dst(%dma_wait3A_335 : memref<10240x128xf32, #tpu.memory_space<vmem_shared>>)
        tpu.yield
      }) : () -> ()
      %add3A_276 = arith.constant 4 : i32
      %add3A_277 = arith.addi %mul3A_247, %add3A_276 : i32
      %add3A_278 = arith.constant 1 : i32
      %add3A_279 = arith.addi %add3A_277, %add3A_278 : i32
      %lt3A_280 = arith.constant 40 : i32
      %lt3A_281 = arith.cmpi slt, %add3A_279, %lt3A_280 : i32
      %convert_element_type3A_282 = arith.extui %lt3A_281 : i1 to i32
      %cond3A_283 = arith.constant 0 : i32
      %cond3A_284 = arith.cmpi ne, %convert_element_type3A_282, %cond3A_283 : i32
      scf.if %cond3A_284 {
        %add3A_324 = arith.constant 4 : i32
        %add3A_325 = arith.addi %mul3A_247, %add3A_324 : i32
        %add3A_326 = arith.constant 1 : i32
        %add3A_327 = arith.addi %add3A_325, %add3A_326 : i32
        %dma_start3A_328 = arith.constant 0 : i32
        %dma_start3A_329 = tpu.memref_slice %arg6[%add3A_327, %dma_start3A_328] : memref<40x64xi32, #tpu.memory_space<vmem>> -> memref<1x64xi32, #tpu.memory_space<vmem>>
        %dma_start3A_330 = tpu.memref_squeeze %dma_start3A_329 : memref<1x64xi32, #tpu.memory_space<vmem>> -> memref<64xi32, #tpu.memory_space<vmem>>
        %dma_start3A_331 = arith.constant 0 : i32
        %dma_start3A_332 = arith.constant 0 : i32
        %dma_start3A_333 = tpu.memref_slice %arg2[%dma_start3A_331, %dma_start3A_332] : memref<10000x128xf32, #tpu.memory_space<hbm>> -> memref<10000x128xf32, #tpu.memory_space<hbm>>
        tpu.enqueue_indirect_dma source(%dma_start3A_333 : memref<10000x128xf32, #tpu.memory_space<hbm>>) target(%arg9 : memref<64x128xf32, #tpu.memory_space<vmem>>) offsets(%dma_start3A_330 : memref<64xi32, #tpu.memory_space<vmem>>) semaphore(%arg14 : memref<!tpu.dma_semaphore, #tpu.memory_space<semaphore_mem>>)
      } else {
      }
      %add3A_285 = arith.constant 2 : i32
      %add3A_286 = arith.addi %mul3A_247, %add3A_285 : i32
      %dma_wait3A_287 = arith.constant 0 : i32
      %dma_wait3A_288 = tpu.memref_slice %arg6[%add3A_286, %dma_wait3A_287] : memref<40x64xi32, #tpu.memory_space<vmem>> -> memref<1x64xi32, #tpu.memory_space<vmem>>
      %dma_wait3A_289 = tpu.memref_squeeze %dma_wait3A_288 : memref<1x64xi32, #tpu.memory_space<vmem>> -> memref<64xi32, #tpu.memory_space<vmem>>
      %dma_wait3A_290 = arith.constant 0 : i32
      %dma_wait3A_291 = arith.constant 0 : i32
      %dma_wait3A_292 = tpu.memref_slice %arg2[%dma_wait3A_290, %dma_wait3A_291] : memref<10000x128xf32, #tpu.memory_space<hbm>> -> memref<10000x128xf32, #tpu.memory_space<hbm>>
      tpu.wait_indirect_dma semaphore(%arg15 : memref<!tpu.dma_semaphore, #tpu.memory_space<semaphore_mem>>) src(%dma_wait3A_292 : memref<10000x128xf32, #tpu.memory_space<hbm>>) dst(%arg10 : memref<64x128xf32, #tpu.memory_space<vmem>>)
      %add3A_293 = arith.constant 2 : i32
      %add3A_294 = arith.addi %mul3A_247, %add3A_293 : i32
      "tpu.region"() ({
        %run_scoped3A = tpu.sem_alloc : memref<!tpu.dma_semaphore, #tpu.memory_space<semaphore_mem>>
        %dma_start3A_324 = arith.constant 0 : i32
        %dma_start3A_325 = tpu.memref_slice %arg7[%add3A_294, %dma_start3A_324] : memref<40x64xi32, #tpu.memory_space<vmem>> -> memref<1x64xi32, #tpu.memory_space<vmem>>
        %dma_start3A_326 = tpu.memref_squeeze %dma_start3A_325 : memref<1x64xi32, #tpu.memory_space<vmem>> -> memref<64xi32, #tpu.memory_space<vmem>>
        %dma_start3A_327 = arith.constant 0 : i32
        %dma_start3A_328 = arith.constant 0 : i32
        %dma_start3A_329 = tpu.memref_slice %arg12[%dma_start3A_327, %dma_start3A_328] : memref<10240x128xf32, #tpu.memory_space<vmem_shared>> -> memref<10240x128xf32, #tpu.memory_space<vmem_shared>>
        tpu.enqueue_indirect_dma source(%arg10 : memref<64x128xf32, #tpu.memory_space<vmem>>) target(%dma_start3A_329 : memref<10240x128xf32, #tpu.memory_space<vmem_shared>>) offsets(%dma_start3A_326 : memref<64xi32, #tpu.memory_space<vmem>>) semaphore(%run_scoped3A : memref<!tpu.dma_semaphore, #tpu.memory_space<semaphore_mem>>) {add = true}
        %dma_wait3A_330 = arith.constant 0 : i32
        %dma_wait3A_331 = tpu.memref_slice %arg7[%add3A_294, %dma_wait3A_330] : memref<40x64xi32, #tpu.memory_space<vmem>> -> memref<1x64xi32, #tpu.memory_space<vmem>>
        %dma_wait3A_332 = tpu.memref_squeeze %dma_wait3A_331 : memref<1x64xi32, #tpu.memory_space<vmem>> -> memref<64xi32, #tpu.memory_space<vmem>>
        %dma_wait3A_333 = arith.constant 0 : i32
        %dma_wait3A_334 = arith.constant 0 : i32
        %dma_wait3A_335 = tpu.memref_slice %arg12[%dma_wait3A_333, %dma_wait3A_334] : memref<10240x128xf32, #tpu.memory_space<vmem_shared>> -> memref<10240x128xf32, #tpu.memory_space<vmem_shared>>
        tpu.wait_indirect_dma semaphore(%run_scoped3A : memref<!tpu.dma_semaphore, #tpu.memory_space<semaphore_mem>>) src(%arg10 : memref<64x128xf32, #tpu.memory_space<vmem>>) dst(%dma_wait3A_335 : memref<10240x128xf32, #tpu.memory_space<vmem_shared>>)
        tpu.yield
      }) : () -> ()
      %add3A_295 = arith.constant 4 : i32
      %add3A_296 = arith.addi %mul3A_247, %add3A_295 : i32
      %add3A_297 = arith.constant 2 : i32
      %add3A_298 = arith.addi %add3A_296, %add3A_297 : i32
      %lt3A_299 = arith.constant 40 : i32
      %lt3A_300 = arith.cmpi slt, %add3A_298, %lt3A_299 : i32
      %convert_element_type3A_301 = arith.extui %lt3A_300 : i1 to i32
      %cond3A_302 = arith.constant 0 : i32
      %cond3A_303 = arith.cmpi ne, %convert_element_type3A_301, %cond3A_302 : i32
      scf.if %cond3A_303 {
        %add3A_324 = arith.constant 4 : i32
        %add3A_325 = arith.addi %mul3A_247, %add3A_324 : i32
        %add3A_326 = arith.constant 2 : i32
        %add3A_327 = arith.addi %add3A_325, %add3A_326 : i32
        %dma_start3A_328 = arith.constant 0 : i32
        %dma_start3A_329 = tpu.memref_slice %arg6[%add3A_327, %dma_start3A_328] : memref<40x64xi32, #tpu.memory_space<vmem>> -> memref<1x64xi32, #tpu.memory_space<vmem>>
        %dma_start3A_330 = tpu.memref_squeeze %dma_start3A_329 : memref<1x64xi32, #tpu.memory_space<vmem>> -> memref<64xi32, #tpu.memory_space<vmem>>
        %dma_start3A_331 = arith.constant 0 : i32
        %dma_start3A_332 = arith.constant 0 : i32
        %dma_start3A_333 = tpu.memref_slice %arg2[%dma_start3A_331, %dma_start3A_332] : memref<10000x128xf32, #tpu.memory_space<hbm>> -> memref<10000x128xf32, #tpu.memory_space<hbm>>
        tpu.enqueue_indirect_dma source(%dma_start3A_333 : memref<10000x128xf32, #tpu.memory_space<hbm>>) target(%arg10 : memref<64x128xf32, #tpu.memory_space<vmem>>) offsets(%dma_start3A_330 : memref<64xi32, #tpu.memory_space<vmem>>) semaphore(%arg15 : memref<!tpu.dma_semaphore, #tpu.memory_space<semaphore_mem>>)
      } else {
      }
      %add3A_304 = arith.constant 3 : i32
      %add3A_305 = arith.addi %mul3A_247, %add3A_304 : i32
      %dma_wait3A_306 = arith.constant 0 : i32
      %dma_wait3A_307 = tpu.memref_slice %arg6[%add3A_305, %dma_wait3A_306] : memref<40x64xi32, #tpu.memory_space<vmem>> -> memref<1x64xi32, #tpu.memory_space<vmem>>
      %dma_wait3A_308 = tpu.memref_squeeze %dma_wait3A_307 : memref<1x64xi32, #tpu.memory_space<vmem>> -> memref<64xi32, #tpu.memory_space<vmem>>
      %dma_wait3A_309 = arith.constant 0 : i32
      %dma_wait3A_310 = arith.constant 0 : i32
      %dma_wait3A_311 = tpu.memref_slice %arg2[%dma_wait3A_309, %dma_wait3A_310] : memref<10000x128xf32, #tpu.memory_space<hbm>> -> memref<10000x128xf32, #tpu.memory_space<hbm>>
      tpu.wait_indirect_dma semaphore(%arg16 : memref<!tpu.dma_semaphore, #tpu.memory_space<semaphore_mem>>) src(%dma_wait3A_311 : memref<10000x128xf32, #tpu.memory_space<hbm>>) dst(%arg11 : memref<64x128xf32, #tpu.memory_space<vmem>>)
      %add3A_312 = arith.constant 3 : i32
      %add3A_313 = arith.addi %mul3A_247, %add3A_312 : i32
      "tpu.region"() ({
        %run_scoped3A = tpu.sem_alloc : memref<!tpu.dma_semaphore, #tpu.memory_space<semaphore_mem>>
        %dma_start3A_324 = arith.constant 0 : i32
        %dma_start3A_325 = tpu.memref_slice %arg7[%add3A_313, %dma_start3A_324] : memref<40x64xi32, #tpu.memory_space<vmem>> -> memref<1x64xi32, #tpu.memory_space<vmem>>
        %dma_start3A_326 = tpu.memref_squeeze %dma_start3A_325 : memref<1x64xi32, #tpu.memory_space<vmem>> -> memref<64xi32, #tpu.memory_space<vmem>>
        %dma_start3A_327 = arith.constant 0 : i32
        %dma_start3A_328 = arith.constant 0 : i32
        %dma_start3A_329 = tpu.memref_slice %arg12[%dma_start3A_327, %dma_start3A_328] : memref<10240x128xf32, #tpu.memory_space<vmem_shared>> -> memref<10240x128xf32, #tpu.memory_space<vmem_shared>>
        tpu.enqueue_indirect_dma source(%arg11 : memref<64x128xf32, #tpu.memory_space<vmem>>) target(%dma_start3A_329 : memref<10240x128xf32, #tpu.memory_space<vmem_shared>>) offsets(%dma_start3A_326 : memref<64xi32, #tpu.memory_space<vmem>>) semaphore(%run_scoped3A : memref<!tpu.dma_semaphore, #tpu.memory_space<semaphore_mem>>) {add = true}
        %dma_wait3A_330 = arith.constant 0 : i32
        %dma_wait3A_331 = tpu.memref_slice %arg7[%add3A_313, %dma_wait3A_330] : memref<40x64xi32, #tpu.memory_space<vmem>> -> memref<1x64xi32, #tpu.memory_space<vmem>>
        %dma_wait3A_332 = tpu.memref_squeeze %dma_wait3A_331 : memref<1x64xi32, #tpu.memory_space<vmem>> -> memref<64xi32, #tpu.memory_space<vmem>>
        %dma_wait3A_333 = arith.constant 0 : i32
        %dma_wait3A_334 = arith.constant 0 : i32
        %dma_wait3A_335 = tpu.memref_slice %arg12[%dma_wait3A_333, %dma_wait3A_334] : memref<10240x128xf32, #tpu.memory_space<vmem_shared>> -> memref<10240x128xf32, #tpu.memory_space<vmem_shared>>
        tpu.wait_indirect_dma semaphore(%run_scoped3A : memref<!tpu.dma_semaphore, #tpu.memory_space<semaphore_mem>>) src(%arg11 : memref<64x128xf32, #tpu.memory_space<vmem>>) dst(%dma_wait3A_335 : memref<10240x128xf32, #tpu.memory_space<vmem_shared>>)
        tpu.yield
      }) : () -> ()
      %add3A_314 = arith.constant 4 : i32
      %add3A_315 = arith.addi %mul3A_247, %add3A_314 : i32
      %add3A_316 = arith.constant 3 : i32
      %add3A_317 = arith.addi %add3A_315, %add3A_316 : i32
      %lt3A_318 = arith.constant 40 : i32
      %lt3A_319 = arith.cmpi slt, %add3A_317, %lt3A_318 : i32
      %convert_element_type3A_320 = arith.extui %lt3A_319 : i1 to i32
      %cond3A_321 = arith.constant 0 : i32
      %cond3A_322 = arith.cmpi ne, %convert_element_type3A_320, %cond3A_321 : i32
      scf.if %cond3A_322 {
        %add3A_324 = arith.constant 4 : i32
        %add3A_325 = arith.addi %mul3A_247, %add3A_324 : i32
        %add3A_326 = arith.constant 3 : i32
        %add3A_327 = arith.addi %add3A_325, %add3A_326 : i32
        %dma_start3A_328 = arith.constant 0 : i32
        %dma_start3A_329 = tpu.memref_slice %arg6[%add3A_327, %dma_start3A_328] : memref<40x64xi32, #tpu.memory_space<vmem>> -> memref<1x64xi32, #tpu.memory_space<vmem>>
        %dma_start3A_330 = tpu.memref_squeeze %dma_start3A_329 : memref<1x64xi32, #tpu.memory_space<vmem>> -> memref<64xi32, #tpu.memory_space<vmem>>
        %dma_start3A_331 = arith.constant 0 : i32
        %dma_start3A_332 = arith.constant 0 : i32
        %dma_start3A_333 = tpu.memref_slice %arg2[%dma_start3A_331, %dma_start3A_332] : memref<10000x128xf32, #tpu.memory_space<hbm>> -> memref<10000x128xf32, #tpu.memory_space<hbm>>
        tpu.enqueue_indirect_dma source(%dma_start3A_333 : memref<10000x128xf32, #tpu.memory_space<hbm>>) target(%arg11 : memref<64x128xf32, #tpu.memory_space<vmem>>) offsets(%dma_start3A_330 : memref<64xi32, #tpu.memory_space<vmem>>) semaphore(%arg16 : memref<!tpu.dma_semaphore, #tpu.memory_space<semaphore_mem>>)
      } else {
      }
      %scan3A_323 = arith.constant 0 : i32
      scf.yield %scan3A_323 : i32
    }
    %scan3A_238 = arith.constant 10 : i32
    %barrier3A_239 = arith.constant 0 : index
    tpu.barrier barrier_id(%barrier3A_239)
    %mul3A_240 = arith.constant 640 : i32
    %mul3A_241 = arith.muli %arg1, %mul3A_240 : i32
    %mul3A_242 = arith.constant 640 : i32
    %mul3A_243 = arith.muli %arg1, %mul3A_242 : i32
    "tpu.region"() ({
      %run_scoped3A = tpu.sem_alloc : memref<!tpu.dma_semaphore, #tpu.memory_space<semaphore_mem>>
      %dma_start3A_244 = arith.constant 0 : i32
      %dma_start3A_245 = tpu.memref_slice %arg5[%arg0, %mul3A_243, %dma_start3A_244] : memref<2x10240x128xf32, #tpu.memory_space<hbm>> -> memref<1x640x128xf32, #tpu.memory_space<hbm>>
      %dma_start3A_246 = tpu.memref_squeeze %dma_start3A_245 : memref<1x640x128xf32, #tpu.memory_space<hbm>> -> memref<640x128xf32, #tpu.memory_space<hbm>>
      %dma_start3A_247 = arith.constant 0 : i32
      %dma_start3A_248 = tpu.memref_slice %arg12[%mul3A_241, %dma_start3A_247] : memref<10240x128xf32, #tpu.memory_space<vmem_shared>> -> memref<640x128xf32, #tpu.memory_space<vmem_shared>>
      tpu.enqueue_dma source(%dma_start3A_248 : memref<640x128xf32, #tpu.memory_space<vmem_shared>>) target(%dma_start3A_246 : memref<640x128xf32, #tpu.memory_space<hbm>>) target_semaphore(%run_scoped3A : memref<!tpu.dma_semaphore, #tpu.memory_space<semaphore_mem>>)
      %dma_wait3A = arith.constant 0 : i32
      %dma_wait3A_249 = tpu.memref_slice %arg5[%arg0, %mul3A_243, %dma_wait3A] : memref<2x10240x128xf32, #tpu.memory_space<hbm>> -> memref<1x640x128xf32, #tpu.memory_space<hbm>>
      %dma_wait3A_250 = tpu.memref_squeeze %dma_wait3A_249 : memref<1x640x128xf32, #tpu.memory_space<hbm>> -> memref<640x128xf32, #tpu.memory_space<hbm>>
      %dma_wait3A_251 = arith.constant 0 : i32
      %dma_wait3A_252 = tpu.memref_slice %arg12[%mul3A_241, %dma_wait3A_251] : memref<10240x128xf32, #tpu.memory_space<vmem_shared>> -> memref<640x128xf32, #tpu.memory_space<vmem_shared>>
      tpu.wait_dma2 semaphore(%run_scoped3A : memref<!tpu.dma_semaphore, #tpu.memory_space<semaphore_mem>>) src(%dma_wait3A_252 : memref<640x128xf32, #tpu.memory_space<vmem_shared>>) dst(%dma_wait3A_250 : memref<640x128xf32, #tpu.memory_space<hbm>>)
      tpu.yield
    }) : () -> ()
    return
  }
}

#map = affine_map<(d0, d1) -> (0, 0)>
#map1 = affine_map<(d0, d1) -> (0, 0, 0)>
module attributes {stable_mosaic.version = 14 : i64} {
  func.func @_seg_body(%arg0: i32, %arg1: i32, %arg2: memref<10000x128xf32, #tpu.memory_space<hbm>>, %arg3: memref<2x5000x64xi32, #tpu.memory_space<hbm>>, %arg4: memref<2x160x64xi32, #tpu.memory_space<hbm>>, %arg5: memref<2x10240x128xf32, #tpu.memory_space<hbm>>, %arg6: memref<40x64xi32, #tpu.memory_space<vmem>>, %arg7: memref<40x64xi32, #tpu.memory_space<vmem>>, %arg8: memref<64x128xf32, #tpu.memory_space<vmem>>, %arg9: memref<64x128xf32, #tpu.memory_space<vmem>>, %arg10: memref<64x128xf32, #tpu.memory_space<vmem>>, %arg11: memref<64x128xf32, #tpu.memory_space<vmem>>, %arg12: memref<10240x128xf32, #tpu.memory_space<vmem_shared>>, %arg13: memref<!tpu.dma_semaphore, #tpu.memory_space<semaphore_mem>>, %arg14: memref<!tpu.dma_semaphore, #tpu.memory_space<semaphore_mem>>, %arg15: memref<!tpu.dma_semaphore, #tpu.memory_space<semaphore_mem>>, %arg16: memref<!tpu.dma_semaphore, #tpu.memory_space<semaphore_mem>>) attributes {dimension_semantics = [#tpu.dimension_semantics<core_parallel>, #tpu.dimension_semantics<subcore_parallel>], iteration_bounds = array<i64: 2, 16>, scalar_prefetch = 0 : i64, scratch_operands = 11 : i64, tpu.core_type = #tpu.core_type<sc_vector_subcore>, window_params = [{transform_indices = #map}, {transform_indices = #map1}, {transform_indices = #map1}, {transform_indices = #map1}]} {
    %mul3A = arith.constant 16 : i32
    %mul3A_0 = arith.muli %arg0, %mul3A : i32
    %add3A = arith.addi %mul3A_0, %arg1 : i32
    %broadcast_in_dim3A = arith.constant 0.000000e+00 : f32
    %broadcast_in_dim3A_1 = vector.broadcast %broadcast_in_dim3A : f32 to vector<16xf32>
    %scan3A = arith.constant 0 : i32
    %scan3A_2 = arith.constant 0 : i32
    %scan3A_3 = arith.constant 64 : i32
    %scan3A_4 = arith.addi %scan3A_2, %scan3A_3 : i32
    %scan3A_5 = arith.constant 1 : i32
    %scan3A_6 = scf.for %scan3A_244 = %scan3A_2 to %scan3A_4 step %scan3A_5 iter_args(%scan3A_245 = %scan3A) -> (i32)  : i32 {
      %swap3A = arith.index_cast %scan3A_244 : i32 to index
      %swap3A_246 = arith.constant 0 : index
      %swap3A_247 = tpu.vector_load %arg8[%swap3A, %swap3A_246] {strides = array<i32>} : memref<64x128xf32, #tpu.memory_space<vmem>>, vector<1x16xf32>,
      %swap3A_248 = vector.shape_cast %swap3A_247 : vector<1x16xf32> to vector<16xf32>
      %swap3A_249 = vector.shape_cast %broadcast_in_dim3A_1 : vector<16xf32> to vector<1x16xf32>
      tpu.vector_store %arg8[%swap3A, %swap3A_246], %swap3A_249 {strides = array<i32>} : memref<64x128xf32, #tpu.memory_space<vmem>>, vector<1x16xf32>,
      %swap3A_250 = arith.index_cast %scan3A_244 : i32 to index
      %swap3A_251 = arith.constant 16 : index
      %swap3A_252 = tpu.vector_load %arg8[%swap3A_250, %swap3A_251] {strides = array<i32>} : memref<64x128xf32, #tpu.memory_space<vmem>>, vector<1x16xf32>,
      %swap3A_253 = vector.shape_cast %swap3A_252 : vector<1x16xf32> to vector<16xf32>
      %swap3A_254 = vector.shape_cast %broadcast_in_dim3A_1 : vector<16xf32> to vector<1x16xf32>
      tpu.vector_store %arg8[%swap3A_250, %swap3A_251], %swap3A_254 {strides = array<i32>} : memref<64x128xf32, #tpu.memory_space<vmem>>, vector<1x16xf32>,
      %swap3A_255 = arith.index_cast %scan3A_244 : i32 to index
      %swap3A_256 = arith.constant 32 : index
      %swap3A_257 = tpu.vector_load %arg8[%swap3A_255, %swap3A_256] {strides = array<i32>} : memref<64x128xf32, #tpu.memory_space<vmem>>, vector<1x16xf32>,
      %swap3A_258 = vector.shape_cast %swap3A_257 : vector<1x16xf32> to vector<16xf32>
      %swap3A_259 = vector.shape_cast %broadcast_in_dim3A_1 : vector<16xf32> to vector<1x16xf32>
      tpu.vector_store %arg8[%swap3A_255, %swap3A_256], %swap3A_259 {strides = array<i32>} : memref<64x128xf32, #tpu.memory_space<vmem>>, vector<1x16xf32>,
      %swap3A_260 = arith.index_cast %scan3A_244 : i32 to index
      %swap3A_261 = arith.constant 48 : index
      %swap3A_262 = tpu.vector_load %arg8[%swap3A_260, %swap3A_261] {strides = array<i32>} : memref<64x128xf32, #tpu.memory_space<vmem>>, vector<1x16xf32>,
      %swap3A_263 = vector.shape_cast %swap3A_262 : vector<1x16xf32> to vector<16xf32>
      %swap3A_264 = vector.shape_cast %broadcast_in_dim3A_1 : vector<16xf32> to vector<1x16xf32>
      tpu.vector_store %arg8[%swap3A_260, %swap3A_261], %swap3A_264 {strides = array<i32>} : memref<64x128xf32, #tpu.memory_space<vmem>>, vector<1x16xf32>,
      %swap3A_265 = arith.index_cast %scan3A_244 : i32 to index
      %swap3A_266 = arith.constant 64 : index
      %swap3A_267 = tpu.vector_load %arg8[%swap3A_265, %swap3A_266] {strides = array<i32>} : memref<64x128xf32, #tpu.memory_space<vmem>>, vector<1x16xf32>,
      %swap3A_268 = vector.shape_cast %swap3A_267 : vector<1x16xf32> to vector<16xf32>
      %swap3A_269 = vector.shape_cast %broadcast_in_dim3A_1 : vector<16xf32> to vector<1x16xf32>
      tpu.vector_store %arg8[%swap3A_265, %swap3A_266], %swap3A_269 {strides = array<i32>} : memref<64x128xf32, #tpu.memory_space<vmem>>, vector<1x16xf32>,
      %swap3A_270 = arith.index_cast %scan3A_244 : i32 to index
      %swap3A_271 = arith.constant 80 : index
      %swap3A_272 = tpu.vector_load %arg8[%swap3A_270, %swap3A_271] {strides = array<i32>} : memref<64x128xf32, #tpu.memory_space<vmem>>, vector<1x16xf32>,
      %swap3A_273 = vector.shape_cast %swap3A_272 : vector<1x16xf32> to vector<16xf32>
      %swap3A_274 = vector.shape_cast %broadcast_in_dim3A_1 : vector<16xf32> to vector<1x16xf32>
      tpu.vector_store %arg8[%swap3A_270, %swap3A_271], %swap3A_274 {strides = array<i32>} : memref<64x128xf32, #tpu.memory_space<vmem>>, vector<1x16xf32>,
      %swap3A_275 = arith.index_cast %scan3A_244 : i32 to index
      %swap3A_276 = arith.constant 96 : index
      %swap3A_277 = tpu.vector_load %arg8[%swap3A_275, %swap3A_276] {strides = array<i32>} : memref<64x128xf32, #tpu.memory_space<vmem>>, vector<1x16xf32>,
      %swap3A_278 = vector.shape_cast %swap3A_277 : vector<1x16xf32> to vector<16xf32>
      %swap3A_279 = vector.shape_cast %broadcast_in_dim3A_1 : vector<16xf32> to vector<1x16xf32>
      tpu.vector_store %arg8[%swap3A_275, %swap3A_276], %swap3A_279 {strides = array<i32>} : memref<64x128xf32, #tpu.memory_space<vmem>>, vector<1x16xf32>,
      %swap3A_280 = arith.index_cast %scan3A_244 : i32 to index
      %swap3A_281 = arith.constant 112 : index
      %swap3A_282 = tpu.vector_load %arg8[%swap3A_280, %swap3A_281] {strides = array<i32>} : memref<64x128xf32, #tpu.memory_space<vmem>>, vector<1x16xf32>,
      %swap3A_283 = vector.shape_cast %swap3A_282 : vector<1x16xf32> to vector<16xf32>
      %swap3A_284 = vector.shape_cast %broadcast_in_dim3A_1 : vector<16xf32> to vector<1x16xf32>
      tpu.vector_store %arg8[%swap3A_280, %swap3A_281], %swap3A_284 {strides = array<i32>} : memref<64x128xf32, #tpu.memory_space<vmem>>, vector<1x16xf32>,
      %scan3A_285 = arith.constant 0 : i32
      scf.yield %scan3A_285 : i32
    }
    %scan3A_7 = arith.constant 64 : i32
    %mul3A_8 = arith.constant 640 : i32
    %mul3A_9 = arith.muli %arg1, %mul3A_8 : i32
    %add3A_10 = arith.constant 0 : i32
    %add3A_11 = arith.addi %mul3A_9, %add3A_10 : i32
    "tpu.region"() ({
      %run_scoped3A = tpu.sem_alloc : memref<!tpu.dma_semaphore, #tpu.memory_space<semaphore_mem>>
      %dma_start3A_244 = arith.constant 0 : i32
      %dma_start3A_245 = tpu.memref_slice %arg12[%add3A_11, %dma_start3A_244] : memref<10240x128xf32, #tpu.memory_space<vmem_shared>> -> memref<64x128xf32, #tpu.memory_space<vmem_shared>>
      %dma_start3A_246 = arith.constant 0 : i32
      %dma_start3A_247 = tpu.memref_slice %arg12[%add3A_11, %dma_start3A_246] : memref<10240x128xf32, #tpu.memory_space<vmem_shared>> -> memref<64x128xf32, #tpu.memory_space<vmem_shared>>
      tpu.enqueue_dma source(%arg8 : memref<64x128xf32, #tpu.memory_space<vmem>>) target(%dma_start3A_247 : memref<64x128xf32, #tpu.memory_space<vmem_shared>>) target_semaphore(%run_scoped3A : memref<!tpu.dma_semaphore, #tpu.memory_space<semaphore_mem>>)
      %dma_wait3A = arith.constant 0 : i32
      %dma_wait3A_248 = tpu.memref_slice %arg12[%add3A_11, %dma_wait3A] : memref<10240x128xf32, #tpu.memory_space<vmem_shared>> -> memref<64x128xf32, #tpu.memory_space<vmem_shared>>
      %dma_wait3A_249 = arith.constant 0 : i32
      %dma_wait3A_250 = tpu.memref_slice %arg12[%add3A_11, %dma_wait3A_249] : memref<10240x128xf32, #tpu.memory_space<vmem_shared>> -> memref<64x128xf32, #tpu.memory_space<vmem_shared>>
      tpu.wait_dma2 semaphore(%run_scoped3A : memref<!tpu.dma_semaphore, #tpu.memory_space<semaphore_mem>>) src(%arg8 : memref<64x128xf32, #tpu.memory_space<vmem>>) dst(%dma_wait3A_250 : memref<64x128xf32, #tpu.memory_space<vmem_shared>>)
      tpu.yield
    }) : () -> ()
    %mul3A_12 = arith.constant 640 : i32
    %mul3A_13 = arith.muli %arg1, %mul3A_12 : i32
    %add3A_14 = arith.constant 64 : i32
    %add3A_15 = arith.addi %mul3A_13, %add3A_14 : i32
    "tpu.region"() ({
      %run_scoped3A = tpu.sem_alloc : memref<!tpu.dma_semaphore, #tpu.memory_space<semaphore_mem>>
      %dma_start3A_244 = arith.constant 0 : i32
      %dma_start3A_245 = tpu.memref_slice %arg12[%add3A_15, %dma_start3A_244] : memref<10240x128xf32, #tpu.memory_space<vmem_shared>> -> memref<64x128xf32, #tpu.memory_space<vmem_shared>>
      %dma_start3A_246 = arith.constant 0 : i32
      %dma_start3A_247 = tpu.memref_slice %arg12[%add3A_15, %dma_start3A_246] : memref<10240x128xf32, #tpu.memory_space<vmem_shared>> -> memref<64x128xf32, #tpu.memory_space<vmem_shared>>
      tpu.enqueue_dma source(%arg8 : memref<64x128xf32, #tpu.memory_space<vmem>>) target(%dma_start3A_247 : memref<64x128xf32, #tpu.memory_space<vmem_shared>>) target_semaphore(%run_scoped3A : memref<!tpu.dma_semaphore, #tpu.memory_space<semaphore_mem>>)
      %dma_wait3A = arith.constant 0 : i32
      %dma_wait3A_248 = tpu.memref_slice %arg12[%add3A_15, %dma_wait3A] : memref<10240x128xf32, #tpu.memory_space<vmem_shared>> -> memref<64x128xf32, #tpu.memory_space<vmem_shared>>
      %dma_wait3A_249 = arith.constant 0 : i32
      %dma_wait3A_250 = tpu.memref_slice %arg12[%add3A_15, %dma_wait3A_249] : memref<10240x128xf32, #tpu.memory_space<vmem_shared>> -> memref<64x128xf32, #tpu.memory_space<vmem_shared>>
      tpu.wait_dma2 semaphore(%run_scoped3A : memref<!tpu.dma_semaphore, #tpu.memory_space<semaphore_mem>>) src(%arg8 : memref<64x128xf32, #tpu.memory_space<vmem>>) dst(%dma_wait3A_250 : memref<64x128xf32, #tpu.memory_space<vmem_shared>>)
      tpu.yield
    }) : () -> ()
    %mul3A_16 = arith.constant 640 : i32
    %mul3A_17 = arith.muli %arg1, %mul3A_16 : i32
    %add3A_18 = arith.constant 128 : i32
    %add3A_19 = arith.addi %mul3A_17, %add3A_18 : i32
    "tpu.region"() ({
      %run_scoped3A = tpu.sem_alloc : memref<!tpu.dma_semaphore, #tpu.memory_space<semaphore_mem>>
      %dma_start3A_244 = arith.constant 0 : i32
      %dma_start3A_245 = tpu.memref_slice %arg12[%add3A_19, %dma_start3A_244] : memref<10240x128xf32, #tpu.memory_space<vmem_shared>> -> memref<64x128xf32, #tpu.memory_space<vmem_shared>>
      %dma_start3A_246 = arith.constant 0 : i32
      %dma_start3A_247 = tpu.memref_slice %arg12[%add3A_19, %dma_start3A_246] : memref<10240x128xf32, #tpu.memory_space<vmem_shared>> -> memref<64x128xf32, #tpu.memory_space<vmem_shared>>
      tpu.enqueue_dma source(%arg8 : memref<64x128xf32, #tpu.memory_space<vmem>>) target(%dma_start3A_247 : memref<64x128xf32, #tpu.memory_space<vmem_shared>>) target_semaphore(%run_scoped3A : memref<!tpu.dma_semaphore, #tpu.memory_space<semaphore_mem>>)
      %dma_wait3A = arith.constant 0 : i32
      %dma_wait3A_248 = tpu.memref_slice %arg12[%add3A_19, %dma_wait3A] : memref<10240x128xf32, #tpu.memory_space<vmem_shared>> -> memref<64x128xf32, #tpu.memory_space<vmem_shared>>
      %dma_wait3A_249 = arith.constant 0 : i32
      %dma_wait3A_250 = tpu.memref_slice %arg12[%add3A_19, %dma_wait3A_249] : memref<10240x128xf32, #tpu.memory_space<vmem_shared>> -> memref<64x128xf32, #tpu.memory_space<vmem_shared>>
      tpu.wait_dma2 semaphore(%run_scoped3A : memref<!tpu.dma_semaphore, #tpu.memory_space<semaphore_mem>>) src(%arg8 : memref<64x128xf32, #tpu.memory_space<vmem>>) dst(%dma_wait3A_250 : memref<64x128xf32, #tpu.memory_space<vmem_shared>>)
      tpu.yield
    }) : () -> ()
    %mul3A_20 = arith.constant 640 : i32
    %mul3A_21 = arith.muli %arg1, %mul3A_20 : i32
    %add3A_22 = arith.constant 192 : i32
    %add3A_23 = arith.addi %mul3A_21, %add3A_22 : i32
    "tpu.region"() ({
      %run_scoped3A = tpu.sem_alloc : memref<!tpu.dma_semaphore, #tpu.memory_space<semaphore_mem>>
      %dma_start3A_244 = arith.constant 0 : i32
      %dma_start3A_245 = tpu.memref_slice %arg12[%add3A_23, %dma_start3A_244] : memref<10240x128xf32, #tpu.memory_space<vmem_shared>> -> memref<64x128xf32, #tpu.memory_space<vmem_shared>>
      %dma_start3A_246 = arith.constant 0 : i32
      %dma_start3A_247 = tpu.memref_slice %arg12[%add3A_23, %dma_start3A_246] : memref<10240x128xf32, #tpu.memory_space<vmem_shared>> -> memref<64x128xf32, #tpu.memory_space<vmem_shared>>
      tpu.enqueue_dma source(%arg8 : memref<64x128xf32, #tpu.memory_space<vmem>>) target(%dma_start3A_247 : memref<64x128xf32, #tpu.memory_space<vmem_shared>>) target_semaphore(%run_scoped3A : memref<!tpu.dma_semaphore, #tpu.memory_space<semaphore_mem>>)
      %dma_wait3A = arith.constant 0 : i32
      %dma_wait3A_248 = tpu.memref_slice %arg12[%add3A_23, %dma_wait3A] : memref<10240x128xf32, #tpu.memory_space<vmem_shared>> -> memref<64x128xf32, #tpu.memory_space<vmem_shared>>
      %dma_wait3A_249 = arith.constant 0 : i32
      %dma_wait3A_250 = tpu.memref_slice %arg12[%add3A_23, %dma_wait3A_249] : memref<10240x128xf32, #tpu.memory_space<vmem_shared>> -> memref<64x128xf32, #tpu.memory_space<vmem_shared>>
      tpu.wait_dma2 semaphore(%run_scoped3A : memref<!tpu.dma_semaphore, #tpu.memory_space<semaphore_mem>>) src(%arg8 : memref<64x128xf32, #tpu.memory_space<vmem>>) dst(%dma_wait3A_250 : memref<64x128xf32, #tpu.memory_space<vmem_shared>>)
      tpu.yield
    }) : () -> ()
    %mul3A_24 = arith.constant 640 : i32
    %mul3A_25 = arith.muli %arg1, %mul3A_24 : i32
    %add3A_26 = arith.constant 256 : i32
    %add3A_27 = arith.addi %mul3A_25, %add3A_26 : i32
    "tpu.region"() ({
      %run_scoped3A = tpu.sem_alloc : memref<!tpu.dma_semaphore, #tpu.memory_space<semaphore_mem>>
      %dma_start3A_244 = arith.constant 0 : i32
      %dma_start3A_245 = tpu.memref_slice %arg12[%add3A_27, %dma_start3A_244] : memref<10240x128xf32, #tpu.memory_space<vmem_shared>> -> memref<64x128xf32, #tpu.memory_space<vmem_shared>>
      %dma_start3A_246 = arith.constant 0 : i32
      %dma_start3A_247 = tpu.memref_slice %arg12[%add3A_27, %dma_start3A_246] : memref<10240x128xf32, #tpu.memory_space<vmem_shared>> -> memref<64x128xf32, #tpu.memory_space<vmem_shared>>
      tpu.enqueue_dma source(%arg8 : memref<64x128xf32, #tpu.memory_space<vmem>>) target(%dma_start3A_247 : memref<64x128xf32, #tpu.memory_space<vmem_shared>>) target_semaphore(%run_scoped3A : memref<!tpu.dma_semaphore, #tpu.memory_space<semaphore_mem>>)
      %dma_wait3A = arith.constant 0 : i32
      %dma_wait3A_248 = tpu.memref_slice %arg12[%add3A_27, %dma_wait3A] : memref<10240x128xf32, #tpu.memory_space<vmem_shared>> -> memref<64x128xf32, #tpu.memory_space<vmem_shared>>
      %dma_wait3A_249 = arith.constant 0 : i32
      %dma_wait3A_250 = tpu.memref_slice %arg12[%add3A_27, %dma_wait3A_249] : memref<10240x128xf32, #tpu.memory_space<vmem_shared>> -> memref<64x128xf32, #tpu.memory_space<vmem_shared>>
      tpu.wait_dma2 semaphore(%run_scoped3A : memref<!tpu.dma_semaphore, #tpu.memory_space<semaphore_mem>>) src(%arg8 : memref<64x128xf32, #tpu.memory_space<vmem>>) dst(%dma_wait3A_250 : memref<64x128xf32, #tpu.memory_space<vmem_shared>>)
      tpu.yield
    }) : () -> ()
    %mul3A_28 = arith.constant 640 : i32
    %mul3A_29 = arith.muli %arg1, %mul3A_28 : i32
    %add3A_30 = arith.constant 320 : i32
    %add3A_31 = arith.addi %mul3A_29, %add3A_30 : i32
    "tpu.region"() ({
      %run_scoped3A = tpu.sem_alloc : memref<!tpu.dma_semaphore, #tpu.memory_space<semaphore_mem>>
      %dma_start3A_244 = arith.constant 0 : i32
      %dma_start3A_245 = tpu.memref_slice %arg12[%add3A_31, %dma_start3A_244] : memref<10240x128xf32, #tpu.memory_space<vmem_shared>> -> memref<64x128xf32, #tpu.memory_space<vmem_shared>>
      %dma_start3A_246 = arith.constant 0 : i32
      %dma_start3A_247 = tpu.memref_slice %arg12[%add3A_31, %dma_start3A_246] : memref<10240x128xf32, #tpu.memory_space<vmem_shared>> -> memref<64x128xf32, #tpu.memory_space<vmem_shared>>
      tpu.enqueue_dma source(%arg8 : memref<64x128xf32, #tpu.memory_space<vmem>>) target(%dma_start3A_247 : memref<64x128xf32, #tpu.memory_space<vmem_shared>>) target_semaphore(%run_scoped3A : memref<!tpu.dma_semaphore, #tpu.memory_space<semaphore_mem>>)
      %dma_wait3A = arith.constant 0 : i32
      %dma_wait3A_248 = tpu.memref_slice %arg12[%add3A_31, %dma_wait3A] : memref<10240x128xf32, #tpu.memory_space<vmem_shared>> -> memref<64x128xf32, #tpu.memory_space<vmem_shared>>
      %dma_wait3A_249 = arith.constant 0 : i32
      %dma_wait3A_250 = tpu.memref_slice %arg12[%add3A_31, %dma_wait3A_249] : memref<10240x128xf32, #tpu.memory_space<vmem_shared>> -> memref<64x128xf32, #tpu.memory_space<vmem_shared>>
      tpu.wait_dma2 semaphore(%run_scoped3A : memref<!tpu.dma_semaphore, #tpu.memory_space<semaphore_mem>>) src(%arg8 : memref<64x128xf32, #tpu.memory_space<vmem>>) dst(%dma_wait3A_250 : memref<64x128xf32, #tpu.memory_space<vmem_shared>>)
      tpu.yield
    }) : () -> ()
    %mul3A_32 = arith.constant 640 : i32
    %mul3A_33 = arith.muli %arg1, %mul3A_32 : i32
    %add3A_34 = arith.constant 384 : i32
    %add3A_35 = arith.addi %mul3A_33, %add3A_34 : i32
    "tpu.region"() ({
      %run_scoped3A = tpu.sem_alloc : memref<!tpu.dma_semaphore, #tpu.memory_space<semaphore_mem>>
      %dma_start3A_244 = arith.constant 0 : i32
      %dma_start3A_245 = tpu.memref_slice %arg12[%add3A_35, %dma_start3A_244] : memref<10240x128xf32, #tpu.memory_space<vmem_shared>> -> memref<64x128xf32, #tpu.memory_space<vmem_shared>>
      %dma_start3A_246 = arith.constant 0 : i32
      %dma_start3A_247 = tpu.memref_slice %arg12[%add3A_35, %dma_start3A_246] : memref<10240x128xf32, #tpu.memory_space<vmem_shared>> -> memref<64x128xf32, #tpu.memory_space<vmem_shared>>
      tpu.enqueue_dma source(%arg8 : memref<64x128xf32, #tpu.memory_space<vmem>>) target(%dma_start3A_247 : memref<64x128xf32, #tpu.memory_space<vmem_shared>>) target_semaphore(%run_scoped3A : memref<!tpu.dma_semaphore, #tpu.memory_space<semaphore_mem>>)
      %dma_wait3A = arith.constant 0 : i32
      %dma_wait3A_248 = tpu.memref_slice %arg12[%add3A_35, %dma_wait3A] : memref<10240x128xf32, #tpu.memory_space<vmem_shared>> -> memref<64x128xf32, #tpu.memory_space<vmem_shared>>
      %dma_wait3A_249 = arith.constant 0 : i32
      %dma_wait3A_250 = tpu.memref_slice %arg12[%add3A_35, %dma_wait3A_249] : memref<10240x128xf32, #tpu.memory_space<vmem_shared>> -> memref<64x128xf32, #tpu.memory_space<vmem_shared>>
      tpu.wait_dma2 semaphore(%run_scoped3A : memref<!tpu.dma_semaphore, #tpu.memory_space<semaphore_mem>>) src(%arg8 : memref<64x128xf32, #tpu.memory_space<vmem>>) dst(%dma_wait3A_250 : memref<64x128xf32, #tpu.memory_space<vmem_shared>>)
      tpu.yield
    }) : () -> ()
    %mul3A_36 = arith.constant 640 : i32
    %mul3A_37 = arith.muli %arg1, %mul3A_36 : i32
    %add3A_38 = arith.constant 448 : i32
    %add3A_39 = arith.addi %mul3A_37, %add3A_38 : i32
    "tpu.region"() ({
      %run_scoped3A = tpu.sem_alloc : memref<!tpu.dma_semaphore, #tpu.memory_space<semaphore_mem>>
      %dma_start3A_244 = arith.constant 0 : i32
      %dma_start3A_245 = tpu.memref_slice %arg12[%add3A_39, %dma_start3A_244] : memref<10240x128xf32, #tpu.memory_space<vmem_shared>> -> memref<64x128xf32, #tpu.memory_space<vmem_shared>>
      %dma_start3A_246 = arith.constant 0 : i32
      %dma_start3A_247 = tpu.memref_slice %arg12[%add3A_39, %dma_start3A_246] : memref<10240x128xf32, #tpu.memory_space<vmem_shared>> -> memref<64x128xf32, #tpu.memory_space<vmem_shared>>
      tpu.enqueue_dma source(%arg8 : memref<64x128xf32, #tpu.memory_space<vmem>>) target(%dma_start3A_247 : memref<64x128xf32, #tpu.memory_space<vmem_shared>>) target_semaphore(%run_scoped3A : memref<!tpu.dma_semaphore, #tpu.memory_space<semaphore_mem>>)
      %dma_wait3A = arith.constant 0 : i32
      %dma_wait3A_248 = tpu.memref_slice %arg12[%add3A_39, %dma_wait3A] : memref<10240x128xf32, #tpu.memory_space<vmem_shared>> -> memref<64x128xf32, #tpu.memory_space<vmem_shared>>
      %dma_wait3A_249 = arith.constant 0 : i32
      %dma_wait3A_250 = tpu.memref_slice %arg12[%add3A_39, %dma_wait3A_249] : memref<10240x128xf32, #tpu.memory_space<vmem_shared>> -> memref<64x128xf32, #tpu.memory_space<vmem_shared>>
      tpu.wait_dma2 semaphore(%run_scoped3A : memref<!tpu.dma_semaphore, #tpu.memory_space<semaphore_mem>>) src(%arg8 : memref<64x128xf32, #tpu.memory_space<vmem>>) dst(%dma_wait3A_250 : memref<64x128xf32, #tpu.memory_space<vmem_shared>>)
      tpu.yield
    }) : () -> ()
    %mul3A_40 = arith.constant 640 : i32
    %mul3A_41 = arith.muli %arg1, %mul3A_40 : i32
    %add3A_42 = arith.constant 512 : i32
    %add3A_43 = arith.addi %mul3A_41, %add3A_42 : i32
    "tpu.region"() ({
      %run_scoped3A = tpu.sem_alloc : memref<!tpu.dma_semaphore, #tpu.memory_space<semaphore_mem>>
      %dma_start3A_244 = arith.constant 0 : i32
      %dma_start3A_245 = tpu.memref_slice %arg12[%add3A_43, %dma_start3A_244] : memref<10240x128xf32, #tpu.memory_space<vmem_shared>> -> memref<64x128xf32, #tpu.memory_space<vmem_shared>>
      %dma_start3A_246 = arith.constant 0 : i32
      %dma_start3A_247 = tpu.memref_slice %arg12[%add3A_43, %dma_start3A_246] : memref<10240x128xf32, #tpu.memory_space<vmem_shared>> -> memref<64x128xf32, #tpu.memory_space<vmem_shared>>
      tpu.enqueue_dma source(%arg8 : memref<64x128xf32, #tpu.memory_space<vmem>>) target(%dma_start3A_247 : memref<64x128xf32, #tpu.memory_space<vmem_shared>>) target_semaphore(%run_scoped3A : memref<!tpu.dma_semaphore, #tpu.memory_space<semaphore_mem>>)
      %dma_wait3A = arith.constant 0 : i32
      %dma_wait3A_248 = tpu.memref_slice %arg12[%add3A_43, %dma_wait3A] : memref<10240x128xf32, #tpu.memory_space<vmem_shared>> -> memref<64x128xf32, #tpu.memory_space<vmem_shared>>
      %dma_wait3A_249 = arith.constant 0 : i32
      %dma_wait3A_250 = tpu.memref_slice %arg12[%add3A_43, %dma_wait3A_249] : memref<10240x128xf32, #tpu.memory_space<vmem_shared>> -> memref<64x128xf32, #tpu.memory_space<vmem_shared>>
      tpu.wait_dma2 semaphore(%run_scoped3A : memref<!tpu.dma_semaphore, #tpu.memory_space<semaphore_mem>>) src(%arg8 : memref<64x128xf32, #tpu.memory_space<vmem>>) dst(%dma_wait3A_250 : memref<64x128xf32, #tpu.memory_space<vmem_shared>>)
      tpu.yield
    }) : () -> ()
    %mul3A_44 = arith.constant 640 : i32
    %mul3A_45 = arith.muli %arg1, %mul3A_44 : i32
    %add3A_46 = arith.constant 576 : i32
    %add3A_47 = arith.addi %mul3A_45, %add3A_46 : i32
    "tpu.region"() ({
      %run_scoped3A = tpu.sem_alloc : memref<!tpu.dma_semaphore, #tpu.memory_space<semaphore_mem>>
      %dma_start3A_244 = arith.constant 0 : i32
      %dma_start3A_245 = tpu.memref_slice %arg12[%add3A_47, %dma_start3A_244] : memref<10240x128xf32, #tpu.memory_space<vmem_shared>> -> memref<64x128xf32, #tpu.memory_space<vmem_shared>>
      %dma_start3A_246 = arith.constant 0 : i32
      %dma_start3A_247 = tpu.memref_slice %arg12[%add3A_47, %dma_start3A_246] : memref<10240x128xf32, #tpu.memory_space<vmem_shared>> -> memref<64x128xf32, #tpu.memory_space<vmem_shared>>
      tpu.enqueue_dma source(%arg8 : memref<64x128xf32, #tpu.memory_space<vmem>>) target(%dma_start3A_247 : memref<64x128xf32, #tpu.memory_space<vmem_shared>>) target_semaphore(%run_scoped3A : memref<!tpu.dma_semaphore, #tpu.memory_space<semaphore_mem>>)
      %dma_wait3A = arith.constant 0 : i32
      %dma_wait3A_248 = tpu.memref_slice %arg12[%add3A_47, %dma_wait3A] : memref<10240x128xf32, #tpu.memory_space<vmem_shared>> -> memref<64x128xf32, #tpu.memory_space<vmem_shared>>
      %dma_wait3A_249 = arith.constant 0 : i32
      %dma_wait3A_250 = tpu.memref_slice %arg12[%add3A_47, %dma_wait3A_249] : memref<10240x128xf32, #tpu.memory_space<vmem_shared>> -> memref<64x128xf32, #tpu.memory_space<vmem_shared>>
      tpu.wait_dma2 semaphore(%run_scoped3A : memref<!tpu.dma_semaphore, #tpu.memory_space<semaphore_mem>>) src(%arg8 : memref<64x128xf32, #tpu.memory_space<vmem>>) dst(%dma_wait3A_250 : memref<64x128xf32, #tpu.memory_space<vmem_shared>>)
      tpu.yield
    }) : () -> ()
    %mul3A_48 = arith.constant 160 : i32
    %mul3A_49 = arith.muli %add3A, %mul3A_48 : i32
    %add3A_50 = arith.constant 0 : i32
    %add3A_51 = arith.addi %mul3A_49, %add3A_50 : i32
    %lt3A = arith.constant 31 : i32
    %lt3A_52 = arith.cmpi slt, %add3A, %lt3A : i32
    %convert_element_type3A = arith.extui %lt3A_52 : i1 to i32
    %cond3A = arith.constant 0 : i32
    %cond3A_53 = arith.cmpi ne, %convert_element_type3A, %cond3A : i32
    scf.if %cond3A_53 {
      %run_scoped3A = arith.constant 1 : i32
      "tpu.region"() ({
        %run_scoped3A_245 = tpu.sem_alloc : memref<!tpu.dma_semaphore, #tpu.memory_space<semaphore_mem>>
        %dma_start3A_246 = arith.constant 0 : i32
        %dma_start3A_247 = tpu.memref_slice %arg3[%run_scoped3A, %add3A_51, %dma_start3A_246] : memref<2x5000x64xi32, #tpu.memory_space<hbm>> -> memref<1x40x64xi32, #tpu.memory_space<hbm>>
        %dma_start3A_248 = tpu.memref_squeeze %dma_start3A_247 : memref<1x40x64xi32, #tpu.memory_space<hbm>> -> memref<40x64xi32, #tpu.memory_space<hbm>>
        %dma_start3A_249 = arith.constant 0 : i32
        %dma_start3A_250 = tpu.memref_slice %arg3[%run_scoped3A, %add3A_51, %dma_start3A_249] : memref<2x5000x64xi32, #tpu.memory_space<hbm>> -> memref<1x40x64xi32, #tpu.memory_space<hbm>>
        %dma_start3A_251 = tpu.memref_squeeze %dma_start3A_250 : memref<1x40x64xi32, #tpu.memory_space<hbm>> -> memref<40x64xi32, #tpu.memory_space<hbm>>
        tpu.enqueue_dma source(%dma_start3A_251 : memref<40x64xi32, #tpu.memory_space<hbm>>) target(%arg6 : memref<40x64xi32, #tpu.memory_space<vmem>>) target_semaphore(%run_scoped3A_245 : memref<!tpu.dma_semaphore, #tpu.memory_space<semaphore_mem>>)
        %dma_wait3A = arith.constant 0 : i32
        %dma_wait3A_252 = tpu.memref_slice %arg3[%run_scoped3A, %add3A_51, %dma_wait3A] : memref<2x5000x64xi32, #tpu.memory_space<hbm>> -> memref<1x40x64xi32, #tpu.memory_space<hbm>>
        %dma_wait3A_253 = tpu.memref_squeeze %dma_wait3A_252 : memref<1x40x64xi32, #tpu.memory_space<hbm>> -> memref<40x64xi32, #tpu.memory_space<hbm>>
        %dma_wait3A_254 = arith.constant 0 : i32
        %dma_wait3A_255 = tpu.memref_slice %arg3[%run_scoped3A, %add3A_51, %dma_wait3A_254] : memref<2x5000x64xi32, #tpu.memory_space<hbm>> -> memref<1x40x64xi32, #tpu.memory_space<hbm>>
        %dma_wait3A_256 = tpu.memref_squeeze %dma_wait3A_255 : memref<1x40x64xi32, #tpu.memory_space<hbm>> -> memref<40x64xi32, #tpu.memory_space<hbm>>
        tpu.wait_dma2 semaphore(%run_scoped3A_245 : memref<!tpu.dma_semaphore, #tpu.memory_space<semaphore_mem>>) src(%dma_wait3A_256 : memref<40x64xi32, #tpu.memory_space<hbm>>) dst(%arg6 : memref<40x64xi32, #tpu.memory_space<vmem>>)
        tpu.yield
      }) : () -> ()
      %run_scoped3A_244 = arith.constant 0 : i32
      "tpu.region"() ({
        %run_scoped3A_245 = tpu.sem_alloc : memref<!tpu.dma_semaphore, #tpu.memory_space<semaphore_mem>>
        %dma_start3A_246 = arith.constant 0 : i32
        %dma_start3A_247 = tpu.memref_slice %arg3[%run_scoped3A_244, %add3A_51, %dma_start3A_246] : memref<2x5000x64xi32, #tpu.memory_space<hbm>> -> memref<1x40x64xi32, #tpu.memory_space<hbm>>
        %dma_start3A_248 = tpu.memref_squeeze %dma_start3A_247 : memref<1x40x64xi32, #tpu.memory_space<hbm>> -> memref<40x64xi32, #tpu.memory_space<hbm>>
        %dma_start3A_249 = arith.constant 0 : i32
        %dma_start3A_250 = tpu.memref_slice %arg3[%run_scoped3A_244, %add3A_51, %dma_start3A_249] : memref<2x5000x64xi32, #tpu.memory_space<hbm>> -> memref<1x40x64xi32, #tpu.memory_space<hbm>>
        %dma_start3A_251 = tpu.memref_squeeze %dma_start3A_250 : memref<1x40x64xi32, #tpu.memory_space<hbm>> -> memref<40x64xi32, #tpu.memory_space<hbm>>
        tpu.enqueue_dma source(%dma_start3A_251 : memref<40x64xi32, #tpu.memory_space<hbm>>) target(%arg7 : memref<40x64xi32, #tpu.memory_space<vmem>>) target_semaphore(%run_scoped3A_245 : memref<!tpu.dma_semaphore, #tpu.memory_space<semaphore_mem>>)
        %dma_wait3A = arith.constant 0 : i32
        %dma_wait3A_252 = tpu.memref_slice %arg3[%run_scoped3A_244, %add3A_51, %dma_wait3A] : memref<2x5000x64xi32, #tpu.memory_space<hbm>> -> memref<1x40x64xi32, #tpu.memory_space<hbm>>
        %dma_wait3A_253 = tpu.memref_squeeze %dma_wait3A_252 : memref<1x40x64xi32, #tpu.memory_space<hbm>> -> memref<40x64xi32, #tpu.memory_space<hbm>>
        %dma_wait3A_254 = arith.constant 0 : i32
        %dma_wait3A_255 = tpu.memref_slice %arg3[%run_scoped3A_244, %add3A_51, %dma_wait3A_254] : memref<2x5000x64xi32, #tpu.memory_space<hbm>> -> memref<1x40x64xi32, #tpu.memory_space<hbm>>
        %dma_wait3A_256 = tpu.memref_squeeze %dma_wait3A_255 : memref<1x40x64xi32, #tpu.memory_space<hbm>> -> memref<40x64xi32, #tpu.memory_space<hbm>>
        tpu.wait_dma2 semaphore(%run_scoped3A_245 : memref<!tpu.dma_semaphore, #tpu.memory_space<semaphore_mem>>) src(%dma_wait3A_256 : memref<40x64xi32, #tpu.memory_space<hbm>>) dst(%arg7 : memref<40x64xi32, #tpu.memory_space<vmem>>)
        tpu.yield
      }) : () -> ()
    } else {
    }
    %eq3A = arith.constant 31 : i32
    %eq3A_54 = arith.cmpi eq, %add3A, %eq3A : i32
    %convert_element_type3A_55 = arith.extui %eq3A_54 : i1 to i32
    %cond3A_56 = arith.constant 0 : i32
    %cond3A_57 = arith.cmpi ne, %convert_element_type3A_55, %cond3A_56 : i32
    scf.if %cond3A_57 {
      %run_scoped3A = arith.constant 1 : i32
      "tpu.region"() ({
        %run_scoped3A_245 = tpu.sem_alloc : memref<!tpu.dma_semaphore, #tpu.memory_space<semaphore_mem>>
        %dma_start3A_246 = arith.constant 0 : i32
        %dma_start3A_247 = arith.constant 0 : i32
        %dma_start3A_248 = tpu.memref_slice %arg4[%run_scoped3A, %dma_start3A_246, %dma_start3A_247] : memref<2x160x64xi32, #tpu.memory_space<hbm>> -> memref<1x40x64xi32, #tpu.memory_space<hbm>>
        %dma_start3A_249 = tpu.memref_squeeze %dma_start3A_248 : memref<1x40x64xi32, #tpu.memory_space<hbm>> -> memref<40x64xi32, #tpu.memory_space<hbm>>
        %dma_start3A_250 = arith.constant 0 : i32
        %dma_start3A_251 = arith.constant 0 : i32
        %dma_start3A_252 = tpu.memref_slice %arg4[%run_scoped3A, %dma_start3A_250, %dma_start3A_251] : memref<2x160x64xi32, #tpu.memory_space<hbm>> -> memref<1x40x64xi32, #tpu.memory_space<hbm>>
        %dma_start3A_253 = tpu.memref_squeeze %dma_start3A_252 : memref<1x40x64xi32, #tpu.memory_space<hbm>> -> memref<40x64xi32, #tpu.memory_space<hbm>>
        tpu.enqueue_dma source(%dma_start3A_253 : memref<40x64xi32, #tpu.memory_space<hbm>>) target(%arg6 : memref<40x64xi32, #tpu.memory_space<vmem>>) target_semaphore(%run_scoped3A_245 : memref<!tpu.dma_semaphore, #tpu.memory_space<semaphore_mem>>)
        %dma_wait3A = arith.constant 0 : i32
        %dma_wait3A_254 = arith.constant 0 : i32
        %dma_wait3A_255 = tpu.memref_slice %arg4[%run_scoped3A, %dma_wait3A, %dma_wait3A_254] : memref<2x160x64xi32, #tpu.memory_space<hbm>> -> memref<1x40x64xi32, #tpu.memory_space<hbm>>
        %dma_wait3A_256 = tpu.memref_squeeze %dma_wait3A_255 : memref<1x40x64xi32, #tpu.memory_space<hbm>> -> memref<40x64xi32, #tpu.memory_space<hbm>>
        %dma_wait3A_257 = arith.constant 0 : i32
        %dma_wait3A_258 = arith.constant 0 : i32
        %dma_wait3A_259 = tpu.memref_slice %arg4[%run_scoped3A, %dma_wait3A_257, %dma_wait3A_258] : memref<2x160x64xi32, #tpu.memory_space<hbm>> -> memref<1x40x64xi32, #tpu.memory_space<hbm>>
        %dma_wait3A_260 = tpu.memref_squeeze %dma_wait3A_259 : memref<1x40x64xi32, #tpu.memory_space<hbm>> -> memref<40x64xi32, #tpu.memory_space<hbm>>
        tpu.wait_dma2 semaphore(%run_scoped3A_245 : memref<!tpu.dma_semaphore, #tpu.memory_space<semaphore_mem>>) src(%dma_wait3A_260 : memref<40x64xi32, #tpu.memory_space<hbm>>) dst(%arg6 : memref<40x64xi32, #tpu.memory_space<vmem>>)
        tpu.yield
      }) : () -> ()
      %run_scoped3A_244 = arith.constant 0 : i32
      "tpu.region"() ({
        %run_scoped3A_245 = tpu.sem_alloc : memref<!tpu.dma_semaphore, #tpu.memory_space<semaphore_mem>>
        %dma_start3A_246 = arith.constant 0 : i32
        %dma_start3A_247 = arith.constant 0 : i32
        %dma_start3A_248 = tpu.memref_slice %arg4[%run_scoped3A_244, %dma_start3A_246, %dma_start3A_247] : memref<2x160x64xi32, #tpu.memory_space<hbm>> -> memref<1x40x64xi32, #tpu.memory_space<hbm>>
        %dma_start3A_249 = tpu.memref_squeeze %dma_start3A_248 : memref<1x40x64xi32, #tpu.memory_space<hbm>> -> memref<40x64xi32, #tpu.memory_space<hbm>>
        %dma_start3A_250 = arith.constant 0 : i32
        %dma_start3A_251 = arith.constant 0 : i32
        %dma_start3A_252 = tpu.memref_slice %arg4[%run_scoped3A_244, %dma_start3A_250, %dma_start3A_251] : memref<2x160x64xi32, #tpu.memory_space<hbm>> -> memref<1x40x64xi32, #tpu.memory_space<hbm>>
        %dma_start3A_253 = tpu.memref_squeeze %dma_start3A_252 : memref<1x40x64xi32, #tpu.memory_space<hbm>> -> memref<40x64xi32, #tpu.memory_space<hbm>>
        tpu.enqueue_dma source(%dma_start3A_253 : memref<40x64xi32, #tpu.memory_space<hbm>>) target(%arg7 : memref<40x64xi32, #tpu.memory_space<vmem>>) target_semaphore(%run_scoped3A_245 : memref<!tpu.dma_semaphore, #tpu.memory_space<semaphore_mem>>)
        %dma_wait3A = arith.constant 0 : i32
        %dma_wait3A_254 = arith.constant 0 : i32
        %dma_wait3A_255 = tpu.memref_slice %arg4[%run_scoped3A_244, %dma_wait3A, %dma_wait3A_254] : memref<2x160x64xi32, #tpu.memory_space<hbm>> -> memref<1x40x64xi32, #tpu.memory_space<hbm>>
        %dma_wait3A_256 = tpu.memref_squeeze %dma_wait3A_255 : memref<1x40x64xi32, #tpu.memory_space<hbm>> -> memref<40x64xi32, #tpu.memory_space<hbm>>
        %dma_wait3A_257 = arith.constant 0 : i32
        %dma_wait3A_258 = arith.constant 0 : i32
        %dma_wait3A_259 = tpu.memref_slice %arg4[%run_scoped3A_244, %dma_wait3A_257, %dma_wait3A_258] : memref<2x160x64xi32, #tpu.memory_space<hbm>> -> memref<1x40x64xi32, #tpu.memory_space<hbm>>
        %dma_wait3A_260 = tpu.memref_squeeze %dma_wait3A_259 : memref<1x40x64xi32, #tpu.memory_space<hbm>> -> memref<40x64xi32, #tpu.memory_space<hbm>>
        tpu.wait_dma2 semaphore(%run_scoped3A_245 : memref<!tpu.dma_semaphore, #tpu.memory_space<semaphore_mem>>) src(%dma_wait3A_260 : memref<40x64xi32, #tpu.memory_space<hbm>>) dst(%arg7 : memref<40x64xi32, #tpu.memory_space<vmem>>)
        tpu.yield
      }) : () -> ()
    } else {
    }
    %dma_start3A = arith.constant 0 : i32
    %dma_start3A_58 = arith.constant 0 : i32
    %dma_start3A_59 = tpu.memref_slice %arg6[%dma_start3A, %dma_start3A_58] : memref<40x64xi32, #tpu.memory_space<vmem>> -> memref<1x64xi32, #tpu.memory_space<vmem>>
    %dma_start3A_60 = tpu.memref_squeeze %dma_start3A_59 : memref<1x64xi32, #tpu.memory_space<vmem>> -> memref<64xi32, #tpu.memory_space<vmem>>
    %dma_start3A_61 = arith.constant 0 : i32
    %dma_start3A_62 = arith.constant 0 : i32
    %dma_start3A_63 = tpu.memref_slice %arg2[%dma_start3A_61, %dma_start3A_62] : memref<10000x128xf32, #tpu.memory_space<hbm>> -> memref<10000x128xf32, #tpu.memory_space<hbm>>
    tpu.enqueue_indirect_dma source(%dma_start3A_63 : memref<10000x128xf32, #tpu.memory_space<hbm>>) target(%arg8 : memref<64x128xf32, #tpu.memory_space<vmem>>) offsets(%dma_start3A_60 : memref<64xi32, #tpu.memory_space<vmem>>) semaphore(%arg13 : memref<!tpu.dma_semaphore, #tpu.memory_space<semaphore_mem>>)
    %dma_start3A_64 = arith.constant 1 : i32
    %dma_start3A_65 = arith.constant 0 : i32
    %dma_start3A_66 = tpu.memref_slice %arg6[%dma_start3A_64, %dma_start3A_65] : memref<40x64xi32, #tpu.memory_space<vmem>> -> memref<1x64xi32, #tpu.memory_space<vmem>>
    %dma_start3A_67 = tpu.memref_squeeze %dma_start3A_66 : memref<1x64xi32, #tpu.memory_space<vmem>> -> memref<64xi32, #tpu.memory_space<vmem>>
    %dma_start3A_68 = arith.constant 0 : i32
    %dma_start3A_69 = arith.constant 0 : i32
    %dma_start3A_70 = tpu.memref_slice %arg2[%dma_start3A_68, %dma_start3A_69] : memref<10000x128xf32, #tpu.memory_space<hbm>> -> memref<10000x128xf32, #tpu.memory_space<hbm>>
    tpu.enqueue_indirect_dma source(%dma_start3A_70 : memref<10000x128xf32, #tpu.memory_space<hbm>>) target(%arg9 : memref<64x128xf32, #tpu.memory_space<vmem>>) offsets(%dma_start3A_67 : memref<64xi32, #tpu.memory_space<vmem>>) semaphore(%arg14 : memref<!tpu.dma_semaphore, #tpu.memory_space<semaphore_mem>>)
    %dma_start3A_71 = arith.constant 2 : i32
    %dma_start3A_72 = arith.constant 0 : i32
    %dma_start3A_73 = tpu.memref_slice %arg6[%dma_start3A_71, %dma_start3A_72] : memref<40x64xi32, #tpu.memory_space<vmem>> -> memref<1x64xi32, #tpu.memory_space<vmem>>
    %dma_start3A_74 = tpu.memref_squeeze %dma_start3A_73 : memref<1x64xi32, #tpu.memory_space<vmem>> -> memref<64xi32, #tpu.memory_space<vmem>>
    %dma_start3A_75 = arith.constant 0 : i32
    %dma_start3A_76 = arith.constant 0 : i32
    %dma_start3A_77 = tpu.memref_slice %arg2[%dma_start3A_75, %dma_start3A_76] : memref<10000x128xf32, #tpu.memory_space<hbm>> -> memref<10000x128xf32, #tpu.memory_space<hbm>>
    tpu.enqueue_indirect_dma source(%dma_start3A_77 : memref<10000x128xf32, #tpu.memory_space<hbm>>) target(%arg10 : memref<64x128xf32, #tpu.memory_space<vmem>>) offsets(%dma_start3A_74 : memref<64xi32, #tpu.memory_space<vmem>>) semaphore(%arg15 : memref<!tpu.dma_semaphore, #tpu.memory_space<semaphore_mem>>)
    %dma_start3A_78 = arith.constant 3 : i32
    %dma_start3A_79 = arith.constant 0 : i32
    %dma_start3A_80 = tpu.memref_slice %arg6[%dma_start3A_78, %dma_start3A_79] : memref<40x64xi32, #tpu.memory_space<vmem>> -> memref<1x64xi32, #tpu.memory_space<vmem>>
    %dma_start3A_81 = tpu.memref_squeeze %dma_start3A_80 : memref<1x64xi32, #tpu.memory_space<vmem>> -> memref<64xi32, #tpu.memory_space<vmem>>
    %dma_start3A_82 = arith.constant 0 : i32
    %dma_start3A_83 = arith.constant 0 : i32
    %dma_start3A_84 = tpu.memref_slice %arg2[%dma_start3A_82, %dma_start3A_83] : memref<10000x128xf32, #tpu.memory_space<hbm>> -> memref<10000x128xf32, #tpu.memory_space<hbm>>
    tpu.enqueue_indirect_dma source(%dma_start3A_84 : memref<10000x128xf32, #tpu.memory_space<hbm>>) target(%arg11 : memref<64x128xf32, #tpu.memory_space<vmem>>) offsets(%dma_start3A_81 : memref<64xi32, #tpu.memory_space<vmem>>) semaphore(%arg16 : memref<!tpu.dma_semaphore, #tpu.memory_space<semaphore_mem>>)
    %barrier3A = arith.constant 0 : index
    tpu.barrier barrier_id(%barrier3A)
    %scan3A_85 = arith.constant 0 : i32
    %scan3A_86 = arith.constant 0 : i32
    %scan3A_87 = arith.constant 10 : i32
    %scan3A_88 = arith.addi %scan3A_86, %scan3A_87 : i32
    %scan3A_89 = arith.constant 1 : i32
    %scan3A_90 = scf.for %scan3A_244 = %scan3A_86 to %scan3A_88 step %scan3A_89 iter_args(%scan3A_245 = %scan3A_85) -> (i32)  : i32 {
      %mul3A_246 = arith.constant 4 : i32
      %mul3A_247 = arith.muli %mul3A_246, %scan3A_244 : i32
      %add3A_248 = arith.constant 0 : i32
      %add3A_249 = arith.addi %mul3A_247, %add3A_248 : i32
      %dma_wait3A = arith.constant 0 : i32
      %dma_wait3A_250 = tpu.memref_slice %arg6[%add3A_249, %dma_wait3A] : memref<40x64xi32, #tpu.memory_space<vmem>> -> memref<1x64xi32, #tpu.memory_space<vmem>>
      %dma_wait3A_251 = tpu.memref_squeeze %dma_wait3A_250 : memref<1x64xi32, #tpu.memory_space<vmem>> -> memref<64xi32, #tpu.memory_space<vmem>>
      %dma_wait3A_252 = arith.constant 0 : i32
      %dma_wait3A_253 = arith.constant 0 : i32
      %dma_wait3A_254 = tpu.memref_slice %arg2[%dma_wait3A_252, %dma_wait3A_253] : memref<10000x128xf32, #tpu.memory_space<hbm>> -> memref<10000x128xf32, #tpu.memory_space<hbm>>
      tpu.wait_indirect_dma semaphore(%arg13 : memref<!tpu.dma_semaphore, #tpu.memory_space<semaphore_mem>>) src(%dma_wait3A_254 : memref<10000x128xf32, #tpu.memory_space<hbm>>) dst(%arg8 : memref<64x128xf32, #tpu.memory_space<vmem>>)
      %add3A_255 = arith.constant 0 : i32
      %add3A_256 = arith.addi %mul3A_247, %add3A_255 : i32
      "tpu.region"() ({
        %run_scoped3A = tpu.sem_alloc : memref<!tpu.dma_semaphore, #tpu.memory_space<semaphore_mem>>
        %dma_start3A_324 = arith.constant 0 : i32
        %dma_start3A_325 = tpu.memref_slice %arg7[%add3A_256, %dma_start3A_324] : memref<40x64xi32, #tpu.memory_space<vmem>> -> memref<1x64xi32, #tpu.memory_space<vmem>>
        %dma_start3A_326 = tpu.memref_squeeze %dma_start3A_325 : memref<1x64xi32, #tpu.memory_space<vmem>> -> memref<64xi32, #tpu.memory_space<vmem>>
        %dma_start3A_327 = arith.constant 0 : i32
        %dma_start3A_328 = arith.constant 0 : i32
        %dma_start3A_329 = tpu.memref_slice %arg12[%dma_start3A_327, %dma_start3A_328] : memref<10240x128xf32, #tpu.memory_space<vmem_shared>> -> memref<10240x128xf32, #tpu.memory_space<vmem_shared>>
        tpu.enqueue_indirect_dma source(%arg8 : memref<64x128xf32, #tpu.memory_space<vmem>>) target(%dma_start3A_329 : memref<10240x128xf32, #tpu.memory_space<vmem_shared>>) offsets(%dma_start3A_326 : memref<64xi32, #tpu.memory_space<vmem>>) semaphore(%run_scoped3A : memref<!tpu.dma_semaphore, #tpu.memory_space<semaphore_mem>>) {add = true}
        %dma_wait3A_330 = arith.constant 0 : i32
        %dma_wait3A_331 = tpu.memref_slice %arg7[%add3A_256, %dma_wait3A_330] : memref<40x64xi32, #tpu.memory_space<vmem>> -> memref<1x64xi32, #tpu.memory_space<vmem>>
        %dma_wait3A_332 = tpu.memref_squeeze %dma_wait3A_331 : memref<1x64xi32, #tpu.memory_space<vmem>> -> memref<64xi32, #tpu.memory_space<vmem>>
        %dma_wait3A_333 = arith.constant 0 : i32
        %dma_wait3A_334 = arith.constant 0 : i32
        %dma_wait3A_335 = tpu.memref_slice %arg12[%dma_wait3A_333, %dma_wait3A_334] : memref<10240x128xf32, #tpu.memory_space<vmem_shared>> -> memref<10240x128xf32, #tpu.memory_space<vmem_shared>>
        tpu.wait_indirect_dma semaphore(%run_scoped3A : memref<!tpu.dma_semaphore, #tpu.memory_space<semaphore_mem>>) src(%arg8 : memref<64x128xf32, #tpu.memory_space<vmem>>) dst(%dma_wait3A_335 : memref<10240x128xf32, #tpu.memory_space<vmem_shared>>)
        tpu.yield
      }) : () -> ()
      %add3A_257 = arith.constant 4 : i32
      %add3A_258 = arith.addi %mul3A_247, %add3A_257 : i32
      %add3A_259 = arith.constant 0 : i32
      %add3A_260 = arith.addi %add3A_258, %add3A_259 : i32
      %lt3A_261 = arith.constant 40 : i32
      %lt3A_262 = arith.cmpi slt, %add3A_260, %lt3A_261 : i32
      %convert_element_type3A_263 = arith.extui %lt3A_262 : i1 to i32
      %cond3A_264 = arith.constant 0 : i32
      %cond3A_265 = arith.cmpi ne, %convert_element_type3A_263, %cond3A_264 : i32
      scf.if %cond3A_265 {
        %add3A_324 = arith.constant 4 : i32
        %add3A_325 = arith.addi %mul3A_247, %add3A_324 : i32
        %add3A_326 = arith.constant 0 : i32
        %add3A_327 = arith.addi %add3A_325, %add3A_326 : i32
        %dma_start3A_328 = arith.constant 0 : i32
        %dma_start3A_329 = tpu.memref_slice %arg6[%add3A_327, %dma_start3A_328] : memref<40x64xi32, #tpu.memory_space<vmem>> -> memref<1x64xi32, #tpu.memory_space<vmem>>
        %dma_start3A_330 = tpu.memref_squeeze %dma_start3A_329 : memref<1x64xi32, #tpu.memory_space<vmem>> -> memref<64xi32, #tpu.memory_space<vmem>>
        %dma_start3A_331 = arith.constant 0 : i32
        %dma_start3A_332 = arith.constant 0 : i32
        %dma_start3A_333 = tpu.memref_slice %arg2[%dma_start3A_331, %dma_start3A_332] : memref<10000x128xf32, #tpu.memory_space<hbm>> -> memref<10000x128xf32, #tpu.memory_space<hbm>>
        tpu.enqueue_indirect_dma source(%dma_start3A_333 : memref<10000x128xf32, #tpu.memory_space<hbm>>) target(%arg8 : memref<64x128xf32, #tpu.memory_space<vmem>>) offsets(%dma_start3A_330 : memref<64xi32, #tpu.memory_space<vmem>>) semaphore(%arg13 : memref<!tpu.dma_semaphore, #tpu.memory_space<semaphore_mem>>)
      } else {
      }
      %add3A_266 = arith.constant 1 : i32
      %add3A_267 = arith.addi %mul3A_247, %add3A_266 : i32
      %dma_wait3A_268 = arith.constant 0 : i32
      %dma_wait3A_269 = tpu.memref_slice %arg6[%add3A_267, %dma_wait3A_268] : memref<40x64xi32, #tpu.memory_space<vmem>> -> memref<1x64xi32, #tpu.memory_space<vmem>>
      %dma_wait3A_270 = tpu.memref_squeeze %dma_wait3A_269 : memref<1x64xi32, #tpu.memory_space<vmem>> -> memref<64xi32, #tpu.memory_space<vmem>>
      %dma_wait3A_271 = arith.constant 0 : i32
      %dma_wait3A_272 = arith.constant 0 : i32
      %dma_wait3A_273 = tpu.memref_slice %arg2[%dma_wait3A_271, %dma_wait3A_272] : memref<10000x128xf32, #tpu.memory_space<hbm>> -> memref<10000x128xf32, #tpu.memory_space<hbm>>
      tpu.wait_indirect_dma semaphore(%arg14 : memref<!tpu.dma_semaphore, #tpu.memory_space<semaphore_mem>>) src(%dma_wait3A_273 : memref<10000x128xf32, #tpu.memory_space<hbm>>) dst(%arg9 : memref<64x128xf32, #tpu.memory_space<vmem>>)
      %add3A_274 = arith.constant 1 : i32
      %add3A_275 = arith.addi %mul3A_247, %add3A_274 : i32
      "tpu.region"() ({
        %run_scoped3A = tpu.sem_alloc : memref<!tpu.dma_semaphore, #tpu.memory_space<semaphore_mem>>
        %dma_start3A_324 = arith.constant 0 : i32
        %dma_start3A_325 = tpu.memref_slice %arg7[%add3A_275, %dma_start3A_324] : memref<40x64xi32, #tpu.memory_space<vmem>> -> memref<1x64xi32, #tpu.memory_space<vmem>>
        %dma_start3A_326 = tpu.memref_squeeze %dma_start3A_325 : memref<1x64xi32, #tpu.memory_space<vmem>> -> memref<64xi32, #tpu.memory_space<vmem>>
        %dma_start3A_327 = arith.constant 0 : i32
        %dma_start3A_328 = arith.constant 0 : i32
        %dma_start3A_329 = tpu.memref_slice %arg12[%dma_start3A_327, %dma_start3A_328] : memref<10240x128xf32, #tpu.memory_space<vmem_shared>> -> memref<10240x128xf32, #tpu.memory_space<vmem_shared>>
        tpu.enqueue_indirect_dma source(%arg9 : memref<64x128xf32, #tpu.memory_space<vmem>>) target(%dma_start3A_329 : memref<10240x128xf32, #tpu.memory_space<vmem_shared>>) offsets(%dma_start3A_326 : memref<64xi32, #tpu.memory_space<vmem>>) semaphore(%run_scoped3A : memref<!tpu.dma_semaphore, #tpu.memory_space<semaphore_mem>>) {add = true}
        %dma_wait3A_330 = arith.constant 0 : i32
        %dma_wait3A_331 = tpu.memref_slice %arg7[%add3A_275, %dma_wait3A_330] : memref<40x64xi32, #tpu.memory_space<vmem>> -> memref<1x64xi32, #tpu.memory_space<vmem>>
        %dma_wait3A_332 = tpu.memref_squeeze %dma_wait3A_331 : memref<1x64xi32, #tpu.memory_space<vmem>> -> memref<64xi32, #tpu.memory_space<vmem>>
        %dma_wait3A_333 = arith.constant 0 : i32
        %dma_wait3A_334 = arith.constant 0 : i32
        %dma_wait3A_335 = tpu.memref_slice %arg12[%dma_wait3A_333, %dma_wait3A_334] : memref<10240x128xf32, #tpu.memory_space<vmem_shared>> -> memref<10240x128xf32, #tpu.memory_space<vmem_shared>>
        tpu.wait_indirect_dma semaphore(%run_scoped3A : memref<!tpu.dma_semaphore, #tpu.memory_space<semaphore_mem>>) src(%arg9 : memref<64x128xf32, #tpu.memory_space<vmem>>) dst(%dma_wait3A_335 : memref<10240x128xf32, #tpu.memory_space<vmem_shared>>)
        tpu.yield
      }) : () -> ()
      %add3A_276 = arith.constant 4 : i32
      %add3A_277 = arith.addi %mul3A_247, %add3A_276 : i32
      %add3A_278 = arith.constant 1 : i32
      %add3A_279 = arith.addi %add3A_277, %add3A_278 : i32
      %lt3A_280 = arith.constant 40 : i32
      %lt3A_281 = arith.cmpi slt, %add3A_279, %lt3A_280 : i32
      %convert_element_type3A_282 = arith.extui %lt3A_281 : i1 to i32
      %cond3A_283 = arith.constant 0 : i32
      %cond3A_284 = arith.cmpi ne, %convert_element_type3A_282, %cond3A_283 : i32
      scf.if %cond3A_284 {
        %add3A_324 = arith.constant 4 : i32
        %add3A_325 = arith.addi %mul3A_247, %add3A_324 : i32
        %add3A_326 = arith.constant 1 : i32
        %add3A_327 = arith.addi %add3A_325, %add3A_326 : i32
        %dma_start3A_328 = arith.constant 0 : i32
        %dma_start3A_329 = tpu.memref_slice %arg6[%add3A_327, %dma_start3A_328] : memref<40x64xi32, #tpu.memory_space<vmem>> -> memref<1x64xi32, #tpu.memory_space<vmem>>
        %dma_start3A_330 = tpu.memref_squeeze %dma_start3A_329 : memref<1x64xi32, #tpu.memory_space<vmem>> -> memref<64xi32, #tpu.memory_space<vmem>>
        %dma_start3A_331 = arith.constant 0 : i32
        %dma_start3A_332 = arith.constant 0 : i32
        %dma_start3A_333 = tpu.memref_slice %arg2[%dma_start3A_331, %dma_start3A_332] : memref<10000x128xf32, #tpu.memory_space<hbm>> -> memref<10000x128xf32, #tpu.memory_space<hbm>>
        tpu.enqueue_indirect_dma source(%dma_start3A_333 : memref<10000x128xf32, #tpu.memory_space<hbm>>) target(%arg9 : memref<64x128xf32, #tpu.memory_space<vmem>>) offsets(%dma_start3A_330 : memref<64xi32, #tpu.memory_space<vmem>>) semaphore(%arg14 : memref<!tpu.dma_semaphore, #tpu.memory_space<semaphore_mem>>)
      } else {
      }
      %add3A_285 = arith.constant 2 : i32
      %add3A_286 = arith.addi %mul3A_247, %add3A_285 : i32
      %dma_wait3A_287 = arith.constant 0 : i32
      %dma_wait3A_288 = tpu.memref_slice %arg6[%add3A_286, %dma_wait3A_287] : memref<40x64xi32, #tpu.memory_space<vmem>> -> memref<1x64xi32, #tpu.memory_space<vmem>>
      %dma_wait3A_289 = tpu.memref_squeeze %dma_wait3A_288 : memref<1x64xi32, #tpu.memory_space<vmem>> -> memref<64xi32, #tpu.memory_space<vmem>>
      %dma_wait3A_290 = arith.constant 0 : i32
      %dma_wait3A_291 = arith.constant 0 : i32
      %dma_wait3A_292 = tpu.memref_slice %arg2[%dma_wait3A_290, %dma_wait3A_291] : memref<10000x128xf32, #tpu.memory_space<hbm>> -> memref<10000x128xf32, #tpu.memory_space<hbm>>
      tpu.wait_indirect_dma semaphore(%arg15 : memref<!tpu.dma_semaphore, #tpu.memory_space<semaphore_mem>>) src(%dma_wait3A_292 : memref<10000x128xf32, #tpu.memory_space<hbm>>) dst(%arg10 : memref<64x128xf32, #tpu.memory_space<vmem>>)
      %add3A_293 = arith.constant 2 : i32
      %add3A_294 = arith.addi %mul3A_247, %add3A_293 : i32
      "tpu.region"() ({
        %run_scoped3A = tpu.sem_alloc : memref<!tpu.dma_semaphore, #tpu.memory_space<semaphore_mem>>
        %dma_start3A_324 = arith.constant 0 : i32
        %dma_start3A_325 = tpu.memref_slice %arg7[%add3A_294, %dma_start3A_324] : memref<40x64xi32, #tpu.memory_space<vmem>> -> memref<1x64xi32, #tpu.memory_space<vmem>>
        %dma_start3A_326 = tpu.memref_squeeze %dma_start3A_325 : memref<1x64xi32, #tpu.memory_space<vmem>> -> memref<64xi32, #tpu.memory_space<vmem>>
        %dma_start3A_327 = arith.constant 0 : i32
        %dma_start3A_328 = arith.constant 0 : i32
        %dma_start3A_329 = tpu.memref_slice %arg12[%dma_start3A_327, %dma_start3A_328] : memref<10240x128xf32, #tpu.memory_space<vmem_shared>> -> memref<10240x128xf32, #tpu.memory_space<vmem_shared>>
        tpu.enqueue_indirect_dma source(%arg10 : memref<64x128xf32, #tpu.memory_space<vmem>>) target(%dma_start3A_329 : memref<10240x128xf32, #tpu.memory_space<vmem_shared>>) offsets(%dma_start3A_326 : memref<64xi32, #tpu.memory_space<vmem>>) semaphore(%run_scoped3A : memref<!tpu.dma_semaphore, #tpu.memory_space<semaphore_mem>>) {add = true}
        %dma_wait3A_330 = arith.constant 0 : i32
        %dma_wait3A_331 = tpu.memref_slice %arg7[%add3A_294, %dma_wait3A_330] : memref<40x64xi32, #tpu.memory_space<vmem>> -> memref<1x64xi32, #tpu.memory_space<vmem>>
        %dma_wait3A_332 = tpu.memref_squeeze %dma_wait3A_331 : memref<1x64xi32, #tpu.memory_space<vmem>> -> memref<64xi32, #tpu.memory_space<vmem>>
        %dma_wait3A_333 = arith.constant 0 : i32
        %dma_wait3A_334 = arith.constant 0 : i32
        %dma_wait3A_335 = tpu.memref_slice %arg12[%dma_wait3A_333, %dma_wait3A_334] : memref<10240x128xf32, #tpu.memory_space<vmem_shared>> -> memref<10240x128xf32, #tpu.memory_space<vmem_shared>>
        tpu.wait_indirect_dma semaphore(%run_scoped3A : memref<!tpu.dma_semaphore, #tpu.memory_space<semaphore_mem>>) src(%arg10 : memref<64x128xf32, #tpu.memory_space<vmem>>) dst(%dma_wait3A_335 : memref<10240x128xf32, #tpu.memory_space<vmem_shared>>)
        tpu.yield
      }) : () -> ()
      %add3A_295 = arith.constant 4 : i32
      %add3A_296 = arith.addi %mul3A_247, %add3A_295 : i32
      %add3A_297 = arith.constant 2 : i32
      %add3A_298 = arith.addi %add3A_296, %add3A_297 : i32
      %lt3A_299 = arith.constant 40 : i32
      %lt3A_300 = arith.cmpi slt, %add3A_298, %lt3A_299 : i32
      %convert_element_type3A_301 = arith.extui %lt3A_300 : i1 to i32
      %cond3A_302 = arith.constant 0 : i32
      %cond3A_303 = arith.cmpi ne, %convert_element_type3A_301, %cond3A_302 : i32
      scf.if %cond3A_303 {
        %add3A_324 = arith.constant 4 : i32
        %add3A_325 = arith.addi %mul3A_247, %add3A_324 : i32
        %add3A_326 = arith.constant 2 : i32
        %add3A_327 = arith.addi %add3A_325, %add3A_326 : i32
        %dma_start3A_328 = arith.constant 0 : i32
        %dma_start3A_329 = tpu.memref_slice %arg6[%add3A_327, %dma_start3A_328] : memref<40x64xi32, #tpu.memory_space<vmem>> -> memref<1x64xi32, #tpu.memory_space<vmem>>
        %dma_start3A_330 = tpu.memref_squeeze %dma_start3A_329 : memref<1x64xi32, #tpu.memory_space<vmem>> -> memref<64xi32, #tpu.memory_space<vmem>>
        %dma_start3A_331 = arith.constant 0 : i32
        %dma_start3A_332 = arith.constant 0 : i32
        %dma_start3A_333 = tpu.memref_slice %arg2[%dma_start3A_331, %dma_start3A_332] : memref<10000x128xf32, #tpu.memory_space<hbm>> -> memref<10000x128xf32, #tpu.memory_space<hbm>>
        tpu.enqueue_indirect_dma source(%dma_start3A_333 : memref<10000x128xf32, #tpu.memory_space<hbm>>) target(%arg10 : memref<64x128xf32, #tpu.memory_space<vmem>>) offsets(%dma_start3A_330 : memref<64xi32, #tpu.memory_space<vmem>>) semaphore(%arg15 : memref<!tpu.dma_semaphore, #tpu.memory_space<semaphore_mem>>)
      } else {
      }
      %add3A_304 = arith.constant 3 : i32
      %add3A_305 = arith.addi %mul3A_247, %add3A_304 : i32
      %dma_wait3A_306 = arith.constant 0 : i32
      %dma_wait3A_307 = tpu.memref_slice %arg6[%add3A_305, %dma_wait3A_306] : memref<40x64xi32, #tpu.memory_space<vmem>> -> memref<1x64xi32, #tpu.memory_space<vmem>>
      %dma_wait3A_308 = tpu.memref_squeeze %dma_wait3A_307 : memref<1x64xi32, #tpu.memory_space<vmem>> -> memref<64xi32, #tpu.memory_space<vmem>>
      %dma_wait3A_309 = arith.constant 0 : i32
      %dma_wait3A_310 = arith.constant 0 : i32
      %dma_wait3A_311 = tpu.memref_slice %arg2[%dma_wait3A_309, %dma_wait3A_310] : memref<10000x128xf32, #tpu.memory_space<hbm>> -> memref<10000x128xf32, #tpu.memory_space<hbm>>
      tpu.wait_indirect_dma semaphore(%arg16 : memref<!tpu.dma_semaphore, #tpu.memory_space<semaphore_mem>>) src(%dma_wait3A_311 : memref<10000x128xf32, #tpu.memory_space<hbm>>) dst(%arg11 : memref<64x128xf32, #tpu.memory_space<vmem>>)
      %add3A_312 = arith.constant 3 : i32
      %add3A_313 = arith.addi %mul3A_247, %add3A_312 : i32
      "tpu.region"() ({
        %run_scoped3A = tpu.sem_alloc : memref<!tpu.dma_semaphore, #tpu.memory_space<semaphore_mem>>
        %dma_start3A_324 = arith.constant 0 : i32
        %dma_start3A_325 = tpu.memref_slice %arg7[%add3A_313, %dma_start3A_324] : memref<40x64xi32, #tpu.memory_space<vmem>> -> memref<1x64xi32, #tpu.memory_space<vmem>>
        %dma_start3A_326 = tpu.memref_squeeze %dma_start3A_325 : memref<1x64xi32, #tpu.memory_space<vmem>> -> memref<64xi32, #tpu.memory_space<vmem>>
        %dma_start3A_327 = arith.constant 0 : i32
        %dma_start3A_328 = arith.constant 0 : i32
        %dma_start3A_329 = tpu.memref_slice %arg12[%dma_start3A_327, %dma_start3A_328] : memref<10240x128xf32, #tpu.memory_space<vmem_shared>> -> memref<10240x128xf32, #tpu.memory_space<vmem_shared>>
        tpu.enqueue_indirect_dma source(%arg11 : memref<64x128xf32, #tpu.memory_space<vmem>>) target(%dma_start3A_329 : memref<10240x128xf32, #tpu.memory_space<vmem_shared>>) offsets(%dma_start3A_326 : memref<64xi32, #tpu.memory_space<vmem>>) semaphore(%run_scoped3A : memref<!tpu.dma_semaphore, #tpu.memory_space<semaphore_mem>>) {add = true}
        %dma_wait3A_330 = arith.constant 0 : i32
        %dma_wait3A_331 = tpu.memref_slice %arg7[%add3A_313, %dma_wait3A_330] : memref<40x64xi32, #tpu.memory_space<vmem>> -> memref<1x64xi32, #tpu.memory_space<vmem>>
        %dma_wait3A_332 = tpu.memref_squeeze %dma_wait3A_331 : memref<1x64xi32, #tpu.memory_space<vmem>> -> memref<64xi32, #tpu.memory_space<vmem>>
        %dma_wait3A_333 = arith.constant 0 : i32
        %dma_wait3A_334 = arith.constant 0 : i32
        %dma_wait3A_335 = tpu.memref_slice %arg12[%dma_wait3A_333, %dma_wait3A_334] : memref<10240x128xf32, #tpu.memory_space<vmem_shared>> -> memref<10240x128xf32, #tpu.memory_space<vmem_shared>>
        tpu.wait_indirect_dma semaphore(%run_scoped3A : memref<!tpu.dma_semaphore, #tpu.memory_space<semaphore_mem>>) src(%arg11 : memref<64x128xf32, #tpu.memory_space<vmem>>) dst(%dma_wait3A_335 : memref<10240x128xf32, #tpu.memory_space<vmem_shared>>)
        tpu.yield
      }) : () -> ()
      %add3A_314 = arith.constant 4 : i32
      %add3A_315 = arith.addi %mul3A_247, %add3A_314 : i32
      %add3A_316 = arith.constant 3 : i32
      %add3A_317 = arith.addi %add3A_315, %add3A_316 : i32
      %lt3A_318 = arith.constant 40 : i32
      %lt3A_319 = arith.cmpi slt, %add3A_317, %lt3A_318 : i32
      %convert_element_type3A_320 = arith.extui %lt3A_319 : i1 to i32
      %cond3A_321 = arith.constant 0 : i32
      %cond3A_322 = arith.cmpi ne, %convert_element_type3A_320, %cond3A_321 : i32
      scf.if %cond3A_322 {
        %add3A_324 = arith.constant 4 : i32
        %add3A_325 = arith.addi %mul3A_247, %add3A_324 : i32
        %add3A_326 = arith.constant 3 : i32
        %add3A_327 = arith.addi %add3A_325, %add3A_326 : i32
        %dma_start3A_328 = arith.constant 0 : i32
        %dma_start3A_329 = tpu.memref_slice %arg6[%add3A_327, %dma_start3A_328] : memref<40x64xi32, #tpu.memory_space<vmem>> -> memref<1x64xi32, #tpu.memory_space<vmem>>
        %dma_start3A_330 = tpu.memref_squeeze %dma_start3A_329 : memref<1x64xi32, #tpu.memory_space<vmem>> -> memref<64xi32, #tpu.memory_space<vmem>>
        %dma_start3A_331 = arith.constant 0 : i32
        %dma_start3A_332 = arith.constant 0 : i32
        %dma_start3A_333 = tpu.memref_slice %arg2[%dma_start3A_331, %dma_start3A_332] : memref<10000x128xf32, #tpu.memory_space<hbm>> -> memref<10000x128xf32, #tpu.memory_space<hbm>>
        tpu.enqueue_indirect_dma source(%dma_start3A_333 : memref<10000x128xf32, #tpu.memory_space<hbm>>) target(%arg11 : memref<64x128xf32, #tpu.memory_space<vmem>>) offsets(%dma_start3A_330 : memref<64xi32, #tpu.memory_space<vmem>>) semaphore(%arg16 : memref<!tpu.dma_semaphore, #tpu.memory_space<semaphore_mem>>)
      } else {
      }
      %scan3A_323 = arith.constant 0 : i32
      scf.yield %scan3A_323 : i32
    }
    %scan3A_91 = arith.constant 10 : i32
    %mul3A_92 = arith.constant 160 : i32
    %mul3A_93 = arith.muli %add3A, %mul3A_92 : i32
    %add3A_94 = arith.constant 40 : i32
    %add3A_95 = arith.addi %mul3A_93, %add3A_94 : i32
    %lt3A_96 = arith.constant 31 : i32
    %lt3A_97 = arith.cmpi slt, %add3A, %lt3A_96 : i32
    %convert_element_type3A_98 = arith.extui %lt3A_97 : i1 to i32
    %cond3A_99 = arith.constant 0 : i32
    %cond3A_100 = arith.cmpi ne, %convert_element_type3A_98, %cond3A_99 : i32
    scf.if %cond3A_100 {
      %run_scoped3A = arith.constant 1 : i32
      "tpu.region"() ({
        %run_scoped3A_245 = tpu.sem_alloc : memref<!tpu.dma_semaphore, #tpu.memory_space<semaphore_mem>>
        %dma_start3A_246 = arith.constant 0 : i32
        %dma_start3A_247 = tpu.memref_slice %arg3[%run_scoped3A, %add3A_95, %dma_start3A_246] : memref<2x5000x64xi32, #tpu.memory_space<hbm>> -> memref<1x40x64xi32, #tpu.memory_space<hbm>>
        %dma_start3A_248 = tpu.memref_squeeze %dma_start3A_247 : memref<1x40x64xi32, #tpu.memory_space<hbm>> -> memref<40x64xi32, #tpu.memory_space<hbm>>
        %dma_start3A_249 = arith.constant 0 : i32
        %dma_start3A_250 = tpu.memref_slice %arg3[%run_scoped3A, %add3A_95, %dma_start3A_249] : memref<2x5000x64xi32, #tpu.memory_space<hbm>> -> memref<1x40x64xi32, #tpu.memory_space<hbm>>
        %dma_start3A_251 = tpu.memref_squeeze %dma_start3A_250 : memref<1x40x64xi32, #tpu.memory_space<hbm>> -> memref<40x64xi32, #tpu.memory_space<hbm>>
        tpu.enqueue_dma source(%dma_start3A_251 : memref<40x64xi32, #tpu.memory_space<hbm>>) target(%arg6 : memref<40x64xi32, #tpu.memory_space<vmem>>) target_semaphore(%run_scoped3A_245 : memref<!tpu.dma_semaphore, #tpu.memory_space<semaphore_mem>>)
        %dma_wait3A = arith.constant 0 : i32
        %dma_wait3A_252 = tpu.memref_slice %arg3[%run_scoped3A, %add3A_95, %dma_wait3A] : memref<2x5000x64xi32, #tpu.memory_space<hbm>> -> memref<1x40x64xi32, #tpu.memory_space<hbm>>
        %dma_wait3A_253 = tpu.memref_squeeze %dma_wait3A_252 : memref<1x40x64xi32, #tpu.memory_space<hbm>> -> memref<40x64xi32, #tpu.memory_space<hbm>>
        %dma_wait3A_254 = arith.constant 0 : i32
        %dma_wait3A_255 = tpu.memref_slice %arg3[%run_scoped3A, %add3A_95, %dma_wait3A_254] : memref<2x5000x64xi32, #tpu.memory_space<hbm>> -> memref<1x40x64xi32, #tpu.memory_space<hbm>>
        %dma_wait3A_256 = tpu.memref_squeeze %dma_wait3A_255 : memref<1x40x64xi32, #tpu.memory_space<hbm>> -> memref<40x64xi32, #tpu.memory_space<hbm>>
        tpu.wait_dma2 semaphore(%run_scoped3A_245 : memref<!tpu.dma_semaphore, #tpu.memory_space<semaphore_mem>>) src(%dma_wait3A_256 : memref<40x64xi32, #tpu.memory_space<hbm>>) dst(%arg6 : memref<40x64xi32, #tpu.memory_space<vmem>>)
        tpu.yield
      }) : () -> ()
      %run_scoped3A_244 = arith.constant 0 : i32
      "tpu.region"() ({
        %run_scoped3A_245 = tpu.sem_alloc : memref<!tpu.dma_semaphore, #tpu.memory_space<semaphore_mem>>
        %dma_start3A_246 = arith.constant 0 : i32
        %dma_start3A_247 = tpu.memref_slice %arg3[%run_scoped3A_244, %add3A_95, %dma_start3A_246] : memref<2x5000x64xi32, #tpu.memory_space<hbm>> -> memref<1x40x64xi32, #tpu.memory_space<hbm>>
        %dma_start3A_248 = tpu.memref_squeeze %dma_start3A_247 : memref<1x40x64xi32, #tpu.memory_space<hbm>> -> memref<40x64xi32, #tpu.memory_space<hbm>>
        %dma_start3A_249 = arith.constant 0 : i32
        %dma_start3A_250 = tpu.memref_slice %arg3[%run_scoped3A_244, %add3A_95, %dma_start3A_249] : memref<2x5000x64xi32, #tpu.memory_space<hbm>> -> memref<1x40x64xi32, #tpu.memory_space<hbm>>
        %dma_start3A_251 = tpu.memref_squeeze %dma_start3A_250 : memref<1x40x64xi32, #tpu.memory_space<hbm>> -> memref<40x64xi32, #tpu.memory_space<hbm>>
        tpu.enqueue_dma source(%dma_start3A_251 : memref<40x64xi32, #tpu.memory_space<hbm>>) target(%arg7 : memref<40x64xi32, #tpu.memory_space<vmem>>) target_semaphore(%run_scoped3A_245 : memref<!tpu.dma_semaphore, #tpu.memory_space<semaphore_mem>>)
        %dma_wait3A = arith.constant 0 : i32
        %dma_wait3A_252 = tpu.memref_slice %arg3[%run_scoped3A_244, %add3A_95, %dma_wait3A] : memref<2x5000x64xi32, #tpu.memory_space<hbm>> -> memref<1x40x64xi32, #tpu.memory_space<hbm>>
        %dma_wait3A_253 = tpu.memref_squeeze %dma_wait3A_252 : memref<1x40x64xi32, #tpu.memory_space<hbm>> -> memref<40x64xi32, #tpu.memory_space<hbm>>
        %dma_wait3A_254 = arith.constant 0 : i32
        %dma_wait3A_255 = tpu.memref_slice %arg3[%run_scoped3A_244, %add3A_95, %dma_wait3A_254] : memref<2x5000x64xi32, #tpu.memory_space<hbm>> -> memref<1x40x64xi32, #tpu.memory_space<hbm>>
        %dma_wait3A_256 = tpu.memref_squeeze %dma_wait3A_255 : memref<1x40x64xi32, #tpu.memory_space<hbm>> -> memref<40x64xi32, #tpu.memory_space<hbm>>
        tpu.wait_dma2 semaphore(%run_scoped3A_245 : memref<!tpu.dma_semaphore, #tpu.memory_space<semaphore_mem>>) src(%dma_wait3A_256 : memref<40x64xi32, #tpu.memory_space<hbm>>) dst(%arg7 : memref<40x64xi32, #tpu.memory_space<vmem>>)
        tpu.yield
      }) : () -> ()
    } else {
    }
    %eq3A_101 = arith.constant 31 : i32
    %eq3A_102 = arith.cmpi eq, %add3A, %eq3A_101 : i32
    %convert_element_type3A_103 = arith.extui %eq3A_102 : i1 to i32
    %cond3A_104 = arith.constant 0 : i32
    %cond3A_105 = arith.cmpi ne, %convert_element_type3A_103, %cond3A_104 : i32
    scf.if %cond3A_105 {
      %run_scoped3A = arith.constant 1 : i32
      "tpu.region"() ({
        %run_scoped3A_245 = tpu.sem_alloc : memref<!tpu.dma_semaphore, #tpu.memory_space<semaphore_mem>>
        %dma_start3A_246 = arith.constant 40 : i32
        %dma_start3A_247 = arith.constant 0 : i32
        %dma_start3A_248 = tpu.memref_slice %arg4[%run_scoped3A, %dma_start3A_246, %dma_start3A_247] : memref<2x160x64xi32, #tpu.memory_space<hbm>> -> memref<1x40x64xi32, #tpu.memory_space<hbm>>
        %dma_start3A_249 = tpu.memref_squeeze %dma_start3A_248 : memref<1x40x64xi32, #tpu.memory_space<hbm>> -> memref<40x64xi32, #tpu.memory_space<hbm>>
        %dma_start3A_250 = arith.constant 40 : i32
        %dma_start3A_251 = arith.constant 0 : i32
        %dma_start3A_252 = tpu.memref_slice %arg4[%run_scoped3A, %dma_start3A_250, %dma_start3A_251] : memref<2x160x64xi32, #tpu.memory_space<hbm>> -> memref<1x40x64xi32, #tpu.memory_space<hbm>>
        %dma_start3A_253 = tpu.memref_squeeze %dma_start3A_252 : memref<1x40x64xi32, #tpu.memory_space<hbm>> -> memref<40x64xi32, #tpu.memory_space<hbm>>
        tpu.enqueue_dma source(%dma_start3A_253 : memref<40x64xi32, #tpu.memory_space<hbm>>) target(%arg6 : memref<40x64xi32, #tpu.memory_space<vmem>>) target_semaphore(%run_scoped3A_245 : memref<!tpu.dma_semaphore, #tpu.memory_space<semaphore_mem>>)
        %dma_wait3A = arith.constant 40 : i32
        %dma_wait3A_254 = arith.constant 0 : i32
        %dma_wait3A_255 = tpu.memref_slice %arg4[%run_scoped3A, %dma_wait3A, %dma_wait3A_254] : memref<2x160x64xi32, #tpu.memory_space<hbm>> -> memref<1x40x64xi32, #tpu.memory_space<hbm>>
        %dma_wait3A_256 = tpu.memref_squeeze %dma_wait3A_255 : memref<1x40x64xi32, #tpu.memory_space<hbm>> -> memref<40x64xi32, #tpu.memory_space<hbm>>
        %dma_wait3A_257 = arith.constant 40 : i32
        %dma_wait3A_258 = arith.constant 0 : i32
        %dma_wait3A_259 = tpu.memref_slice %arg4[%run_scoped3A, %dma_wait3A_257, %dma_wait3A_258] : memref<2x160x64xi32, #tpu.memory_space<hbm>> -> memref<1x40x64xi32, #tpu.memory_space<hbm>>
        %dma_wait3A_260 = tpu.memref_squeeze %dma_wait3A_259 : memref<1x40x64xi32, #tpu.memory_space<hbm>> -> memref<40x64xi32, #tpu.memory_space<hbm>>
        tpu.wait_dma2 semaphore(%run_scoped3A_245 : memref<!tpu.dma_semaphore, #tpu.memory_space<semaphore_mem>>) src(%dma_wait3A_260 : memref<40x64xi32, #tpu.memory_space<hbm>>) dst(%arg6 : memref<40x64xi32, #tpu.memory_space<vmem>>)
        tpu.yield
      }) : () -> ()
      %run_scoped3A_244 = arith.constant 0 : i32
      "tpu.region"() ({
        %run_scoped3A_245 = tpu.sem_alloc : memref<!tpu.dma_semaphore, #tpu.memory_space<semaphore_mem>>
        %dma_start3A_246 = arith.constant 40 : i32
        %dma_start3A_247 = arith.constant 0 : i32
        %dma_start3A_248 = tpu.memref_slice %arg4[%run_scoped3A_244, %dma_start3A_246, %dma_start3A_247] : memref<2x160x64xi32, #tpu.memory_space<hbm>> -> memref<1x40x64xi32, #tpu.memory_space<hbm>>
        %dma_start3A_249 = tpu.memref_squeeze %dma_start3A_248 : memref<1x40x64xi32, #tpu.memory_space<hbm>> -> memref<40x64xi32, #tpu.memory_space<hbm>>
        %dma_start3A_250 = arith.constant 40 : i32
        %dma_start3A_251 = arith.constant 0 : i32
        %dma_start3A_252 = tpu.memref_slice %arg4[%run_scoped3A_244, %dma_start3A_250, %dma_start3A_251] : memref<2x160x64xi32, #tpu.memory_space<hbm>> -> memref<1x40x64xi32, #tpu.memory_space<hbm>>
        %dma_start3A_253 = tpu.memref_squeeze %dma_start3A_252 : memref<1x40x64xi32, #tpu.memory_space<hbm>> -> memref<40x64xi32, #tpu.memory_space<hbm>>
        tpu.enqueue_dma source(%dma_start3A_253 : memref<40x64xi32, #tpu.memory_space<hbm>>) target(%arg7 : memref<40x64xi32, #tpu.memory_space<vmem>>) target_semaphore(%run_scoped3A_245 : memref<!tpu.dma_semaphore, #tpu.memory_space<semaphore_mem>>)
        %dma_wait3A = arith.constant 40 : i32
        %dma_wait3A_254 = arith.constant 0 : i32
        %dma_wait3A_255 = tpu.memref_slice %arg4[%run_scoped3A_244, %dma_wait3A, %dma_wait3A_254] : memref<2x160x64xi32, #tpu.memory_space<hbm>> -> memref<1x40x64xi32, #tpu.memory_space<hbm>>
        %dma_wait3A_256 = tpu.memref_squeeze %dma_wait3A_255 : memref<1x40x64xi32, #tpu.memory_space<hbm>> -> memref<40x64xi32, #tpu.memory_space<hbm>>
        %dma_wait3A_257 = arith.constant 40 : i32
        %dma_wait3A_258 = arith.constant 0 : i32
        %dma_wait3A_259 = tpu.memref_slice %arg4[%run_scoped3A_244, %dma_wait3A_257, %dma_wait3A_258] : memref<2x160x64xi32, #tpu.memory_space<hbm>> -> memref<1x40x64xi32, #tpu.memory_space<hbm>>
        %dma_wait3A_260 = tpu.memref_squeeze %dma_wait3A_259 : memref<1x40x64xi32, #tpu.memory_space<hbm>> -> memref<40x64xi32, #tpu.memory_space<hbm>>
        tpu.wait_dma2 semaphore(%run_scoped3A_245 : memref<!tpu.dma_semaphore, #tpu.memory_space<semaphore_mem>>) src(%dma_wait3A_260 : memref<40x64xi32, #tpu.memory_space<hbm>>) dst(%arg7 : memref<40x64xi32, #tpu.memory_space<vmem>>)
        tpu.yield
      }) : () -> ()
    } else {
    }
    %dma_start3A_106 = arith.constant 0 : i32
    %dma_start3A_107 = arith.constant 0 : i32
    %dma_start3A_108 = tpu.memref_slice %arg6[%dma_start3A_106, %dma_start3A_107] : memref<40x64xi32, #tpu.memory_space<vmem>> -> memref<1x64xi32, #tpu.memory_space<vmem>>
    %dma_start3A_109 = tpu.memref_squeeze %dma_start3A_108 : memref<1x64xi32, #tpu.memory_space<vmem>> -> memref<64xi32, #tpu.memory_space<vmem>>
    %dma_start3A_110 = arith.constant 0 : i32
    %dma_start3A_111 = arith.constant 0 : i32
    %dma_start3A_112 = tpu.memref_slice %arg2[%dma_start3A_110, %dma_start3A_111] : memref<10000x128xf32, #tpu.memory_space<hbm>> -> memref<10000x128xf32, #tpu.memory_space<hbm>>
    tpu.enqueue_indirect_dma source(%dma_start3A_112 : memref<10000x128xf32, #tpu.memory_space<hbm>>) target(%arg8 : memref<64x128xf32, #tpu.memory_space<vmem>>) offsets(%dma_start3A_109 : memref<64xi32, #tpu.memory_space<vmem>>) semaphore(%arg13 : memref<!tpu.dma_semaphore, #tpu.memory_space<semaphore_mem>>)
    %dma_start3A_113 = arith.constant 1 : i32
    %dma_start3A_114 = arith.constant 0 : i32
    %dma_start3A_115 = tpu.memref_slice %arg6[%dma_start3A_113, %dma_start3A_114] : memref<40x64xi32, #tpu.memory_space<vmem>> -> memref<1x64xi32, #tpu.memory_space<vmem>>
    %dma_start3A_116 = tpu.memref_squeeze %dma_start3A_115 : memref<1x64xi32, #tpu.memory_space<vmem>> -> memref<64xi32, #tpu.memory_space<vmem>>
    %dma_start3A_117 = arith.constant 0 : i32
    %dma_start3A_118 = arith.constant 0 : i32
    %dma_start3A_119 = tpu.memref_slice %arg2[%dma_start3A_117, %dma_start3A_118] : memref<10000x128xf32, #tpu.memory_space<hbm>> -> memref<10000x128xf32, #tpu.memory_space<hbm>>
    tpu.enqueue_indirect_dma source(%dma_start3A_119 : memref<10000x128xf32, #tpu.memory_space<hbm>>) target(%arg9 : memref<64x128xf32, #tpu.memory_space<vmem>>) offsets(%dma_start3A_116 : memref<64xi32, #tpu.memory_space<vmem>>) semaphore(%arg14 : memref<!tpu.dma_semaphore, #tpu.memory_space<semaphore_mem>>)
    %dma_start3A_120 = arith.constant 2 : i32
    %dma_start3A_121 = arith.constant 0 : i32
    %dma_start3A_122 = tpu.memref_slice %arg6[%dma_start3A_120, %dma_start3A_121] : memref<40x64xi32, #tpu.memory_space<vmem>> -> memref<1x64xi32, #tpu.memory_space<vmem>>
    %dma_start3A_123 = tpu.memref_squeeze %dma_start3A_122 : memref<1x64xi32, #tpu.memory_space<vmem>> -> memref<64xi32, #tpu.memory_space<vmem>>
    %dma_start3A_124 = arith.constant 0 : i32
    %dma_start3A_125 = arith.constant 0 : i32
    %dma_start3A_126 = tpu.memref_slice %arg2[%dma_start3A_124, %dma_start3A_125] : memref<10000x128xf32, #tpu.memory_space<hbm>> -> memref<10000x128xf32, #tpu.memory_space<hbm>>
    tpu.enqueue_indirect_dma source(%dma_start3A_126 : memref<10000x128xf32, #tpu.memory_space<hbm>>) target(%arg10 : memref<64x128xf32, #tpu.memory_space<vmem>>) offsets(%dma_start3A_123 : memref<64xi32, #tpu.memory_space<vmem>>) semaphore(%arg15 : memref<!tpu.dma_semaphore, #tpu.memory_space<semaphore_mem>>)
    %dma_start3A_127 = arith.constant 3 : i32
    %dma_start3A_128 = arith.constant 0 : i32
    %dma_start3A_129 = tpu.memref_slice %arg6[%dma_start3A_127, %dma_start3A_128] : memref<40x64xi32, #tpu.memory_space<vmem>> -> memref<1x64xi32, #tpu.memory_space<vmem>>
    %dma_start3A_130 = tpu.memref_squeeze %dma_start3A_129 : memref<1x64xi32, #tpu.memory_space<vmem>> -> memref<64xi32, #tpu.memory_space<vmem>>
    %dma_start3A_131 = arith.constant 0 : i32
    %dma_start3A_132 = arith.constant 0 : i32
    %dma_start3A_133 = tpu.memref_slice %arg2[%dma_start3A_131, %dma_start3A_132] : memref<10000x128xf32, #tpu.memory_space<hbm>> -> memref<10000x128xf32, #tpu.memory_space<hbm>>
    tpu.enqueue_indirect_dma source(%dma_start3A_133 : memref<10000x128xf32, #tpu.memory_space<hbm>>) target(%arg11 : memref<64x128xf32, #tpu.memory_space<vmem>>) offsets(%dma_start3A_130 : memref<64xi32, #tpu.memory_space<vmem>>) semaphore(%arg16 : memref<!tpu.dma_semaphore, #tpu.memory_space<semaphore_mem>>)
    %scan3A_134 = arith.constant 0 : i32
    %scan3A_135 = arith.constant 0 : i32
    %scan3A_136 = arith.constant 10 : i32
    %scan3A_137 = arith.addi %scan3A_135, %scan3A_136 : i32
    %scan3A_138 = arith.constant 1 : i32
    %scan3A_139 = scf.for %scan3A_244 = %scan3A_135 to %scan3A_137 step %scan3A_138 iter_args(%scan3A_245 = %scan3A_134) -> (i32)  : i32 {
      %mul3A_246 = arith.constant 4 : i32
      %mul3A_247 = arith.muli %mul3A_246, %scan3A_244 : i32
      %add3A_248 = arith.constant 0 : i32
      %add3A_249 = arith.addi %mul3A_247, %add3A_248 : i32
      %dma_wait3A = arith.constant 0 : i32
      %dma_wait3A_250 = tpu.memref_slice %arg6[%add3A_249, %dma_wait3A] : memref<40x64xi32, #tpu.memory_space<vmem>> -> memref<1x64xi32, #tpu.memory_space<vmem>>
      %dma_wait3A_251 = tpu.memref_squeeze %dma_wait3A_250 : memref<1x64xi32, #tpu.memory_space<vmem>> -> memref<64xi32, #tpu.memory_space<vmem>>
      %dma_wait3A_252 = arith.constant 0 : i32
      %dma_wait3A_253 = arith.constant 0 : i32
      %dma_wait3A_254 = tpu.memref_slice %arg2[%dma_wait3A_252, %dma_wait3A_253] : memref<10000x128xf32, #tpu.memory_space<hbm>> -> memref<10000x128xf32, #tpu.memory_space<hbm>>
      tpu.wait_indirect_dma semaphore(%arg13 : memref<!tpu.dma_semaphore, #tpu.memory_space<semaphore_mem>>) src(%dma_wait3A_254 : memref<10000x128xf32, #tpu.memory_space<hbm>>) dst(%arg8 : memref<64x128xf32, #tpu.memory_space<vmem>>)
      %add3A_255 = arith.constant 0 : i32
      %add3A_256 = arith.addi %mul3A_247, %add3A_255 : i32
      "tpu.region"() ({
        %run_scoped3A = tpu.sem_alloc : memref<!tpu.dma_semaphore, #tpu.memory_space<semaphore_mem>>
        %dma_start3A_324 = arith.constant 0 : i32
        %dma_start3A_325 = tpu.memref_slice %arg7[%add3A_256, %dma_start3A_324] : memref<40x64xi32, #tpu.memory_space<vmem>> -> memref<1x64xi32, #tpu.memory_space<vmem>>
        %dma_start3A_326 = tpu.memref_squeeze %dma_start3A_325 : memref<1x64xi32, #tpu.memory_space<vmem>> -> memref<64xi32, #tpu.memory_space<vmem>>
        %dma_start3A_327 = arith.constant 0 : i32
        %dma_start3A_328 = arith.constant 0 : i32
        %dma_start3A_329 = tpu.memref_slice %arg12[%dma_start3A_327, %dma_start3A_328] : memref<10240x128xf32, #tpu.memory_space<vmem_shared>> -> memref<10240x128xf32, #tpu.memory_space<vmem_shared>>
        tpu.enqueue_indirect_dma source(%arg8 : memref<64x128xf32, #tpu.memory_space<vmem>>) target(%dma_start3A_329 : memref<10240x128xf32, #tpu.memory_space<vmem_shared>>) offsets(%dma_start3A_326 : memref<64xi32, #tpu.memory_space<vmem>>) semaphore(%run_scoped3A : memref<!tpu.dma_semaphore, #tpu.memory_space<semaphore_mem>>) {add = true}
        %dma_wait3A_330 = arith.constant 0 : i32
        %dma_wait3A_331 = tpu.memref_slice %arg7[%add3A_256, %dma_wait3A_330] : memref<40x64xi32, #tpu.memory_space<vmem>> -> memref<1x64xi32, #tpu.memory_space<vmem>>
        %dma_wait3A_332 = tpu.memref_squeeze %dma_wait3A_331 : memref<1x64xi32, #tpu.memory_space<vmem>> -> memref<64xi32, #tpu.memory_space<vmem>>
        %dma_wait3A_333 = arith.constant 0 : i32
        %dma_wait3A_334 = arith.constant 0 : i32
        %dma_wait3A_335 = tpu.memref_slice %arg12[%dma_wait3A_333, %dma_wait3A_334] : memref<10240x128xf32, #tpu.memory_space<vmem_shared>> -> memref<10240x128xf32, #tpu.memory_space<vmem_shared>>
        tpu.wait_indirect_dma semaphore(%run_scoped3A : memref<!tpu.dma_semaphore, #tpu.memory_space<semaphore_mem>>) src(%arg8 : memref<64x128xf32, #tpu.memory_space<vmem>>) dst(%dma_wait3A_335 : memref<10240x128xf32, #tpu.memory_space<vmem_shared>>)
        tpu.yield
      }) : () -> ()
      %add3A_257 = arith.constant 4 : i32
      %add3A_258 = arith.addi %mul3A_247, %add3A_257 : i32
      %add3A_259 = arith.constant 0 : i32
      %add3A_260 = arith.addi %add3A_258, %add3A_259 : i32
      %lt3A_261 = arith.constant 40 : i32
      %lt3A_262 = arith.cmpi slt, %add3A_260, %lt3A_261 : i32
      %convert_element_type3A_263 = arith.extui %lt3A_262 : i1 to i32
      %cond3A_264 = arith.constant 0 : i32
      %cond3A_265 = arith.cmpi ne, %convert_element_type3A_263, %cond3A_264 : i32
      scf.if %cond3A_265 {
        %add3A_324 = arith.constant 4 : i32
        %add3A_325 = arith.addi %mul3A_247, %add3A_324 : i32
        %add3A_326 = arith.constant 0 : i32
        %add3A_327 = arith.addi %add3A_325, %add3A_326 : i32
        %dma_start3A_328 = arith.constant 0 : i32
        %dma_start3A_329 = tpu.memref_slice %arg6[%add3A_327, %dma_start3A_328] : memref<40x64xi32, #tpu.memory_space<vmem>> -> memref<1x64xi32, #tpu.memory_space<vmem>>
        %dma_start3A_330 = tpu.memref_squeeze %dma_start3A_329 : memref<1x64xi32, #tpu.memory_space<vmem>> -> memref<64xi32, #tpu.memory_space<vmem>>
        %dma_start3A_331 = arith.constant 0 : i32
        %dma_start3A_332 = arith.constant 0 : i32
        %dma_start3A_333 = tpu.memref_slice %arg2[%dma_start3A_331, %dma_start3A_332] : memref<10000x128xf32, #tpu.memory_space<hbm>> -> memref<10000x128xf32, #tpu.memory_space<hbm>>
        tpu.enqueue_indirect_dma source(%dma_start3A_333 : memref<10000x128xf32, #tpu.memory_space<hbm>>) target(%arg8 : memref<64x128xf32, #tpu.memory_space<vmem>>) offsets(%dma_start3A_330 : memref<64xi32, #tpu.memory_space<vmem>>) semaphore(%arg13 : memref<!tpu.dma_semaphore, #tpu.memory_space<semaphore_mem>>)
      } else {
      }
      %add3A_266 = arith.constant 1 : i32
      %add3A_267 = arith.addi %mul3A_247, %add3A_266 : i32
      %dma_wait3A_268 = arith.constant 0 : i32
      %dma_wait3A_269 = tpu.memref_slice %arg6[%add3A_267, %dma_wait3A_268] : memref<40x64xi32, #tpu.memory_space<vmem>> -> memref<1x64xi32, #tpu.memory_space<vmem>>
      %dma_wait3A_270 = tpu.memref_squeeze %dma_wait3A_269 : memref<1x64xi32, #tpu.memory_space<vmem>> -> memref<64xi32, #tpu.memory_space<vmem>>
      %dma_wait3A_271 = arith.constant 0 : i32
      %dma_wait3A_272 = arith.constant 0 : i32
      %dma_wait3A_273 = tpu.memref_slice %arg2[%dma_wait3A_271, %dma_wait3A_272] : memref<10000x128xf32, #tpu.memory_space<hbm>> -> memref<10000x128xf32, #tpu.memory_space<hbm>>
      tpu.wait_indirect_dma semaphore(%arg14 : memref<!tpu.dma_semaphore, #tpu.memory_space<semaphore_mem>>) src(%dma_wait3A_273 : memref<10000x128xf32, #tpu.memory_space<hbm>>) dst(%arg9 : memref<64x128xf32, #tpu.memory_space<vmem>>)
      %add3A_274 = arith.constant 1 : i32
      %add3A_275 = arith.addi %mul3A_247, %add3A_274 : i32
      "tpu.region"() ({
        %run_scoped3A = tpu.sem_alloc : memref<!tpu.dma_semaphore, #tpu.memory_space<semaphore_mem>>
        %dma_start3A_324 = arith.constant 0 : i32
        %dma_start3A_325 = tpu.memref_slice %arg7[%add3A_275, %dma_start3A_324] : memref<40x64xi32, #tpu.memory_space<vmem>> -> memref<1x64xi32, #tpu.memory_space<vmem>>
        %dma_start3A_326 = tpu.memref_squeeze %dma_start3A_325 : memref<1x64xi32, #tpu.memory_space<vmem>> -> memref<64xi32, #tpu.memory_space<vmem>>
        %dma_start3A_327 = arith.constant 0 : i32
        %dma_start3A_328 = arith.constant 0 : i32
        %dma_start3A_329 = tpu.memref_slice %arg12[%dma_start3A_327, %dma_start3A_328] : memref<10240x128xf32, #tpu.memory_space<vmem_shared>> -> memref<10240x128xf32, #tpu.memory_space<vmem_shared>>
        tpu.enqueue_indirect_dma source(%arg9 : memref<64x128xf32, #tpu.memory_space<vmem>>) target(%dma_start3A_329 : memref<10240x128xf32, #tpu.memory_space<vmem_shared>>) offsets(%dma_start3A_326 : memref<64xi32, #tpu.memory_space<vmem>>) semaphore(%run_scoped3A : memref<!tpu.dma_semaphore, #tpu.memory_space<semaphore_mem>>) {add = true}
        %dma_wait3A_330 = arith.constant 0 : i32
        %dma_wait3A_331 = tpu.memref_slice %arg7[%add3A_275, %dma_wait3A_330] : memref<40x64xi32, #tpu.memory_space<vmem>> -> memref<1x64xi32, #tpu.memory_space<vmem>>
        %dma_wait3A_332 = tpu.memref_squeeze %dma_wait3A_331 : memref<1x64xi32, #tpu.memory_space<vmem>> -> memref<64xi32, #tpu.memory_space<vmem>>
        %dma_wait3A_333 = arith.constant 0 : i32
        %dma_wait3A_334 = arith.constant 0 : i32
        %dma_wait3A_335 = tpu.memref_slice %arg12[%dma_wait3A_333, %dma_wait3A_334] : memref<10240x128xf32, #tpu.memory_space<vmem_shared>> -> memref<10240x128xf32, #tpu.memory_space<vmem_shared>>
        tpu.wait_indirect_dma semaphore(%run_scoped3A : memref<!tpu.dma_semaphore, #tpu.memory_space<semaphore_mem>>) src(%arg9 : memref<64x128xf32, #tpu.memory_space<vmem>>) dst(%dma_wait3A_335 : memref<10240x128xf32, #tpu.memory_space<vmem_shared>>)
        tpu.yield
      }) : () -> ()
      %add3A_276 = arith.constant 4 : i32
      %add3A_277 = arith.addi %mul3A_247, %add3A_276 : i32
      %add3A_278 = arith.constant 1 : i32
      %add3A_279 = arith.addi %add3A_277, %add3A_278 : i32
      %lt3A_280 = arith.constant 40 : i32
      %lt3A_281 = arith.cmpi slt, %add3A_279, %lt3A_280 : i32
      %convert_element_type3A_282 = arith.extui %lt3A_281 : i1 to i32
      %cond3A_283 = arith.constant 0 : i32
      %cond3A_284 = arith.cmpi ne, %convert_element_type3A_282, %cond3A_283 : i32
      scf.if %cond3A_284 {
        %add3A_324 = arith.constant 4 : i32
        %add3A_325 = arith.addi %mul3A_247, %add3A_324 : i32
        %add3A_326 = arith.constant 1 : i32
        %add3A_327 = arith.addi %add3A_325, %add3A_326 : i32
        %dma_start3A_328 = arith.constant 0 : i32
        %dma_start3A_329 = tpu.memref_slice %arg6[%add3A_327, %dma_start3A_328] : memref<40x64xi32, #tpu.memory_space<vmem>> -> memref<1x64xi32, #tpu.memory_space<vmem>>
        %dma_start3A_330 = tpu.memref_squeeze %dma_start3A_329 : memref<1x64xi32, #tpu.memory_space<vmem>> -> memref<64xi32, #tpu.memory_space<vmem>>
        %dma_start3A_331 = arith.constant 0 : i32
        %dma_start3A_332 = arith.constant 0 : i32
        %dma_start3A_333 = tpu.memref_slice %arg2[%dma_start3A_331, %dma_start3A_332] : memref<10000x128xf32, #tpu.memory_space<hbm>> -> memref<10000x128xf32, #tpu.memory_space<hbm>>
        tpu.enqueue_indirect_dma source(%dma_start3A_333 : memref<10000x128xf32, #tpu.memory_space<hbm>>) target(%arg9 : memref<64x128xf32, #tpu.memory_space<vmem>>) offsets(%dma_start3A_330 : memref<64xi32, #tpu.memory_space<vmem>>) semaphore(%arg14 : memref<!tpu.dma_semaphore, #tpu.memory_space<semaphore_mem>>)
      } else {
      }
      %add3A_285 = arith.constant 2 : i32
      %add3A_286 = arith.addi %mul3A_247, %add3A_285 : i32
      %dma_wait3A_287 = arith.constant 0 : i32
      %dma_wait3A_288 = tpu.memref_slice %arg6[%add3A_286, %dma_wait3A_287] : memref<40x64xi32, #tpu.memory_space<vmem>> -> memref<1x64xi32, #tpu.memory_space<vmem>>
      %dma_wait3A_289 = tpu.memref_squeeze %dma_wait3A_288 : memref<1x64xi32, #tpu.memory_space<vmem>> -> memref<64xi32, #tpu.memory_space<vmem>>
      %dma_wait3A_290 = arith.constant 0 : i32
      %dma_wait3A_291 = arith.constant 0 : i32
      %dma_wait3A_292 = tpu.memref_slice %arg2[%dma_wait3A_290, %dma_wait3A_291] : memref<10000x128xf32, #tpu.memory_space<hbm>> -> memref<10000x128xf32, #tpu.memory_space<hbm>>
      tpu.wait_indirect_dma semaphore(%arg15 : memref<!tpu.dma_semaphore, #tpu.memory_space<semaphore_mem>>) src(%dma_wait3A_292 : memref<10000x128xf32, #tpu.memory_space<hbm>>) dst(%arg10 : memref<64x128xf32, #tpu.memory_space<vmem>>)
      %add3A_293 = arith.constant 2 : i32
      %add3A_294 = arith.addi %mul3A_247, %add3A_293 : i32
      "tpu.region"() ({
        %run_scoped3A = tpu.sem_alloc : memref<!tpu.dma_semaphore, #tpu.memory_space<semaphore_mem>>
        %dma_start3A_324 = arith.constant 0 : i32
        %dma_start3A_325 = tpu.memref_slice %arg7[%add3A_294, %dma_start3A_324] : memref<40x64xi32, #tpu.memory_space<vmem>> -> memref<1x64xi32, #tpu.memory_space<vmem>>
        %dma_start3A_326 = tpu.memref_squeeze %dma_start3A_325 : memref<1x64xi32, #tpu.memory_space<vmem>> -> memref<64xi32, #tpu.memory_space<vmem>>
        %dma_start3A_327 = arith.constant 0 : i32
        %dma_start3A_328 = arith.constant 0 : i32
        %dma_start3A_329 = tpu.memref_slice %arg12[%dma_start3A_327, %dma_start3A_328] : memref<10240x128xf32, #tpu.memory_space<vmem_shared>> -> memref<10240x128xf32, #tpu.memory_space<vmem_shared>>
        tpu.enqueue_indirect_dma source(%arg10 : memref<64x128xf32, #tpu.memory_space<vmem>>) target(%dma_start3A_329 : memref<10240x128xf32, #tpu.memory_space<vmem_shared>>) offsets(%dma_start3A_326 : memref<64xi32, #tpu.memory_space<vmem>>) semaphore(%run_scoped3A : memref<!tpu.dma_semaphore, #tpu.memory_space<semaphore_mem>>) {add = true}
        %dma_wait3A_330 = arith.constant 0 : i32
        %dma_wait3A_331 = tpu.memref_slice %arg7[%add3A_294, %dma_wait3A_330] : memref<40x64xi32, #tpu.memory_space<vmem>> -> memref<1x64xi32, #tpu.memory_space<vmem>>
        %dma_wait3A_332 = tpu.memref_squeeze %dma_wait3A_331 : memref<1x64xi32, #tpu.memory_space<vmem>> -> memref<64xi32, #tpu.memory_space<vmem>>
        %dma_wait3A_333 = arith.constant 0 : i32
        %dma_wait3A_334 = arith.constant 0 : i32
        %dma_wait3A_335 = tpu.memref_slice %arg12[%dma_wait3A_333, %dma_wait3A_334] : memref<10240x128xf32, #tpu.memory_space<vmem_shared>> -> memref<10240x128xf32, #tpu.memory_space<vmem_shared>>
        tpu.wait_indirect_dma semaphore(%run_scoped3A : memref<!tpu.dma_semaphore, #tpu.memory_space<semaphore_mem>>) src(%arg10 : memref<64x128xf32, #tpu.memory_space<vmem>>) dst(%dma_wait3A_335 : memref<10240x128xf32, #tpu.memory_space<vmem_shared>>)
        tpu.yield
      }) : () -> ()
      %add3A_295 = arith.constant 4 : i32
      %add3A_296 = arith.addi %mul3A_247, %add3A_295 : i32
      %add3A_297 = arith.constant 2 : i32
      %add3A_298 = arith.addi %add3A_296, %add3A_297 : i32
      %lt3A_299 = arith.constant 40 : i32
      %lt3A_300 = arith.cmpi slt, %add3A_298, %lt3A_299 : i32
      %convert_element_type3A_301 = arith.extui %lt3A_300 : i1 to i32
      %cond3A_302 = arith.constant 0 : i32
      %cond3A_303 = arith.cmpi ne, %convert_element_type3A_301, %cond3A_302 : i32
      scf.if %cond3A_303 {
        %add3A_324 = arith.constant 4 : i32
        %add3A_325 = arith.addi %mul3A_247, %add3A_324 : i32
        %add3A_326 = arith.constant 2 : i32
        %add3A_327 = arith.addi %add3A_325, %add3A_326 : i32
        %dma_start3A_328 = arith.constant 0 : i32
        %dma_start3A_329 = tpu.memref_slice %arg6[%add3A_327, %dma_start3A_328] : memref<40x64xi32, #tpu.memory_space<vmem>> -> memref<1x64xi32, #tpu.memory_space<vmem>>
        %dma_start3A_330 = tpu.memref_squeeze %dma_start3A_329 : memref<1x64xi32, #tpu.memory_space<vmem>> -> memref<64xi32, #tpu.memory_space<vmem>>
        %dma_start3A_331 = arith.constant 0 : i32
        %dma_start3A_332 = arith.constant 0 : i32
        %dma_start3A_333 = tpu.memref_slice %arg2[%dma_start3A_331, %dma_start3A_332] : memref<10000x128xf32, #tpu.memory_space<hbm>> -> memref<10000x128xf32, #tpu.memory_space<hbm>>
        tpu.enqueue_indirect_dma source(%dma_start3A_333 : memref<10000x128xf32, #tpu.memory_space<hbm>>) target(%arg10 : memref<64x128xf32, #tpu.memory_space<vmem>>) offsets(%dma_start3A_330 : memref<64xi32, #tpu.memory_space<vmem>>) semaphore(%arg15 : memref<!tpu.dma_semaphore, #tpu.memory_space<semaphore_mem>>)
      } else {
      }
      %add3A_304 = arith.constant 3 : i32
      %add3A_305 = arith.addi %mul3A_247, %add3A_304 : i32
      %dma_wait3A_306 = arith.constant 0 : i32
      %dma_wait3A_307 = tpu.memref_slice %arg6[%add3A_305, %dma_wait3A_306] : memref<40x64xi32, #tpu.memory_space<vmem>> -> memref<1x64xi32, #tpu.memory_space<vmem>>
      %dma_wait3A_308 = tpu.memref_squeeze %dma_wait3A_307 : memref<1x64xi32, #tpu.memory_space<vmem>> -> memref<64xi32, #tpu.memory_space<vmem>>
      %dma_wait3A_309 = arith.constant 0 : i32
      %dma_wait3A_310 = arith.constant 0 : i32
      %dma_wait3A_311 = tpu.memref_slice %arg2[%dma_wait3A_309, %dma_wait3A_310] : memref<10000x128xf32, #tpu.memory_space<hbm>> -> memref<10000x128xf32, #tpu.memory_space<hbm>>
      tpu.wait_indirect_dma semaphore(%arg16 : memref<!tpu.dma_semaphore, #tpu.memory_space<semaphore_mem>>) src(%dma_wait3A_311 : memref<10000x128xf32, #tpu.memory_space<hbm>>) dst(%arg11 : memref<64x128xf32, #tpu.memory_space<vmem>>)
      %add3A_312 = arith.constant 3 : i32
      %add3A_313 = arith.addi %mul3A_247, %add3A_312 : i32
      "tpu.region"() ({
        %run_scoped3A = tpu.sem_alloc : memref<!tpu.dma_semaphore, #tpu.memory_space<semaphore_mem>>
        %dma_start3A_324 = arith.constant 0 : i32
        %dma_start3A_325 = tpu.memref_slice %arg7[%add3A_313, %dma_start3A_324] : memref<40x64xi32, #tpu.memory_space<vmem>> -> memref<1x64xi32, #tpu.memory_space<vmem>>
        %dma_start3A_326 = tpu.memref_squeeze %dma_start3A_325 : memref<1x64xi32, #tpu.memory_space<vmem>> -> memref<64xi32, #tpu.memory_space<vmem>>
        %dma_start3A_327 = arith.constant 0 : i32
        %dma_start3A_328 = arith.constant 0 : i32
        %dma_start3A_329 = tpu.memref_slice %arg12[%dma_start3A_327, %dma_start3A_328] : memref<10240x128xf32, #tpu.memory_space<vmem_shared>> -> memref<10240x128xf32, #tpu.memory_space<vmem_shared>>
        tpu.enqueue_indirect_dma source(%arg11 : memref<64x128xf32, #tpu.memory_space<vmem>>) target(%dma_start3A_329 : memref<10240x128xf32, #tpu.memory_space<vmem_shared>>) offsets(%dma_start3A_326 : memref<64xi32, #tpu.memory_space<vmem>>) semaphore(%run_scoped3A : memref<!tpu.dma_semaphore, #tpu.memory_space<semaphore_mem>>) {add = true}
        %dma_wait3A_330 = arith.constant 0 : i32
        %dma_wait3A_331 = tpu.memref_slice %arg7[%add3A_313, %dma_wait3A_330] : memref<40x64xi32, #tpu.memory_space<vmem>> -> memref<1x64xi32, #tpu.memory_space<vmem>>
        %dma_wait3A_332 = tpu.memref_squeeze %dma_wait3A_331 : memref<1x64xi32, #tpu.memory_space<vmem>> -> memref<64xi32, #tpu.memory_space<vmem>>
        %dma_wait3A_333 = arith.constant 0 : i32
        %dma_wait3A_334 = arith.constant 0 : i32
        %dma_wait3A_335 = tpu.memref_slice %arg12[%dma_wait3A_333, %dma_wait3A_334] : memref<10240x128xf32, #tpu.memory_space<vmem_shared>> -> memref<10240x128xf32, #tpu.memory_space<vmem_shared>>
        tpu.wait_indirect_dma semaphore(%run_scoped3A : memref<!tpu.dma_semaphore, #tpu.memory_space<semaphore_mem>>) src(%arg11 : memref<64x128xf32, #tpu.memory_space<vmem>>) dst(%dma_wait3A_335 : memref<10240x128xf32, #tpu.memory_space<vmem_shared>>)
        tpu.yield
      }) : () -> ()
      %add3A_314 = arith.constant 4 : i32
      %add3A_315 = arith.addi %mul3A_247, %add3A_314 : i32
      %add3A_316 = arith.constant 3 : i32
      %add3A_317 = arith.addi %add3A_315, %add3A_316 : i32
      %lt3A_318 = arith.constant 40 : i32
      %lt3A_319 = arith.cmpi slt, %add3A_317, %lt3A_318 : i32
      %convert_element_type3A_320 = arith.extui %lt3A_319 : i1 to i32
      %cond3A_321 = arith.constant 0 : i32
      %cond3A_322 = arith.cmpi ne, %convert_element_type3A_320, %cond3A_321 : i32
      scf.if %cond3A_322 {
        %add3A_324 = arith.constant 4 : i32
        %add3A_325 = arith.addi %mul3A_247, %add3A_324 : i32
        %add3A_326 = arith.constant 3 : i32
        %add3A_327 = arith.addi %add3A_325, %add3A_326 : i32
        %dma_start3A_328 = arith.constant 0 : i32
        %dma_start3A_329 = tpu.memref_slice %arg6[%add3A_327, %dma_start3A_328] : memref<40x64xi32, #tpu.memory_space<vmem>> -> memref<1x64xi32, #tpu.memory_space<vmem>>
        %dma_start3A_330 = tpu.memref_squeeze %dma_start3A_329 : memref<1x64xi32, #tpu.memory_space<vmem>> -> memref<64xi32, #tpu.memory_space<vmem>>
        %dma_start3A_331 = arith.constant 0 : i32
        %dma_start3A_332 = arith.constant 0 : i32
        %dma_start3A_333 = tpu.memref_slice %arg2[%dma_start3A_331, %dma_start3A_332] : memref<10000x128xf32, #tpu.memory_space<hbm>> -> memref<10000x128xf32, #tpu.memory_space<hbm>>
        tpu.enqueue_indirect_dma source(%dma_start3A_333 : memref<10000x128xf32, #tpu.memory_space<hbm>>) target(%arg11 : memref<64x128xf32, #tpu.memory_space<vmem>>) offsets(%dma_start3A_330 : memref<64xi32, #tpu.memory_space<vmem>>) semaphore(%arg16 : memref<!tpu.dma_semaphore, #tpu.memory_space<semaphore_mem>>)
      } else {
      }
      %scan3A_323 = arith.constant 0 : i32
      scf.yield %scan3A_323 : i32
    }
    %scan3A_140 = arith.constant 10 : i32
    %mul3A_141 = arith.constant 160 : i32
    %mul3A_142 = arith.muli %add3A, %mul3A_141 : i32
    %add3A_143 = arith.constant 80 : i32
    %add3A_144 = arith.addi %mul3A_142, %add3A_143 : i32
    %lt3A_145 = arith.constant 31 : i32
    %lt3A_146 = arith.cmpi slt, %add3A, %lt3A_145 : i32
    %convert_element_type3A_147 = arith.extui %lt3A_146 : i1 to i32
    %cond3A_148 = arith.constant 0 : i32
    %cond3A_149 = arith.cmpi ne, %convert_element_type3A_147, %cond3A_148 : i32
    scf.if %cond3A_149 {
      %run_scoped3A = arith.constant 1 : i32
      "tpu.region"() ({
        %run_scoped3A_245 = tpu.sem_alloc : memref<!tpu.dma_semaphore, #tpu.memory_space<semaphore_mem>>
        %dma_start3A_246 = arith.constant 0 : i32
        %dma_start3A_247 = tpu.memref_slice %arg3[%run_scoped3A, %add3A_144, %dma_start3A_246] : memref<2x5000x64xi32, #tpu.memory_space<hbm>> -> memref<1x40x64xi32, #tpu.memory_space<hbm>>
        %dma_start3A_248 = tpu.memref_squeeze %dma_start3A_247 : memref<1x40x64xi32, #tpu.memory_space<hbm>> -> memref<40x64xi32, #tpu.memory_space<hbm>>
        %dma_start3A_249 = arith.constant 0 : i32
        %dma_start3A_250 = tpu.memref_slice %arg3[%run_scoped3A, %add3A_144, %dma_start3A_249] : memref<2x5000x64xi32, #tpu.memory_space<hbm>> -> memref<1x40x64xi32, #tpu.memory_space<hbm>>
        %dma_start3A_251 = tpu.memref_squeeze %dma_start3A_250 : memref<1x40x64xi32, #tpu.memory_space<hbm>> -> memref<40x64xi32, #tpu.memory_space<hbm>>
        tpu.enqueue_dma source(%dma_start3A_251 : memref<40x64xi32, #tpu.memory_space<hbm>>) target(%arg6 : memref<40x64xi32, #tpu.memory_space<vmem>>) target_semaphore(%run_scoped3A_245 : memref<!tpu.dma_semaphore, #tpu.memory_space<semaphore_mem>>)
        %dma_wait3A = arith.constant 0 : i32
        %dma_wait3A_252 = tpu.memref_slice %arg3[%run_scoped3A, %add3A_144, %dma_wait3A] : memref<2x5000x64xi32, #tpu.memory_space<hbm>> -> memref<1x40x64xi32, #tpu.memory_space<hbm>>
        %dma_wait3A_253 = tpu.memref_squeeze %dma_wait3A_252 : memref<1x40x64xi32, #tpu.memory_space<hbm>> -> memref<40x64xi32, #tpu.memory_space<hbm>>
        %dma_wait3A_254 = arith.constant 0 : i32
        %dma_wait3A_255 = tpu.memref_slice %arg3[%run_scoped3A, %add3A_144, %dma_wait3A_254] : memref<2x5000x64xi32, #tpu.memory_space<hbm>> -> memref<1x40x64xi32, #tpu.memory_space<hbm>>
        %dma_wait3A_256 = tpu.memref_squeeze %dma_wait3A_255 : memref<1x40x64xi32, #tpu.memory_space<hbm>> -> memref<40x64xi32, #tpu.memory_space<hbm>>
        tpu.wait_dma2 semaphore(%run_scoped3A_245 : memref<!tpu.dma_semaphore, #tpu.memory_space<semaphore_mem>>) src(%dma_wait3A_256 : memref<40x64xi32, #tpu.memory_space<hbm>>) dst(%arg6 : memref<40x64xi32, #tpu.memory_space<vmem>>)
        tpu.yield
      }) : () -> ()
      %run_scoped3A_244 = arith.constant 0 : i32
      "tpu.region"() ({
        %run_scoped3A_245 = tpu.sem_alloc : memref<!tpu.dma_semaphore, #tpu.memory_space<semaphore_mem>>
        %dma_start3A_246 = arith.constant 0 : i32
        %dma_start3A_247 = tpu.memref_slice %arg3[%run_scoped3A_244, %add3A_144, %dma_start3A_246] : memref<2x5000x64xi32, #tpu.memory_space<hbm>> -> memref<1x40x64xi32, #tpu.memory_space<hbm>>
        %dma_start3A_248 = tpu.memref_squeeze %dma_start3A_247 : memref<1x40x64xi32, #tpu.memory_space<hbm>> -> memref<40x64xi32, #tpu.memory_space<hbm>>
        %dma_start3A_249 = arith.constant 0 : i32
        %dma_start3A_250 = tpu.memref_slice %arg3[%run_scoped3A_244, %add3A_144, %dma_start3A_249] : memref<2x5000x64xi32, #tpu.memory_space<hbm>> -> memref<1x40x64xi32, #tpu.memory_space<hbm>>
        %dma_start3A_251 = tpu.memref_squeeze %dma_start3A_250 : memref<1x40x64xi32, #tpu.memory_space<hbm>> -> memref<40x64xi32, #tpu.memory_space<hbm>>
        tpu.enqueue_dma source(%dma_start3A_251 : memref<40x64xi32, #tpu.memory_space<hbm>>) target(%arg7 : memref<40x64xi32, #tpu.memory_space<vmem>>) target_semaphore(%run_scoped3A_245 : memref<!tpu.dma_semaphore, #tpu.memory_space<semaphore_mem>>)
        %dma_wait3A = arith.constant 0 : i32
        %dma_wait3A_252 = tpu.memref_slice %arg3[%run_scoped3A_244, %add3A_144, %dma_wait3A] : memref<2x5000x64xi32, #tpu.memory_space<hbm>> -> memref<1x40x64xi32, #tpu.memory_space<hbm>>
        %dma_wait3A_253 = tpu.memref_squeeze %dma_wait3A_252 : memref<1x40x64xi32, #tpu.memory_space<hbm>> -> memref<40x64xi32, #tpu.memory_space<hbm>>
        %dma_wait3A_254 = arith.constant 0 : i32
        %dma_wait3A_255 = tpu.memref_slice %arg3[%run_scoped3A_244, %add3A_144, %dma_wait3A_254] : memref<2x5000x64xi32, #tpu.memory_space<hbm>> -> memref<1x40x64xi32, #tpu.memory_space<hbm>>
        %dma_wait3A_256 = tpu.memref_squeeze %dma_wait3A_255 : memref<1x40x64xi32, #tpu.memory_space<hbm>> -> memref<40x64xi32, #tpu.memory_space<hbm>>
        tpu.wait_dma2 semaphore(%run_scoped3A_245 : memref<!tpu.dma_semaphore, #tpu.memory_space<semaphore_mem>>) src(%dma_wait3A_256 : memref<40x64xi32, #tpu.memory_space<hbm>>) dst(%arg7 : memref<40x64xi32, #tpu.memory_space<vmem>>)
        tpu.yield
      }) : () -> ()
    } else {
    }
    %eq3A_150 = arith.constant 31 : i32
    %eq3A_151 = arith.cmpi eq, %add3A, %eq3A_150 : i32
    %convert_element_type3A_152 = arith.extui %eq3A_151 : i1 to i32
    %cond3A_153 = arith.constant 0 : i32
    %cond3A_154 = arith.cmpi ne, %convert_element_type3A_152, %cond3A_153 : i32
    scf.if %cond3A_154 {
      %run_scoped3A = arith.constant 1 : i32
      "tpu.region"() ({
        %run_scoped3A_245 = tpu.sem_alloc : memref<!tpu.dma_semaphore, #tpu.memory_space<semaphore_mem>>
        %dma_start3A_246 = arith.constant 80 : i32
        %dma_start3A_247 = arith.constant 0 : i32
        %dma_start3A_248 = tpu.memref_slice %arg4[%run_scoped3A, %dma_start3A_246, %dma_start3A_247] : memref<2x160x64xi32, #tpu.memory_space<hbm>> -> memref<1x40x64xi32, #tpu.memory_space<hbm>>
        %dma_start3A_249 = tpu.memref_squeeze %dma_start3A_248 : memref<1x40x64xi32, #tpu.memory_space<hbm>> -> memref<40x64xi32, #tpu.memory_space<hbm>>
        %dma_start3A_250 = arith.constant 80 : i32
        %dma_start3A_251 = arith.constant 0 : i32
        %dma_start3A_252 = tpu.memref_slice %arg4[%run_scoped3A, %dma_start3A_250, %dma_start3A_251] : memref<2x160x64xi32, #tpu.memory_space<hbm>> -> memref<1x40x64xi32, #tpu.memory_space<hbm>>
        %dma_start3A_253 = tpu.memref_squeeze %dma_start3A_252 : memref<1x40x64xi32, #tpu.memory_space<hbm>> -> memref<40x64xi32, #tpu.memory_space<hbm>>
        tpu.enqueue_dma source(%dma_start3A_253 : memref<40x64xi32, #tpu.memory_space<hbm>>) target(%arg6 : memref<40x64xi32, #tpu.memory_space<vmem>>) target_semaphore(%run_scoped3A_245 : memref<!tpu.dma_semaphore, #tpu.memory_space<semaphore_mem>>)
        %dma_wait3A = arith.constant 80 : i32
        %dma_wait3A_254 = arith.constant 0 : i32
        %dma_wait3A_255 = tpu.memref_slice %arg4[%run_scoped3A, %dma_wait3A, %dma_wait3A_254] : memref<2x160x64xi32, #tpu.memory_space<hbm>> -> memref<1x40x64xi32, #tpu.memory_space<hbm>>
        %dma_wait3A_256 = tpu.memref_squeeze %dma_wait3A_255 : memref<1x40x64xi32, #tpu.memory_space<hbm>> -> memref<40x64xi32, #tpu.memory_space<hbm>>
        %dma_wait3A_257 = arith.constant 80 : i32
        %dma_wait3A_258 = arith.constant 0 : i32
        %dma_wait3A_259 = tpu.memref_slice %arg4[%run_scoped3A, %dma_wait3A_257, %dma_wait3A_258] : memref<2x160x64xi32, #tpu.memory_space<hbm>> -> memref<1x40x64xi32, #tpu.memory_space<hbm>>
        %dma_wait3A_260 = tpu.memref_squeeze %dma_wait3A_259 : memref<1x40x64xi32, #tpu.memory_space<hbm>> -> memref<40x64xi32, #tpu.memory_space<hbm>>
        tpu.wait_dma2 semaphore(%run_scoped3A_245 : memref<!tpu.dma_semaphore, #tpu.memory_space<semaphore_mem>>) src(%dma_wait3A_260 : memref<40x64xi32, #tpu.memory_space<hbm>>) dst(%arg6 : memref<40x64xi32, #tpu.memory_space<vmem>>)
        tpu.yield
      }) : () -> ()
      %run_scoped3A_244 = arith.constant 0 : i32
      "tpu.region"() ({
        %run_scoped3A_245 = tpu.sem_alloc : memref<!tpu.dma_semaphore, #tpu.memory_space<semaphore_mem>>
        %dma_start3A_246 = arith.constant 80 : i32
        %dma_start3A_247 = arith.constant 0 : i32
        %dma_start3A_248 = tpu.memref_slice %arg4[%run_scoped3A_244, %dma_start3A_246, %dma_start3A_247] : memref<2x160x64xi32, #tpu.memory_space<hbm>> -> memref<1x40x64xi32, #tpu.memory_space<hbm>>
        %dma_start3A_249 = tpu.memref_squeeze %dma_start3A_248 : memref<1x40x64xi32, #tpu.memory_space<hbm>> -> memref<40x64xi32, #tpu.memory_space<hbm>>
        %dma_start3A_250 = arith.constant 80 : i32
        %dma_start3A_251 = arith.constant 0 : i32
        %dma_start3A_252 = tpu.memref_slice %arg4[%run_scoped3A_244, %dma_start3A_250, %dma_start3A_251] : memref<2x160x64xi32, #tpu.memory_space<hbm>> -> memref<1x40x64xi32, #tpu.memory_space<hbm>>
        %dma_start3A_253 = tpu.memref_squeeze %dma_start3A_252 : memref<1x40x64xi32, #tpu.memory_space<hbm>> -> memref<40x64xi32, #tpu.memory_space<hbm>>
        tpu.enqueue_dma source(%dma_start3A_253 : memref<40x64xi32, #tpu.memory_space<hbm>>) target(%arg7 : memref<40x64xi32, #tpu.memory_space<vmem>>) target_semaphore(%run_scoped3A_245 : memref<!tpu.dma_semaphore, #tpu.memory_space<semaphore_mem>>)
        %dma_wait3A = arith.constant 80 : i32
        %dma_wait3A_254 = arith.constant 0 : i32
        %dma_wait3A_255 = tpu.memref_slice %arg4[%run_scoped3A_244, %dma_wait3A, %dma_wait3A_254] : memref<2x160x64xi32, #tpu.memory_space<hbm>> -> memref<1x40x64xi32, #tpu.memory_space<hbm>>
        %dma_wait3A_256 = tpu.memref_squeeze %dma_wait3A_255 : memref<1x40x64xi32, #tpu.memory_space<hbm>> -> memref<40x64xi32, #tpu.memory_space<hbm>>
        %dma_wait3A_257 = arith.constant 80 : i32
        %dma_wait3A_258 = arith.constant 0 : i32
        %dma_wait3A_259 = tpu.memref_slice %arg4[%run_scoped3A_244, %dma_wait3A_257, %dma_wait3A_258] : memref<2x160x64xi32, #tpu.memory_space<hbm>> -> memref<1x40x64xi32, #tpu.memory_space<hbm>>
        %dma_wait3A_260 = tpu.memref_squeeze %dma_wait3A_259 : memref<1x40x64xi32, #tpu.memory_space<hbm>> -> memref<40x64xi32, #tpu.memory_space<hbm>>
        tpu.wait_dma2 semaphore(%run_scoped3A_245 : memref<!tpu.dma_semaphore, #tpu.memory_space<semaphore_mem>>) src(%dma_wait3A_260 : memref<40x64xi32, #tpu.memory_space<hbm>>) dst(%arg7 : memref<40x64xi32, #tpu.memory_space<vmem>>)
        tpu.yield
      }) : () -> ()
    } else {
    }
    %dma_start3A_155 = arith.constant 0 : i32
    %dma_start3A_156 = arith.constant 0 : i32
    %dma_start3A_157 = tpu.memref_slice %arg6[%dma_start3A_155, %dma_start3A_156] : memref<40x64xi32, #tpu.memory_space<vmem>> -> memref<1x64xi32, #tpu.memory_space<vmem>>
    %dma_start3A_158 = tpu.memref_squeeze %dma_start3A_157 : memref<1x64xi32, #tpu.memory_space<vmem>> -> memref<64xi32, #tpu.memory_space<vmem>>
    %dma_start3A_159 = arith.constant 0 : i32
    %dma_start3A_160 = arith.constant 0 : i32
    %dma_start3A_161 = tpu.memref_slice %arg2[%dma_start3A_159, %dma_start3A_160] : memref<10000x128xf32, #tpu.memory_space<hbm>> -> memref<10000x128xf32, #tpu.memory_space<hbm>>
    tpu.enqueue_indirect_dma source(%dma_start3A_161 : memref<10000x128xf32, #tpu.memory_space<hbm>>) target(%arg8 : memref<64x128xf32, #tpu.memory_space<vmem>>) offsets(%dma_start3A_158 : memref<64xi32, #tpu.memory_space<vmem>>) semaphore(%arg13 : memref<!tpu.dma_semaphore, #tpu.memory_space<semaphore_mem>>)
    %dma_start3A_162 = arith.constant 1 : i32
    %dma_start3A_163 = arith.constant 0 : i32
    %dma_start3A_164 = tpu.memref_slice %arg6[%dma_start3A_162, %dma_start3A_163] : memref<40x64xi32, #tpu.memory_space<vmem>> -> memref<1x64xi32, #tpu.memory_space<vmem>>
    %dma_start3A_165 = tpu.memref_squeeze %dma_start3A_164 : memref<1x64xi32, #tpu.memory_space<vmem>> -> memref<64xi32, #tpu.memory_space<vmem>>
    %dma_start3A_166 = arith.constant 0 : i32
    %dma_start3A_167 = arith.constant 0 : i32
    %dma_start3A_168 = tpu.memref_slice %arg2[%dma_start3A_166, %dma_start3A_167] : memref<10000x128xf32, #tpu.memory_space<hbm>> -> memref<10000x128xf32, #tpu.memory_space<hbm>>
    tpu.enqueue_indirect_dma source(%dma_start3A_168 : memref<10000x128xf32, #tpu.memory_space<hbm>>) target(%arg9 : memref<64x128xf32, #tpu.memory_space<vmem>>) offsets(%dma_start3A_165 : memref<64xi32, #tpu.memory_space<vmem>>) semaphore(%arg14 : memref<!tpu.dma_semaphore, #tpu.memory_space<semaphore_mem>>)
    %dma_start3A_169 = arith.constant 2 : i32
    %dma_start3A_170 = arith.constant 0 : i32
    %dma_start3A_171 = tpu.memref_slice %arg6[%dma_start3A_169, %dma_start3A_170] : memref<40x64xi32, #tpu.memory_space<vmem>> -> memref<1x64xi32, #tpu.memory_space<vmem>>
    %dma_start3A_172 = tpu.memref_squeeze %dma_start3A_171 : memref<1x64xi32, #tpu.memory_space<vmem>> -> memref<64xi32, #tpu.memory_space<vmem>>
    %dma_start3A_173 = arith.constant 0 : i32
    %dma_start3A_174 = arith.constant 0 : i32
    %dma_start3A_175 = tpu.memref_slice %arg2[%dma_start3A_173, %dma_start3A_174] : memref<10000x128xf32, #tpu.memory_space<hbm>> -> memref<10000x128xf32, #tpu.memory_space<hbm>>
    tpu.enqueue_indirect_dma source(%dma_start3A_175 : memref<10000x128xf32, #tpu.memory_space<hbm>>) target(%arg10 : memref<64x128xf32, #tpu.memory_space<vmem>>) offsets(%dma_start3A_172 : memref<64xi32, #tpu.memory_space<vmem>>) semaphore(%arg15 : memref<!tpu.dma_semaphore, #tpu.memory_space<semaphore_mem>>)
    %dma_start3A_176 = arith.constant 3 : i32
    %dma_start3A_177 = arith.constant 0 : i32
    %dma_start3A_178 = tpu.memref_slice %arg6[%dma_start3A_176, %dma_start3A_177] : memref<40x64xi32, #tpu.memory_space<vmem>> -> memref<1x64xi32, #tpu.memory_space<vmem>>
    %dma_start3A_179 = tpu.memref_squeeze %dma_start3A_178 : memref<1x64xi32, #tpu.memory_space<vmem>> -> memref<64xi32, #tpu.memory_space<vmem>>
    %dma_start3A_180 = arith.constant 0 : i32
    %dma_start3A_181 = arith.constant 0 : i32
    %dma_start3A_182 = tpu.memref_slice %arg2[%dma_start3A_180, %dma_start3A_181] : memref<10000x128xf32, #tpu.memory_space<hbm>> -> memref<10000x128xf32, #tpu.memory_space<hbm>>
    tpu.enqueue_indirect_dma source(%dma_start3A_182 : memref<10000x128xf32, #tpu.memory_space<hbm>>) target(%arg11 : memref<64x128xf32, #tpu.memory_space<vmem>>) offsets(%dma_start3A_179 : memref<64xi32, #tpu.memory_space<vmem>>) semaphore(%arg16 : memref<!tpu.dma_semaphore, #tpu.memory_space<semaphore_mem>>)
    %scan3A_183 = arith.constant 0 : i32
    %scan3A_184 = arith.constant 0 : i32
    %scan3A_185 = arith.constant 10 : i32
    %scan3A_186 = arith.addi %scan3A_184, %scan3A_185 : i32
    %scan3A_187 = arith.constant 1 : i32
    %scan3A_188 = scf.for %scan3A_244 = %scan3A_184 to %scan3A_186 step %scan3A_187 iter_args(%scan3A_245 = %scan3A_183) -> (i32)  : i32 {
      %mul3A_246 = arith.constant 4 : i32
      %mul3A_247 = arith.muli %mul3A_246, %scan3A_244 : i32
      %add3A_248 = arith.constant 0 : i32
      %add3A_249 = arith.addi %mul3A_247, %add3A_248 : i32
      %dma_wait3A = arith.constant 0 : i32
      %dma_wait3A_250 = tpu.memref_slice %arg6[%add3A_249, %dma_wait3A] : memref<40x64xi32, #tpu.memory_space<vmem>> -> memref<1x64xi32, #tpu.memory_space<vmem>>
      %dma_wait3A_251 = tpu.memref_squeeze %dma_wait3A_250 : memref<1x64xi32, #tpu.memory_space<vmem>> -> memref<64xi32, #tpu.memory_space<vmem>>
      %dma_wait3A_252 = arith.constant 0 : i32
      %dma_wait3A_253 = arith.constant 0 : i32
      %dma_wait3A_254 = tpu.memref_slice %arg2[%dma_wait3A_252, %dma_wait3A_253] : memref<10000x128xf32, #tpu.memory_space<hbm>> -> memref<10000x128xf32, #tpu.memory_space<hbm>>
      tpu.wait_indirect_dma semaphore(%arg13 : memref<!tpu.dma_semaphore, #tpu.memory_space<semaphore_mem>>) src(%dma_wait3A_254 : memref<10000x128xf32, #tpu.memory_space<hbm>>) dst(%arg8 : memref<64x128xf32, #tpu.memory_space<vmem>>)
      %add3A_255 = arith.constant 0 : i32
      %add3A_256 = arith.addi %mul3A_247, %add3A_255 : i32
      "tpu.region"() ({
        %run_scoped3A = tpu.sem_alloc : memref<!tpu.dma_semaphore, #tpu.memory_space<semaphore_mem>>
        %dma_start3A_324 = arith.constant 0 : i32
        %dma_start3A_325 = tpu.memref_slice %arg7[%add3A_256, %dma_start3A_324] : memref<40x64xi32, #tpu.memory_space<vmem>> -> memref<1x64xi32, #tpu.memory_space<vmem>>
        %dma_start3A_326 = tpu.memref_squeeze %dma_start3A_325 : memref<1x64xi32, #tpu.memory_space<vmem>> -> memref<64xi32, #tpu.memory_space<vmem>>
        %dma_start3A_327 = arith.constant 0 : i32
        %dma_start3A_328 = arith.constant 0 : i32
        %dma_start3A_329 = tpu.memref_slice %arg12[%dma_start3A_327, %dma_start3A_328] : memref<10240x128xf32, #tpu.memory_space<vmem_shared>> -> memref<10240x128xf32, #tpu.memory_space<vmem_shared>>
        tpu.enqueue_indirect_dma source(%arg8 : memref<64x128xf32, #tpu.memory_space<vmem>>) target(%dma_start3A_329 : memref<10240x128xf32, #tpu.memory_space<vmem_shared>>) offsets(%dma_start3A_326 : memref<64xi32, #tpu.memory_space<vmem>>) semaphore(%run_scoped3A : memref<!tpu.dma_semaphore, #tpu.memory_space<semaphore_mem>>) {add = true}
        %dma_wait3A_330 = arith.constant 0 : i32
        %dma_wait3A_331 = tpu.memref_slice %arg7[%add3A_256, %dma_wait3A_330] : memref<40x64xi32, #tpu.memory_space<vmem>> -> memref<1x64xi32, #tpu.memory_space<vmem>>
        %dma_wait3A_332 = tpu.memref_squeeze %dma_wait3A_331 : memref<1x64xi32, #tpu.memory_space<vmem>> -> memref<64xi32, #tpu.memory_space<vmem>>
        %dma_wait3A_333 = arith.constant 0 : i32
        %dma_wait3A_334 = arith.constant 0 : i32
        %dma_wait3A_335 = tpu.memref_slice %arg12[%dma_wait3A_333, %dma_wait3A_334] : memref<10240x128xf32, #tpu.memory_space<vmem_shared>> -> memref<10240x128xf32, #tpu.memory_space<vmem_shared>>
        tpu.wait_indirect_dma semaphore(%run_scoped3A : memref<!tpu.dma_semaphore, #tpu.memory_space<semaphore_mem>>) src(%arg8 : memref<64x128xf32, #tpu.memory_space<vmem>>) dst(%dma_wait3A_335 : memref<10240x128xf32, #tpu.memory_space<vmem_shared>>)
        tpu.yield
      }) : () -> ()
      %add3A_257 = arith.constant 4 : i32
      %add3A_258 = arith.addi %mul3A_247, %add3A_257 : i32
      %add3A_259 = arith.constant 0 : i32
      %add3A_260 = arith.addi %add3A_258, %add3A_259 : i32
      %lt3A_261 = arith.constant 40 : i32
      %lt3A_262 = arith.cmpi slt, %add3A_260, %lt3A_261 : i32
      %convert_element_type3A_263 = arith.extui %lt3A_262 : i1 to i32
      %cond3A_264 = arith.constant 0 : i32
      %cond3A_265 = arith.cmpi ne, %convert_element_type3A_263, %cond3A_264 : i32
      scf.if %cond3A_265 {
        %add3A_324 = arith.constant 4 : i32
        %add3A_325 = arith.addi %mul3A_247, %add3A_324 : i32
        %add3A_326 = arith.constant 0 : i32
        %add3A_327 = arith.addi %add3A_325, %add3A_326 : i32
        %dma_start3A_328 = arith.constant 0 : i32
        %dma_start3A_329 = tpu.memref_slice %arg6[%add3A_327, %dma_start3A_328] : memref<40x64xi32, #tpu.memory_space<vmem>> -> memref<1x64xi32, #tpu.memory_space<vmem>>
        %dma_start3A_330 = tpu.memref_squeeze %dma_start3A_329 : memref<1x64xi32, #tpu.memory_space<vmem>> -> memref<64xi32, #tpu.memory_space<vmem>>
        %dma_start3A_331 = arith.constant 0 : i32
        %dma_start3A_332 = arith.constant 0 : i32
        %dma_start3A_333 = tpu.memref_slice %arg2[%dma_start3A_331, %dma_start3A_332] : memref<10000x128xf32, #tpu.memory_space<hbm>> -> memref<10000x128xf32, #tpu.memory_space<hbm>>
        tpu.enqueue_indirect_dma source(%dma_start3A_333 : memref<10000x128xf32, #tpu.memory_space<hbm>>) target(%arg8 : memref<64x128xf32, #tpu.memory_space<vmem>>) offsets(%dma_start3A_330 : memref<64xi32, #tpu.memory_space<vmem>>) semaphore(%arg13 : memref<!tpu.dma_semaphore, #tpu.memory_space<semaphore_mem>>)
      } else {
      }
      %add3A_266 = arith.constant 1 : i32
      %add3A_267 = arith.addi %mul3A_247, %add3A_266 : i32
      %dma_wait3A_268 = arith.constant 0 : i32
      %dma_wait3A_269 = tpu.memref_slice %arg6[%add3A_267, %dma_wait3A_268] : memref<40x64xi32, #tpu.memory_space<vmem>> -> memref<1x64xi32, #tpu.memory_space<vmem>>
      %dma_wait3A_270 = tpu.memref_squeeze %dma_wait3A_269 : memref<1x64xi32, #tpu.memory_space<vmem>> -> memref<64xi32, #tpu.memory_space<vmem>>
      %dma_wait3A_271 = arith.constant 0 : i32
      %dma_wait3A_272 = arith.constant 0 : i32
      %dma_wait3A_273 = tpu.memref_slice %arg2[%dma_wait3A_271, %dma_wait3A_272] : memref<10000x128xf32, #tpu.memory_space<hbm>> -> memref<10000x128xf32, #tpu.memory_space<hbm>>
      tpu.wait_indirect_dma semaphore(%arg14 : memref<!tpu.dma_semaphore, #tpu.memory_space<semaphore_mem>>) src(%dma_wait3A_273 : memref<10000x128xf32, #tpu.memory_space<hbm>>) dst(%arg9 : memref<64x128xf32, #tpu.memory_space<vmem>>)
      %add3A_274 = arith.constant 1 : i32
      %add3A_275 = arith.addi %mul3A_247, %add3A_274 : i32
      "tpu.region"() ({
        %run_scoped3A = tpu.sem_alloc : memref<!tpu.dma_semaphore, #tpu.memory_space<semaphore_mem>>
        %dma_start3A_324 = arith.constant 0 : i32
        %dma_start3A_325 = tpu.memref_slice %arg7[%add3A_275, %dma_start3A_324] : memref<40x64xi32, #tpu.memory_space<vmem>> -> memref<1x64xi32, #tpu.memory_space<vmem>>
        %dma_start3A_326 = tpu.memref_squeeze %dma_start3A_325 : memref<1x64xi32, #tpu.memory_space<vmem>> -> memref<64xi32, #tpu.memory_space<vmem>>
        %dma_start3A_327 = arith.constant 0 : i32
        %dma_start3A_328 = arith.constant 0 : i32
        %dma_start3A_329 = tpu.memref_slice %arg12[%dma_start3A_327, %dma_start3A_328] : memref<10240x128xf32, #tpu.memory_space<vmem_shared>> -> memref<10240x128xf32, #tpu.memory_space<vmem_shared>>
        tpu.enqueue_indirect_dma source(%arg9 : memref<64x128xf32, #tpu.memory_space<vmem>>) target(%dma_start3A_329 : memref<10240x128xf32, #tpu.memory_space<vmem_shared>>) offsets(%dma_start3A_326 : memref<64xi32, #tpu.memory_space<vmem>>) semaphore(%run_scoped3A : memref<!tpu.dma_semaphore, #tpu.memory_space<semaphore_mem>>) {add = true}
        %dma_wait3A_330 = arith.constant 0 : i32
        %dma_wait3A_331 = tpu.memref_slice %arg7[%add3A_275, %dma_wait3A_330] : memref<40x64xi32, #tpu.memory_space<vmem>> -> memref<1x64xi32, #tpu.memory_space<vmem>>
        %dma_wait3A_332 = tpu.memref_squeeze %dma_wait3A_331 : memref<1x64xi32, #tpu.memory_space<vmem>> -> memref<64xi32, #tpu.memory_space<vmem>>
        %dma_wait3A_333 = arith.constant 0 : i32
        %dma_wait3A_334 = arith.constant 0 : i32
        %dma_wait3A_335 = tpu.memref_slice %arg12[%dma_wait3A_333, %dma_wait3A_334] : memref<10240x128xf32, #tpu.memory_space<vmem_shared>> -> memref<10240x128xf32, #tpu.memory_space<vmem_shared>>
        tpu.wait_indirect_dma semaphore(%run_scoped3A : memref<!tpu.dma_semaphore, #tpu.memory_space<semaphore_mem>>) src(%arg9 : memref<64x128xf32, #tpu.memory_space<vmem>>) dst(%dma_wait3A_335 : memref<10240x128xf32, #tpu.memory_space<vmem_shared>>)
        tpu.yield
      }) : () -> ()
      %add3A_276 = arith.constant 4 : i32
      %add3A_277 = arith.addi %mul3A_247, %add3A_276 : i32
      %add3A_278 = arith.constant 1 : i32
      %add3A_279 = arith.addi %add3A_277, %add3A_278 : i32
      %lt3A_280 = arith.constant 40 : i32
      %lt3A_281 = arith.cmpi slt, %add3A_279, %lt3A_280 : i32
      %convert_element_type3A_282 = arith.extui %lt3A_281 : i1 to i32
      %cond3A_283 = arith.constant 0 : i32
      %cond3A_284 = arith.cmpi ne, %convert_element_type3A_282, %cond3A_283 : i32
      scf.if %cond3A_284 {
        %add3A_324 = arith.constant 4 : i32
        %add3A_325 = arith.addi %mul3A_247, %add3A_324 : i32
        %add3A_326 = arith.constant 1 : i32
        %add3A_327 = arith.addi %add3A_325, %add3A_326 : i32
        %dma_start3A_328 = arith.constant 0 : i32
        %dma_start3A_329 = tpu.memref_slice %arg6[%add3A_327, %dma_start3A_328] : memref<40x64xi32, #tpu.memory_space<vmem>> -> memref<1x64xi32, #tpu.memory_space<vmem>>
        %dma_start3A_330 = tpu.memref_squeeze %dma_start3A_329 : memref<1x64xi32, #tpu.memory_space<vmem>> -> memref<64xi32, #tpu.memory_space<vmem>>
        %dma_start3A_331 = arith.constant 0 : i32
        %dma_start3A_332 = arith.constant 0 : i32
        %dma_start3A_333 = tpu.memref_slice %arg2[%dma_start3A_331, %dma_start3A_332] : memref<10000x128xf32, #tpu.memory_space<hbm>> -> memref<10000x128xf32, #tpu.memory_space<hbm>>
        tpu.enqueue_indirect_dma source(%dma_start3A_333 : memref<10000x128xf32, #tpu.memory_space<hbm>>) target(%arg9 : memref<64x128xf32, #tpu.memory_space<vmem>>) offsets(%dma_start3A_330 : memref<64xi32, #tpu.memory_space<vmem>>) semaphore(%arg14 : memref<!tpu.dma_semaphore, #tpu.memory_space<semaphore_mem>>)
      } else {
      }
      %add3A_285 = arith.constant 2 : i32
      %add3A_286 = arith.addi %mul3A_247, %add3A_285 : i32
      %dma_wait3A_287 = arith.constant 0 : i32
      %dma_wait3A_288 = tpu.memref_slice %arg6[%add3A_286, %dma_wait3A_287] : memref<40x64xi32, #tpu.memory_space<vmem>> -> memref<1x64xi32, #tpu.memory_space<vmem>>
      %dma_wait3A_289 = tpu.memref_squeeze %dma_wait3A_288 : memref<1x64xi32, #tpu.memory_space<vmem>> -> memref<64xi32, #tpu.memory_space<vmem>>
      %dma_wait3A_290 = arith.constant 0 : i32
      %dma_wait3A_291 = arith.constant 0 : i32
      %dma_wait3A_292 = tpu.memref_slice %arg2[%dma_wait3A_290, %dma_wait3A_291] : memref<10000x128xf32, #tpu.memory_space<hbm>> -> memref<10000x128xf32, #tpu.memory_space<hbm>>
      tpu.wait_indirect_dma semaphore(%arg15 : memref<!tpu.dma_semaphore, #tpu.memory_space<semaphore_mem>>) src(%dma_wait3A_292 : memref<10000x128xf32, #tpu.memory_space<hbm>>) dst(%arg10 : memref<64x128xf32, #tpu.memory_space<vmem>>)
      %add3A_293 = arith.constant 2 : i32
      %add3A_294 = arith.addi %mul3A_247, %add3A_293 : i32
      "tpu.region"() ({
        %run_scoped3A = tpu.sem_alloc : memref<!tpu.dma_semaphore, #tpu.memory_space<semaphore_mem>>
        %dma_start3A_324 = arith.constant 0 : i32
        %dma_start3A_325 = tpu.memref_slice %arg7[%add3A_294, %dma_start3A_324] : memref<40x64xi32, #tpu.memory_space<vmem>> -> memref<1x64xi32, #tpu.memory_space<vmem>>
        %dma_start3A_326 = tpu.memref_squeeze %dma_start3A_325 : memref<1x64xi32, #tpu.memory_space<vmem>> -> memref<64xi32, #tpu.memory_space<vmem>>
        %dma_start3A_327 = arith.constant 0 : i32
        %dma_start3A_328 = arith.constant 0 : i32
        %dma_start3A_329 = tpu.memref_slice %arg12[%dma_start3A_327, %dma_start3A_328] : memref<10240x128xf32, #tpu.memory_space<vmem_shared>> -> memref<10240x128xf32, #tpu.memory_space<vmem_shared>>
        tpu.enqueue_indirect_dma source(%arg10 : memref<64x128xf32, #tpu.memory_space<vmem>>) target(%dma_start3A_329 : memref<10240x128xf32, #tpu.memory_space<vmem_shared>>) offsets(%dma_start3A_326 : memref<64xi32, #tpu.memory_space<vmem>>) semaphore(%run_scoped3A : memref<!tpu.dma_semaphore, #tpu.memory_space<semaphore_mem>>) {add = true}
        %dma_wait3A_330 = arith.constant 0 : i32
        %dma_wait3A_331 = tpu.memref_slice %arg7[%add3A_294, %dma_wait3A_330] : memref<40x64xi32, #tpu.memory_space<vmem>> -> memref<1x64xi32, #tpu.memory_space<vmem>>
        %dma_wait3A_332 = tpu.memref_squeeze %dma_wait3A_331 : memref<1x64xi32, #tpu.memory_space<vmem>> -> memref<64xi32, #tpu.memory_space<vmem>>
        %dma_wait3A_333 = arith.constant 0 : i32
        %dma_wait3A_334 = arith.constant 0 : i32
        %dma_wait3A_335 = tpu.memref_slice %arg12[%dma_wait3A_333, %dma_wait3A_334] : memref<10240x128xf32, #tpu.memory_space<vmem_shared>> -> memref<10240x128xf32, #tpu.memory_space<vmem_shared>>
        tpu.wait_indirect_dma semaphore(%run_scoped3A : memref<!tpu.dma_semaphore, #tpu.memory_space<semaphore_mem>>) src(%arg10 : memref<64x128xf32, #tpu.memory_space<vmem>>) dst(%dma_wait3A_335 : memref<10240x128xf32, #tpu.memory_space<vmem_shared>>)
        tpu.yield
      }) : () -> ()
      %add3A_295 = arith.constant 4 : i32
      %add3A_296 = arith.addi %mul3A_247, %add3A_295 : i32
      %add3A_297 = arith.constant 2 : i32
      %add3A_298 = arith.addi %add3A_296, %add3A_297 : i32
      %lt3A_299 = arith.constant 40 : i32
      %lt3A_300 = arith.cmpi slt, %add3A_298, %lt3A_299 : i32
      %convert_element_type3A_301 = arith.extui %lt3A_300 : i1 to i32
      %cond3A_302 = arith.constant 0 : i32
      %cond3A_303 = arith.cmpi ne, %convert_element_type3A_301, %cond3A_302 : i32
      scf.if %cond3A_303 {
        %add3A_324 = arith.constant 4 : i32
        %add3A_325 = arith.addi %mul3A_247, %add3A_324 : i32
        %add3A_326 = arith.constant 2 : i32
        %add3A_327 = arith.addi %add3A_325, %add3A_326 : i32
        %dma_start3A_328 = arith.constant 0 : i32
        %dma_start3A_329 = tpu.memref_slice %arg6[%add3A_327, %dma_start3A_328] : memref<40x64xi32, #tpu.memory_space<vmem>> -> memref<1x64xi32, #tpu.memory_space<vmem>>
        %dma_start3A_330 = tpu.memref_squeeze %dma_start3A_329 : memref<1x64xi32, #tpu.memory_space<vmem>> -> memref<64xi32, #tpu.memory_space<vmem>>
        %dma_start3A_331 = arith.constant 0 : i32
        %dma_start3A_332 = arith.constant 0 : i32
        %dma_start3A_333 = tpu.memref_slice %arg2[%dma_start3A_331, %dma_start3A_332] : memref<10000x128xf32, #tpu.memory_space<hbm>> -> memref<10000x128xf32, #tpu.memory_space<hbm>>
        tpu.enqueue_indirect_dma source(%dma_start3A_333 : memref<10000x128xf32, #tpu.memory_space<hbm>>) target(%arg10 : memref<64x128xf32, #tpu.memory_space<vmem>>) offsets(%dma_start3A_330 : memref<64xi32, #tpu.memory_space<vmem>>) semaphore(%arg15 : memref<!tpu.dma_semaphore, #tpu.memory_space<semaphore_mem>>)
      } else {
      }
      %add3A_304 = arith.constant 3 : i32
      %add3A_305 = arith.addi %mul3A_247, %add3A_304 : i32
      %dma_wait3A_306 = arith.constant 0 : i32
      %dma_wait3A_307 = tpu.memref_slice %arg6[%add3A_305, %dma_wait3A_306] : memref<40x64xi32, #tpu.memory_space<vmem>> -> memref<1x64xi32, #tpu.memory_space<vmem>>
      %dma_wait3A_308 = tpu.memref_squeeze %dma_wait3A_307 : memref<1x64xi32, #tpu.memory_space<vmem>> -> memref<64xi32, #tpu.memory_space<vmem>>
      %dma_wait3A_309 = arith.constant 0 : i32
      %dma_wait3A_310 = arith.constant 0 : i32
      %dma_wait3A_311 = tpu.memref_slice %arg2[%dma_wait3A_309, %dma_wait3A_310] : memref<10000x128xf32, #tpu.memory_space<hbm>> -> memref<10000x128xf32, #tpu.memory_space<hbm>>
      tpu.wait_indirect_dma semaphore(%arg16 : memref<!tpu.dma_semaphore, #tpu.memory_space<semaphore_mem>>) src(%dma_wait3A_311 : memref<10000x128xf32, #tpu.memory_space<hbm>>) dst(%arg11 : memref<64x128xf32, #tpu.memory_space<vmem>>)
      %add3A_312 = arith.constant 3 : i32
      %add3A_313 = arith.addi %mul3A_247, %add3A_312 : i32
      "tpu.region"() ({
        %run_scoped3A = tpu.sem_alloc : memref<!tpu.dma_semaphore, #tpu.memory_space<semaphore_mem>>
        %dma_start3A_324 = arith.constant 0 : i32
        %dma_start3A_325 = tpu.memref_slice %arg7[%add3A_313, %dma_start3A_324] : memref<40x64xi32, #tpu.memory_space<vmem>> -> memref<1x64xi32, #tpu.memory_space<vmem>>
        %dma_start3A_326 = tpu.memref_squeeze %dma_start3A_325 : memref<1x64xi32, #tpu.memory_space<vmem>> -> memref<64xi32, #tpu.memory_space<vmem>>
        %dma_start3A_327 = arith.constant 0 : i32
        %dma_start3A_328 = arith.constant 0 : i32
        %dma_start3A_329 = tpu.memref_slice %arg12[%dma_start3A_327, %dma_start3A_328] : memref<10240x128xf32, #tpu.memory_space<vmem_shared>> -> memref<10240x128xf32, #tpu.memory_space<vmem_shared>>
        tpu.enqueue_indirect_dma source(%arg11 : memref<64x128xf32, #tpu.memory_space<vmem>>) target(%dma_start3A_329 : memref<10240x128xf32, #tpu.memory_space<vmem_shared>>) offsets(%dma_start3A_326 : memref<64xi32, #tpu.memory_space<vmem>>) semaphore(%run_scoped3A : memref<!tpu.dma_semaphore, #tpu.memory_space<semaphore_mem>>) {add = true}
        %dma_wait3A_330 = arith.constant 0 : i32
        %dma_wait3A_331 = tpu.memref_slice %arg7[%add3A_313, %dma_wait3A_330] : memref<40x64xi32, #tpu.memory_space<vmem>> -> memref<1x64xi32, #tpu.memory_space<vmem>>
        %dma_wait3A_332 = tpu.memref_squeeze %dma_wait3A_331 : memref<1x64xi32, #tpu.memory_space<vmem>> -> memref<64xi32, #tpu.memory_space<vmem>>
        %dma_wait3A_333 = arith.constant 0 : i32
        %dma_wait3A_334 = arith.constant 0 : i32
        %dma_wait3A_335 = tpu.memref_slice %arg12[%dma_wait3A_333, %dma_wait3A_334] : memref<10240x128xf32, #tpu.memory_space<vmem_shared>> -> memref<10240x128xf32, #tpu.memory_space<vmem_shared>>
        tpu.wait_indirect_dma semaphore(%run_scoped3A : memref<!tpu.dma_semaphore, #tpu.memory_space<semaphore_mem>>) src(%arg11 : memref<64x128xf32, #tpu.memory_space<vmem>>) dst(%dma_wait3A_335 : memref<10240x128xf32, #tpu.memory_space<vmem_shared>>)
        tpu.yield
      }) : () -> ()
      %add3A_314 = arith.constant 4 : i32
      %add3A_315 = arith.addi %mul3A_247, %add3A_314 : i32
      %add3A_316 = arith.constant 3 : i32
      %add3A_317 = arith.addi %add3A_315, %add3A_316 : i32
      %lt3A_318 = arith.constant 40 : i32
      %lt3A_319 = arith.cmpi slt, %add3A_317, %lt3A_318 : i32
      %convert_element_type3A_320 = arith.extui %lt3A_319 : i1 to i32
      %cond3A_321 = arith.constant 0 : i32
      %cond3A_322 = arith.cmpi ne, %convert_element_type3A_320, %cond3A_321 : i32
      scf.if %cond3A_322 {
        %add3A_324 = arith.constant 4 : i32
        %add3A_325 = arith.addi %mul3A_247, %add3A_324 : i32
        %add3A_326 = arith.constant 3 : i32
        %add3A_327 = arith.addi %add3A_325, %add3A_326 : i32
        %dma_start3A_328 = arith.constant 0 : i32
        %dma_start3A_329 = tpu.memref_slice %arg6[%add3A_327, %dma_start3A_328] : memref<40x64xi32, #tpu.memory_space<vmem>> -> memref<1x64xi32, #tpu.memory_space<vmem>>
        %dma_start3A_330 = tpu.memref_squeeze %dma_start3A_329 : memref<1x64xi32, #tpu.memory_space<vmem>> -> memref<64xi32, #tpu.memory_space<vmem>>
        %dma_start3A_331 = arith.constant 0 : i32
        %dma_start3A_332 = arith.constant 0 : i32
        %dma_start3A_333 = tpu.memref_slice %arg2[%dma_start3A_331, %dma_start3A_332] : memref<10000x128xf32, #tpu.memory_space<hbm>> -> memref<10000x128xf32, #tpu.memory_space<hbm>>
        tpu.enqueue_indirect_dma source(%dma_start3A_333 : memref<10000x128xf32, #tpu.memory_space<hbm>>) target(%arg11 : memref<64x128xf32, #tpu.memory_space<vmem>>) offsets(%dma_start3A_330 : memref<64xi32, #tpu.memory_space<vmem>>) semaphore(%arg16 : memref<!tpu.dma_semaphore, #tpu.memory_space<semaphore_mem>>)
      } else {
      }
      %scan3A_323 = arith.constant 0 : i32
      scf.yield %scan3A_323 : i32
    }
    %scan3A_189 = arith.constant 10 : i32
    %mul3A_190 = arith.constant 160 : i32
    %mul3A_191 = arith.muli %add3A, %mul3A_190 : i32
    %add3A_192 = arith.constant 120 : i32
    %add3A_193 = arith.addi %mul3A_191, %add3A_192 : i32
    %lt3A_194 = arith.constant 31 : i32
    %lt3A_195 = arith.cmpi slt, %add3A, %lt3A_194 : i32
    %convert_element_type3A_196 = arith.extui %lt3A_195 : i1 to i32
    %cond3A_197 = arith.constant 0 : i32
    %cond3A_198 = arith.cmpi ne, %convert_element_type3A_196, %cond3A_197 : i32
    scf.if %cond3A_198 {
      %run_scoped3A = arith.constant 1 : i32
      "tpu.region"() ({
        %run_scoped3A_245 = tpu.sem_alloc : memref<!tpu.dma_semaphore, #tpu.memory_space<semaphore_mem>>
        %dma_start3A_246 = arith.constant 0 : i32
        %dma_start3A_247 = tpu.memref_slice %arg3[%run_scoped3A, %add3A_193, %dma_start3A_246] : memref<2x5000x64xi32, #tpu.memory_space<hbm>> -> memref<1x40x64xi32, #tpu.memory_space<hbm>>
        %dma_start3A_248 = tpu.memref_squeeze %dma_start3A_247 : memref<1x40x64xi32, #tpu.memory_space<hbm>> -> memref<40x64xi32, #tpu.memory_space<hbm>>
        %dma_start3A_249 = arith.constant 0 : i32
        %dma_start3A_250 = tpu.memref_slice %arg3[%run_scoped3A, %add3A_193, %dma_start3A_249] : memref<2x5000x64xi32, #tpu.memory_space<hbm>> -> memref<1x40x64xi32, #tpu.memory_space<hbm>>
        %dma_start3A_251 = tpu.memref_squeeze %dma_start3A_250 : memref<1x40x64xi32, #tpu.memory_space<hbm>> -> memref<40x64xi32, #tpu.memory_space<hbm>>
        tpu.enqueue_dma source(%dma_start3A_251 : memref<40x64xi32, #tpu.memory_space<hbm>>) target(%arg6 : memref<40x64xi32, #tpu.memory_space<vmem>>) target_semaphore(%run_scoped3A_245 : memref<!tpu.dma_semaphore, #tpu.memory_space<semaphore_mem>>)
        %dma_wait3A = arith.constant 0 : i32
        %dma_wait3A_252 = tpu.memref_slice %arg3[%run_scoped3A, %add3A_193, %dma_wait3A] : memref<2x5000x64xi32, #tpu.memory_space<hbm>> -> memref<1x40x64xi32, #tpu.memory_space<hbm>>
        %dma_wait3A_253 = tpu.memref_squeeze %dma_wait3A_252 : memref<1x40x64xi32, #tpu.memory_space<hbm>> -> memref<40x64xi32, #tpu.memory_space<hbm>>
        %dma_wait3A_254 = arith.constant 0 : i32
        %dma_wait3A_255 = tpu.memref_slice %arg3[%run_scoped3A, %add3A_193, %dma_wait3A_254] : memref<2x5000x64xi32, #tpu.memory_space<hbm>> -> memref<1x40x64xi32, #tpu.memory_space<hbm>>
        %dma_wait3A_256 = tpu.memref_squeeze %dma_wait3A_255 : memref<1x40x64xi32, #tpu.memory_space<hbm>> -> memref<40x64xi32, #tpu.memory_space<hbm>>
        tpu.wait_dma2 semaphore(%run_scoped3A_245 : memref<!tpu.dma_semaphore, #tpu.memory_space<semaphore_mem>>) src(%dma_wait3A_256 : memref<40x64xi32, #tpu.memory_space<hbm>>) dst(%arg6 : memref<40x64xi32, #tpu.memory_space<vmem>>)
        tpu.yield
      }) : () -> ()
      %run_scoped3A_244 = arith.constant 0 : i32
      "tpu.region"() ({
        %run_scoped3A_245 = tpu.sem_alloc : memref<!tpu.dma_semaphore, #tpu.memory_space<semaphore_mem>>
        %dma_start3A_246 = arith.constant 0 : i32
        %dma_start3A_247 = tpu.memref_slice %arg3[%run_scoped3A_244, %add3A_193, %dma_start3A_246] : memref<2x5000x64xi32, #tpu.memory_space<hbm>> -> memref<1x40x64xi32, #tpu.memory_space<hbm>>
        %dma_start3A_248 = tpu.memref_squeeze %dma_start3A_247 : memref<1x40x64xi32, #tpu.memory_space<hbm>> -> memref<40x64xi32, #tpu.memory_space<hbm>>
        %dma_start3A_249 = arith.constant 0 : i32
        %dma_start3A_250 = tpu.memref_slice %arg3[%run_scoped3A_244, %add3A_193, %dma_start3A_249] : memref<2x5000x64xi32, #tpu.memory_space<hbm>> -> memref<1x40x64xi32, #tpu.memory_space<hbm>>
        %dma_start3A_251 = tpu.memref_squeeze %dma_start3A_250 : memref<1x40x64xi32, #tpu.memory_space<hbm>> -> memref<40x64xi32, #tpu.memory_space<hbm>>
        tpu.enqueue_dma source(%dma_start3A_251 : memref<40x64xi32, #tpu.memory_space<hbm>>) target(%arg7 : memref<40x64xi32, #tpu.memory_space<vmem>>) target_semaphore(%run_scoped3A_245 : memref<!tpu.dma_semaphore, #tpu.memory_space<semaphore_mem>>)
        %dma_wait3A = arith.constant 0 : i32
        %dma_wait3A_252 = tpu.memref_slice %arg3[%run_scoped3A_244, %add3A_193, %dma_wait3A] : memref<2x5000x64xi32, #tpu.memory_space<hbm>> -> memref<1x40x64xi32, #tpu.memory_space<hbm>>
        %dma_wait3A_253 = tpu.memref_squeeze %dma_wait3A_252 : memref<1x40x64xi32, #tpu.memory_space<hbm>> -> memref<40x64xi32, #tpu.memory_space<hbm>>
        %dma_wait3A_254 = arith.constant 0 : i32
        %dma_wait3A_255 = tpu.memref_slice %arg3[%run_scoped3A_244, %add3A_193, %dma_wait3A_254] : memref<2x5000x64xi32, #tpu.memory_space<hbm>> -> memref<1x40x64xi32, #tpu.memory_space<hbm>>
        %dma_wait3A_256 = tpu.memref_squeeze %dma_wait3A_255 : memref<1x40x64xi32, #tpu.memory_space<hbm>> -> memref<40x64xi32, #tpu.memory_space<hbm>>
        tpu.wait_dma2 semaphore(%run_scoped3A_245 : memref<!tpu.dma_semaphore, #tpu.memory_space<semaphore_mem>>) src(%dma_wait3A_256 : memref<40x64xi32, #tpu.memory_space<hbm>>) dst(%arg7 : memref<40x64xi32, #tpu.memory_space<vmem>>)
        tpu.yield
      }) : () -> ()
    } else {
    }
    %eq3A_199 = arith.constant 31 : i32
    %eq3A_200 = arith.cmpi eq, %add3A, %eq3A_199 : i32
    %convert_element_type3A_201 = arith.extui %eq3A_200 : i1 to i32
    %cond3A_202 = arith.constant 0 : i32
    %cond3A_203 = arith.cmpi ne, %convert_element_type3A_201, %cond3A_202 : i32
    scf.if %cond3A_203 {
      %run_scoped3A = arith.constant 1 : i32
      "tpu.region"() ({
        %run_scoped3A_245 = tpu.sem_alloc : memref<!tpu.dma_semaphore, #tpu.memory_space<semaphore_mem>>
        %dma_start3A_246 = arith.constant 120 : i32
        %dma_start3A_247 = arith.constant 0 : i32
        %dma_start3A_248 = tpu.memref_slice %arg4[%run_scoped3A, %dma_start3A_246, %dma_start3A_247] : memref<2x160x64xi32, #tpu.memory_space<hbm>> -> memref<1x40x64xi32, #tpu.memory_space<hbm>>
        %dma_start3A_249 = tpu.memref_squeeze %dma_start3A_248 : memref<1x40x64xi32, #tpu.memory_space<hbm>> -> memref<40x64xi32, #tpu.memory_space<hbm>>
        %dma_start3A_250 = arith.constant 120 : i32
        %dma_start3A_251 = arith.constant 0 : i32
        %dma_start3A_252 = tpu.memref_slice %arg4[%run_scoped3A, %dma_start3A_250, %dma_start3A_251] : memref<2x160x64xi32, #tpu.memory_space<hbm>> -> memref<1x40x64xi32, #tpu.memory_space<hbm>>
        %dma_start3A_253 = tpu.memref_squeeze %dma_start3A_252 : memref<1x40x64xi32, #tpu.memory_space<hbm>> -> memref<40x64xi32, #tpu.memory_space<hbm>>
        tpu.enqueue_dma source(%dma_start3A_253 : memref<40x64xi32, #tpu.memory_space<hbm>>) target(%arg6 : memref<40x64xi32, #tpu.memory_space<vmem>>) target_semaphore(%run_scoped3A_245 : memref<!tpu.dma_semaphore, #tpu.memory_space<semaphore_mem>>)
        %dma_wait3A = arith.constant 120 : i32
        %dma_wait3A_254 = arith.constant 0 : i32
        %dma_wait3A_255 = tpu.memref_slice %arg4[%run_scoped3A, %dma_wait3A, %dma_wait3A_254] : memref<2x160x64xi32, #tpu.memory_space<hbm>> -> memref<1x40x64xi32, #tpu.memory_space<hbm>>
        %dma_wait3A_256 = tpu.memref_squeeze %dma_wait3A_255 : memref<1x40x64xi32, #tpu.memory_space<hbm>> -> memref<40x64xi32, #tpu.memory_space<hbm>>
        %dma_wait3A_257 = arith.constant 120 : i32
        %dma_wait3A_258 = arith.constant 0 : i32
        %dma_wait3A_259 = tpu.memref_slice %arg4[%run_scoped3A, %dma_wait3A_257, %dma_wait3A_258] : memref<2x160x64xi32, #tpu.memory_space<hbm>> -> memref<1x40x64xi32, #tpu.memory_space<hbm>>
        %dma_wait3A_260 = tpu.memref_squeeze %dma_wait3A_259 : memref<1x40x64xi32, #tpu.memory_space<hbm>> -> memref<40x64xi32, #tpu.memory_space<hbm>>
        tpu.wait_dma2 semaphore(%run_scoped3A_245 : memref<!tpu.dma_semaphore, #tpu.memory_space<semaphore_mem>>) src(%dma_wait3A_260 : memref<40x64xi32, #tpu.memory_space<hbm>>) dst(%arg6 : memref<40x64xi32, #tpu.memory_space<vmem>>)
        tpu.yield
      }) : () -> ()
      %run_scoped3A_244 = arith.constant 0 : i32
      "tpu.region"() ({
        %run_scoped3A_245 = tpu.sem_alloc : memref<!tpu.dma_semaphore, #tpu.memory_space<semaphore_mem>>
        %dma_start3A_246 = arith.constant 120 : i32
        %dma_start3A_247 = arith.constant 0 : i32
        %dma_start3A_248 = tpu.memref_slice %arg4[%run_scoped3A_244, %dma_start3A_246, %dma_start3A_247] : memref<2x160x64xi32, #tpu.memory_space<hbm>> -> memref<1x40x64xi32, #tpu.memory_space<hbm>>
        %dma_start3A_249 = tpu.memref_squeeze %dma_start3A_248 : memref<1x40x64xi32, #tpu.memory_space<hbm>> -> memref<40x64xi32, #tpu.memory_space<hbm>>
        %dma_start3A_250 = arith.constant 120 : i32
        %dma_start3A_251 = arith.constant 0 : i32
        %dma_start3A_252 = tpu.memref_slice %arg4[%run_scoped3A_244, %dma_start3A_250, %dma_start3A_251] : memref<2x160x64xi32, #tpu.memory_space<hbm>> -> memref<1x40x64xi32, #tpu.memory_space<hbm>>
        %dma_start3A_253 = tpu.memref_squeeze %dma_start3A_252 : memref<1x40x64xi32, #tpu.memory_space<hbm>> -> memref<40x64xi32, #tpu.memory_space<hbm>>
        tpu.enqueue_dma source(%dma_start3A_253 : memref<40x64xi32, #tpu.memory_space<hbm>>) target(%arg7 : memref<40x64xi32, #tpu.memory_space<vmem>>) target_semaphore(%run_scoped3A_245 : memref<!tpu.dma_semaphore, #tpu.memory_space<semaphore_mem>>)
        %dma_wait3A = arith.constant 120 : i32
        %dma_wait3A_254 = arith.constant 0 : i32
        %dma_wait3A_255 = tpu.memref_slice %arg4[%run_scoped3A_244, %dma_wait3A, %dma_wait3A_254] : memref<2x160x64xi32, #tpu.memory_space<hbm>> -> memref<1x40x64xi32, #tpu.memory_space<hbm>>
        %dma_wait3A_256 = tpu.memref_squeeze %dma_wait3A_255 : memref<1x40x64xi32, #tpu.memory_space<hbm>> -> memref<40x64xi32, #tpu.memory_space<hbm>>
        %dma_wait3A_257 = arith.constant 120 : i32
        %dma_wait3A_258 = arith.constant 0 : i32
        %dma_wait3A_259 = tpu.memref_slice %arg4[%run_scoped3A_244, %dma_wait3A_257, %dma_wait3A_258] : memref<2x160x64xi32, #tpu.memory_space<hbm>> -> memref<1x40x64xi32, #tpu.memory_space<hbm>>
        %dma_wait3A_260 = tpu.memref_squeeze %dma_wait3A_259 : memref<1x40x64xi32, #tpu.memory_space<hbm>> -> memref<40x64xi32, #tpu.memory_space<hbm>>
        tpu.wait_dma2 semaphore(%run_scoped3A_245 : memref<!tpu.dma_semaphore, #tpu.memory_space<semaphore_mem>>) src(%dma_wait3A_260 : memref<40x64xi32, #tpu.memory_space<hbm>>) dst(%arg7 : memref<40x64xi32, #tpu.memory_space<vmem>>)
        tpu.yield
      }) : () -> ()
    } else {
    }
    %dma_start3A_204 = arith.constant 0 : i32
    %dma_start3A_205 = arith.constant 0 : i32
    %dma_start3A_206 = tpu.memref_slice %arg6[%dma_start3A_204, %dma_start3A_205] : memref<40x64xi32, #tpu.memory_space<vmem>> -> memref<1x64xi32, #tpu.memory_space<vmem>>
    %dma_start3A_207 = tpu.memref_squeeze %dma_start3A_206 : memref<1x64xi32, #tpu.memory_space<vmem>> -> memref<64xi32, #tpu.memory_space<vmem>>
    %dma_start3A_208 = arith.constant 0 : i32
    %dma_start3A_209 = arith.constant 0 : i32
    %dma_start3A_210 = tpu.memref_slice %arg2[%dma_start3A_208, %dma_start3A_209] : memref<10000x128xf32, #tpu.memory_space<hbm>> -> memref<10000x128xf32, #tpu.memory_space<hbm>>
    tpu.enqueue_indirect_dma source(%dma_start3A_210 : memref<10000x128xf32, #tpu.memory_space<hbm>>) target(%arg8 : memref<64x128xf32, #tpu.memory_space<vmem>>) offsets(%dma_start3A_207 : memref<64xi32, #tpu.memory_space<vmem>>) semaphore(%arg13 : memref<!tpu.dma_semaphore, #tpu.memory_space<semaphore_mem>>)
    %dma_start3A_211 = arith.constant 1 : i32
    %dma_start3A_212 = arith.constant 0 : i32
    %dma_start3A_213 = tpu.memref_slice %arg6[%dma_start3A_211, %dma_start3A_212] : memref<40x64xi32, #tpu.memory_space<vmem>> -> memref<1x64xi32, #tpu.memory_space<vmem>>
    %dma_start3A_214 = tpu.memref_squeeze %dma_start3A_213 : memref<1x64xi32, #tpu.memory_space<vmem>> -> memref<64xi32, #tpu.memory_space<vmem>>
    %dma_start3A_215 = arith.constant 0 : i32
    %dma_start3A_216 = arith.constant 0 : i32
    %dma_start3A_217 = tpu.memref_slice %arg2[%dma_start3A_215, %dma_start3A_216] : memref<10000x128xf32, #tpu.memory_space<hbm>> -> memref<10000x128xf32, #tpu.memory_space<hbm>>
    tpu.enqueue_indirect_dma source(%dma_start3A_217 : memref<10000x128xf32, #tpu.memory_space<hbm>>) target(%arg9 : memref<64x128xf32, #tpu.memory_space<vmem>>) offsets(%dma_start3A_214 : memref<64xi32, #tpu.memory_space<vmem>>) semaphore(%arg14 : memref<!tpu.dma_semaphore, #tpu.memory_space<semaphore_mem>>)
    %dma_start3A_218 = arith.constant 2 : i32
    %dma_start3A_219 = arith.constant 0 : i32
    %dma_start3A_220 = tpu.memref_slice %arg6[%dma_start3A_218, %dma_start3A_219] : memref<40x64xi32, #tpu.memory_space<vmem>> -> memref<1x64xi32, #tpu.memory_space<vmem>>
    %dma_start3A_221 = tpu.memref_squeeze %dma_start3A_220 : memref<1x64xi32, #tpu.memory_space<vmem>> -> memref<64xi32, #tpu.memory_space<vmem>>
    %dma_start3A_222 = arith.constant 0 : i32
    %dma_start3A_223 = arith.constant 0 : i32
    %dma_start3A_224 = tpu.memref_slice %arg2[%dma_start3A_222, %dma_start3A_223] : memref<10000x128xf32, #tpu.memory_space<hbm>> -> memref<10000x128xf32, #tpu.memory_space<hbm>>
    tpu.enqueue_indirect_dma source(%dma_start3A_224 : memref<10000x128xf32, #tpu.memory_space<hbm>>) target(%arg10 : memref<64x128xf32, #tpu.memory_space<vmem>>) offsets(%dma_start3A_221 : memref<64xi32, #tpu.memory_space<vmem>>) semaphore(%arg15 : memref<!tpu.dma_semaphore, #tpu.memory_space<semaphore_mem>>)
    %dma_start3A_225 = arith.constant 3 : i32
    %dma_start3A_226 = arith.constant 0 : i32
    %dma_start3A_227 = tpu.memref_slice %arg6[%dma_start3A_225, %dma_start3A_226] : memref<40x64xi32, #tpu.memory_space<vmem>> -> memref<1x64xi32, #tpu.memory_space<vmem>>
    %dma_start3A_228 = tpu.memref_squeeze %dma_start3A_227 : memref<1x64xi32, #tpu.memory_space<vmem>> -> memref<64xi32, #tpu.memory_space<vmem>>
    %dma_start3A_229 = arith.constant 0 : i32
    %dma_start3A_230 = arith.constant 0 : i32
    %dma_start3A_231 = tpu.memref_slice %arg2[%dma_start3A_229, %dma_start3A_230] : memref<10000x128xf32, #tpu.memory_space<hbm>> -> memref<10000x128xf32, #tpu.memory_space<hbm>>
    tpu.enqueue_indirect_dma source(%dma_start3A_231 : memref<10000x128xf32, #tpu.memory_space<hbm>>) target(%arg11 : memref<64x128xf32, #tpu.memory_space<vmem>>) offsets(%dma_start3A_228 : memref<64xi32, #tpu.memory_space<vmem>>) semaphore(%arg16 : memref<!tpu.dma_semaphore, #tpu.memory_space<semaphore_mem>>)
    %scan3A_232 = arith.constant 0 : i32
    %scan3A_233 = arith.constant 0 : i32
    %scan3A_234 = arith.constant 10 : i32
    %scan3A_235 = arith.addi %scan3A_233, %scan3A_234 : i32
    %scan3A_236 = arith.constant 1 : i32
    %scan3A_237 = scf.for %scan3A_244 = %scan3A_233 to %scan3A_235 step %scan3A_236 iter_args(%scan3A_245 = %scan3A_232) -> (i32)  : i32 {
      %mul3A_246 = arith.constant 4 : i32
      %mul3A_247 = arith.muli %mul3A_246, %scan3A_244 : i32
      %add3A_248 = arith.constant 0 : i32
      %add3A_249 = arith.addi %mul3A_247, %add3A_248 : i32
      %dma_wait3A = arith.constant 0 : i32
      %dma_wait3A_250 = tpu.memref_slice %arg6[%add3A_249, %dma_wait3A] : memref<40x64xi32, #tpu.memory_space<vmem>> -> memref<1x64xi32, #tpu.memory_space<vmem>>
      %dma_wait3A_251 = tpu.memref_squeeze %dma_wait3A_250 : memref<1x64xi32, #tpu.memory_space<vmem>> -> memref<64xi32, #tpu.memory_space<vmem>>
      %dma_wait3A_252 = arith.constant 0 : i32
      %dma_wait3A_253 = arith.constant 0 : i32
      %dma_wait3A_254 = tpu.memref_slice %arg2[%dma_wait3A_252, %dma_wait3A_253] : memref<10000x128xf32, #tpu.memory_space<hbm>> -> memref<10000x128xf32, #tpu.memory_space<hbm>>
      tpu.wait_indirect_dma semaphore(%arg13 : memref<!tpu.dma_semaphore, #tpu.memory_space<semaphore_mem>>) src(%dma_wait3A_254 : memref<10000x128xf32, #tpu.memory_space<hbm>>) dst(%arg8 : memref<64x128xf32, #tpu.memory_space<vmem>>)
      %add3A_255 = arith.constant 0 : i32
      %add3A_256 = arith.addi %mul3A_247, %add3A_255 : i32
      "tpu.region"() ({
        %run_scoped3A = tpu.sem_alloc : memref<!tpu.dma_semaphore, #tpu.memory_space<semaphore_mem>>
        %dma_start3A_324 = arith.constant 0 : i32
        %dma_start3A_325 = tpu.memref_slice %arg7[%add3A_256, %dma_start3A_324] : memref<40x64xi32, #tpu.memory_space<vmem>> -> memref<1x64xi32, #tpu.memory_space<vmem>>
        %dma_start3A_326 = tpu.memref_squeeze %dma_start3A_325 : memref<1x64xi32, #tpu.memory_space<vmem>> -> memref<64xi32, #tpu.memory_space<vmem>>
        %dma_start3A_327 = arith.constant 0 : i32
        %dma_start3A_328 = arith.constant 0 : i32
        %dma_start3A_329 = tpu.memref_slice %arg12[%dma_start3A_327, %dma_start3A_328] : memref<10240x128xf32, #tpu.memory_space<vmem_shared>> -> memref<10240x128xf32, #tpu.memory_space<vmem_shared>>
        tpu.enqueue_indirect_dma source(%arg8 : memref<64x128xf32, #tpu.memory_space<vmem>>) target(%dma_start3A_329 : memref<10240x128xf32, #tpu.memory_space<vmem_shared>>) offsets(%dma_start3A_326 : memref<64xi32, #tpu.memory_space<vmem>>) semaphore(%run_scoped3A : memref<!tpu.dma_semaphore, #tpu.memory_space<semaphore_mem>>) {add = true}
        %dma_wait3A_330 = arith.constant 0 : i32
        %dma_wait3A_331 = tpu.memref_slice %arg7[%add3A_256, %dma_wait3A_330] : memref<40x64xi32, #tpu.memory_space<vmem>> -> memref<1x64xi32, #tpu.memory_space<vmem>>
        %dma_wait3A_332 = tpu.memref_squeeze %dma_wait3A_331 : memref<1x64xi32, #tpu.memory_space<vmem>> -> memref<64xi32, #tpu.memory_space<vmem>>
        %dma_wait3A_333 = arith.constant 0 : i32
        %dma_wait3A_334 = arith.constant 0 : i32
        %dma_wait3A_335 = tpu.memref_slice %arg12[%dma_wait3A_333, %dma_wait3A_334] : memref<10240x128xf32, #tpu.memory_space<vmem_shared>> -> memref<10240x128xf32, #tpu.memory_space<vmem_shared>>
        tpu.wait_indirect_dma semaphore(%run_scoped3A : memref<!tpu.dma_semaphore, #tpu.memory_space<semaphore_mem>>) src(%arg8 : memref<64x128xf32, #tpu.memory_space<vmem>>) dst(%dma_wait3A_335 : memref<10240x128xf32, #tpu.memory_space<vmem_shared>>)
        tpu.yield
      }) : () -> ()
      %add3A_257 = arith.constant 4 : i32
      %add3A_258 = arith.addi %mul3A_247, %add3A_257 : i32
      %add3A_259 = arith.constant 0 : i32
      %add3A_260 = arith.addi %add3A_258, %add3A_259 : i32
      %lt3A_261 = arith.constant 40 : i32
      %lt3A_262 = arith.cmpi slt, %add3A_260, %lt3A_261 : i32
      %convert_element_type3A_263 = arith.extui %lt3A_262 : i1 to i32
      %cond3A_264 = arith.constant 0 : i32
      %cond3A_265 = arith.cmpi ne, %convert_element_type3A_263, %cond3A_264 : i32
      scf.if %cond3A_265 {
        %add3A_324 = arith.constant 4 : i32
        %add3A_325 = arith.addi %mul3A_247, %add3A_324 : i32
        %add3A_326 = arith.constant 0 : i32
        %add3A_327 = arith.addi %add3A_325, %add3A_326 : i32
        %dma_start3A_328 = arith.constant 0 : i32
        %dma_start3A_329 = tpu.memref_slice %arg6[%add3A_327, %dma_start3A_328] : memref<40x64xi32, #tpu.memory_space<vmem>> -> memref<1x64xi32, #tpu.memory_space<vmem>>
        %dma_start3A_330 = tpu.memref_squeeze %dma_start3A_329 : memref<1x64xi32, #tpu.memory_space<vmem>> -> memref<64xi32, #tpu.memory_space<vmem>>
        %dma_start3A_331 = arith.constant 0 : i32
        %dma_start3A_332 = arith.constant 0 : i32
        %dma_start3A_333 = tpu.memref_slice %arg2[%dma_start3A_331, %dma_start3A_332] : memref<10000x128xf32, #tpu.memory_space<hbm>> -> memref<10000x128xf32, #tpu.memory_space<hbm>>
        tpu.enqueue_indirect_dma source(%dma_start3A_333 : memref<10000x128xf32, #tpu.memory_space<hbm>>) target(%arg8 : memref<64x128xf32, #tpu.memory_space<vmem>>) offsets(%dma_start3A_330 : memref<64xi32, #tpu.memory_space<vmem>>) semaphore(%arg13 : memref<!tpu.dma_semaphore, #tpu.memory_space<semaphore_mem>>)
      } else {
      }
      %add3A_266 = arith.constant 1 : i32
      %add3A_267 = arith.addi %mul3A_247, %add3A_266 : i32
      %dma_wait3A_268 = arith.constant 0 : i32
      %dma_wait3A_269 = tpu.memref_slice %arg6[%add3A_267, %dma_wait3A_268] : memref<40x64xi32, #tpu.memory_space<vmem>> -> memref<1x64xi32, #tpu.memory_space<vmem>>
      %dma_wait3A_270 = tpu.memref_squeeze %dma_wait3A_269 : memref<1x64xi32, #tpu.memory_space<vmem>> -> memref<64xi32, #tpu.memory_space<vmem>>
      %dma_wait3A_271 = arith.constant 0 : i32
      %dma_wait3A_272 = arith.constant 0 : i32
      %dma_wait3A_273 = tpu.memref_slice %arg2[%dma_wait3A_271, %dma_wait3A_272] : memref<10000x128xf32, #tpu.memory_space<hbm>> -> memref<10000x128xf32, #tpu.memory_space<hbm>>
      tpu.wait_indirect_dma semaphore(%arg14 : memref<!tpu.dma_semaphore, #tpu.memory_space<semaphore_mem>>) src(%dma_wait3A_273 : memref<10000x128xf32, #tpu.memory_space<hbm>>) dst(%arg9 : memref<64x128xf32, #tpu.memory_space<vmem>>)
      %add3A_274 = arith.constant 1 : i32
      %add3A_275 = arith.addi %mul3A_247, %add3A_274 : i32
      "tpu.region"() ({
        %run_scoped3A = tpu.sem_alloc : memref<!tpu.dma_semaphore, #tpu.memory_space<semaphore_mem>>
        %dma_start3A_324 = arith.constant 0 : i32
        %dma_start3A_325 = tpu.memref_slice %arg7[%add3A_275, %dma_start3A_324] : memref<40x64xi32, #tpu.memory_space<vmem>> -> memref<1x64xi32, #tpu.memory_space<vmem>>
        %dma_start3A_326 = tpu.memref_squeeze %dma_start3A_325 : memref<1x64xi32, #tpu.memory_space<vmem>> -> memref<64xi32, #tpu.memory_space<vmem>>
        %dma_start3A_327 = arith.constant 0 : i32
        %dma_start3A_328 = arith.constant 0 : i32
        %dma_start3A_329 = tpu.memref_slice %arg12[%dma_start3A_327, %dma_start3A_328] : memref<10240x128xf32, #tpu.memory_space<vmem_shared>> -> memref<10240x128xf32, #tpu.memory_space<vmem_shared>>
        tpu.enqueue_indirect_dma source(%arg9 : memref<64x128xf32, #tpu.memory_space<vmem>>) target(%dma_start3A_329 : memref<10240x128xf32, #tpu.memory_space<vmem_shared>>) offsets(%dma_start3A_326 : memref<64xi32, #tpu.memory_space<vmem>>) semaphore(%run_scoped3A : memref<!tpu.dma_semaphore, #tpu.memory_space<semaphore_mem>>) {add = true}
        %dma_wait3A_330 = arith.constant 0 : i32
        %dma_wait3A_331 = tpu.memref_slice %arg7[%add3A_275, %dma_wait3A_330] : memref<40x64xi32, #tpu.memory_space<vmem>> -> memref<1x64xi32, #tpu.memory_space<vmem>>
        %dma_wait3A_332 = tpu.memref_squeeze %dma_wait3A_331 : memref<1x64xi32, #tpu.memory_space<vmem>> -> memref<64xi32, #tpu.memory_space<vmem>>
        %dma_wait3A_333 = arith.constant 0 : i32
        %dma_wait3A_334 = arith.constant 0 : i32
        %dma_wait3A_335 = tpu.memref_slice %arg12[%dma_wait3A_333, %dma_wait3A_334] : memref<10240x128xf32, #tpu.memory_space<vmem_shared>> -> memref<10240x128xf32, #tpu.memory_space<vmem_shared>>
        tpu.wait_indirect_dma semaphore(%run_scoped3A : memref<!tpu.dma_semaphore, #tpu.memory_space<semaphore_mem>>) src(%arg9 : memref<64x128xf32, #tpu.memory_space<vmem>>) dst(%dma_wait3A_335 : memref<10240x128xf32, #tpu.memory_space<vmem_shared>>)
        tpu.yield
      }) : () -> ()
      %add3A_276 = arith.constant 4 : i32
      %add3A_277 = arith.addi %mul3A_247, %add3A_276 : i32
      %add3A_278 = arith.constant 1 : i32
      %add3A_279 = arith.addi %add3A_277, %add3A_278 : i32
      %lt3A_280 = arith.constant 40 : i32
      %lt3A_281 = arith.cmpi slt, %add3A_279, %lt3A_280 : i32
      %convert_element_type3A_282 = arith.extui %lt3A_281 : i1 to i32
      %cond3A_283 = arith.constant 0 : i32
      %cond3A_284 = arith.cmpi ne, %convert_element_type3A_282, %cond3A_283 : i32
      scf.if %cond3A_284 {
        %add3A_324 = arith.constant 4 : i32
        %add3A_325 = arith.addi %mul3A_247, %add3A_324 : i32
        %add3A_326 = arith.constant 1 : i32
        %add3A_327 = arith.addi %add3A_325, %add3A_326 : i32
        %dma_start3A_328 = arith.constant 0 : i32
        %dma_start3A_329 = tpu.memref_slice %arg6[%add3A_327, %dma_start3A_328] : memref<40x64xi32, #tpu.memory_space<vmem>> -> memref<1x64xi32, #tpu.memory_space<vmem>>
        %dma_start3A_330 = tpu.memref_squeeze %dma_start3A_329 : memref<1x64xi32, #tpu.memory_space<vmem>> -> memref<64xi32, #tpu.memory_space<vmem>>
        %dma_start3A_331 = arith.constant 0 : i32
        %dma_start3A_332 = arith.constant 0 : i32
        %dma_start3A_333 = tpu.memref_slice %arg2[%dma_start3A_331, %dma_start3A_332] : memref<10000x128xf32, #tpu.memory_space<hbm>> -> memref<10000x128xf32, #tpu.memory_space<hbm>>
        tpu.enqueue_indirect_dma source(%dma_start3A_333 : memref<10000x128xf32, #tpu.memory_space<hbm>>) target(%arg9 : memref<64x128xf32, #tpu.memory_space<vmem>>) offsets(%dma_start3A_330 : memref<64xi32, #tpu.memory_space<vmem>>) semaphore(%arg14 : memref<!tpu.dma_semaphore, #tpu.memory_space<semaphore_mem>>)
      } else {
      }
      %add3A_285 = arith.constant 2 : i32
      %add3A_286 = arith.addi %mul3A_247, %add3A_285 : i32
      %dma_wait3A_287 = arith.constant 0 : i32
      %dma_wait3A_288 = tpu.memref_slice %arg6[%add3A_286, %dma_wait3A_287] : memref<40x64xi32, #tpu.memory_space<vmem>> -> memref<1x64xi32, #tpu.memory_space<vmem>>
      %dma_wait3A_289 = tpu.memref_squeeze %dma_wait3A_288 : memref<1x64xi32, #tpu.memory_space<vmem>> -> memref<64xi32, #tpu.memory_space<vmem>>
      %dma_wait3A_290 = arith.constant 0 : i32
      %dma_wait3A_291 = arith.constant 0 : i32
      %dma_wait3A_292 = tpu.memref_slice %arg2[%dma_wait3A_290, %dma_wait3A_291] : memref<10000x128xf32, #tpu.memory_space<hbm>> -> memref<10000x128xf32, #tpu.memory_space<hbm>>
      tpu.wait_indirect_dma semaphore(%arg15 : memref<!tpu.dma_semaphore, #tpu.memory_space<semaphore_mem>>) src(%dma_wait3A_292 : memref<10000x128xf32, #tpu.memory_space<hbm>>) dst(%arg10 : memref<64x128xf32, #tpu.memory_space<vmem>>)
      %add3A_293 = arith.constant 2 : i32
      %add3A_294 = arith.addi %mul3A_247, %add3A_293 : i32
      "tpu.region"() ({
        %run_scoped3A = tpu.sem_alloc : memref<!tpu.dma_semaphore, #tpu.memory_space<semaphore_mem>>
        %dma_start3A_324 = arith.constant 0 : i32
        %dma_start3A_325 = tpu.memref_slice %arg7[%add3A_294, %dma_start3A_324] : memref<40x64xi32, #tpu.memory_space<vmem>> -> memref<1x64xi32, #tpu.memory_space<vmem>>
        %dma_start3A_326 = tpu.memref_squeeze %dma_start3A_325 : memref<1x64xi32, #tpu.memory_space<vmem>> -> memref<64xi32, #tpu.memory_space<vmem>>
        %dma_start3A_327 = arith.constant 0 : i32
        %dma_start3A_328 = arith.constant 0 : i32
        %dma_start3A_329 = tpu.memref_slice %arg12[%dma_start3A_327, %dma_start3A_328] : memref<10240x128xf32, #tpu.memory_space<vmem_shared>> -> memref<10240x128xf32, #tpu.memory_space<vmem_shared>>
        tpu.enqueue_indirect_dma source(%arg10 : memref<64x128xf32, #tpu.memory_space<vmem>>) target(%dma_start3A_329 : memref<10240x128xf32, #tpu.memory_space<vmem_shared>>) offsets(%dma_start3A_326 : memref<64xi32, #tpu.memory_space<vmem>>) semaphore(%run_scoped3A : memref<!tpu.dma_semaphore, #tpu.memory_space<semaphore_mem>>) {add = true}
        %dma_wait3A_330 = arith.constant 0 : i32
        %dma_wait3A_331 = tpu.memref_slice %arg7[%add3A_294, %dma_wait3A_330] : memref<40x64xi32, #tpu.memory_space<vmem>> -> memref<1x64xi32, #tpu.memory_space<vmem>>
        %dma_wait3A_332 = tpu.memref_squeeze %dma_wait3A_331 : memref<1x64xi32, #tpu.memory_space<vmem>> -> memref<64xi32, #tpu.memory_space<vmem>>
        %dma_wait3A_333 = arith.constant 0 : i32
        %dma_wait3A_334 = arith.constant 0 : i32
        %dma_wait3A_335 = tpu.memref_slice %arg12[%dma_wait3A_333, %dma_wait3A_334] : memref<10240x128xf32, #tpu.memory_space<vmem_shared>> -> memref<10240x128xf32, #tpu.memory_space<vmem_shared>>
        tpu.wait_indirect_dma semaphore(%run_scoped3A : memref<!tpu.dma_semaphore, #tpu.memory_space<semaphore_mem>>) src(%arg10 : memref<64x128xf32, #tpu.memory_space<vmem>>) dst(%dma_wait3A_335 : memref<10240x128xf32, #tpu.memory_space<vmem_shared>>)
        tpu.yield
      }) : () -> ()
      %add3A_295 = arith.constant 4 : i32
      %add3A_296 = arith.addi %mul3A_247, %add3A_295 : i32
      %add3A_297 = arith.constant 2 : i32
      %add3A_298 = arith.addi %add3A_296, %add3A_297 : i32
      %lt3A_299 = arith.constant 40 : i32
      %lt3A_300 = arith.cmpi slt, %add3A_298, %lt3A_299 : i32
      %convert_element_type3A_301 = arith.extui %lt3A_300 : i1 to i32
      %cond3A_302 = arith.constant 0 : i32
      %cond3A_303 = arith.cmpi ne, %convert_element_type3A_301, %cond3A_302 : i32
      scf.if %cond3A_303 {
        %add3A_324 = arith.constant 4 : i32
        %add3A_325 = arith.addi %mul3A_247, %add3A_324 : i32
        %add3A_326 = arith.constant 2 : i32
        %add3A_327 = arith.addi %add3A_325, %add3A_326 : i32
        %dma_start3A_328 = arith.constant 0 : i32
        %dma_start3A_329 = tpu.memref_slice %arg6[%add3A_327, %dma_start3A_328] : memref<40x64xi32, #tpu.memory_space<vmem>> -> memref<1x64xi32, #tpu.memory_space<vmem>>
        %dma_start3A_330 = tpu.memref_squeeze %dma_start3A_329 : memref<1x64xi32, #tpu.memory_space<vmem>> -> memref<64xi32, #tpu.memory_space<vmem>>
        %dma_start3A_331 = arith.constant 0 : i32
        %dma_start3A_332 = arith.constant 0 : i32
        %dma_start3A_333 = tpu.memref_slice %arg2[%dma_start3A_331, %dma_start3A_332] : memref<10000x128xf32, #tpu.memory_space<hbm>> -> memref<10000x128xf32, #tpu.memory_space<hbm>>
        tpu.enqueue_indirect_dma source(%dma_start3A_333 : memref<10000x128xf32, #tpu.memory_space<hbm>>) target(%arg10 : memref<64x128xf32, #tpu.memory_space<vmem>>) offsets(%dma_start3A_330 : memref<64xi32, #tpu.memory_space<vmem>>) semaphore(%arg15 : memref<!tpu.dma_semaphore, #tpu.memory_space<semaphore_mem>>)
      } else {
      }
      %add3A_304 = arith.constant 3 : i32
      %add3A_305 = arith.addi %mul3A_247, %add3A_304 : i32
      %dma_wait3A_306 = arith.constant 0 : i32
      %dma_wait3A_307 = tpu.memref_slice %arg6[%add3A_305, %dma_wait3A_306] : memref<40x64xi32, #tpu.memory_space<vmem>> -> memref<1x64xi32, #tpu.memory_space<vmem>>
      %dma_wait3A_308 = tpu.memref_squeeze %dma_wait3A_307 : memref<1x64xi32, #tpu.memory_space<vmem>> -> memref<64xi32, #tpu.memory_space<vmem>>
      %dma_wait3A_309 = arith.constant 0 : i32
      %dma_wait3A_310 = arith.constant 0 : i32
      %dma_wait3A_311 = tpu.memref_slice %arg2[%dma_wait3A_309, %dma_wait3A_310] : memref<10000x128xf32, #tpu.memory_space<hbm>> -> memref<10000x128xf32, #tpu.memory_space<hbm>>
      tpu.wait_indirect_dma semaphore(%arg16 : memref<!tpu.dma_semaphore, #tpu.memory_space<semaphore_mem>>) src(%dma_wait3A_311 : memref<10000x128xf32, #tpu.memory_space<hbm>>) dst(%arg11 : memref<64x128xf32, #tpu.memory_space<vmem>>)
      %add3A_312 = arith.constant 3 : i32
      %add3A_313 = arith.addi %mul3A_247, %add3A_312 : i32
      "tpu.region"() ({
        %run_scoped3A = tpu.sem_alloc : memref<!tpu.dma_semaphore, #tpu.memory_space<semaphore_mem>>
        %dma_start3A_324 = arith.constant 0 : i32
        %dma_start3A_325 = tpu.memref_slice %arg7[%add3A_313, %dma_start3A_324] : memref<40x64xi32, #tpu.memory_space<vmem>> -> memref<1x64xi32, #tpu.memory_space<vmem>>
        %dma_start3A_326 = tpu.memref_squeeze %dma_start3A_325 : memref<1x64xi32, #tpu.memory_space<vmem>> -> memref<64xi32, #tpu.memory_space<vmem>>
        %dma_start3A_327 = arith.constant 0 : i32
        %dma_start3A_328 = arith.constant 0 : i32
        %dma_start3A_329 = tpu.memref_slice %arg12[%dma_start3A_327, %dma_start3A_328] : memref<10240x128xf32, #tpu.memory_space<vmem_shared>> -> memref<10240x128xf32, #tpu.memory_space<vmem_shared>>
        tpu.enqueue_indirect_dma source(%arg11 : memref<64x128xf32, #tpu.memory_space<vmem>>) target(%dma_start3A_329 : memref<10240x128xf32, #tpu.memory_space<vmem_shared>>) offsets(%dma_start3A_326 : memref<64xi32, #tpu.memory_space<vmem>>) semaphore(%run_scoped3A : memref<!tpu.dma_semaphore, #tpu.memory_space<semaphore_mem>>) {add = true}
        %dma_wait3A_330 = arith.constant 0 : i32
        %dma_wait3A_331 = tpu.memref_slice %arg7[%add3A_313, %dma_wait3A_330] : memref<40x64xi32, #tpu.memory_space<vmem>> -> memref<1x64xi32, #tpu.memory_space<vmem>>
        %dma_wait3A_332 = tpu.memref_squeeze %dma_wait3A_331 : memref<1x64xi32, #tpu.memory_space<vmem>> -> memref<64xi32, #tpu.memory_space<vmem>>
        %dma_wait3A_333 = arith.constant 0 : i32
        %dma_wait3A_334 = arith.constant 0 : i32
        %dma_wait3A_335 = tpu.memref_slice %arg12[%dma_wait3A_333, %dma_wait3A_334] : memref<10240x128xf32, #tpu.memory_space<vmem_shared>> -> memref<10240x128xf32, #tpu.memory_space<vmem_shared>>
        tpu.wait_indirect_dma semaphore(%run_scoped3A : memref<!tpu.dma_semaphore, #tpu.memory_space<semaphore_mem>>) src(%arg11 : memref<64x128xf32, #tpu.memory_space<vmem>>) dst(%dma_wait3A_335 : memref<10240x128xf32, #tpu.memory_space<vmem_shared>>)
        tpu.yield
      }) : () -> ()
      %add3A_314 = arith.constant 4 : i32
      %add3A_315 = arith.addi %mul3A_247, %add3A_314 : i32
      %add3A_316 = arith.constant 3 : i32
      %add3A_317 = arith.addi %add3A_315, %add3A_316 : i32
      %lt3A_318 = arith.constant 40 : i32
      %lt3A_319 = arith.cmpi slt, %add3A_317, %lt3A_318 : i32
      %convert_element_type3A_320 = arith.extui %lt3A_319 : i1 to i32
      %cond3A_321 = arith.constant 0 : i32
      %cond3A_322 = arith.cmpi ne, %convert_element_type3A_320, %cond3A_321 : i32
      scf.if %cond3A_322 {
        %add3A_324 = arith.constant 4 : i32
        %add3A_325 = arith.addi %mul3A_247, %add3A_324 : i32
        %add3A_326 = arith.constant 3 : i32
        %add3A_327 = arith.addi %add3A_325, %add3A_326 : i32
        %dma_start3A_328 = arith.constant 0 : i32
        %dma_start3A_329 = tpu.memref_slice %arg6[%add3A_327, %dma_start3A_328] : memref<40x64xi32, #tpu.memory_space<vmem>> -> memref<1x64xi32, #tpu.memory_space<vmem>>
        %dma_start3A_330 = tpu.memref_squeeze %dma_start3A_329 : memref<1x64xi32, #tpu.memory_space<vmem>> -> memref<64xi32, #tpu.memory_space<vmem>>
        %dma_start3A_331 = arith.constant 0 : i32
        %dma_start3A_332 = arith.constant 0 : i32
        %dma_start3A_333 = tpu.memref_slice %arg2[%dma_start3A_331, %dma_start3A_332] : memref<10000x128xf32, #tpu.memory_space<hbm>> -> memref<10000x128xf32, #tpu.memory_space<hbm>>
        tpu.enqueue_indirect_dma source(%dma_start3A_333 : memref<10000x128xf32, #tpu.memory_space<hbm>>) target(%arg11 : memref<64x128xf32, #tpu.memory_space<vmem>>) offsets(%dma_start3A_330 : memref<64xi32, #tpu.memory_space<vmem>>) semaphore(%arg16 : memref<!tpu.dma_semaphore, #tpu.memory_space<semaphore_mem>>)
      } else {
      }
      %scan3A_323 = arith.constant 0 : i32
      scf.yield %scan3A_323 : i32
    }
    %scan3A_238 = arith.constant 10 : i32
    %barrier3A_239 = arith.constant 0 : index
    tpu.barrier barrier_id(%barrier3A_239)
    %mul3A_240 = arith.constant 640 : i32
    %mul3A_241 = arith.muli %arg1, %mul3A_240 : i32
    %mul3A_242 = arith.constant 640 : i32
    %mul3A_243 = arith.muli %arg1, %mul3A_242 : i32
    "tpu.region"() ({
      %run_scoped3A = tpu.sem_alloc : memref<!tpu.dma_semaphore, #tpu.memory_space<semaphore_mem>>
      %dma_start3A_244 = arith.constant 0 : i32
      %dma_start3A_245 = tpu.memref_slice %arg5[%arg0, %mul3A_243, %dma_start3A_244] : memref<2x10240x128xf32, #tpu.memory_space<hbm>> -> memref<1x640x128xf32, #tpu.memory_space<hbm>>
      %dma_start3A_246 = tpu.memref_squeeze %dma_start3A_245 : memref<1x640x128xf32, #tpu.memory_space<hbm>> -> memref<640x128xf32, #tpu.memory_space<hbm>>
      %dma_start3A_247 = arith.constant 0 : i32
      %dma_start3A_248 = tpu.memref_slice %arg12[%mul3A_241, %dma_start3A_247] : memref<10240x128xf32, #tpu.memory_space<vmem_shared>> -> memref<640x128xf32, #tpu.memory_space<vmem_shared>>
      tpu.enqueue_dma source(%dma_start3A_248 : memref<640x128xf32, #tpu.memory_space<vmem_shared>>) target(%dma_start3A_246 : memref<640x128xf32, #tpu.memory_space<hbm>>) target_semaphore(%run_scoped3A : memref<!tpu.dma_semaphore, #tpu.memory_space<semaphore_mem>>)
      %dma_wait3A = arith.constant 0 : i32
      %dma_wait3A_249 = tpu.memref_slice %arg5[%arg0, %mul3A_243, %dma_wait3A] : memref<2x10240x128xf32, #tpu.memory_space<hbm>> -> memref<1x640x128xf32, #tpu.memory_space<hbm>>
      %dma_wait3A_250 = tpu.memref_squeeze %dma_wait3A_249 : memref<1x640x128xf32, #tpu.memory_space<hbm>> -> memref<640x128xf32, #tpu.memory_space<hbm>>
      %dma_wait3A_251 = arith.constant 0 : i32
      %dma_wait3A_252 = tpu.memref_slice %arg12[%mul3A_241, %dma_wait3A_251] : memref<10240x128xf32, #tpu.memory_space<vmem_shared>> -> memref<640x128xf32, #tpu.memory_space<vmem_shared>>
      tpu.wait_dma2 semaphore(%run_scoped3A : memref<!tpu.dma_semaphore, #tpu.memory_space<semaphore_mem>>) src(%dma_wait3A_252 : memref<640x128xf32, #tpu.memory_space<vmem_shared>>) dst(%dma_wait3A_250 : memref<640x128xf32, #tpu.memory_space<hbm>>)
      tpu.yield
    }) : () -> ()
    return
  }
}

module attributes {stable_mosaic.version = 14 : i64} {
  func.func @_final_body(%arg0: i32, %arg1: memref<1x2000x128xf32, #tpu.memory_space<vmem>>, %arg2: memref<1x2000x128xf32, #tpu.memory_space<vmem>>, %arg3: memref<128x128xf32, #tpu.memory_space<vmem>>, %arg4: memref<2000x128xf32, #tpu.memory_space<vmem>>) attributes {dimension_semantics = [#tpu.dimension_semantics<arbitrary>], iteration_bounds = array<i64: 5>, scalar_prefetch = 0 : i64, scratch_operands = 0 : i64, tpu.core_type = #tpu.core_type<tc>, window_params = [{transform_indices = @transform_0, window_bounds = array<i64: 1, 2000, 128>}, {transform_indices = @transform_1, window_bounds = array<i64: 1, 2000, 128>}, {pipeline_mode = #tpu.pipeline_mode<synchronous>, transform_indices = @transform_2, window_bounds = array<i64: 128, 128>}, {transform_indices = @transform_3, window_bounds = array<i64: 2000, 128>}]} {
    %get3A = arith.constant 0 : index
    %get3A_0 = arith.constant 0 : index
    %get3A_1 = arith.constant 0 : index
    %get3A_2 = vector.load %arg1[%get3A, %get3A_0, %get3A_1] : memref<1x2000x128xf32, #tpu.memory_space<vmem>>, vector<1x2000x128xf32>
    %get3A_3 = vector.shape_cast %get3A_2 : vector<1x2000x128xf32> to vector<2000x128xf32>
    %get3A_4 = arith.constant 0 : index
    %get3A_5 = arith.constant 0 : index
    %get3A_6 = arith.constant 0 : index
    %get3A_7 = vector.load %arg2[%get3A_4, %get3A_5, %get3A_6] : memref<1x2000x128xf32, #tpu.memory_space<vmem>>, vector<1x2000x128xf32>
    %get3A_8 = vector.shape_cast %get3A_7 : vector<1x2000x128xf32> to vector<2000x128xf32>
    %add3A = arith.addf %get3A_3, %get3A_8 : vector<2000x128xf32>
    %get3A_9 = arith.constant 0 : index
    %get3A_10 = arith.constant 0 : index
    %get3A_11 = vector.load %arg3[%get3A_9, %get3A_10] : memref<128x128xf32, #tpu.memory_space<vmem>>, vector<128x128xf32>
    %dot_general3A = arith.constant dense<0.000000e+00> : vector<2000x128xf32>
    %dot_general3A_12 = tpu.matmul %add3A, %get3A_11, %dot_general3A {dimension_numbers = #tpu.dot_dimension_numbers<[1], [1], [0], [0], [0, 0, 1, 0], [], []>, transpose_lhs_hint = false} : vector<2000x128xf32>, vector<128x128xf32>, vector<2000x128xf32> -> vector<2000x128xf32>
    %max3A = arith.constant 0.000000e+00 : f32
    %max3A_13 = vector.broadcast %max3A : f32 to vector<2000x128xf32>
    %max3A_14 = arith.maximumf %dot_general3A_12, %max3A_13 : vector<2000x128xf32>
    %swap3A = arith.constant 0 : index
    %swap3A_15 = arith.constant 0 : index
    %swap3A_16 = vector.load %arg4[%swap3A, %swap3A_15] : memref<2000x128xf32, #tpu.memory_space<vmem>>, vector<2000x128xf32>
    tpu.vector_store %arg4[%swap3A, %swap3A_15], %max3A_14 {strides = array<i32>} : memref<2000x128xf32, #tpu.memory_space<vmem>>, vector<2000x128xf32>,
    return
  }
  func.func @transform_0(%arg0: i32) -> (i32, i32, i32) {
    %c0_i32 = arith.constant 0 : i32
    %c0_i32_0 = arith.constant 0 : i32
    %c0_i32_1 = arith.constant 0 : i32
    return %c0_i32, %arg0, %c0_i32_0 : i32, i32, i32
  }
  func.func @transform_1(%arg0: i32) -> (i32, i32, i32) {
    %c1_i32 = arith.constant 1 : i32
    %c0_i32 = arith.constant 0 : i32
    %c0_i32_0 = arith.constant 0 : i32
    return %c1_i32, %arg0, %c0_i32 : i32, i32, i32
  }
  func.func @transform_2(%arg0: i32) -> (i32, i32) {
    %c0_i32 = arith.constant 0 : i32
    %c0_i32_0 = arith.constant 0 : i32
    %c0_i32_1 = arith.constant 0 : i32
    return %c0_i32, %c0_i32_0 : i32, i32
  }
  func.func @transform_3(%arg0: i32) -> (i32, i32) {
    %c0_i32 = arith.constant 0 : i32
    %c0_i32_0 = arith.constant 0 : i32
    return %arg0, %c0_i32 : i32, i32
  }
}

module attributes {stable_mosaic.version = 14 : i64} {
  func.func @_mid_body(%arg0: i32, %arg1: memref<1x2000x128xf32, #tpu.memory_space<vmem>>, %arg2: memref<1x2000x128xf32, #tpu.memory_space<vmem>>, %arg3: memref<128x128xf32, #tpu.memory_space<vmem>>, %arg4: memref<2000x128xf32, #tpu.memory_space<vmem>>) attributes {dimension_semantics = [#tpu.dimension_semantics<arbitrary>], iteration_bounds = array<i64: 5>, scalar_prefetch = 0 : i64, scratch_operands = 0 : i64, tpu.core_type = #tpu.core_type<tc>, window_params = [{transform_indices = @transform_0, window_bounds = array<i64: 1, 2000, 128>}, {transform_indices = @transform_1, window_bounds = array<i64: 1, 2000, 128>}, {pipeline_mode = #tpu.pipeline_mode<synchronous>, transform_indices = @transform_2, window_bounds = array<i64: 128, 128>}, {transform_indices = @transform_3, window_bounds = array<i64: 2000, 128>}]} {
    %get3A = arith.constant 0 : index
    %get3A_0 = arith.constant 0 : index
    %get3A_1 = arith.constant 0 : index
    %get3A_2 = vector.load %arg1[%get3A, %get3A_0, %get3A_1] : memref<1x2000x128xf32, #tpu.memory_space<vmem>>, vector<1x2000x128xf32>
    %get3A_3 = vector.shape_cast %get3A_2 : vector<1x2000x128xf32> to vector<2000x128xf32>
    %get3A_4 = arith.constant 0 : index
    %get3A_5 = arith.constant 0 : index
    %get3A_6 = arith.constant 0 : index
    %get3A_7 = vector.load %arg2[%get3A_4, %get3A_5, %get3A_6] : memref<1x2000x128xf32, #tpu.memory_space<vmem>>, vector<1x2000x128xf32>
    %get3A_8 = vector.shape_cast %get3A_7 : vector<1x2000x128xf32> to vector<2000x128xf32>
    %add3A = arith.addf %get3A_3, %get3A_8 : vector<2000x128xf32>
    %get3A_9 = arith.constant 0 : index
    %get3A_10 = arith.constant 0 : index
    %get3A_11 = vector.load %arg3[%get3A_9, %get3A_10] : memref<128x128xf32, #tpu.memory_space<vmem>>, vector<128x128xf32>
    %dot_general3A = arith.constant dense<0.000000e+00> : vector<2000x128xf32>
    %dot_general3A_12 = tpu.matmul %add3A, %get3A_11, %dot_general3A {dimension_numbers = #tpu.dot_dimension_numbers<[1], [1], [0], [0], [0, 0, 1, 0], [], []>, transpose_lhs_hint = false} : vector<2000x128xf32>, vector<128x128xf32>, vector<2000x128xf32> -> vector<2000x128xf32>
    %max3A = arith.constant 0.000000e+00 : f32
    %max3A_13 = vector.broadcast %max3A : f32 to vector<2000x128xf32>
    %max3A_14 = arith.maximumf %dot_general3A_12, %max3A_13 : vector<2000x128xf32>
    %swap3A = arith.constant 0 : index
    %swap3A_15 = arith.constant 0 : index
    %swap3A_16 = vector.load %arg4[%swap3A, %swap3A_15] : memref<2000x128xf32, #tpu.memory_space<vmem>>, vector<2000x128xf32>
    tpu.vector_store %arg4[%swap3A, %swap3A_15], %max3A_14 {strides = array<i32>} : memref<2000x128xf32, #tpu.memory_space<vmem>>, vector<2000x128xf32>,
    return
  }
  func.func @transform_0(%arg0: i32) -> (i32, i32, i32) {
    %c0_i32 = arith.constant 0 : i32
    %c0_i32_0 = arith.constant 0 : i32
    %c0_i32_1 = arith.constant 0 : i32
    return %c0_i32, %arg0, %c0_i32_0 : i32, i32, i32
  }
  func.func @transform_1(%arg0: i32) -> (i32, i32, i32) {
    %c1_i32 = arith.constant 1 : i32
    %c0_i32 = arith.constant 0 : i32
    %c0_i32_0 = arith.constant 0 : i32
    return %c1_i32, %arg0, %c0_i32 : i32, i32, i32
  }
  func.func @transform_2(%arg0: i32) -> (i32, i32) {
    %c0_i32 = arith.constant 0 : i32
    %c0_i32_0 = arith.constant 0 : i32
    %c0_i32_1 = arith.constant 0 : i32
    return %c0_i32, %c0_i32_0 : i32, i32
  }
  func.func @transform_3(%arg0: i32) -> (i32, i32) {
    %c0_i32 = arith.constant 0 : i32
    %c0_i32_0 = arith.constant 0 : i32
    return %arg0, %c0_i32 : i32, i32
  }
}

</mosaic_0001>

<sc_bundles>
// kernel: kernel.6.cloned.1.call-start
scs
__scs_entry_jumppad:
0x0: {  	(pc) =	sbr.rel $0x88, $3  }
0x1: {  	(tag) =	ssettag $0x0;
	lr =	simm.s32 $0x1  }
0x2: {  	[smem:$0x3F9D] =	sst lr;
	_ =	strace $0xD0000000  }
0x3: {  	_ = 	snop  }
0x4: {  	_ = 	snop  }
0x5: {  	_ = 	snop  }
0x6: {  	_ = 	snop  }
0x7: {  	_ = 	snop  }
__scs_overlays_trampoline_lowered:
0x8: {  	[smem:$0x3FAC] =	sst s0  }
0x9: {  	[smem:$0x3FAD] =	sst s1  }
0xa: {  	[smem:$0x3FAE] =	sst s2  }
0xb: {  	[smem:$0x3FAF] =	sst s3  }
0xc: {  	[smem:$0x3FB0] =	sst s4  }
0xd: {  	[smem:$0x3FB1] =	sst s5  }
0xe: {  	[smem:$0x3FB2] =	sst s6  }
0xf: {  	[smem:$0x3FB3] =	sst s7  }
0x10: {  	[smem:$0x3FB4] =	sst s8  }
0x11: {  	[smem:$0x3FB5] =	sst s9;
	s0 =	simm.s32 @!p0 $0x0  }
0x12: {  	s1 =	sld [smem:$0x3F9B];
	s0 =	simm.s32 @p0 $0x1  }
0x13: {  	[smem:$0x3FB6] =	sst s0;
	s0 =	simm.s32 @!p1 $0x0  }
0x14: {  	s2 =	sld [smem:$0x3F9A];
	s0 =	simm.s32 @p1 $0x1  }
0x15: {  	[smem:$0x3FB7] =	sst s0;
	s0 =	simm.s32 @!p2 $0x0  }
0x16: {  	s3 =	sld [smem:$0x3FDB];
	s0 =	simm.s32 @p2 $0x1  }
0x17: {  	s4 =	simm.s32 $0x1BF5;
	[smem:$0x3FB9] =	sst s0  }
0x18: {  	s0 =	sld [smem:$0x3F9C];
	_ =	swait.ge [sflag:s4], $0x0  }
0x19: {  	s7 =	sld [smem:$0x3F9D]  }
0x1a: {  	s8 =	sadd.s32 $0xFFFFE003, lr  }
0x1b: {  	s9 =	sadd.s32 $0xFFFFFEF7, lr;
	s5 =	simm.s32 $0xFFFFFFFF;
	p2 =	slt.u32 s8, $0xFFFFF086  }
0x1c: {  	p1 =	slt.u32 s9, $0xF7A;
	s5 =	simm.s32 @!p2 $0x0  }
0x1d: {  	s5 =	simm.s32 @p1 $0x1;
	p0 =	seq.s32 s7, s2  }
0x1e: {  	s7 =	smul.u32 @!p0 $0xF7A, s2;
	p2 =	seq.s32 @!p0 s5, $0x0  }
0x1f: {  	s9 =	smul.u32 $0xF7A, s1;
	s8 =	simm.s32 @!p0 $0x1BF5;
	p2 =	por !p2, p0  }
0x20: {  	[sflag:s8] =	ssyncset.s32 @!p0 $0xFFFFF086;
	s6 =	sadd.s32 @!p0 s3, s7;
	s7 =	simm.s32 @!p0 $0x108  }
0x21: {  	s3 =	sadd.s32 s3, s9;
	s6 =	sadd.s32 @!p0 $0x88, s6;
	s7 =	simm.s32 @p2 $0x1082  }
0x22: {  	[simem:s7], [sflag:s8] =	dma.local @!p0 [hbm:s6], $0xF7A  }
0x23: {  	s9 =	sor.u32 $0xD0000000, s2;
	s6 =	simm.s32 $0x108;
	_ =	swait.ge @!p0 [sflag:s8], $0x0  }
0x24: {  	s3 =	sadd.s32 $0x88, s3;
	s6 =	simm.s32 @!p1 $0x1082;
	[sflag:s4] =	ssyncset.s32 $0xFFFFF086  }
0x25: {  	[simem:s6], [sflag:s4] =	dma.local [hbm:s3], $0xF7A  }
0x26: {  	[smem:$0x3F9D] =	sst s1;
	(tag) =	ssettag s2;
	_ =	strace s9  }
0x27: {  	s1 =	sld [smem:$0x3FAD]  }
0x28: {  	s2 =	sld [smem:$0x3FAE]  }
0x29: {  	s4 =	sld [smem:$0x3FB0]  }
0x2a: {  	p0 =	seq.s32 s5, $0x0;
	s5 =	sld [smem:$0x3FB1]  }
0x2b: {  	s6 =	sld [smem:$0x3FB2]  }
0x2c: {  	s7 =	sld [smem:$0x3FB3]  }
0x2d: {  	s3 =	simm.s32 $0x108;
	s8 =	sld [smem:$0x3FB4]  }
0x2e: {  	s3 =	simm.s32 @!p0 $0x1082;
	s9 =	sld [smem:$0x3FB5]  }
0x2f: {  	lr =	sadd.s32 s0, s3;
	s0 =	sld [smem:$0x3FAC]  }
0x30: {  	s3 =	sld [smem:$0x3FAF]  }
0x31: {  	[smem:$0x3FB8] =	sst s10  }
0x32: {  	s10 =	sld [smem:$0x3FB6];
	_ =	sdelay $0x3  }
0x33: {  	p0 =	seq.s32 s10, $0x1;
	s10 =	sld [smem:$0x3FB8];
	_ =	sdelay $0x3  }
0x34: {  	[smem:$0x3FB8] =	sst s10  }
0x35: {  	s10 =	sld [smem:$0x3FB7];
	_ =	sdelay $0x3  }
0x36: {  	p1 =	seq.s32 s10, $0x1;
	s10 =	sld [smem:$0x3FB8];
	_ =	sdelay $0x3  }
0x37: {  	[smem:$0x3FB8] =	sst s10  }
0x38: {  	s10 =	sld [smem:$0x3FB9]  }
0x39: {  	_ = 	snop;
	(pc) =	sbr.ind lr, $3  }
0x3a: {  	_ = 	snop  }
0x3b: {  	_ = 	snop  }
0x3c: {  	p2 =	seq.s32 s10, $0x1;
	s10 =	sld [smem:$0x3FB8]  }
0x3d: {  	_ =	shalt  }
0x3e: {  	_ =	shalt  }
0x3f: {  	_ =	shalt  }
0x40: {  	_ =	shalt  }
0x41: {  	_ =	shalt  }
0x42: {  	_ =	shalt  }
0x43: {  	_ =	shalt  }
0x44: {  	_ =	shalt  }
0x45: {  	_ =	shalt  }
0x46: {  	_ =	shalt  }
0x47: {  	_ =	shalt  }
0x48: {  	_ =	shalt  }
0x49: {  	_ =	shalt  }
0x4a: {  	_ =	shalt  }
0x4b: {  	_ =	shalt  }
0x4c: {  	_ =	shalt  }
0x4d: {  	_ =	shalt  }
0x4e: {  	_ =	shalt  }
0x4f: {  	_ =	shalt  }
0x50: {  	_ =	shalt  }
0x51: {  	_ =	shalt  }
0x52: {  	_ =	shalt  }
0x53: {  	_ =	shalt  }
0x54: {  	_ =	shalt  }
0x55: {  	_ =	shalt  }
0x56: {  	_ =	shalt  }
0x57: {  	_ =	shalt  }
0x58: {  	_ =	shalt  }
0x59: {  	_ =	shalt  }
0x5a: {  	_ =	shalt  }
0x5b: {  	_ =	shalt  }
0x5c: {  	_ =	shalt  }
0x5d: {  	_ =	shalt  }
0x5e: {  	_ =	shalt  }
0x5f: {  	_ =	shalt  }
0x60: {  	_ =	shalt  }
0x61: {  	_ =	shalt  }
0x62: {  	_ =	shalt  }
0x63: {  	_ =	shalt  }
0x64: {  	_ =	shalt  }
0x65: {  	_ =	shalt  }
0x66: {  	_ =	shalt  }
0x67: {  	_ =	shalt  }
0x68: {  	_ =	shalt  }
0x69: {  	_ =	shalt  }
0x6a: {  	_ =	shalt  }
0x6b: {  	_ =	shalt  }
0x6c: {  	_ =	shalt  }
0x6d: {  	_ =	shalt  }
0x6e: {  	_ =	shalt  }
0x6f: {  	_ =	shalt  }
0x70: {  	_ =	shalt  }
0x71: {  	_ =	shalt  }
0x72: {  	_ =	shalt  }
0x73: {  	_ =	shalt  }
0x74: {  	_ =	shalt  }
0x75: {  	_ =	shalt  }
0x76: {  	_ =	shalt  }
0x77: {  	_ =	shalt  }
0x78: {  	_ =	shalt  }
0x79: {  	_ =	shalt  }
0x7a: {  	_ =	shalt  }
0x7b: {  	_ =	shalt  }
0x7c: {  	_ =	shalt  }
0x7d: {  	_ =	shalt  }
0x7e: {  	_ =	shalt  }
0x7f: {  	_ =	shalt  }
0x80: {  	_ =	shalt  }
0x81: {  	_ =	shalt  }
0x82: {  	_ =	shalt  }
0x83: {  	_ =	shalt  }
0x84: {  	_ =	shalt  }
0x85: {  	_ =	shalt  }
0x86: {  	_ =	shalt  }
0x87: {  	_ =	shalt  }
.Lfunc_end0:
.L_simem_size_0:
called_computation_lowered:
.L_overlay_start_0:
0x88: {  	s2 =	sld [smem:$0x3FD9]  }
0x89: {  	s3 =	sld [smem:$0x3FFE];
	_ =	sdelay $0x1  }
0x8a: {  	s1 =	srdreg.scid  }
0x8b: {  	s0 =	sand.u32 $0x1, s1  }
0x8c: {  	s17 =	sshll.u32 s0, $0xA;
	s2 =	sadd.s32 s3, s2  }
0x8d: {  	s2 =	sadd.s32 s2, s17  }
0x8e: {  	[smem:$0x3FC4] =	sst s2  }
0x8f: {  	_ = 	snop  }
0x90: {  	s2 =	sld [smem:$0x3FC9]  }
0x91: {  	s18 =	sld [smem:$0x3FD0];
	(tm) =	ssettm $0x1  }
0x92: {  	s4 =	sld [smem:$0x3FFB];
	_ =	sdelay $0x3  }
0x93: {  	_ =	strace s4  }
0x94: {  	s4 =	sld [smem:$0x3FFC];
	_ =	sdelay $0x3  }
0x95: {  	_ =	strace s4  }
0x96: {  	s4 =	sld [smem:$0x3FFD];
	_ =	sdelay $0x3  }
0x97: {  	_ =	strace s4  }
0x98: {  	_ =	strace $0x8FFFFFFF  }
0x99: {  	s19 =	sld [smem:$0x3FDB];
	_ =	sdelay $0x1  }
0x9a: {  	s5 =	simm.s32 $_scs_section_size  }
0x9b: {  	s6 =	simm.s32 $_size__tile_overlayer_lowered;
	s7 =	simm.s32 $_tile_overlayer_lowered  }
0x9c: {  	s22 =	simm.s32 $0x1BFF;
	s21 =	sshll.u32 s7, $0x1;
	s4 =	sadd.s32 s5, s19  }
0x9d: {  	s8 =	simm.s32 $0x0;
	s20 =	sshll.u32 s6, $0x1;
	s6 =	sadd.s32 s21, s4  }
0x9e: {  	[timem:s8], [sflag:s22] =	dma.local [hbm:s6], s20  }
0x9f: {  	_ =	swait.ge [sflag:s22], s20  }
0xa0: {  	s5 =	ssub.s32 $0x0, s20;
	[sflag:s22] =	ssyncset.done $0x0  }
0xa1: {  	[sflag:s22] =	ssyncadd.s32 s5;
	_ =	sdelay $0x1  }
0xa2: {  	s23 =	simm.s32 $0x1B8B  }
0xa3: {  	_ =	swait.ge [sflag:s23], $0x1  }
0xa4: {  	[sflag:s23] =	ssyncset.done $0x0  }
0xa5: {  	s25 =	simm.s32 $0x1B8E;
	s24 =	sld [smem:$0x3FFE];
	[sflag:s23] =	ssyncadd.s32 $0xFFFFFFFF  }
0xa6: {  	s26 =	simm.s32 $execute0_lowered;
	[smem:$0x3FD2] =	sst s25  }
0xa7: {  	s6 =	sshll.u32 s26, $0x1;
	_ =	strace $0x80000046;
	[dreg:$0x1] =	wrdreg $0xFFFFFFFF  }
0xa8: {  	s28 =	simm.s32 $_size_execute0_lowered;
	s4 =	sadd.s32 s4, s6;
	[dreg:$0x0] =	wrdreg $0x0  }
0xa9: {  	s6 =	sshll.u32 s28, $0x1;
	[dreg:$0x2] =	wrdreg s4  }
0xaa: {  	[dreg:$0x3] =	wrdreg s6  }
0xab: {  	[dreg:$0x4] =	wrdreg $0xC0  }
0xac: {  	_ =	task [dreg:s8], $0x5FFFF  }
0xad: {  	[dreg:$0x1] =	wrdreg $0xFFFFFFFF  }
0xae: {  	[dreg:$0x0] =	wrdreg $0x60  }
0xaf: {  	[dreg:$0x2] =	wrdreg s2  }
0xb0: {  	[dreg:$0x3] =	wrdreg s18  }
0xb1: {  	[dreg:$0x4] =	wrdreg s24  }
0xb2: {  	[dreg:$0x5] =	wrdreg $0xA8000  }
0xb3: {  	[dreg:$0x6] =	wrdreg $0x9  }
0xb4: {  	_ =	task.clear_ibuf [dreg:s8], $0x7FFFF;
	_ =	strace $0x90000046  }
0xb5: {  	s29 =	simm.s32 $0x9;
	_ =	strace $0x80000048  }
0xb6: {  	_ =	swait.ge [sflag:s29], $0x1  }
0xb7: {  	[sflag:s29] =	ssyncadd.s32 $0xFFFFFFFF  }
0xb8: {  	_ =	strace $0x90000048  }
0xb9: {  	_ =	sfence  }
0xba: {  	s30 =	sld [smem:$0x0];
	_ =	sdelay $0x2  }
0xbb: {  	s31 =	sshll.u32 s1, $0xD;
	s1 =	sshrl.u32 s1, $0x2  }
0xbc: {  	s3 =	sand.u32 $0x4000, s31;
	s1 =	sadd.s32 s1, s30  }
0xbd: {  	s0 =	sor.u32 s3, s0;
	s1 =	sshll.u32 s1, $0x11  }
0xbe: {  	s0 =	sor.u32 s1, s0  }
0xbf: {  	s0 =	sadd.s32 $0x8F2B, s0  }
0xc0: {  	[sflag:s0] =	ssyncadd.remote.s32 $0x1  }
0xc1: {  	_ =	sfence.sel $0xFFFF  }
0xc2: {  	[dreg:$0x0] =	wrdreg $0xFFFFFFFF;
	(pc) =	sbr.abs _section_cstart, $3  }
0xc3: {  	[dreg:$0x1] =	wrdreg $0xFFFFFFFF  }
0xc4: {  	_ =	task.clear_ibuf [dreg:s8], $0x2FFFF;
	_ =	strace $0x9FFFFFFF  }
0xc5: {  	(tm) =	ssettm $0x7FFFFFFF  }
tec
execute0_lowered:
.L_overlay_start_1:
0x0: {  	(tag) =	ssettag $0x1  }
0x1: {  	s0 =	rddreg [dreg:$0x0]  }
0x2: {  	s1 =	rddreg [dreg:$0x1];
	s2 =	srdreg.scid  }
0x3: {  	s6 =	rddreg [dreg:$0x2];
	s10 =	stileid.u32  }
0x4: {  	s3 =	rddreg [dreg:$0x3];
	s4 =	simm.s32 $0x0;
	s28 =	simm.s32 $0x5  }
0x5: {  	s29 =	simm.s32 $0x1400;
	s30 =	simm.s32 $0x40;
	s7 =	smul.u32 $0x14000, s10  }
0x6: {  	s2 =	sand.u32 $0x1, s2;
	[smem:$0x7FF] =	sst s4;
	s25 =	smul.u32 $0x50000, s10  }
0x7: {  	s24 =	sadd.s32 $0x2000, s6;
	s5 =	smul.u32 $0x140000, s2;
	_ =	strace $0x80000047  }
0x8: {  	s26 =	sshll.u32 s2, $0x4;
	s2 =	ssub.s32 $0x2, s2;
	[dreg:$0x10] =	wrdreg s24  }
0x9: {  	s10 =	sor.u32 s10, s26;
	s12 =	sshrl.u32 s2, $0x1;
	s5 =	sadd.s32 s7, s5  }
0xa: {  	s11 =	sshrl.u32 s25, $0x2;
	s2 =	ssub.s32 s2, s12;
	s5 =	sshrl.u32 s5, $0x3  }
0xb: {  	s26 =	smax.u32 s2, $0x1;
	s9 =	sadd.s32 s5, s6;
	s5 =	sadd.s32 s11, s3  }
0xc: {  	s31 =	simm.s32 $0x80;
	[dreg:$0x12] =	wrdreg s26;
	s13 =	sadd.s32 $0x2000, s5  }
0xd: {  	s8 =	sadd.s32 $0x1600, s6;
	s14 =	sadd.s32 $0x4000, s5;
	[dreg:$0x5] =	wrdreg s13  }
0xe: {  	p0 =	seq.s32 s10, $0x1F;
	s15 =	sadd.s32 $0x6000, s5;
	[dreg:$0x6] =	wrdreg s14  }
0xf: {  	s7 =	sadd.s32 $0x1880, s6;
	s16 =	sadd.s32 $0x8000, s5;
	[dreg:$0x7] =	wrdreg s15  }
0x10: {  	s2 =	simm.s32 $0x4800;
	s18 =	sadd.s32 $0xA000, s5;
	[dreg:$0x8] =	wrdreg s16  }
0x11: {  	s11 =	smul.u32 $0x5000, s10;
	s19 =	sadd.s32 $0xC000, s5;
	[dreg:$0x9] =	wrdreg s18  }
0x12: {  	s10 =	sadd.s32 $0x2500, s6;
	s20 =	sadd.s32 $0xE000, s5;
	[dreg:$0xa] =	wrdreg s19  }
0x13: {  	s26 =	simm.s32 $0x2800;
	s22 =	sadd.s32 $0x10000, s5;
	[dreg:$0xb] =	wrdreg s20  }
0x14: {  	s23 =	sadd.s32 $0x12000, s5;
	s25 =	sadd.s32 $0x2A00, s9;
	[dreg:$0xe] =	wrdreg s22  }
0x15: {  	s9 =	simm.s32 $0x1;
	s17 =	sshrl.u32 s11, $0x3;
	[dreg:$0xf] =	wrdreg s23  }
0x16: {  	s11 =	sadd.s32 $0x1B00, s6;
	[dreg:$0x11] =	wrdreg s25;
	s20 =	simm.s32 $0x2600  }
0x17: {  	s22 =	simm.s32 $0x2700;
	s23 =	simm.s32 $0x2780;
	s12 =	sadd.s32 s1, s17  }
0x18: {  	s1 =	sadd.s32 $0x2280, s6;
	s13 =	sadd.s32 $0x13B00, s12;
	s15 =	sadd.s32 $0x280, s12  }
0x19: {  	s16 =	sadd.s32 $0x13D80, s12;
	s17 =	sadd.s32 $0x500, s12;
	s18 =	sadd.s32 $0x14000, s12  }
0x1a: {  	s19 =	sadd.s32 $0x780, s12;
	s21 =	sadd.s32 $0x13880, s12;
	s12 =	smov.u32 @p0 s8  }
0x1b: {  	s8 =	simm.s32 $0x8800;
	s13 =	smov.u32 @p0 s1;
	s15 =	smov.u32 @p0 s7  }
0x1c: {  	s16 =	smov.u32 @p0 s10;
	s1 =	sadd.s32 $0x2780, s6;
	s17 =	smov.u32 @p0 s11  }
0x1d: {  	s7 =	sadd.s32 $0x1D80, s6;
	[dreg:$0xd] =	wrdreg s21;
	s6 =	simm.s32 $0x6800  }
0x1e: {  	s10 =	simm.s32 $0x2;
	s11 =	simm.s32 $0x3;
	s21 =	simm.s32 $0x2680  }
0x1f: {  	[dreg:$0xc] =	wrdreg s13;
	s18 =	smov.u32 @p0 s1;
	s19 =	smov.u32 @p0 s7  }
0x20: {  	v0 =	vimm.f32 $0.0e+00;
	s1 =	simm.s32 $0x100;
	s7 =	simm.s32 $0x180;
	s13 =	simm.s32 $0x4  }
.LBB2_1:
0x21: {  	s24 =	simm.s32 $0x0;
	s25 =	simm.s32 $0x200  }
.LBB2_2:
0x22: {  	p1 =	sne.s32 s25, $0x7E00;
	[tilespmem:s24+$0x2870] =	vst v0  }
0x23: {  	[tilespmem:s24+$0x2800] =	vst v0  }
0x24: {  	[tilespmem:s24+$0x2810] =	vst v0  }
.Ltmp0:
0x25: {  	[tilespmem:s24+$0x2820] =	vst v0;
	(pc) =	sbr.rel @p1 .LBB2_2-.Ltmp0, $4  }
0x26: {  	[tilespmem:s24+$0x2830] =	vst v0  }
0x27: {  	[tilespmem:s24+$0x2840] =	vst v0  }
0x28: {  	[tilespmem:s24+$0x2850] =	vst v0  }
0x29: {  	[tilespmem:s24+$0x2860] =	vst v0;
	s24 =	sshra.s32 s25, $0x2;
	s25 =	sadd.s32 $0x200, s25  }
0x2a: {  	[tilespmem:s24+$0x2870] =	vst v0  }
0x2b: {  	[tilespmem:s24+$0x2800] =	vst v0  }
0x2c: {  	[tilespmem:s24+$0x2810] =	vst v0  }
0x2d: {  	[tilespmem:s24+$0x2820] =	vst v0  }
0x2e: {  	[tilespmem:s24+$0x2830] =	vst v0  }
0x2f: {  	[tilespmem:s24+$0x2840] =	vst v0  }
0x30: {  	[tilespmem:s24+$0x2850] =	vst v0  }
0x31: {  	[tilespmem:s24+$0x2860] =	vst v0  }
0x32: {  	[spmem:s5] =	stream.linear.scatter [tilespmem:s26], [sflag:$0x5], $0x2000, $0x38;
	[tilespmem:$0x1E800] =	vst v63  }
0x33: {  	_ =	swait.ge [sflag:s28], $0x2000  }
0x34: {  	[sflag:s28] =	ssyncset.done $0x0  }
0x35: {  	s14 =	rddreg [dreg:$0x5];
	[sflag:s28] =	ssyncadd.s32 $0xFFFFE000  }
0x36: {  	[spmem:s14] =	stream.linear.scatter [tilespmem:s26], [sflag:$0x5], $0x2000, $0x38;
	[tilespmem:$0x1E800] =	vst v63  }
0x37: {  	_ =	swait.ge [sflag:s28], $0x2000  }
0x38: {  	[sflag:s28] =	ssyncset.done $0x0  }
0x39: {  	s24 =	rddreg [dreg:$0x6];
	[sflag:s28] =	ssyncadd.s32 $0xFFFFE000  }
0x3a: {  	[spmem:s24] =	stream.linear.scatter [tilespmem:s26], [sflag:$0x5], $0x2000, $0x38;
	[tilespmem:$0x1E800] =	vst v63  }
0x3b: {  	_ =	swait.ge [sflag:s28], $0x2000  }
0x3c: {  	[sflag:s28] =	ssyncset.done $0x0  }
0x3d: {  	s25 =	rddreg [dreg:$0x7];
	[sflag:s28] =	ssyncadd.s32 $0xFFFFE000  }
0x3e: {  	[spmem:s25] =	stream.linear.scatter [tilespmem:s26], [sflag:$0x5], $0x2000, $0x38;
	[tilespmem:$0x1E800] =	vst v63  }
0x3f: {  	_ =	swait.ge [sflag:s28], $0x2000  }
0x40: {  	[sflag:s28] =	ssyncset.done $0x0  }
0x41: {  	s24 =	rddreg [dreg:$0x8];
	[sflag:s28] =	ssyncadd.s32 $0xFFFFE000  }
0x42: {  	[spmem:s24] =	stream.linear.scatter [tilespmem:s26], [sflag:$0x5], $0x2000, $0x38;
	[tilespmem:$0x1E800] =	vst v63  }
0x43: {  	_ =	swait.ge [sflag:s28], $0x2000  }
0x44: {  	[sflag:s28] =	ssyncset.done $0x0  }
0x45: {  	s25 =	rddreg [dreg:$0x9];
	[sflag:s28] =	ssyncadd.s32 $0xFFFFE000  }
0x46: {  	[spmem:s25] =	stream.linear.scatter [tilespmem:s26], [sflag:$0x5], $0x2000, $0x38;
	[tilespmem:$0x1E800] =	vst v63  }
0x47: {  	_ =	swait.ge [sflag:s28], $0x2000  }
0x48: {  	[sflag:s28] =	ssyncset.done $0x0  }
0x49: {  	s24 =	rddreg [dreg:$0xa];
	[sflag:s28] =	ssyncadd.s32 $0xFFFFE000  }
0x4a: {  	[spmem:s24] =	stream.linear.scatter [tilespmem:s26], [sflag:$0x5], $0x2000, $0x38;
	[tilespmem:$0x1E800] =	vst v63  }
0x4b: {  	_ =	swait.ge [sflag:s28], $0x2000  }
0x4c: {  	[sflag:s28] =	ssyncset.done $0x0  }
0x4d: {  	s25 =	rddreg [dreg:$0xb];
	[sflag:s28] =	ssyncadd.s32 $0xFFFFE000  }
0x4e: {  	[spmem:s25] =	stream.linear.scatter [tilespmem:s26], [sflag:$0x5], $0x2000, $0x38;
	[tilespmem:$0x1E800] =	vst v63  }
0x4f: {  	_ =	swait.ge [sflag:s28], $0x2000  }
0x50: {  	[sflag:s28] =	ssyncset.done $0x0  }
0x51: {  	s24 =	rddreg [dreg:$0xe];
	[sflag:s28] =	ssyncadd.s32 $0xFFFFE000  }
0x52: {  	[spmem:s24] =	stream.linear.scatter [tilespmem:s26], [sflag:$0x5], $0x2000, $0x38;
	[tilespmem:$0x1E800] =	vst v63  }
0x53: {  	_ =	swait.ge [sflag:s28], $0x2000  }
0x54: {  	[sflag:s28] =	ssyncset.done $0x0  }
0x55: {  	s25 =	rddreg [dreg:$0xf];
	[sflag:s28] =	ssyncadd.s32 $0xFFFFE000  }
0x56: {  	[spmem:s25] =	stream.linear.scatter [tilespmem:s26], [sflag:$0x5], $0x2000, $0x38;
	[tilespmem:$0x1E800] =	vst v63  }
0x57: {  	_ =	swait.ge [sflag:s28], $0x2000  }
0x58: {  	[sflag:s28] =	ssyncset.done $0x0  }
0x59: {  	s24 =	simm.s32 @p0 $0x0;
	s14 =	rddreg [dreg:$0x10];
	[sflag:s28] =	ssyncadd.s32 $0xFFFFE000  }
0x5a: {  	[tilespmem:s24], [sflag:$0x5] =	stream.linear.gather @p0 [hbm4b:s14+s24], $0x1400, $0x38;
	[tilespmem:$0x1E800] =	vst v63  }
0x5b: {  	s24 =	simm.s32 @p0 $0x5  }
0x5c: {  	_ =	swait.ge @p0 [sflag:s24], $0x1400  }
0x5d: {  	[sflag:s24] =	ssyncset.done @p0 $0x0  }
0x5e: {  	s14 =	rddreg [dreg:$0xd];
	[sflag:s24] =	ssyncadd.s32 @p0 $0xFFFFEC00;
	s24 =	simm.s32 @!p0 $0x0  }
0x5f: {  	[tilespmem:s24], [sflag:$0x5] =	stream.linear.gather @!p0 [hbm4b:s14+s24], $0x1400, $0x38;
	[tilespmem:$0x1E800] =	vst v63  }
0x60: {  	s24 =	simm.s32 @!p0 $0x5  }
0x61: {  	_ =	swait.ge @!p0 [sflag:s24], $0x1400  }
0x62: {  	[sflag:s24] =	ssyncset.done @!p0 $0x0  }
0x63: {  	s14 =	simm.s32 $0x0;
	[sflag:s24] =	ssyncadd.s32 @!p0 $0xFFFFEC00  }
0x64: {  	[tilespmem:s29], [sflag:$0x5] =	stream.linear.gather [hbm4b:s12+s14], $0x1400, $0x38;
	[tilespmem:$0x1E800] =	vst v63  }
0x65: {  	_ =	swait.ge [sflag:s28], $0x1400  }
0x66: {  	[sflag:s28] =	ssyncset.done $0x0  }
0x67: {  	[sflag:s28] =	ssyncadd.s32 $0xFFFFEC00  }
0x68: {  	[tilespmem:s26], [sflag:$0x1] =	stream.indirect.gather [hbm4b:s0+s30], $0x80, s14, s30, $0xb8;
	[tilespmem:$0x1E800] =	vst v63  }
0x69: {  	_ = 	snop  }
0x6a: {  	[tilespmem:s2], [sflag:$0x2] =	stream.indirect.gather [hbm4b:s0+s30], $0x80, s31, s30, $0xb8;
	[tilespmem:$0x1E800] =	vst v63  }
0x6b: {  	_ = 	snop  }
0x6c: {  	[tilespmem:s6], [sflag:$0x3] =	stream.indirect.gather [hbm4b:s0+s30], $0x80, s1, s30, $0xb8;
	[tilespmem:$0x1E800] =	vst v63  }
0x6d: {  	_ = 	snop  }
0x6e: {  	[tilespmem:s8], [sflag:$0x4] =	stream.indirect.gather [hbm4b:s0+s30], $0x80, s7, s30, $0xb8;
	[tilespmem:$0x1E800] =	vst v63  }
0x6f: {  	[bflag:$0x0] =	sbarrier.arrive $0xFFFF  }
0x70: {  	_ =	swait.ge [sflag:s9], $0x2000  }
0x71: {  	[sflag:s9] =	ssyncset.done $0x0  }
0x72: {  	s25 =	simm.s32 $0x1400;
	[sflag:s9] =	ssyncadd.s32 $0xFFFFE000  }
0x73: {  	[spmem:s3] =	stream.indirect.scatter.add.f32 [tilespmem:s26], [sflag:$0x5], $0x80, s25, s30, $0xb8;
	[tilespmem:$0x1E800] =	vst v63  }
0x74: {  	_ =	swait.ge [sflag:s28], $0x2000  }
0x75: {  	[sflag:s28] =	ssyncset.done $0x0  }
0x76: {  	s14 =	simm.s32 $0x200;
	[sflag:s28] =	ssyncadd.s32 $0xFFFFE000  }
0x77: {  	[tilespmem:s26], [sflag:$0x1] =	stream.indirect.gather [hbm4b:s0+s30], $0x80, s14, s30, $0xb8;
	[tilespmem:$0x1E800] =	vst v63  }
0x78: {  	_ =	swait.ge [sflag:s10], $0x2000  }
0x79: {  	[sflag:s10] =	ssyncset.done $0x0  }
0x7a: {  	s25 =	simm.s32 $0x1480;
	[sflag:s10] =	ssyncadd.s32 $0xFFFFE000  }
0x7b: {  	[spmem:s3] =	stream.indirect.scatter.add.f32 [tilespmem:s2], [sflag:$0x5], $0x80, s25, s30, $0xb8;
	[tilespmem:$0x1E800] =	vst v63  }
0x7c: {  	_ =	swait.ge [sflag:s28], $0x2000  }
0x7d: {  	[sflag:s28] =	ssyncset.done $0x0  }
0x7e: {  	s14 =	simm.s32 $0x280;
	[sflag:s28] =	ssyncadd.s32 $0xFFFFE000  }
0x7f: {  	[tilespmem:s2], [sflag:$0x2] =	stream.indirect.gather [hbm4b:s0+s30], $0x80, s14, s30, $0xb8;
	[tilespmem:$0x1E800] =	vst v63  }
0x80: {  	_ =	swait.ge [sflag:s11], $0x2000  }
0x81: {  	[sflag:s11] =	ssyncset.done $0x0  }
0x82: {  	s25 =	simm.s32 $0x1500;
	[sflag:s11] =	ssyncadd.s32 $0xFFFFE000  }
0x83: {  	[spmem:s3] =	stream.indirect.scatter.add.f32 [tilespmem:s6], [sflag:$0x5], $0x80, s25, s30, $0xb8;
	[tilespmem:$0x1E800] =	vst v63  }
0x84: {  	_ =	swait.ge [sflag:s28], $0x2000  }
0x85: {  	[sflag:s28] =	ssyncset.done $0x0  }
0x86: {  	s14 =	simm.s32 $0x300;
	[sflag:s28] =	ssyncadd.s32 $0xFFFFE000  }
0x87: {  	[tilespmem:s6], [sflag:$0x3] =	stream.indirect.gather [hbm4b:s0+s30], $0x80, s14, s30, $0xb8;
	[tilespmem:$0x1E800] =	vst v63  }
0x88: {  	_ =	swait.ge [sflag:s13], $0x2000  }
0x89: {  	[sflag:s13] =	ssyncset.done $0x0  }
0x8a: {  	s25 =	simm.s32 $0x1580;
	[sflag:s13] =	ssyncadd.s32 $0xFFFFE000  }
0x8b: {  	[spmem:s3] =	stream.indirect.scatter.add.f32 [tilespmem:s8], [sflag:$0x5], $0x80, s25, s30, $0xb8;
	[tilespmem:$0x1E800] =	vst v63  }
0x8c: {  	_ =	swait.ge [sflag:s28], $0x2000  }
0x8d: {  	[sflag:s28] =	ssyncset.done $0x0  }
0x8e: {  	s24 =	simm.s32 $0x800;
	s25 =	simm.s32 $0x380;
	[sflag:s28] =	ssyncadd.s32 $0xFFFFE000  }
.LBB2_4:
0x8f: {  	[tilespmem:s8], [sflag:$0x4] =	stream.indirect.gather [hbm4b:s0+s30], $0x80, s25, s30, $0xb8;
	[tilespmem:$0x1E800] =	vst v63  }
0x90: {  	s25 =	smov.u32 s24  }
0x91: {  	p1 =	sne.s32 s24, $0x4000;
	s24 =	sadd.s32 $0x800, s24;
	_ =	swait.ge [sflag:s9], $0x2000  }
0x92: {  	s25 =	sshra.s32 s25, $0x2;
	[sflag:s9] =	ssyncset.done $0x0  }
0x93: {  	s14 =	sadd.s32 $0x1400, s25;
	[sflag:s9] =	ssyncadd.s32 $0xFFFFE000  }
0x94: {  	[spmem:s3] =	stream.indirect.scatter.add.f32 [tilespmem:s26], [sflag:$0x5], $0x80, s14, s30, $0xb8;
	[tilespmem:$0x1E800] =	vst v63  }
0x95: {  	_ =	swait.ge [sflag:s28], $0x2000  }
0x96: {  	[sflag:s28] =	ssyncset.done $0x0  }
0x97: {  	s14 =	sadd.s32 $0x200, s25;
	[sflag:s28] =	ssyncadd.s32 $0xFFFFE000  }
0x98: {  	[tilespmem:s26], [sflag:$0x1] =	stream.indirect.gather [hbm4b:s0+s30], $0x80, s14, s30, $0xb8;
	[tilespmem:$0x1E800] =	vst v63  }
0x99: {  	_ =	swait.ge [sflag:s10], $0x2000  }
0x9a: {  	[sflag:s10] =	ssyncset.done $0x0  }
0x9b: {  	s14 =	sadd.s32 $0x1480, s25;
	[sflag:s10] =	ssyncadd.s32 $0xFFFFE000  }
0x9c: {  	[spmem:s3] =	stream.indirect.scatter.add.f32 [tilespmem:s2], [sflag:$0x5], $0x80, s14, s30, $0xb8;
	[tilespmem:$0x1E800] =	vst v63  }
0x9d: {  	_ =	swait.ge [sflag:s28], $0x2000  }
0x9e: {  	[sflag:s28] =	ssyncset.done $0x0  }
0x9f: {  	s14 =	sadd.s32 $0x280, s25;
	[sflag:s28] =	ssyncadd.s32 $0xFFFFE000  }
0xa0: {  	[tilespmem:s2], [sflag:$0x2] =	stream.indirect.gather [hbm4b:s0+s30], $0x80, s14, s30, $0xb8;
	[tilespmem:$0x1E800] =	vst v63  }
0xa1: {  	_ =	swait.ge [sflag:s11], $0x2000  }
0xa2: {  	[sflag:s11] =	ssyncset.done $0x0  }
0xa3: {  	s14 =	sadd.s32 $0x1500, s25;
	[sflag:s11] =	ssyncadd.s32 $0xFFFFE000  }
0xa4: {  	[spmem:s3] =	stream.indirect.scatter.add.f32 [tilespmem:s6], [sflag:$0x5], $0x80, s14, s30, $0xb8;
	[tilespmem:$0x1E800] =	vst v63  }
0xa5: {  	_ =	swait.ge [sflag:s28], $0x2000  }
0xa6: {  	[sflag:s28] =	ssyncset.done $0x0  }
0xa7: {  	s14 =	sadd.s32 $0x300, s25;
	[sflag:s28] =	ssyncadd.s32 $0xFFFFE000  }
0xa8: {  	[tilespmem:s6], [sflag:$0x3] =	stream.indirect.gather [hbm4b:s0+s30], $0x80, s14, s30, $0xb8;
	[tilespmem:$0x1E800] =	vst v63  }
0xa9: {  	_ =	swait.ge [sflag:s13], $0x2000  }
0xaa: {  	[sflag:s13] =	ssyncset.done $0x0  }
.Ltmp1:
0xab: {  	s14 =	sadd.s32 $0x1580, s25;
	[sflag:s13] =	ssyncadd.s32 $0xFFFFE000;
	(pc) =	sbr.rel @p1 .LBB2_4-.Ltmp1, $4  }
0xac: {  	[spmem:s3] =	stream.indirect.scatter.add.f32 [tilespmem:s8], [sflag:$0x5], $0x80, s14, s30, $0xb8;
	[tilespmem:$0x1E800] =	vst v63  }
0xad: {  	_ =	swait.ge [sflag:s28], $0x2000  }
0xae: {  	[sflag:s28] =	ssyncset.done $0x0  }
0xaf: {  	s25 =	sadd.s32 $0x380, s25;
	[sflag:s28] =	ssyncadd.s32 $0xFFFFE000  }
0xb0: {  	[tilespmem:s8], [sflag:$0x4] =	stream.indirect.gather [hbm4b:s0+s30], $0x80, s25, s30, $0xb8;
	[tilespmem:$0x1E800] =	vst v63  }
0xb1: {  	_ =	swait.ge [sflag:s9], $0x2000  }
0xb2: {  	[sflag:s9] =	ssyncset.done $0x0  }
0xb3: {  	[sflag:s9] =	ssyncadd.s32 $0xFFFFE000  }
0xb4: {  	[spmem:s3] =	stream.indirect.scatter.add.f32 [tilespmem:s26], [sflag:$0x5], $0x80, s20, s30, $0xb8;
	[tilespmem:$0x1E800] =	vst v63  }
0xb5: {  	_ =	swait.ge [sflag:s28], $0x2000  }
0xb6: {  	[sflag:s28] =	ssyncset.done $0x0  }
0xb7: {  	[sflag:s28] =	ssyncadd.s32 $0xFFFFE000  }
0xb8: {  	_ =	swait.ge [sflag:s10], $0x2000  }
0xb9: {  	[sflag:s10] =	ssyncset.done $0x0  }
0xba: {  	[sflag:s10] =	ssyncadd.s32 $0xFFFFE000  }
0xbb: {  	[spmem:s3] =	stream.indirect.scatter.add.f32 [tilespmem:s2], [sflag:$0x5], $0x80, s21, s30, $0xb8;
	[tilespmem:$0x1E800] =	vst v63  }
0xbc: {  	_ =	swait.ge [sflag:s28], $0x2000  }
0xbd: {  	[sflag:s28] =	ssyncset.done $0x0  }
0xbe: {  	[sflag:s28] =	ssyncadd.s32 $0xFFFFE000  }
0xbf: {  	_ =	swait.ge [sflag:s11], $0x2000  }
0xc0: {  	[sflag:s11] =	ssyncset.done $0x0  }
0xc1: {  	[sflag:s11] =	ssyncadd.s32 $0xFFFFE000  }
0xc2: {  	[spmem:s3] =	stream.indirect.scatter.add.f32 [tilespmem:s6], [sflag:$0x5], $0x80, s22, s30, $0xb8;
	[tilespmem:$0x1E800] =	vst v63  }
0xc3: {  	_ =	swait.ge [sflag:s28], $0x2000  }
0xc4: {  	[sflag:s28] =	ssyncset.done $0x0  }
0xc5: {  	[sflag:s28] =	ssyncadd.s32 $0xFFFFE000  }
0xc6: {  	_ =	swait.ge [sflag:s13], $0x2000  }
0xc7: {  	[sflag:s13] =	ssyncset.done $0x0  }
0xc8: {  	[sflag:s13] =	ssyncadd.s32 $0xFFFFE000  }
0xc9: {  	[spmem:s3] =	stream.indirect.scatter.add.f32 [tilespmem:s8], [sflag:$0x5], $0x80, s23, s30, $0xb8;
	[tilespmem:$0x1E800] =	vst v63  }
0xca: {  	_ =	swait.ge [sflag:s28], $0x2000  }
0xcb: {  	[sflag:s28] =	ssyncset.done $0x0  }
0xcc: {  	s14 =	simm.s32 $0x0;
	s24 =	rddreg [dreg:$0xc];
	[sflag:s28] =	ssyncadd.s32 $0xFFFFE000  }
0xcd: {  	[tilespmem:s14], [sflag:$0x5] =	stream.linear.gather [hbm4b:s24+s14], $0x1400, $0x38;
	[tilespmem:$0x1E800] =	vst v63  }
0xce: {  	_ =	swait.ge [sflag:s28], $0x1400  }
0xcf: {  	[sflag:s28] =	ssyncset.done $0x0  }
0xd0: {  	[sflag:s28] =	ssyncadd.s32 $0xFFFFEC00  }
0xd1: {  	[tilespmem:s29], [sflag:$0x5] =	stream.linear.gather [hbm4b:s15+s14], $0x1400, $0x38;
	[tilespmem:$0x1E800] =	vst v63  }
0xd2: {  	_ =	swait.ge [sflag:s28], $0x1400  }
0xd3: {  	[sflag:s28] =	ssyncset.done $0x0  }
0xd4: {  	[sflag:s28] =	ssyncadd.s32 $0xFFFFEC00  }
0xd5: {  	[tilespmem:s26], [sflag:$0x1] =	stream.indirect.gather [hbm4b:s0+s30], $0x80, s14, s30, $0xb8;
	[tilespmem:$0x1E800] =	vst v63  }
0xd6: {  	_ = 	snop  }
0xd7: {  	[tilespmem:s2], [sflag:$0x2] =	stream.indirect.gather [hbm4b:s0+s30], $0x80, s31, s30, $0xb8;
	[tilespmem:$0x1E800] =	vst v63  }
0xd8: {  	_ = 	snop  }
0xd9: {  	[tilespmem:s6], [sflag:$0x3] =	stream.indirect.gather [hbm4b:s0+s30], $0x80, s1, s30, $0xb8;
	[tilespmem:$0x1E800] =	vst v63  }
0xda: {  	_ = 	snop  }
0xdb: {  	[tilespmem:s8], [sflag:$0x4] =	stream.indirect.gather [hbm4b:s0+s30], $0x80, s7, s30, $0xb8;
	[tilespmem:$0x1E800] =	vst v63  }
0xdc: {  	_ =	swait.ge [sflag:s9], $0x2000  }
0xdd: {  	[sflag:s9] =	ssyncset.done $0x0  }
0xde: {  	s25 =	simm.s32 $0x1400;
	[sflag:s9] =	ssyncadd.s32 $0xFFFFE000  }
0xdf: {  	[spmem:s3] =	stream.indirect.scatter.add.f32 [tilespmem:s26], [sflag:$0x5], $0x80, s25, s30, $0xb8;
	[tilespmem:$0x1E800] =	vst v63  }
0xe0: {  	_ =	swait.ge [sflag:s28], $0x2000  }
0xe1: {  	[sflag:s28] =	ssyncset.done $0x0  }
0xe2: {  	s24 =	simm.s32 $0x200;
	[sflag:s28] =	ssyncadd.s32 $0xFFFFE000  }
0xe3: {  	[tilespmem:s26], [sflag:$0x1] =	stream.indirect.gather [hbm4b:s0+s30], $0x80, s24, s30, $0xb8;
	[tilespmem:$0x1E800] =	vst v63  }
0xe4: {  	_ =	swait.ge [sflag:s10], $0x2000  }
0xe5: {  	[sflag:s10] =	ssyncset.done $0x0  }
0xe6: {  	s25 =	simm.s32 $0x1480;
	[sflag:s10] =	ssyncadd.s32 $0xFFFFE000  }
0xe7: {  	[spmem:s3] =	stream.indirect.scatter.add.f32 [tilespmem:s2], [sflag:$0x5], $0x80, s25, s30, $0xb8;
	[tilespmem:$0x1E800] =	vst v63  }
0xe8: {  	_ =	swait.ge [sflag:s28], $0x2000  }
0xe9: {  	[sflag:s28] =	ssyncset.done $0x0  }
0xea: {  	s24 =	simm.s32 $0x280;
	[sflag:s28] =	ssyncadd.s32 $0xFFFFE000  }
0xeb: {  	[tilespmem:s2], [sflag:$0x2] =	stream.indirect.gather [hbm4b:s0+s30], $0x80, s24, s30, $0xb8;
	[tilespmem:$0x1E800] =	vst v63  }
0xec: {  	_ =	swait.ge [sflag:s11], $0x2000  }
0xed: {  	[sflag:s11] =	ssyncset.done $0x0  }
0xee: {  	s25 =	simm.s32 $0x1500;
	[sflag:s11] =	ssyncadd.s32 $0xFFFFE000  }
0xef: {  	[spmem:s3] =	stream.indirect.scatter.add.f32 [tilespmem:s6], [sflag:$0x5], $0x80, s25, s30, $0xb8;
	[tilespmem:$0x1E800] =	vst v63  }
0xf0: {  	_ =	swait.ge [sflag:s28], $0x2000  }
0xf1: {  	[sflag:s28] =	ssyncset.done $0x0  }
0xf2: {  	s24 =	simm.s32 $0x300;
	[sflag:s28] =	ssyncadd.s32 $0xFFFFE000  }
0xf3: {  	[tilespmem:s6], [sflag:$0x3] =	stream.indirect.gather [hbm4b:s0+s30], $0x80, s24, s30, $0xb8;
	[tilespmem:$0x1E800] =	vst v63  }
0xf4: {  	_ =	swait.ge [sflag:s13], $0x2000  }
0xf5: {  	[sflag:s13] =	ssyncset.done $0x0  }
0xf6: {  	s25 =	simm.s32 $0x1580;
	[sflag:s13] =	ssyncadd.s32 $0xFFFFE000  }
0xf7: {  	[spmem:s3] =	stream.indirect.scatter.add.f32 [tilespmem:s8], [sflag:$0x5], $0x80, s25, s30, $0xb8;
	[tilespmem:$0x1E800] =	vst v63  }
0xf8: {  	_ =	swait.ge [sflag:s28], $0x2000  }
0xf9: {  	[sflag:s28] =	ssyncset.done $0x0  }
0xfa: {  	s24 =	simm.s32 $0x800;
	s25 =	simm.s32 $0x380;
	[sflag:s28] =	ssyncadd.s32 $0xFFFFE000  }
.LBB2_6:
0xfb: {  	[tilespmem:s8], [sflag:$0x4] =	stream.indirect.gather [hbm4b:s0+s30], $0x80, s25, s30, $0xb8;
	[tilespmem:$0x1E800] =	vst v63  }
0xfc: {  	s14 =	smov.u32 s24  }
0xfd: {  	p1 =	sne.s32 s24, $0x4000;
	s24 =	sadd.s32 $0x800, s24;
	_ =	swait.ge [sflag:s9], $0x2000  }
0xfe: {  	s25 =	sshra.s32 s14, $0x2;
	[sflag:s9] =	ssyncset.done $0x0  }
0xff: {  	s14 =	sadd.s32 $0x1400, s25;
	[sflag:s9] =	ssyncadd.s32 $0xFFFFE000  }
0x100: {  	[spmem:s3] =	stream.indirect.scatter.add.f32 [tilespmem:s26], [sflag:$0x5], $0x80, s14, s30, $0xb8;
	[tilespmem:$0x1E800] =	vst v63  }
0x101: {  	_ =	swait.ge [sflag:s28], $0x2000  }
0x102: {  	[sflag:s28] =	ssyncset.done $0x0  }
0x103: {  	s14 =	sadd.s32 $0x200, s25;
	[sflag:s28] =	ssyncadd.s32 $0xFFFFE000  }
0x104: {  	[tilespmem:s26], [sflag:$0x1] =	stream.indirect.gather [hbm4b:s0+s30], $0x80, s14, s30, $0xb8;
	[tilespmem:$0x1E800] =	vst v63  }
0x105: {  	_ =	swait.ge [sflag:s10], $0x2000  }
0x106: {  	[sflag:s10] =	ssyncset.done $0x0  }
0x107: {  	s14 =	sadd.s32 $0x1480, s25;
	[sflag:s10] =	ssyncadd.s32 $0xFFFFE000  }
0x108: {  	[spmem:s3] =	stream.indirect.scatter.add.f32 [tilespmem:s2], [sflag:$0x5], $0x80, s14, s30, $0xb8;
	[tilespmem:$0x1E800] =	vst v63  }
0x109: {  	_ =	swait.ge [sflag:s28], $0x2000  }
0x10a: {  	[sflag:s28] =	ssyncset.done $0x0  }
0x10b: {  	s14 =	sadd.s32 $0x280, s25;
	[sflag:s28] =	ssyncadd.s32 $0xFFFFE000  }
0x10c: {  	[tilespmem:s2], [sflag:$0x2] =	stream.indirect.gather [hbm4b:s0+s30], $0x80, s14, s30, $0xb8;
	[tilespmem:$0x1E800] =	vst v63  }
0x10d: {  	_ =	swait.ge [sflag:s11], $0x2000  }
0x10e: {  	[sflag:s11] =	ssyncset.done $0x0  }
0x10f: {  	s14 =	sadd.s32 $0x1500, s25;
	[sflag:s11] =	ssyncadd.s32 $0xFFFFE000  }
0x110: {  	[spmem:s3] =	stream.indirect.scatter.add.f32 [tilespmem:s6], [sflag:$0x5], $0x80, s14, s30, $0xb8;
	[tilespmem:$0x1E800] =	vst v63  }
0x111: {  	_ =	swait.ge [sflag:s28], $0x2000  }
0x112: {  	[sflag:s28] =	ssyncset.done $0x0  }
0x113: {  	s14 =	sadd.s32 $0x300, s25;
	[sflag:s28] =	ssyncadd.s32 $0xFFFFE000  }
0x114: {  	[tilespmem:s6], [sflag:$0x3] =	stream.indirect.gather [hbm4b:s0+s30], $0x80, s14, s30, $0xb8;
	[tilespmem:$0x1E800] =	vst v63  }
0x115: {  	_ =	swait.ge [sflag:s13], $0x2000  }
0x116: {  	[sflag:s13] =	ssyncset.done $0x0  }
.Ltmp2:
0x117: {  	s14 =	sadd.s32 $0x1580, s25;
	[sflag:s13] =	ssyncadd.s32 $0xFFFFE000;
	(pc) =	sbr.rel @p1 .LBB2_6-.Ltmp2, $4  }
0x118: {  	[spmem:s3] =	stream.indirect.scatter.add.f32 [tilespmem:s8], [sflag:$0x5], $0x80, s14, s30, $0xb8;
	[tilespmem:$0x1E800] =	vst v63  }
0x119: {  	_ =	swait.ge [sflag:s28], $0x2000  }
0x11a: {  	[sflag:s28] =	ssyncset.done $0x0  }
0x11b: {  	s25 =	sadd.s32 $0x380, s25;
	[sflag:s28] =	ssyncadd.s32 $0xFFFFE000  }
0x11c: {  	[tilespmem:s8], [sflag:$0x4] =	stream.indirect.gather [hbm4b:s0+s30], $0x80, s25, s30, $0xb8;
	[tilespmem:$0x1E800] =	vst v63  }
0x11d: {  	_ =	swait.ge [sflag:s9], $0x2000  }
0x11e: {  	[sflag:s9] =	ssyncset.done $0x0  }
0x11f: {  	[sflag:s9] =	ssyncadd.s32 $0xFFFFE000  }
0x120: {  	[spmem:s3] =	stream.indirect.scatter.add.f32 [tilespmem:s26], [sflag:$0x5], $0x80, s20, s30, $0xb8;
	[tilespmem:$0x1E800] =	vst v63  }
0x121: {  	_ =	swait.ge [sflag:s28], $0x2000  }
0x122: {  	[sflag:s28] =	ssyncset.done $0x0  }
0x123: {  	[sflag:s28] =	ssyncadd.s32 $0xFFFFE000  }
0x124: {  	_ =	swait.ge [sflag:s10], $0x2000  }
0x125: {  	[sflag:s10] =	ssyncset.done $0x0  }
0x126: {  	[sflag:s10] =	ssyncadd.s32 $0xFFFFE000  }
0x127: {  	[spmem:s3] =	stream.indirect.scatter.add.f32 [tilespmem:s2], [sflag:$0x5], $0x80, s21, s30, $0xb8;
	[tilespmem:$0x1E800] =	vst v63  }
0x128: {  	_ =	swait.ge [sflag:s28], $0x2000  }
0x129: {  	[sflag:s28] =	ssyncset.done $0x0  }
0x12a: {  	[sflag:s28] =	ssyncadd.s32 $0xFFFFE000  }
0x12b: {  	_ =	swait.ge [sflag:s11], $0x2000  }
0x12c: {  	[sflag:s11] =	ssyncset.done $0x0  }
0x12d: {  	[sflag:s11] =	ssyncadd.s32 $0xFFFFE000  }
0x12e: {  	[spmem:s3] =	stream.indirect.scatter.add.f32 [tilespmem:s6], [sflag:$0x5], $0x80, s22, s30, $0xb8;
	[tilespmem:$0x1E800] =	vst v63  }
0x12f: {  	_ =	swait.ge [sflag:s28], $0x2000  }
0x130: {  	[sflag:s28] =	ssyncset.done $0x0  }
0x131: {  	[sflag:s28] =	ssyncadd.s32 $0xFFFFE000  }
0x132: {  	_ =	swait.ge [sflag:s13], $0x2000  }
0x133: {  	[sflag:s13] =	ssyncset.done $0x0  }
0x134: {  	[sflag:s13] =	ssyncadd.s32 $0xFFFFE000  }
0x135: {  	[spmem:s3] =	stream.indirect.scatter.add.f32 [tilespmem:s8], [sflag:$0x5], $0x80, s23, s30, $0xb8;
	[tilespmem:$0x1E800] =	vst v63  }
0x136: {  	_ =	swait.ge [sflag:s28], $0x2000  }
0x137: {  	[sflag:s28] =	ssyncset.done $0x0  }
0x138: {  	s14 =	simm.s32 $0x0;
	[sflag:s28] =	ssyncadd.s32 $0xFFFFE000  }
0x139: {  	[tilespmem:s14], [sflag:$0x5] =	stream.linear.gather [hbm4b:s16+s14], $0x1400, $0x38;
	[tilespmem:$0x1E800] =	vst v63  }
0x13a: {  	_ =	swait.ge [sflag:s28], $0x1400  }
0x13b: {  	[sflag:s28] =	ssyncset.done $0x0  }
0x13c: {  	[sflag:s28] =	ssyncadd.s32 $0xFFFFEC00  }
0x13d: {  	[tilespmem:s29], [sflag:$0x5] =	stream.linear.gather [hbm4b:s17+s14], $0x1400, $0x38;
	[tilespmem:$0x1E800] =	vst v63  }
0x13e: {  	_ =	swait.ge [sflag:s28], $0x1400  }
0x13f: {  	[sflag:s28] =	ssyncset.done $0x0  }
0x140: {  	[sflag:s28] =	ssyncadd.s32 $0xFFFFEC00  }
0x141: {  	[tilespmem:s26], [sflag:$0x1] =	stream.indirect.gather [hbm4b:s0+s30], $0x80, s14, s30, $0xb8;
	[tilespmem:$0x1E800] =	vst v63  }
0x142: {  	_ = 	snop  }
0x143: {  	[tilespmem:s2], [sflag:$0x2] =	stream.indirect.gather [hbm4b:s0+s30], $0x80, s31, s30, $0xb8;
	[tilespmem:$0x1E800] =	vst v63  }
0x144: {  	_ = 	snop  }
0x145: {  	[tilespmem:s6], [sflag:$0x3] =	stream.indirect.gather [hbm4b:s0+s30], $0x80, s1, s30, $0xb8;
	[tilespmem:$0x1E800] =	vst v63  }
0x146: {  	_ = 	snop  }
0x147: {  	[tilespmem:s8], [sflag:$0x4] =	stream.indirect.gather [hbm4b:s0+s30], $0x80, s7, s30, $0xb8;
	[tilespmem:$0x1E800] =	vst v63  }
0x148: {  	_ =	swait.ge [sflag:s9], $0x2000  }
0x149: {  	[sflag:s9] =	ssyncset.done $0x0  }
0x14a: {  	s25 =	simm.s32 $0x1400;
	[sflag:s9] =	ssyncadd.s32 $0xFFFFE000  }
0x14b: {  	[spmem:s3] =	stream.indirect.scatter.add.f32 [tilespmem:s26], [sflag:$0x5], $0x80, s25, s30, $0xb8;
	[tilespmem:$0x1E800] =	vst v63  }
0x14c: {  	_ =	swait.ge [sflag:s28], $0x2000  }
0x14d: {  	[sflag:s28] =	ssyncset.done $0x0  }
0x14e: {  	s24 =	simm.s32 $0x200;
	[sflag:s28] =	ssyncadd.s32 $0xFFFFE000  }
0x14f: {  	[tilespmem:s26], [sflag:$0x1] =	stream.indirect.gather [hbm4b:s0+s30], $0x80, s24, s30, $0xb8;
	[tilespmem:$0x1E800] =	vst v63  }
0x150: {  	_ =	swait.ge [sflag:s10], $0x2000  }
0x151: {  	[sflag:s10] =	ssyncset.done $0x0  }
0x152: {  	s25 =	simm.s32 $0x1480;
	[sflag:s10] =	ssyncadd.s32 $0xFFFFE000  }
0x153: {  	[spmem:s3] =	stream.indirect.scatter.add.f32 [tilespmem:s2], [sflag:$0x5], $0x80, s25, s30, $0xb8;
	[tilespmem:$0x1E800] =	vst v63  }
0x154: {  	_ =	swait.ge [sflag:s28], $0x2000  }
0x155: {  	[sflag:s28] =	ssyncset.done $0x0  }
0x156: {  	s24 =	simm.s32 $0x280;
	[sflag:s28] =	ssyncadd.s32 $0xFFFFE000  }
0x157: {  	[tilespmem:s2], [sflag:$0x2] =	stream.indirect.gather [hbm4b:s0+s30], $0x80, s24, s30, $0xb8;
	[tilespmem:$0x1E800] =	vst v63  }
0x158: {  	_ =	swait.ge [sflag:s11], $0x2000  }
0x159: {  	[sflag:s11] =	ssyncset.done $0x0  }
0x15a: {  	s25 =	simm.s32 $0x1500;
	[sflag:s11] =	ssyncadd.s32 $0xFFFFE000  }
0x15b: {  	[spmem:s3] =	stream.indirect.scatter.add.f32 [tilespmem:s6], [sflag:$0x5], $0x80, s25, s30, $0xb8;
	[tilespmem:$0x1E800] =	vst v63  }
0x15c: {  	_ =	swait.ge [sflag:s28], $0x2000  }
0x15d: {  	[sflag:s28] =	ssyncset.done $0x0  }
0x15e: {  	s24 =	simm.s32 $0x300;
	[sflag:s28] =	ssyncadd.s32 $0xFFFFE000  }
0x15f: {  	[tilespmem:s6], [sflag:$0x3] =	stream.indirect.gather [hbm4b:s0+s30], $0x80, s24, s30, $0xb8;
	[tilespmem:$0x1E800] =	vst v63  }
0x160: {  	_ =	swait.ge [sflag:s13], $0x2000  }
0x161: {  	[sflag:s13] =	ssyncset.done $0x0  }
0x162: {  	s25 =	simm.s32 $0x1580;
	[sflag:s13] =	ssyncadd.s32 $0xFFFFE000  }
0x163: {  	[spmem:s3] =	stream.indirect.scatter.add.f32 [tilespmem:s8], [sflag:$0x5], $0x80, s25, s30, $0xb8;
	[tilespmem:$0x1E800] =	vst v63  }
0x164: {  	_ =	swait.ge [sflag:s28], $0x2000  }
0x165: {  	[sflag:s28] =	ssyncset.done $0x0  }
0x166: {  	s24 =	simm.s32 $0x800;
	s25 =	simm.s32 $0x380;
	[sflag:s28] =	ssyncadd.s32 $0xFFFFE000  }
.LBB2_8:
0x167: {  	[tilespmem:s8], [sflag:$0x4] =	stream.indirect.gather [hbm4b:s0+s30], $0x80, s25, s30, $0xb8;
	[tilespmem:$0x1E800] =	vst v63  }
0x168: {  	s14 =	smov.u32 s24  }
0x169: {  	p1 =	sne.s32 s24, $0x4000;
	s24 =	sadd.s32 $0x800, s24;
	_ =	swait.ge [sflag:s9], $0x2000  }
0x16a: {  	s25 =	sshra.s32 s14, $0x2;
	[sflag:s9] =	ssyncset.done $0x0  }
0x16b: {  	s14 =	sadd.s32 $0x1400, s25;
	[sflag:s9] =	ssyncadd.s32 $0xFFFFE000  }
0x16c: {  	[spmem:s3] =	stream.indirect.scatter.add.f32 [tilespmem:s26], [sflag:$0x5], $0x80, s14, s30, $0xb8;
	[tilespmem:$0x1E800] =	vst v63  }
0x16d: {  	_ =	swait.ge [sflag:s28], $0x2000  }
0x16e: {  	[sflag:s28] =	ssyncset.done $0x0  }
0x16f: {  	s14 =	sadd.s32 $0x200, s25;
	[sflag:s28] =	ssyncadd.s32 $0xFFFFE000  }
0x170: {  	[tilespmem:s26], [sflag:$0x1] =	stream.indirect.gather [hbm4b:s0+s30], $0x80, s14, s30, $0xb8;
	[tilespmem:$0x1E800] =	vst v63  }
0x171: {  	_ =	swait.ge [sflag:s10], $0x2000  }
0x172: {  	[sflag:s10] =	ssyncset.done $0x0  }
0x173: {  	s14 =	sadd.s32 $0x1480, s25;
	[sflag:s10] =	ssyncadd.s32 $0xFFFFE000  }
0x174: {  	[spmem:s3] =	stream.indirect.scatter.add.f32 [tilespmem:s2], [sflag:$0x5], $0x80, s14, s30, $0xb8;
	[tilespmem:$0x1E800] =	vst v63  }
0x175: {  	_ =	swait.ge [sflag:s28], $0x2000  }
0x176: {  	[sflag:s28] =	ssyncset.done $0x0  }
0x177: {  	s14 =	sadd.s32 $0x280, s25;
	[sflag:s28] =	ssyncadd.s32 $0xFFFFE000  }
0x178: {  	[tilespmem:s2], [sflag:$0x2] =	stream.indirect.gather [hbm4b:s0+s30], $0x80, s14, s30, $0xb8;
	[tilespmem:$0x1E800] =	vst v63  }
0x179: {  	_ =	swait.ge [sflag:s11], $0x2000  }
0x17a: {  	[sflag:s11] =	ssyncset.done $0x0  }
0x17b: {  	s14 =	sadd.s32 $0x1500, s25;
	[sflag:s11] =	ssyncadd.s32 $0xFFFFE000  }
0x17c: {  	[spmem:s3] =	stream.indirect.scatter.add.f32 [tilespmem:s6], [sflag:$0x5], $0x80, s14, s30, $0xb8;
	[tilespmem:$0x1E800] =	vst v63  }
0x17d: {  	_ =	swait.ge [sflag:s28], $0x2000  }
0x17e: {  	[sflag:s28] =	ssyncset.done $0x0  }
0x17f: {  	s14 =	sadd.s32 $0x300, s25;
	[sflag:s28] =	ssyncadd.s32 $0xFFFFE000  }
0x180: {  	[tilespmem:s6], [sflag:$0x3] =	stream.indirect.gather [hbm4b:s0+s30], $0x80, s14, s30, $0xb8;
	[tilespmem:$0x1E800] =	vst v63  }
0x181: {  	_ =	swait.ge [sflag:s13], $0x2000  }
0x182: {  	[sflag:s13] =	ssyncset.done $0x0  }
.Ltmp3:
0x183: {  	s14 =	sadd.s32 $0x1580, s25;
	[sflag:s13] =	ssyncadd.s32 $0xFFFFE000;
	(pc) =	sbr.rel @p1 .LBB2_8-.Ltmp3, $4  }
0x184: {  	[spmem:s3] =	stream.indirect.scatter.add.f32 [tilespmem:s8], [sflag:$0x5], $0x80, s14, s30, $0xb8;
	[tilespmem:$0x1E800] =	vst v63  }
0x185: {  	_ =	swait.ge [sflag:s28], $0x2000  }
0x186: {  	[sflag:s28] =	ssyncset.done $0x0  }
0x187: {  	s25 =	sadd.s32 $0x380, s25;
	[sflag:s28] =	ssyncadd.s32 $0xFFFFE000  }
0x188: {  	[tilespmem:s8], [sflag:$0x4] =	stream.indirect.gather [hbm4b:s0+s30], $0x80, s25, s30, $0xb8;
	[tilespmem:$0x1E800] =	vst v63  }
0x189: {  	_ =	swait.ge [sflag:s9], $0x2000  }
0x18a: {  	[sflag:s9] =	ssyncset.done $0x0  }
0x18b: {  	[sflag:s9] =	ssyncadd.s32 $0xFFFFE000  }
0x18c: {  	[spmem:s3] =	stream.indirect.scatter.add.f32 [tilespmem:s26], [sflag:$0x5], $0x80, s20, s30, $0xb8;
	[tilespmem:$0x1E800] =	vst v63  }
0x18d: {  	_ =	swait.ge [sflag:s28], $0x2000  }
0x18e: {  	[sflag:s28] =	ssyncset.done $0x0  }
0x18f: {  	[sflag:s28] =	ssyncadd.s32 $0xFFFFE000  }
0x190: {  	_ =	swait.ge [sflag:s10], $0x2000  }
0x191: {  	[sflag:s10] =	ssyncset.done $0x0  }
0x192: {  	[sflag:s10] =	ssyncadd.s32 $0xFFFFE000  }
0x193: {  	[spmem:s3] =	stream.indirect.scatter.add.f32 [tilespmem:s2], [sflag:$0x5], $0x80, s21, s30, $0xb8;
	[tilespmem:$0x1E800] =	vst v63  }
0x194: {  	_ =	swait.ge [sflag:s28], $0x2000  }
0x195: {  	[sflag:s28] =	ssyncset.done $0x0  }
0x196: {  	[sflag:s28] =	ssyncadd.s32 $0xFFFFE000  }
0x197: {  	_ =	swait.ge [sflag:s11], $0x2000  }
0x198: {  	[sflag:s11] =	ssyncset.done $0x0  }
0x199: {  	[sflag:s11] =	ssyncadd.s32 $0xFFFFE000  }
0x19a: {  	[spmem:s3] =	stream.indirect.scatter.add.f32 [tilespmem:s6], [sflag:$0x5], $0x80, s22, s30, $0xb8;
	[tilespmem:$0x1E800] =	vst v63  }
0x19b: {  	_ =	swait.ge [sflag:s28], $0x2000  }
0x19c: {  	[sflag:s28] =	ssyncset.done $0x0  }
0x19d: {  	[sflag:s28] =	ssyncadd.s32 $0xFFFFE000  }
0x19e: {  	_ =	swait.ge [sflag:s13], $0x2000  }
0x19f: {  	[sflag:s13] =	ssyncset.done $0x0  }
0x1a0: {  	[sflag:s13] =	ssyncadd.s32 $0xFFFFE000  }
0x1a1: {  	[spmem:s3] =	stream.indirect.scatter.add.f32 [tilespmem:s8], [sflag:$0x5], $0x80, s23, s30, $0xb8;
	[tilespmem:$0x1E800] =	vst v63  }
0x1a2: {  	_ =	swait.ge [sflag:s28], $0x2000  }
0x1a3: {  	[sflag:s28] =	ssyncset.done $0x0  }
0x1a4: {  	s14 =	simm.s32 $0x0;
	[sflag:s28] =	ssyncadd.s32 $0xFFFFE000  }
0x1a5: {  	[tilespmem:s14], [sflag:$0x5] =	stream.linear.gather [hbm4b:s18+s14], $0x1400, $0x38;
	[tilespmem:$0x1E800] =	vst v63  }
0x1a6: {  	_ =	swait.ge [sflag:s28], $0x1400  }
0x1a7: {  	[sflag:s28] =	ssyncset.done $0x0  }
0x1a8: {  	[sflag:s28] =	ssyncadd.s32 $0xFFFFEC00  }
0x1a9: {  	[tilespmem:s29], [sflag:$0x5] =	stream.linear.gather [hbm4b:s19+s14], $0x1400, $0x38;
	[tilespmem:$0x1E800] =	vst v63  }
0x1aa: {  	_ =	swait.ge [sflag:s28], $0x1400  }
0x1ab: {  	[sflag:s28] =	ssyncset.done $0x0  }
0x1ac: {  	[sflag:s28] =	ssyncadd.s32 $0xFFFFEC00  }
0x1ad: {  	[tilespmem:s26], [sflag:$0x1] =	stream.indirect.gather [hbm4b:s0+s30], $0x80, s14, s30, $0xb8;
	[tilespmem:$0x1E800] =	vst v63  }
0x1ae: {  	_ = 	snop  }
0x1af: {  	[tilespmem:s2], [sflag:$0x2] =	stream.indirect.gather [hbm4b:s0+s30], $0x80, s31, s30, $0xb8;
	[tilespmem:$0x1E800] =	vst v63  }
0x1b0: {  	_ = 	snop  }
0x1b1: {  	[tilespmem:s6], [sflag:$0x3] =	stream.indirect.gather [hbm4b:s0+s30], $0x80, s1, s30, $0xb8;
	[tilespmem:$0x1E800] =	vst v63  }
0x1b2: {  	_ = 	snop  }
0x1b3: {  	[tilespmem:s8], [sflag:$0x4] =	stream.indirect.gather [hbm4b:s0+s30], $0x80, s7, s30, $0xb8;
	[tilespmem:$0x1E800] =	vst v63  }
0x1b4: {  	_ =	swait.ge [sflag:s9], $0x2000  }
0x1b5: {  	[sflag:s9] =	ssyncset.done $0x0  }
0x1b6: {  	s25 =	simm.s32 $0x1400;
	[sflag:s9] =	ssyncadd.s32 $0xFFFFE000  }
0x1b7: {  	[spmem:s3] =	stream.indirect.scatter.add.f32 [tilespmem:s26], [sflag:$0x5], $0x80, s25, s30, $0xb8;
	[tilespmem:$0x1E800] =	vst v63  }
0x1b8: {  	_ =	swait.ge [sflag:s28], $0x2000  }
0x1b9: {  	[sflag:s28] =	ssyncset.done $0x0  }
0x1ba: {  	s24 =	simm.s32 $0x200;
	[sflag:s28] =	ssyncadd.s32 $0xFFFFE000  }
0x1bb: {  	[tilespmem:s26], [sflag:$0x1] =	stream.indirect.gather [hbm4b:s0+s30], $0x80, s24, s30, $0xb8;
	[tilespmem:$0x1E800] =	vst v63  }
0x1bc: {  	_ =	swait.ge [sflag:s10], $0x2000  }
0x1bd: {  	[sflag:s10] =	ssyncset.done $0x0  }
0x1be: {  	s25 =	simm.s32 $0x1480;
	[sflag:s10] =	ssyncadd.s32 $0xFFFFE000  }
0x1bf: {  	[spmem:s3] =	stream.indirect.scatter.add.f32 [tilespmem:s2], [sflag:$0x5], $0x80, s25, s30, $0xb8;
	[tilespmem:$0x1E800] =	vst v63  }
0x1c0: {  	_ =	swait.ge [sflag:s28], $0x2000  }
0x1c1: {  	[sflag:s28] =	ssyncset.done $0x0  }
0x1c2: {  	s24 =	simm.s32 $0x280;
	[sflag:s28] =	ssyncadd.s32 $0xFFFFE000  }
0x1c3: {  	[tilespmem:s2], [sflag:$0x2] =	stream.indirect.gather [hbm4b:s0+s30], $0x80, s24, s30, $0xb8;
	[tilespmem:$0x1E800] =	vst v63  }
0x1c4: {  	_ =	swait.ge [sflag:s11], $0x2000  }
0x1c5: {  	[sflag:s11] =	ssyncset.done $0x0  }
0x1c6: {  	s25 =	simm.s32 $0x1500;
	[sflag:s11] =	ssyncadd.s32 $0xFFFFE000  }
0x1c7: {  	[spmem:s3] =	stream.indirect.scatter.add.f32 [tilespmem:s6], [sflag:$0x5], $0x80, s25, s30, $0xb8;
	[tilespmem:$0x1E800] =	vst v63  }
0x1c8: {  	_ =	swait.ge [sflag:s28], $0x2000  }
0x1c9: {  	[sflag:s28] =	ssyncset.done $0x0  }
0x1ca: {  	s24 =	simm.s32 $0x300;
	[sflag:s28] =	ssyncadd.s32 $0xFFFFE000  }
0x1cb: {  	[tilespmem:s6], [sflag:$0x3] =	stream.indirect.gather [hbm4b:s0+s30], $0x80, s24, s30, $0xb8;
	[tilespmem:$0x1E800] =	vst v63  }
0x1cc: {  	_ =	swait.ge [sflag:s13], $0x2000  }
0x1cd: {  	[sflag:s13] =	ssyncset.done $0x0  }
0x1ce: {  	s25 =	simm.s32 $0x1580;
	[sflag:s13] =	ssyncadd.s32 $0xFFFFE000  }
0x1cf: {  	[spmem:s3] =	stream.indirect.scatter.add.f32 [tilespmem:s8], [sflag:$0x5], $0x80, s25, s30, $0xb8;
	[tilespmem:$0x1E800] =	vst v63  }
0x1d0: {  	_ =	swait.ge [sflag:s28], $0x2000  }
0x1d1: {  	[sflag:s28] =	ssyncset.done $0x0  }
0x1d2: {  	s24 =	simm.s32 $0x800;
	s25 =	simm.s32 $0x380;
	[sflag:s28] =	ssyncadd.s32 $0xFFFFE000  }
.LBB2_10:
0x1d3: {  	[tilespmem:s8], [sflag:$0x4] =	stream.indirect.gather [hbm4b:s0+s30], $0x80, s25, s30, $0xb8;
	[tilespmem:$0x1E800] =	vst v63  }
0x1d4: {  	s14 =	smov.u32 s24  }
0x1d5: {  	p1 =	sne.s32 s24, $0x4000;
	s24 =	sadd.s32 $0x800, s24;
	_ =	swait.ge [sflag:s9], $0x2000  }
0x1d6: {  	s25 =	sshra.s32 s14, $0x2;
	[sflag:s9] =	ssyncset.done $0x0  }
0x1d7: {  	s14 =	sadd.s32 $0x1400, s25;
	[sflag:s9] =	ssyncadd.s32 $0xFFFFE000  }
0x1d8: {  	[spmem:s3] =	stream.indirect.scatter.add.f32 [tilespmem:s26], [sflag:$0x5], $0x80, s14, s30, $0xb8;
	[tilespmem:$0x1E800] =	vst v63  }
0x1d9: {  	_ =	swait.ge [sflag:s28], $0x2000  }
0x1da: {  	[sflag:s28] =	ssyncset.done $0x0  }
0x1db: {  	s14 =	sadd.s32 $0x200, s25;
	[sflag:s28] =	ssyncadd.s32 $0xFFFFE000  }
0x1dc: {  	[tilespmem:s26], [sflag:$0x1] =	stream.indirect.gather [hbm4b:s0+s30], $0x80, s14, s30, $0xb8;
	[tilespmem:$0x1E800] =	vst v63  }
0x1dd: {  	_ =	swait.ge [sflag:s10], $0x2000  }
0x1de: {  	[sflag:s10] =	ssyncset.done $0x0  }
0x1df: {  	s14 =	sadd.s32 $0x1480, s25;
	[sflag:s10] =	ssyncadd.s32 $0xFFFFE000  }
0x1e0: {  	[spmem:s3] =	stream.indirect.scatter.add.f32 [tilespmem:s2], [sflag:$0x5], $0x80, s14, s30, $0xb8;
	[tilespmem:$0x1E800] =	vst v63  }
0x1e1: {  	_ =	swait.ge [sflag:s28], $0x2000  }
0x1e2: {  	[sflag:s28] =	ssyncset.done $0x0  }
0x1e3: {  	s14 =	sadd.s32 $0x280, s25;
	[sflag:s28] =	ssyncadd.s32 $0xFFFFE000  }
0x1e4: {  	[tilespmem:s2], [sflag:$0x2] =	stream.indirect.gather [hbm4b:s0+s30], $0x80, s14, s30, $0xb8;
	[tilespmem:$0x1E800] =	vst v63  }
0x1e5: {  	_ =	swait.ge [sflag:s11], $0x2000  }
0x1e6: {  	[sflag:s11] =	ssyncset.done $0x0  }
0x1e7: {  	s14 =	sadd.s32 $0x1500, s25;
	[sflag:s11] =	ssyncadd.s32 $0xFFFFE000  }
0x1e8: {  	[spmem:s3] =	stream.indirect.scatter.add.f32 [tilespmem:s6], [sflag:$0x5], $0x80, s14, s30, $0xb8;
	[tilespmem:$0x1E800] =	vst v63  }
0x1e9: {  	_ =	swait.ge [sflag:s28], $0x2000  }
0x1ea: {  	[sflag:s28] =	ssyncset.done $0x0  }
0x1eb: {  	s14 =	sadd.s32 $0x300, s25;
	[sflag:s28] =	ssyncadd.s32 $0xFFFFE000  }
0x1ec: {  	[tilespmem:s6], [sflag:$0x3] =	stream.indirect.gather [hbm4b:s0+s30], $0x80, s14, s30, $0xb8;
	[tilespmem:$0x1E800] =	vst v63  }
0x1ed: {  	_ =	swait.ge [sflag:s13], $0x2000  }
0x1ee: {  	[sflag:s13] =	ssyncset.done $0x0  }
.Ltmp4:
0x1ef: {  	s14 =	sadd.s32 $0x1580, s25;
	[sflag:s13] =	ssyncadd.s32 $0xFFFFE000;
	(pc) =	sbr.rel @p1 .LBB2_10-.Ltmp4, $4  }
0x1f0: {  	[spmem:s3] =	stream.indirect.scatter.add.f32 [tilespmem:s8], [sflag:$0x5], $0x80, s14, s30, $0xb8;
	[tilespmem:$0x1E800] =	vst v63  }
0x1f1: {  	_ =	swait.ge [sflag:s28], $0x2000  }
0x1f2: {  	[sflag:s28] =	ssyncset.done $0x0  }
0x1f3: {  	s25 =	sadd.s32 $0x380, s25;
	[sflag:s28] =	ssyncadd.s32 $0xFFFFE000  }
0x1f4: {  	[tilespmem:s8], [sflag:$0x4] =	stream.indirect.gather [hbm4b:s0+s30], $0x80, s25, s30, $0xb8;
	[tilespmem:$0x1E800] =	vst v63  }
0x1f5: {  	_ =	swait.ge [sflag:s9], $0x2000  }
0x1f6: {  	[sflag:s9] =	ssyncset.done $0x0  }
0x1f7: {  	[sflag:s9] =	ssyncadd.s32 $0xFFFFE000  }
0x1f8: {  	[spmem:s3] =	stream.indirect.scatter.add.f32 [tilespmem:s26], [sflag:$0x5], $0x80, s20, s30, $0xb8;
	[tilespmem:$0x1E800] =	vst v63  }
0x1f9: {  	_ =	swait.ge [sflag:s28], $0x2000  }
0x1fa: {  	[sflag:s28] =	ssyncset.done $0x0  }
0x1fb: {  	[sflag:s28] =	ssyncadd.s32 $0xFFFFE000  }
0x1fc: {  	_ =	swait.ge [sflag:s10], $0x2000  }
0x1fd: {  	[sflag:s10] =	ssyncset.done $0x0  }
0x1fe: {  	[sflag:s10] =	ssyncadd.s32 $0xFFFFE000  }
0x1ff: {  	[spmem:s3] =	stream.indirect.scatter.add.f32 [tilespmem:s2], [sflag:$0x5], $0x80, s21, s30, $0xb8;
	[tilespmem:$0x1E800] =	vst v63  }
0x200: {  	_ =	swait.ge [sflag:s28], $0x2000  }
0x201: {  	[sflag:s28] =	ssyncset.done $0x0  }
0x202: {  	[sflag:s28] =	ssyncadd.s32 $0xFFFFE000  }
0x203: {  	_ =	swait.ge [sflag:s11], $0x2000  }
0x204: {  	[sflag:s11] =	ssyncset.done $0x0  }
0x205: {  	[sflag:s11] =	ssyncadd.s32 $0xFFFFE000  }
0x206: {  	[spmem:s3] =	stream.indirect.scatter.add.f32 [tilespmem:s6], [sflag:$0x5], $0x80, s22, s30, $0xb8;
	[tilespmem:$0x1E800] =	vst v63  }
0x207: {  	_ =	swait.ge [sflag:s28], $0x2000  }
0x208: {  	[sflag:s28] =	ssyncset.done $0x0  }
0x209: {  	[sflag:s28] =	ssyncadd.s32 $0xFFFFE000  }
0x20a: {  	_ =	swait.ge [sflag:s13], $0x2000  }
0x20b: {  	[sflag:s13] =	ssyncset.done $0x0  }
0x20c: {  	[sflag:s13] =	ssyncadd.s32 $0xFFFFE000  }
0x20d: {  	[spmem:s3] =	stream.indirect.scatter.add.f32 [tilespmem:s8], [sflag:$0x5], $0x80, s23, s30, $0xb8;
	[tilespmem:$0x1E800] =	vst v63  }
0x20e: {  	_ =	swait.ge [sflag:s28], $0x2000  }
0x20f: {  	[sflag:s28] =	ssyncset.done $0x0  }
0x210: {  	s14 =	stileid.u32;
	[sflag:s28] =	ssyncadd.s32 $0xFFFFE000  }
0x211: {  	s14 =	sshll.u32 s14, $0x6;
	[bflag:$0x0] =	sbarrier.arrive $0xFFFF  }
0x212: {  	s24 =	sshrl.u32 s5, $0x3;
	s14 =	sor.u32 $0x1C05, s14;
	s25 =	rddreg [dreg:$0x11]  }
0x213: {  	[hbm:s25], [sflag:s14] =	dma.local [spmem:s24], $0x2800  }
0x214: {  	_ =	swait.ge [sflag:s28], $0x2800  }
0x215: {  	s4 =	sadd.s32 $0x1, s4;
	s25 =	rddreg [dreg:$0x12]  }
0x216: {  	p1 =	sne.s32 s4, s25  }
.Ltmp5:
0x217: {  	_ = 	snop;
	(pc) =	sbr.rel @p1 .LBB2_1-.Ltmp5, $3  }
0x218: {  	_ =	sdelay $0x1  }
0x219: {  	[sflag:s28] =	ssyncset.done $0x0  }
0x21a: {  	[sflag:s28] =	ssyncadd.s32 $0xFFFFD800  }
0x21b: {  	_ =	sfence.sel $0x180000  }
0x21c: {  	[bflag:$0x0] =	sbarrier.arrive $0xFFFF  }
0x21d: {  	_ =	strace $0x90000047  }
0x21e: {  	s0 =	stileid.u32;
	[bflag:$0x2] =	sbarrier.arrive $0xFFFF  }
0x21f: {  	p0 =	sne.s32 s0, $0x0;
	s0 =	rddreg [dreg:$0x4]  }
0x220: {  	s0 =	sadd.s32 @!p0 $0x100000, s0  }
0x221: {  	[sflag:s0] =	ssyncadd.tile.s32 @!p0 $0x1;
	_ =	shalt  }
.Lfunc_end2:
_tile_overlayer_lowered:
.L_overlay_start_2:
0x222: {  	(tag) =	ssettag $0x2  }
0x223: {  	s0 =	rddreg [dreg:$0x0];
	s2 =	stileid.u32  }
0x224: {  	s1 =	rddreg [dreg:$0x1];
	p0 =	sne.s32 s2, $0x0  }
0x225: {  	s3 =	rddreg [dreg:$0x2];
	[bflag:$0x3] =	sbarrier.arrive $0xFFFF;
	s2 =	simm.s32 @!p0 $0x1C05  }
0x226: {  	[timem:s3], [sflag:s2] =	dma.local @!p0 [hbm:s0], s1  }
0x227: {  	s0 =	simm.s32 @!p0 $0x5  }
0x228: {  	_ =	swait.ge @!p0 [sflag:s0], s1  }
0x229: {  	s1 =	ssub.s32 @!p0 $0x0, s1;
	[sflag:s0] =	ssyncset.done @!p0 $0x0  }
0x22a: {  	[sflag:s0] =	ssyncadd.s32 @!p0 s1  }
0x22b: {  	[bflag:$0x3] =	sbarrier.arrive $0xFFFF  }
0x22c: {  	_ =	shalt  }

// kernel: kernel.9.cloned.1.call-start
scs
__scs_entry_jumppad:
0x0: {  	(pc) =	sbr.rel $0x88, $3  }
0x1: {  	(tag) =	ssettag $0x0;
	lr =	simm.s32 $0x1  }
0x2: {  	[smem:$0x3F9D] =	sst lr;
	_ =	strace $0xD0000000  }
0x3: {  	_ = 	snop  }
0x4: {  	_ = 	snop  }
0x5: {  	_ = 	snop  }
0x6: {  	_ = 	snop  }
0x7: {  	_ = 	snop  }
__scs_overlays_trampoline_lowered:
0x8: {  	[smem:$0x3FAC] =	sst s0  }
0x9: {  	[smem:$0x3FAD] =	sst s1  }
0xa: {  	[smem:$0x3FAE] =	sst s2  }
0xb: {  	[smem:$0x3FAF] =	sst s3  }
0xc: {  	[smem:$0x3FB0] =	sst s4  }
0xd: {  	[smem:$0x3FB1] =	sst s5  }
0xe: {  	[smem:$0x3FB2] =	sst s6  }
0xf: {  	[smem:$0x3FB3] =	sst s7  }
0x10: {  	[smem:$0x3FB4] =	sst s8  }
0x11: {  	[smem:$0x3FB5] =	sst s9;
	s0 =	simm.s32 @!p0 $0x0  }
0x12: {  	s1 =	sld [smem:$0x3F9B];
	s0 =	simm.s32 @p0 $0x1  }
0x13: {  	[smem:$0x3FB6] =	sst s0;
	s0 =	simm.s32 @!p1 $0x0  }
0x14: {  	s2 =	sld [smem:$0x3F9A];
	s0 =	simm.s32 @p1 $0x1  }
0x15: {  	[smem:$0x3FB7] =	sst s0;
	s0 =	simm.s32 @!p2 $0x0  }
0x16: {  	s3 =	sld [smem:$0x3FDB];
	s0 =	simm.s32 @p2 $0x1  }
0x17: {  	s4 =	simm.s32 $0x1BF5;
	[smem:$0x3FB9] =	sst s0  }
0x18: {  	s0 =	sld [smem:$0x3F9C];
	_ =	swait.ge [sflag:s4], $0x0  }
0x19: {  	s7 =	sld [smem:$0x3F9D]  }
0x1a: {  	s8 =	sadd.s32 $0xFFFFE003, lr  }
0x1b: {  	s9 =	sadd.s32 $0xFFFFFEF7, lr;
	s5 =	simm.s32 $0xFFFFFFFF;
	p2 =	slt.u32 s8, $0xFFFFF086  }
0x1c: {  	p1 =	slt.u32 s9, $0xF7A;
	s5 =	simm.s32 @!p2 $0x0  }
0x1d: {  	s5 =	simm.s32 @p1 $0x1;
	p0 =	seq.s32 s7, s2  }
0x1e: {  	s7 =	smul.u32 @!p0 $0xF7A, s2;
	p2 =	seq.s32 @!p0 s5, $0x0  }
0x1f: {  	s9 =	smul.u32 $0xF7A, s1;
	s8 =	simm.s32 @!p0 $0x1BF5;
	p2 =	por !p2, p0  }
0x20: {  	[sflag:s8] =	ssyncset.s32 @!p0 $0xFFFFF086;
	s6 =	sadd.s32 @!p0 s3, s7;
	s7 =	simm.s32 @!p0 $0x108  }
0x21: {  	s3 =	sadd.s32 s3, s9;
	s6 =	sadd.s32 @!p0 $0x88, s6;
	s7 =	simm.s32 @p2 $0x1082  }
0x22: {  	[simem:s7], [sflag:s8] =	dma.local @!p0 [hbm:s6], $0xF7A  }
0x23: {  	s9 =	sor.u32 $0xD0000000, s2;
	s6 =	simm.s32 $0x108;
	_ =	swait.ge @!p0 [sflag:s8], $0x0  }
0x24: {  	s3 =	sadd.s32 $0x88, s3;
	s6 =	simm.s32 @!p1 $0x1082;
	[sflag:s4] =	ssyncset.s32 $0xFFFFF086  }
0x25: {  	[simem:s6], [sflag:s4] =	dma.local [hbm:s3], $0xF7A  }
0x26: {  	[smem:$0x3F9D] =	sst s1;
	(tag) =	ssettag s2;
	_ =	strace s9  }
0x27: {  	s1 =	sld [smem:$0x3FAD]  }
0x28: {  	s2 =	sld [smem:$0x3FAE]  }
0x29: {  	s4 =	sld [smem:$0x3FB0]  }
0x2a: {  	p0 =	seq.s32 s5, $0x0;
	s5 =	sld [smem:$0x3FB1]  }
0x2b: {  	s6 =	sld [smem:$0x3FB2]  }
0x2c: {  	s7 =	sld [smem:$0x3FB3]  }
0x2d: {  	s3 =	simm.s32 $0x108;
	s8 =	sld [smem:$0x3FB4]  }
0x2e: {  	s3 =	simm.s32 @!p0 $0x1082;
	s9 =	sld [smem:$0x3FB5]  }
0x2f: {  	lr =	sadd.s32 s0, s3;
	s0 =	sld [smem:$0x3FAC]  }
0x30: {  	s3 =	sld [smem:$0x3FAF]  }
0x31: {  	[smem:$0x3FB8] =	sst s10  }
0x32: {  	s10 =	sld [smem:$0x3FB6];
	_ =	sdelay $0x3  }
0x33: {  	p0 =	seq.s32 s10, $0x1;
	s10 =	sld [smem:$0x3FB8];
	_ =	sdelay $0x3  }
0x34: {  	[smem:$0x3FB8] =	sst s10  }
0x35: {  	s10 =	sld [smem:$0x3FB7];
	_ =	sdelay $0x3  }
0x36: {  	p1 =	seq.s32 s10, $0x1;
	s10 =	sld [smem:$0x3FB8];
	_ =	sdelay $0x3  }
0x37: {  	[smem:$0x3FB8] =	sst s10  }
0x38: {  	s10 =	sld [smem:$0x3FB9]  }
0x39: {  	_ = 	snop;
	(pc) =	sbr.ind lr, $3  }
0x3a: {  	_ = 	snop  }
0x3b: {  	_ = 	snop  }
0x3c: {  	p2 =	seq.s32 s10, $0x1;
	s10 =	sld [smem:$0x3FB8]  }
0x3d: {  	_ =	shalt  }
0x3e: {  	_ =	shalt  }
0x3f: {  	_ =	shalt  }
0x40: {  	_ =	shalt  }
0x41: {  	_ =	shalt  }
0x42: {  	_ =	shalt  }
0x43: {  	_ =	shalt  }
0x44: {  	_ =	shalt  }
0x45: {  	_ =	shalt  }
0x46: {  	_ =	shalt  }
0x47: {  	_ =	shalt  }
0x48: {  	_ =	shalt  }
0x49: {  	_ =	shalt  }
0x4a: {  	_ =	shalt  }
0x4b: {  	_ =	shalt  }
0x4c: {  	_ =	shalt  }
0x4d: {  	_ =	shalt  }
0x4e: {  	_ =	shalt  }
0x4f: {  	_ =	shalt  }
0x50: {  	_ =	shalt  }
0x51: {  	_ =	shalt  }
0x52: {  	_ =	shalt  }
0x53: {  	_ =	shalt  }
0x54: {  	_ =	shalt  }
0x55: {  	_ =	shalt  }
0x56: {  	_ =	shalt  }
0x57: {  	_ =	shalt  }
0x58: {  	_ =	shalt  }
0x59: {  	_ =	shalt  }
0x5a: {  	_ =	shalt  }
0x5b: {  	_ =	shalt  }
0x5c: {  	_ =	shalt  }
0x5d: {  	_ =	shalt  }
0x5e: {  	_ =	shalt  }
0x5f: {  	_ =	shalt  }
0x60: {  	_ =	shalt  }
0x61: {  	_ =	shalt  }
0x62: {  	_ =	shalt  }
0x63: {  	_ =	shalt  }
0x64: {  	_ =	shalt  }
0x65: {  	_ =	shalt  }
0x66: {  	_ =	shalt  }
0x67: {  	_ =	shalt  }
0x68: {  	_ =	shalt  }
0x69: {  	_ =	shalt  }
0x6a: {  	_ =	shalt  }
0x6b: {  	_ =	shalt  }
0x6c: {  	_ =	shalt  }
0x6d: {  	_ =	shalt  }
0x6e: {  	_ =	shalt  }
0x6f: {  	_ =	shalt  }
0x70: {  	_ =	shalt  }
0x71: {  	_ =	shalt  }
0x72: {  	_ =	shalt  }
0x73: {  	_ =	shalt  }
0x74: {  	_ =	shalt  }
0x75: {  	_ =	shalt  }
0x76: {  	_ =	shalt  }
0x77: {  	_ =	shalt  }
0x78: {  	_ =	shalt  }
0x79: {  	_ =	shalt  }
0x7a: {  	_ =	shalt  }
0x7b: {  	_ =	shalt  }
0x7c: {  	_ =	shalt  }
0x7d: {  	_ =	shalt  }
0x7e: {  	_ =	shalt  }
0x7f: {  	_ =	shalt  }
0x80: {  	_ =	shalt  }
0x81: {  	_ =	shalt  }
0x82: {  	_ =	shalt  }
0x83: {  	_ =	shalt  }
0x84: {  	_ =	shalt  }
0x85: {  	_ =	shalt  }
0x86: {  	_ =	shalt  }
0x87: {  	_ =	shalt  }
.Lfunc_end0:
.L_simem_size_0:
called_computation.1_lowered:
.L_overlay_start_0:
0x88: {  	s2 =	sld [smem:$0x3FD9]  }
0x89: {  	s3 =	sld [smem:$0x3FFE];
	_ =	sdelay $0x1  }
0x8a: {  	s1 =	srdreg.scid  }
0x8b: {  	s0 =	sand.u32 $0x1, s1  }
0x8c: {  	s17 =	sshll.u32 s0, $0xA;
	s2 =	sadd.s32 s3, s2  }
0x8d: {  	s2 =	sadd.s32 s2, s17  }
0x8e: {  	[smem:$0x3FC4] =	sst s2  }
0x8f: {  	_ = 	snop  }
0x90: {  	s2 =	sld [smem:$0x3FD0];
	(tm) =	ssettm $0x1  }
0x91: {  	s18 =	sld [smem:$0x3FFB];
	_ =	sdelay $0x3  }
0x92: {  	_ =	strace s18  }
0x93: {  	s3 =	sld [smem:$0x3FFC];
	_ =	sdelay $0x3  }
0x94: {  	_ =	strace s3  }
0x95: {  	s3 =	sld [smem:$0x3FFD];
	_ =	sdelay $0x3  }
0x96: {  	_ =	strace s3  }
0x97: {  	_ =	strace $0x8FFFFFFF  }
0x98: {  	s19 =	sld [smem:$0x3FDB];
	_ =	sdelay $0x1  }
0x99: {  	s4 =	simm.s32 $_scs_section_size  }
0x9a: {  	s5 =	simm.s32 $_size__tile_overlayer_lowered;
	s6 =	simm.s32 $_tile_overlayer_lowered  }
0x9b: {  	s22 =	simm.s32 $0x1BFF;
	s21 =	sshll.u32 s6, $0x1;
	s3 =	sadd.s32 s4, s19  }
0x9c: {  	s7 =	simm.s32 $0x0;
	s20 =	sshll.u32 s5, $0x1;
	s5 =	sadd.s32 s21, s3  }
0x9d: {  	[timem:s7], [sflag:s22] =	dma.local [hbm:s5], s20  }
0x9e: {  	_ =	swait.ge [sflag:s22], s20  }
0x9f: {  	s4 =	ssub.s32 $0x0, s20;
	[sflag:s22] =	ssyncset.done $0x0  }
0xa0: {  	[sflag:s22] =	ssyncadd.s32 s4;
	_ =	sdelay $0x1  }
0xa1: {  	s23 =	simm.s32 $0x1B8B  }
0xa2: {  	_ =	swait.ge [sflag:s23], $0x1  }
0xa3: {  	[sflag:s23] =	ssyncset.done $0x0  }
0xa4: {  	s25 =	simm.s32 $0x1B8E;
	s24 =	sld [smem:$0x3FFE];
	[sflag:s23] =	ssyncadd.s32 $0xFFFFFFFF  }
0xa5: {  	s26 =	simm.s32 $execute0_lowered;
	[smem:$0x3FD2] =	sst s25  }
0xa6: {  	s5 =	sshll.u32 s26, $0x1;
	_ =	strace $0x80000049;
	[dreg:$0x1] =	wrdreg $0xFFFFFFFF  }
0xa7: {  	s28 =	simm.s32 $_size_execute0_lowered;
	s3 =	sadd.s32 s3, s5;
	[dreg:$0x0] =	wrdreg $0x0  }
0xa8: {  	s5 =	sshll.u32 s28, $0x1;
	[dreg:$0x2] =	wrdreg s3  }
0xa9: {  	[dreg:$0x3] =	wrdreg s5  }
0xaa: {  	[dreg:$0x4] =	wrdreg $0xC0  }
0xab: {  	_ =	task [dreg:s7], $0x5FFFF  }
0xac: {  	[dreg:$0x1] =	wrdreg $0xFFFFFFFF  }
0xad: {  	[dreg:$0x0] =	wrdreg $0x60  }
0xae: {  	[dreg:$0x2] =	wrdreg s24  }
0xaf: {  	[dreg:$0x3] =	wrdreg s2  }
0xb0: {  	[dreg:$0x4] =	wrdreg $0xA8000  }
0xb1: {  	[dreg:$0x5] =	wrdreg $0x9  }
0xb2: {  	_ =	task.clear_ibuf [dreg:s7], $0x6FFFF;
	_ =	strace $0x90000049  }
0xb3: {  	s29 =	simm.s32 $0x9;
	_ =	strace $0x8000004B  }
0xb4: {  	_ =	swait.ge [sflag:s29], $0x1  }
0xb5: {  	[sflag:s29] =	ssyncadd.s32 $0xFFFFFFFF  }
0xb6: {  	_ =	strace $0x9000004B  }
0xb7: {  	_ =	sfence  }
0xb8: {  	s30 =	sld [smem:$0x0];
	_ =	sdelay $0x2  }
0xb9: {  	s31 =	sshll.u32 s1, $0xD;
	s1 =	sshrl.u32 s1, $0x2  }
0xba: {  	s3 =	sand.u32 $0x4000, s31;
	s1 =	sadd.s32 s1, s30  }
0xbb: {  	s0 =	sor.u32 s3, s0;
	s1 =	sshll.u32 s1, $0x11  }
0xbc: {  	s0 =	sor.u32 s1, s0  }
0xbd: {  	s0 =	sadd.s32 $0x8F2B, s0  }
0xbe: {  	[sflag:s0] =	ssyncadd.remote.s32 $0x1  }
0xbf: {  	_ =	sfence.sel $0xFFFF  }
0xc0: {  	[dreg:$0x0] =	wrdreg $0xFFFFFFFF;
	(pc) =	sbr.abs _section_cstart, $3  }
0xc1: {  	[dreg:$0x1] =	wrdreg $0xFFFFFFFF  }
0xc2: {  	_ =	task.clear_ibuf [dreg:s7], $0x2FFFF;
	_ =	strace $0x9FFFFFFF  }
0xc3: {  	(tm) =	ssettm $0x7FFFFFFF  }
tec
execute0_lowered:
.L_overlay_start_1:
0x0: {  	(tag) =	ssettag $0x1  }
0x1: {  	s0 =	rddreg [dreg:$0x0]  }
0x2: {  	s1 =	rddreg [dreg:$0x1];
	s3 =	srdreg.scid  }
0x3: {  	s2 =	rddreg [dreg:$0x2];
	s11 =	stileid.u32  }
0x4: {  	s28 =	simm.s32 $0x5;
	s29 =	simm.s32 $0x1400;
	s30 =	simm.s32 $0x40  }
0x5: {  	s31 =	simm.s32 $0x80;
	s5 =	sand.u32 $0x1, s3;
	s6 =	smul.u32 $0x14000, s11  }
0x6: {  	s3 =	simm.s32 $0x0;
	s7 =	smul.u32 $0x50000, s11;
	s8 =	sadd.s32 $0x1600, s0  }
0x7: {  	s4 =	smul.u32 $0x140000, s5;
	[smem:$0x7FF] =	sst s3;
	s9 =	sshll.u32 s5, $0x4  }
0x8: {  	s10 =	ssub.s32 $0x2, s5;
	_ =	strace $0x8000004A;
	s12 =	sshrl.u32 s7, $0x2  }
0x9: {  	s9 =	sor.u32 s11, s9;
	s13 =	sshrl.u32 s10, $0x1;
	s5 =	sadd.s32 s12, s2  }
0xa: {  	s6 =	sadd.s32 s6, s4;
	s4 =	sadd.s32 $0x2A00, s0;
	s14 =	sadd.s32 $0x2000, s5  }
0xb: {  	s11 =	smul.u32 $0x5000, s9;
	s15 =	sadd.s32 $0x4000, s5;
	[dreg:$0x4] =	wrdreg s14  }
0xc: {  	s7 =	ssub.s32 s10, s13;
	s16 =	sadd.s32 $0x6000, s5;
	[dreg:$0x5] =	wrdreg s15  }
0xd: {  	p0 =	seq.s32 s9, $0x1F;
	s17 =	sadd.s32 $0x8000, s5;
	[dreg:$0x6] =	wrdreg s16  }
0xe: {  	s9 =	sadd.s32 $0x1880, s0;
	s19 =	sadd.s32 $0xA000, s5;
	[dreg:$0x7] =	wrdreg s17  }
0xf: {  	s10 =	sadd.s32 $0x2500, s0;
	s20 =	sadd.s32 $0xC000, s5;
	[dreg:$0x8] =	wrdreg s19  }
0x10: {  	s6 =	sshrl.u32 s6, $0x3;
	s21 =	sadd.s32 $0xE000, s5;
	[dreg:$0x9] =	wrdreg s20  }
0x11: {  	s23 =	sadd.s32 $0x10000, s5;
	s24 =	sadd.s32 $0x12000, s5;
	[dreg:$0xa] =	wrdreg s21  }
0x12: {  	s26 =	smax.u32 s7, $0x1;
	s7 =	simm.s32 $0x180;
	[dreg:$0xd] =	wrdreg s23  }
0x13: {  	s6 =	sadd.s32 s6, s0;
	s18 =	sshrl.u32 s11, $0x3;
	[dreg:$0xe] =	wrdreg s24  }
0x14: {  	s11 =	sadd.s32 $0x1B00, s0;
	[dreg:$0x11] =	wrdreg s26;
	s26 =	simm.s32 $0x2800  }
0x15: {  	s20 =	simm.s32 $0x2600;
	s21 =	simm.s32 $0x2680;
	s23 =	simm.s32 $0x2780  }
0x16: {  	s12 =	sadd.s32 s1, s18;
	s1 =	sadd.s32 $0x2280, s0;
	s25 =	sadd.s32 $0x29C00, s6  }
0x17: {  	s6 =	simm.s32 $0x6800;
	s13 =	sadd.s32 $0x13B00, s12;
	s15 =	sadd.s32 $0x280, s12  }
0x18: {  	s16 =	sadd.s32 $0x13D80, s12;
	s17 =	sadd.s32 $0x500, s12;
	s18 =	sadd.s32 $0x14000, s12  }
0x19: {  	s19 =	sadd.s32 $0x780, s12;
	s22 =	sadd.s32 $0x13880, s12;
	s12 =	smov.u32 @p0 s8  }
0x1a: {  	[dreg:$0x10] =	wrdreg s25;
	s8 =	simm.s32 $0x8800;
	s13 =	smov.u32 @p0 s1  }
0x1b: {  	s15 =	smov.u32 @p0 s9;
	s16 =	smov.u32 @p0 s10;
	s1 =	sadd.s32 $0x2780, s0  }
0x1c: {  	s17 =	smov.u32 @p0 s11;
	s9 =	sadd.s32 $0x1D80, s0;
	[dreg:$0xc] =	wrdreg s22  }
0x1d: {  	s0 =	sadd.s32 $0x2000, s0;
	s10 =	simm.s32 $0x2;
	s11 =	simm.s32 $0x3  }
0x1e: {  	s22 =	simm.s32 $0x2700;
	[dreg:$0xb] =	wrdreg s13;
	s18 =	smov.u32 @p0 s1  }
0x1f: {  	s19 =	smov.u32 @p0 s9;
	[dreg:$0xf] =	wrdreg s0;
	s0 =	simm.s32 $0x4800  }
0x20: {  	v0 =	vimm.f32 $0.0e+00;
	s1 =	simm.s32 $0x100;
	s9 =	simm.s32 $0x1;
	s13 =	simm.s32 $0x4  }
.LBB2_1:
0x21: {  	s24 =	simm.s32 $0x0;
	s25 =	simm.s32 $0x200  }
.LBB2_2:
0x22: {  	p1 =	sne.s32 s25, $0x7E00;
	[tilespmem:s24+$0x2870] =	vst v0  }
0x23: {  	[tilespmem:s24+$0x2800] =	vst v0  }
0x24: {  	[tilespmem:s24+$0x2810] =	vst v0  }
.Ltmp0:
0x25: {  	[tilespmem:s24+$0x2820] =	vst v0;
	(pc) =	sbr.rel @p1 .LBB2_2-.Ltmp0, $4  }
0x26: {  	[tilespmem:s24+$0x2830] =	vst v0  }
0x27: {  	[tilespmem:s24+$0x2840] =	vst v0  }
0x28: {  	[tilespmem:s24+$0x2850] =	vst v0  }
0x29: {  	[tilespmem:s24+$0x2860] =	vst v0;
	s24 =	sshra.s32 s25, $0x2;
	s25 =	sadd.s32 $0x200, s25  }
0x2a: {  	[tilespmem:s24+$0x2870] =	vst v0  }
0x2b: {  	[tilespmem:s24+$0x2800] =	vst v0  }
0x2c: {  	[tilespmem:s24+$0x2810] =	vst v0  }
0x2d: {  	[tilespmem:s24+$0x2820] =	vst v0  }
0x2e: {  	[tilespmem:s24+$0x2830] =	vst v0  }
0x2f: {  	[tilespmem:s24+$0x2840] =	vst v0  }
0x30: {  	[tilespmem:s24+$0x2850] =	vst v0  }
0x31: {  	[tilespmem:s24+$0x2860] =	vst v0  }
0x32: {  	[spmem:s5] =	stream.linear.scatter [tilespmem:s26], [sflag:$0x5], $0x2000, $0x38;
	[tilespmem:$0x1E800] =	vst v63  }
0x33: {  	_ =	swait.ge [sflag:s28], $0x2000  }
0x34: {  	[sflag:s28] =	ssyncset.done $0x0  }
0x35: {  	s14 =	rddreg [dreg:$0x4];
	[sflag:s28] =	ssyncadd.s32 $0xFFFFE000  }
0x36: {  	[spmem:s14] =	stream.linear.scatter [tilespmem:s26], [sflag:$0x5], $0x2000, $0x38;
	[tilespmem:$0x1E800] =	vst v63  }
0x37: {  	_ =	swait.ge [sflag:s28], $0x2000  }
0x38: {  	[sflag:s28] =	ssyncset.done $0x0  }
0x39: {  	s24 =	rddreg [dreg:$0x5];
	[sflag:s28] =	ssyncadd.s32 $0xFFFFE000  }
0x3a: {  	[spmem:s24] =	stream.linear.scatter [tilespmem:s26], [sflag:$0x5], $0x2000, $0x38;
	[tilespmem:$0x1E800] =	vst v63  }
0x3b: {  	_ =	swait.ge [sflag:s28], $0x2000  }
0x3c: {  	[sflag:s28] =	ssyncset.done $0x0  }
0x3d: {  	s25 =	rddreg [dreg:$0x6];
	[sflag:s28] =	ssyncadd.s32 $0xFFFFE000  }
0x3e: {  	[spmem:s25] =	stream.linear.scatter [tilespmem:s26], [sflag:$0x5], $0x2000, $0x38;
	[tilespmem:$0x1E800] =	vst v63  }
0x3f: {  	_ =	swait.ge [sflag:s28], $0x2000  }
0x40: {  	[sflag:s28] =	ssyncset.done $0x0  }
0x41: {  	s24 =	rddreg [dreg:$0x7];
	[sflag:s28] =	ssyncadd.s32 $0xFFFFE000  }
0x42: {  	[spmem:s24] =	stream.linear.scatter [tilespmem:s26], [sflag:$0x5], $0x2000, $0x38;
	[tilespmem:$0x1E800] =	vst v63  }
0x43: {  	_ =	swait.ge [sflag:s28], $0x2000  }
0x44: {  	[sflag:s28] =	ssyncset.done $0x0  }
0x45: {  	s25 =	rddreg [dreg:$0x8];
	[sflag:s28] =	ssyncadd.s32 $0xFFFFE000  }
0x46: {  	[spmem:s25] =	stream.linear.scatter [tilespmem:s26], [sflag:$0x5], $0x2000, $0x38;
	[tilespmem:$0x1E800] =	vst v63  }
0x47: {  	_ =	swait.ge [sflag:s28], $0x2000  }
0x48: {  	[sflag:s28] =	ssyncset.done $0x0  }
0x49: {  	s24 =	rddreg [dreg:$0x9];
	[sflag:s28] =	ssyncadd.s32 $0xFFFFE000  }
0x4a: {  	[spmem:s24] =	stream.linear.scatter [tilespmem:s26], [sflag:$0x5], $0x2000, $0x38;
	[tilespmem:$0x1E800] =	vst v63  }
0x4b: {  	_ =	swait.ge [sflag:s28], $0x2000  }
0x4c: {  	[sflag:s28] =	ssyncset.done $0x0  }
0x4d: {  	s25 =	rddreg [dreg:$0xa];
	[sflag:s28] =	ssyncadd.s32 $0xFFFFE000  }
0x4e: {  	[spmem:s25] =	stream.linear.scatter [tilespmem:s26], [sflag:$0x5], $0x2000, $0x38;
	[tilespmem:$0x1E800] =	vst v63  }
0x4f: {  	_ =	swait.ge [sflag:s28], $0x2000  }
0x50: {  	[sflag:s28] =	ssyncset.done $0x0  }
0x51: {  	s24 =	rddreg [dreg:$0xd];
	[sflag:s28] =	ssyncadd.s32 $0xFFFFE000  }
0x52: {  	[spmem:s24] =	stream.linear.scatter [tilespmem:s26], [sflag:$0x5], $0x2000, $0x38;
	[tilespmem:$0x1E800] =	vst v63  }
0x53: {  	_ =	swait.ge [sflag:s28], $0x2000  }
0x54: {  	[sflag:s28] =	ssyncset.done $0x0  }
0x55: {  	s25 =	rddreg [dreg:$0xe];
	[sflag:s28] =	ssyncadd.s32 $0xFFFFE000  }
0x56: {  	[spmem:s25] =	stream.linear.scatter [tilespmem:s26], [sflag:$0x5], $0x2000, $0x38;
	[tilespmem:$0x1E800] =	vst v63  }
0x57: {  	_ =	swait.ge [sflag:s28], $0x2000  }
0x58: {  	[sflag:s28] =	ssyncset.done $0x0  }
0x59: {  	s24 =	simm.s32 @p0 $0x0;
	s14 =	rddreg [dreg:$0xf];
	[sflag:s28] =	ssyncadd.s32 $0xFFFFE000  }
0x5a: {  	[tilespmem:s24], [sflag:$0x5] =	stream.linear.gather @p0 [hbm4b:s14+s24], $0x1400, $0x38;
	[tilespmem:$0x1E800] =	vst v63  }
0x5b: {  	s24 =	simm.s32 @p0 $0x5  }
0x5c: {  	_ =	swait.ge @p0 [sflag:s24], $0x1400  }
0x5d: {  	[sflag:s24] =	ssyncset.done @p0 $0x0  }
0x5e: {  	s14 =	rddreg [dreg:$0xc];
	[sflag:s24] =	ssyncadd.s32 @p0 $0xFFFFEC00;
	s24 =	simm.s32 @!p0 $0x0  }
0x5f: {  	[tilespmem:s24], [sflag:$0x5] =	stream.linear.gather @!p0 [hbm4b:s14+s24], $0x1400, $0x38;
	[tilespmem:$0x1E800] =	vst v63  }
0x60: {  	s24 =	simm.s32 @!p0 $0x5  }
0x61: {  	_ =	swait.ge @!p0 [sflag:s24], $0x1400  }
0x62: {  	[sflag:s24] =	ssyncset.done @!p0 $0x0  }
0x63: {  	s14 =	simm.s32 $0x0;
	[sflag:s24] =	ssyncadd.s32 @!p0 $0xFFFFEC00  }
0x64: {  	[tilespmem:s29], [sflag:$0x5] =	stream.linear.gather [hbm4b:s12+s14], $0x1400, $0x38;
	[tilespmem:$0x1E800] =	vst v63  }
0x65: {  	_ =	swait.ge [sflag:s28], $0x1400  }
0x66: {  	[sflag:s28] =	ssyncset.done $0x0  }
0x67: {  	[sflag:s28] =	ssyncadd.s32 $0xFFFFEC00  }
0x68: {  	[tilespmem:s26], [sflag:$0x1] =	stream.indirect.gather [hbm4b:s4+s30], $0x80, s14, s30, $0xb8;
	[tilespmem:$0x1E800] =	vst v63  }
0x69: {  	_ = 	snop  }
0x6a: {  	[tilespmem:s0], [sflag:$0x2] =	stream.indirect.gather [hbm4b:s4+s30], $0x80, s31, s30, $0xb8;
	[tilespmem:$0x1E800] =	vst v63  }
0x6b: {  	_ = 	snop  }
0x6c: {  	[tilespmem:s6], [sflag:$0x3] =	stream.indirect.gather [hbm4b:s4+s30], $0x80, s1, s30, $0xb8;
	[tilespmem:$0x1E800] =	vst v63  }
0x6d: {  	_ = 	snop  }
0x6e: {  	[tilespmem:s8], [sflag:$0x4] =	stream.indirect.gather [hbm4b:s4+s30], $0x80, s7, s30, $0xb8;
	[tilespmem:$0x1E800] =	vst v63  }
0x6f: {  	[bflag:$0x0] =	sbarrier.arrive $0xFFFF  }
0x70: {  	_ =	swait.ge [sflag:s9], $0x2000  }
0x71: {  	[sflag:s9] =	ssyncset.done $0x0  }
0x72: {  	s25 =	simm.s32 $0x1400;
	[sflag:s9] =	ssyncadd.s32 $0xFFFFE000  }
0x73: {  	[spmem:s2] =	stream.indirect.scatter.add.f32 [tilespmem:s26], [sflag:$0x5], $0x80, s25, s30, $0xb8;
	[tilespmem:$0x1E800] =	vst v63  }
0x74: {  	_ =	swait.ge [sflag:s28], $0x2000  }
0x75: {  	[sflag:s28] =	ssyncset.done $0x0  }
0x76: {  	s14 =	simm.s32 $0x200;
	[sflag:s28] =	ssyncadd.s32 $0xFFFFE000  }
0x77: {  	[tilespmem:s26], [sflag:$0x1] =	stream.indirect.gather [hbm4b:s4+s30], $0x80, s14, s30, $0xb8;
	[tilespmem:$0x1E800] =	vst v63  }
0x78: {  	_ =	swait.ge [sflag:s10], $0x2000  }
0x79: {  	[sflag:s10] =	ssyncset.done $0x0  }
0x7a: {  	s25 =	simm.s32 $0x1480;
	[sflag:s10] =	ssyncadd.s32 $0xFFFFE000  }
0x7b: {  	[spmem:s2] =	stream.indirect.scatter.add.f32 [tilespmem:s0], [sflag:$0x5], $0x80, s25, s30, $0xb8;
	[tilespmem:$0x1E800] =	vst v63  }
0x7c: {  	_ =	swait.ge [sflag:s28], $0x2000  }
0x7d: {  	[sflag:s28] =	ssyncset.done $0x0  }
0x7e: {  	s14 =	simm.s32 $0x280;
	[sflag:s28] =	ssyncadd.s32 $0xFFFFE000  }
0x7f: {  	[tilespmem:s0], [sflag:$0x2] =	stream.indirect.gather [hbm4b:s4+s30], $0x80, s14, s30, $0xb8;
	[tilespmem:$0x1E800] =	vst v63  }
0x80: {  	_ =	swait.ge [sflag:s11], $0x2000  }
0x81: {  	[sflag:s11] =	ssyncset.done $0x0  }
0x82: {  	s25 =	simm.s32 $0x1500;
	[sflag:s11] =	ssyncadd.s32 $0xFFFFE000  }
0x83: {  	[spmem:s2] =	stream.indirect.scatter.add.f32 [tilespmem:s6], [sflag:$0x5], $0x80, s25, s30, $0xb8;
	[tilespmem:$0x1E800] =	vst v63  }
0x84: {  	_ =	swait.ge [sflag:s28], $0x2000  }
0x85: {  	[sflag:s28] =	ssyncset.done $0x0  }
0x86: {  	s14 =	simm.s32 $0x300;
	[sflag:s28] =	ssyncadd.s32 $0xFFFFE000  }
0x87: {  	[tilespmem:s6], [sflag:$0x3] =	stream.indirect.gather [hbm4b:s4+s30], $0x80, s14, s30, $0xb8;
	[tilespmem:$0x1E800] =	vst v63  }
0x88: {  	_ =	swait.ge [sflag:s13], $0x2000  }
0x89: {  	[sflag:s13] =	ssyncset.done $0x0  }
0x8a: {  	s25 =	simm.s32 $0x1580;
	[sflag:s13] =	ssyncadd.s32 $0xFFFFE000  }
0x8b: {  	[spmem:s2] =	stream.indirect.scatter.add.f32 [tilespmem:s8], [sflag:$0x5], $0x80, s25, s30, $0xb8;
	[tilespmem:$0x1E800] =	vst v63  }
0x8c: {  	_ =	swait.ge [sflag:s28], $0x2000  }
0x8d: {  	[sflag:s28] =	ssyncset.done $0x0  }
0x8e: {  	s24 =	simm.s32 $0x800;
	s25 =	simm.s32 $0x380;
	[sflag:s28] =	ssyncadd.s32 $0xFFFFE000  }
.LBB2_4:
0x8f: {  	[tilespmem:s8], [sflag:$0x4] =	stream.indirect.gather [hbm4b:s4+s30], $0x80, s25, s30, $0xb8;
	[tilespmem:$0x1E800] =	vst v63  }
0x90: {  	s25 =	smov.u32 s24  }
0x91: {  	p1 =	sne.s32 s24, $0x4000;
	s24 =	sadd.s32 $0x800, s24;
	_ =	swait.ge [sflag:s9], $0x2000  }
0x92: {  	s25 =	sshra.s32 s25, $0x2;
	[sflag:s9] =	ssyncset.done $0x0  }
0x93: {  	s14 =	sadd.s32 $0x1400, s25;
	[sflag:s9] =	ssyncadd.s32 $0xFFFFE000  }
0x94: {  	[spmem:s2] =	stream.indirect.scatter.add.f32 [tilespmem:s26], [sflag:$0x5], $0x80, s14, s30, $0xb8;
	[tilespmem:$0x1E800] =	vst v63  }
0x95: {  	_ =	swait.ge [sflag:s28], $0x2000  }
0x96: {  	[sflag:s28] =	ssyncset.done $0x0  }
0x97: {  	s14 =	sadd.s32 $0x200, s25;
	[sflag:s28] =	ssyncadd.s32 $0xFFFFE000  }
0x98: {  	[tilespmem:s26], [sflag:$0x1] =	stream.indirect.gather [hbm4b:s4+s30], $0x80, s14, s30, $0xb8;
	[tilespmem:$0x1E800] =	vst v63  }
0x99: {  	_ =	swait.ge [sflag:s10], $0x2000  }
0x9a: {  	[sflag:s10] =	ssyncset.done $0x0  }
0x9b: {  	s14 =	sadd.s32 $0x1480, s25;
	[sflag:s10] =	ssyncadd.s32 $0xFFFFE000  }
0x9c: {  	[spmem:s2] =	stream.indirect.scatter.add.f32 [tilespmem:s0], [sflag:$0x5], $0x80, s14, s30, $0xb8;
	[tilespmem:$0x1E800] =	vst v63  }
0x9d: {  	_ =	swait.ge [sflag:s28], $0x2000  }
0x9e: {  	[sflag:s28] =	ssyncset.done $0x0  }
0x9f: {  	s14 =	sadd.s32 $0x280, s25;
	[sflag:s28] =	ssyncadd.s32 $0xFFFFE000  }
0xa0: {  	[tilespmem:s0], [sflag:$0x2] =	stream.indirect.gather [hbm4b:s4+s30], $0x80, s14, s30, $0xb8;
	[tilespmem:$0x1E800] =	vst v63  }
0xa1: {  	_ =	swait.ge [sflag:s11], $0x2000  }
0xa2: {  	[sflag:s11] =	ssyncset.done $0x0  }
0xa3: {  	s14 =	sadd.s32 $0x1500, s25;
	[sflag:s11] =	ssyncadd.s32 $0xFFFFE000  }
0xa4: {  	[spmem:s2] =	stream.indirect.scatter.add.f32 [tilespmem:s6], [sflag:$0x5], $0x80, s14, s30, $0xb8;
	[tilespmem:$0x1E800] =	vst v63  }
0xa5: {  	_ =	swait.ge [sflag:s28], $0x2000  }
0xa6: {  	[sflag:s28] =	ssyncset.done $0x0  }
0xa7: {  	s14 =	sadd.s32 $0x300, s25;
	[sflag:s28] =	ssyncadd.s32 $0xFFFFE000  }
0xa8: {  	[tilespmem:s6], [sflag:$0x3] =	stream.indirect.gather [hbm4b:s4+s30], $0x80, s14, s30, $0xb8;
	[tilespmem:$0x1E800] =	vst v63  }
0xa9: {  	_ =	swait.ge [sflag:s13], $0x2000  }
0xaa: {  	[sflag:s13] =	ssyncset.done $0x0  }
.Ltmp1:
0xab: {  	s14 =	sadd.s32 $0x1580, s25;
	[sflag:s13] =	ssyncadd.s32 $0xFFFFE000;
	(pc) =	sbr.rel @p1 .LBB2_4-.Ltmp1, $4  }
0xac: {  	[spmem:s2] =	stream.indirect.scatter.add.f32 [tilespmem:s8], [sflag:$0x5], $0x80, s14, s30, $0xb8;
	[tilespmem:$0x1E800] =	vst v63  }
0xad: {  	_ =	swait.ge [sflag:s28], $0x2000  }
0xae: {  	[sflag:s28] =	ssyncset.done $0x0  }
0xaf: {  	s25 =	sadd.s32 $0x380, s25;
	[sflag:s28] =	ssyncadd.s32 $0xFFFFE000  }
0xb0: {  	[tilespmem:s8], [sflag:$0x4] =	stream.indirect.gather [hbm4b:s4+s30], $0x80, s25, s30, $0xb8;
	[tilespmem:$0x1E800] =	vst v63  }
0xb1: {  	_ =	swait.ge [sflag:s9], $0x2000  }
0xb2: {  	[sflag:s9] =	ssyncset.done $0x0  }
0xb3: {  	[sflag:s9] =	ssyncadd.s32 $0xFFFFE000  }
0xb4: {  	[spmem:s2] =	stream.indirect.scatter.add.f32 [tilespmem:s26], [sflag:$0x5], $0x80, s20, s30, $0xb8;
	[tilespmem:$0x1E800] =	vst v63  }
0xb5: {  	_ =	swait.ge [sflag:s28], $0x2000  }
0xb6: {  	[sflag:s28] =	ssyncset.done $0x0  }
0xb7: {  	[sflag:s28] =	ssyncadd.s32 $0xFFFFE000  }
0xb8: {  	_ =	swait.ge [sflag:s10], $0x2000  }
0xb9: {  	[sflag:s10] =	ssyncset.done $0x0  }
0xba: {  	[sflag:s10] =	ssyncadd.s32 $0xFFFFE000  }
0xbb: {  	[spmem:s2] =	stream.indirect.scatter.add.f32 [tilespmem:s0], [sflag:$0x5], $0x80, s21, s30, $0xb8;
	[tilespmem:$0x1E800] =	vst v63  }
0xbc: {  	_ =	swait.ge [sflag:s28], $0x2000  }
0xbd: {  	[sflag:s28] =	ssyncset.done $0x0  }
0xbe: {  	[sflag:s28] =	ssyncadd.s32 $0xFFFFE000  }
0xbf: {  	_ =	swait.ge [sflag:s11], $0x2000  }
0xc0: {  	[sflag:s11] =	ssyncset.done $0x0  }
0xc1: {  	[sflag:s11] =	ssyncadd.s32 $0xFFFFE000  }
0xc2: {  	[spmem:s2] =	stream.indirect.scatter.add.f32 [tilespmem:s6], [sflag:$0x5], $0x80, s22, s30, $0xb8;
	[tilespmem:$0x1E800] =	vst v63  }
0xc3: {  	_ =	swait.ge [sflag:s28], $0x2000  }
0xc4: {  	[sflag:s28] =	ssyncset.done $0x0  }
0xc5: {  	[sflag:s28] =	ssyncadd.s32 $0xFFFFE000  }
0xc6: {  	_ =	swait.ge [sflag:s13], $0x2000  }
0xc7: {  	[sflag:s13] =	ssyncset.done $0x0  }
0xc8: {  	[sflag:s13] =	ssyncadd.s32 $0xFFFFE000  }
0xc9: {  	[spmem:s2] =	stream.indirect.scatter.add.f32 [tilespmem:s8], [sflag:$0x5], $0x80, s23, s30, $0xb8;
	[tilespmem:$0x1E800] =	vst v63  }
0xca: {  	_ =	swait.ge [sflag:s28], $0x2000  }
0xcb: {  	[sflag:s28] =	ssyncset.done $0x0  }
0xcc: {  	s14 =	simm.s32 $0x0;
	s24 =	rddreg [dreg:$0xb];
	[sflag:s28] =	ssyncadd.s32 $0xFFFFE000  }
0xcd: {  	[tilespmem:s14], [sflag:$0x5] =	stream.linear.gather [hbm4b:s24+s14], $0x1400, $0x38;
	[tilespmem:$0x1E800] =	vst v63  }
0xce: {  	_ =	swait.ge [sflag:s28], $0x1400  }
0xcf: {  	[sflag:s28] =	ssyncset.done $0x0  }
0xd0: {  	[sflag:s28] =	ssyncadd.s32 $0xFFFFEC00  }
0xd1: {  	[tilespmem:s29], [sflag:$0x5] =	stream.linear.gather [hbm4b:s15+s14], $0x1400, $0x38;
	[tilespmem:$0x1E800] =	vst v63  }
0xd2: {  	_ =	swait.ge [sflag:s28], $0x1400  }
0xd3: {  	[sflag:s28] =	ssyncset.done $0x0  }
0xd4: {  	[sflag:s28] =	ssyncadd.s32 $0xFFFFEC00  }
0xd5: {  	[tilespmem:s26], [sflag:$0x1] =	stream.indirect.gather [hbm4b:s4+s30], $0x80, s14, s30, $0xb8;
	[tilespmem:$0x1E800] =	vst v63  }
0xd6: {  	_ = 	snop  }
0xd7: {  	[tilespmem:s0], [sflag:$0x2] =	stream.indirect.gather [hbm4b:s4+s30], $0x80, s31, s30, $0xb8;
	[tilespmem:$0x1E800] =	vst v63  }
0xd8: {  	_ = 	snop  }
0xd9: {  	[tilespmem:s6], [sflag:$0x3] =	stream.indirect.gather [hbm4b:s4+s30], $0x80, s1, s30, $0xb8;
	[tilespmem:$0x1E800] =	vst v63  }
0xda: {  	_ = 	snop  }
0xdb: {  	[tilespmem:s8], [sflag:$0x4] =	stream.indirect.gather [hbm4b:s4+s30], $0x80, s7, s30, $0xb8;
	[tilespmem:$0x1E800] =	vst v63  }
0xdc: {  	_ =	swait.ge [sflag:s9], $0x2000  }
0xdd: {  	[sflag:s9] =	ssyncset.done $0x0  }
0xde: {  	s25 =	simm.s32 $0x1400;
	[sflag:s9] =	ssyncadd.s32 $0xFFFFE000  }
0xdf: {  	[spmem:s2] =	stream.indirect.scatter.add.f32 [tilespmem:s26], [sflag:$0x5], $0x80, s25, s30, $0xb8;
	[tilespmem:$0x1E800] =	vst v63  }
0xe0: {  	_ =	swait.ge [sflag:s28], $0x2000  }
0xe1: {  	[sflag:s28] =	ssyncset.done $0x0  }
0xe2: {  	s24 =	simm.s32 $0x200;
	[sflag:s28] =	ssyncadd.s32 $0xFFFFE000  }
0xe3: {  	[tilespmem:s26], [sflag:$0x1] =	stream.indirect.gather [hbm4b:s4+s30], $0x80, s24, s30, $0xb8;
	[tilespmem:$0x1E800] =	vst v63  }
0xe4: {  	_ =	swait.ge [sflag:s10], $0x2000  }
0xe5: {  	[sflag:s10] =	ssyncset.done $0x0  }
0xe6: {  	s25 =	simm.s32 $0x1480;
	[sflag:s10] =	ssyncadd.s32 $0xFFFFE000  }
0xe7: {  	[spmem:s2] =	stream.indirect.scatter.add.f32 [tilespmem:s0], [sflag:$0x5], $0x80, s25, s30, $0xb8;
	[tilespmem:$0x1E800] =	vst v63  }
0xe8: {  	_ =	swait.ge [sflag:s28], $0x2000  }
0xe9: {  	[sflag:s28] =	ssyncset.done $0x0  }
0xea: {  	s24 =	simm.s32 $0x280;
	[sflag:s28] =	ssyncadd.s32 $0xFFFFE000  }
0xeb: {  	[tilespmem:s0], [sflag:$0x2] =	stream.indirect.gather [hbm4b:s4+s30], $0x80, s24, s30, $0xb8;
	[tilespmem:$0x1E800] =	vst v63  }
0xec: {  	_ =	swait.ge [sflag:s11], $0x2000  }
0xed: {  	[sflag:s11] =	ssyncset.done $0x0  }
0xee: {  	s25 =	simm.s32 $0x1500;
	[sflag:s11] =	ssyncadd.s32 $0xFFFFE000  }
0xef: {  	[spmem:s2] =	stream.indirect.scatter.add.f32 [tilespmem:s6], [sflag:$0x5], $0x80, s25, s30, $0xb8;
	[tilespmem:$0x1E800] =	vst v63  }
0xf0: {  	_ =	swait.ge [sflag:s28], $0x2000  }
0xf1: {  	[sflag:s28] =	ssyncset.done $0x0  }
0xf2: {  	s24 =	simm.s32 $0x300;
	[sflag:s28] =	ssyncadd.s32 $0xFFFFE000  }
0xf3: {  	[tilespmem:s6], [sflag:$0x3] =	stream.indirect.gather [hbm4b:s4+s30], $0x80, s24, s30, $0xb8;
	[tilespmem:$0x1E800] =	vst v63  }
0xf4: {  	_ =	swait.ge [sflag:s13], $0x2000  }
0xf5: {  	[sflag:s13] =	ssyncset.done $0x0  }
0xf6: {  	s25 =	simm.s32 $0x1580;
	[sflag:s13] =	ssyncadd.s32 $0xFFFFE000  }
0xf7: {  	[spmem:s2] =	stream.indirect.scatter.add.f32 [tilespmem:s8], [sflag:$0x5], $0x80, s25, s30, $0xb8;
	[tilespmem:$0x1E800] =	vst v63  }
0xf8: {  	_ =	swait.ge [sflag:s28], $0x2000  }
0xf9: {  	[sflag:s28] =	ssyncset.done $0x0  }
0xfa: {  	s24 =	simm.s32 $0x800;
	s25 =	simm.s32 $0x380;
	[sflag:s28] =	ssyncadd.s32 $0xFFFFE000  }
.LBB2_6:
0xfb: {  	[tilespmem:s8], [sflag:$0x4] =	stream.indirect.gather [hbm4b:s4+s30], $0x80, s25, s30, $0xb8;
	[tilespmem:$0x1E800] =	vst v63  }
0xfc: {  	s14 =	smov.u32 s24  }
0xfd: {  	p1 =	sne.s32 s24, $0x4000;
	s24 =	sadd.s32 $0x800, s24;
	_ =	swait.ge [sflag:s9], $0x2000  }
0xfe: {  	s25 =	sshra.s32 s14, $0x2;
	[sflag:s9] =	ssyncset.done $0x0  }
0xff: {  	s14 =	sadd.s32 $0x1400, s25;
	[sflag:s9] =	ssyncadd.s32 $0xFFFFE000  }
0x100: {  	[spmem:s2] =	stream.indirect.scatter.add.f32 [tilespmem:s26], [sflag:$0x5], $0x80, s14, s30, $0xb8;
	[tilespmem:$0x1E800] =	vst v63  }
0x101: {  	_ =	swait.ge [sflag:s28], $0x2000  }
0x102: {  	[sflag:s28] =	ssyncset.done $0x0  }
0x103: {  	s14 =	sadd.s32 $0x200, s25;
	[sflag:s28] =	ssyncadd.s32 $0xFFFFE000  }
0x104: {  	[tilespmem:s26], [sflag:$0x1] =	stream.indirect.gather [hbm4b:s4+s30], $0x80, s14, s30, $0xb8;
	[tilespmem:$0x1E800] =	vst v63  }
0x105: {  	_ =	swait.ge [sflag:s10], $0x2000  }
0x106: {  	[sflag:s10] =	ssyncset.done $0x0  }
0x107: {  	s14 =	sadd.s32 $0x1480, s25;
	[sflag:s10] =	ssyncadd.s32 $0xFFFFE000  }
0x108: {  	[spmem:s2] =	stream.indirect.scatter.add.f32 [tilespmem:s0], [sflag:$0x5], $0x80, s14, s30, $0xb8;
	[tilespmem:$0x1E800] =	vst v63  }
0x109: {  	_ =	swait.ge [sflag:s28], $0x2000  }
0x10a: {  	[sflag:s28] =	ssyncset.done $0x0  }
0x10b: {  	s14 =	sadd.s32 $0x280, s25;
	[sflag:s28] =	ssyncadd.s32 $0xFFFFE000  }
0x10c: {  	[tilespmem:s0], [sflag:$0x2] =	stream.indirect.gather [hbm4b:s4+s30], $0x80, s14, s30, $0xb8;
	[tilespmem:$0x1E800] =	vst v63  }
0x10d: {  	_ =	swait.ge [sflag:s11], $0x2000  }
0x10e: {  	[sflag:s11] =	ssyncset.done $0x0  }
0x10f: {  	s14 =	sadd.s32 $0x1500, s25;
	[sflag:s11] =	ssyncadd.s32 $0xFFFFE000  }
0x110: {  	[spmem:s2] =	stream.indirect.scatter.add.f32 [tilespmem:s6], [sflag:$0x5], $0x80, s14, s30, $0xb8;
	[tilespmem:$0x1E800] =	vst v63  }
0x111: {  	_ =	swait.ge [sflag:s28], $0x2000  }
0x112: {  	[sflag:s28] =	ssyncset.done $0x0  }
0x113: {  	s14 =	sadd.s32 $0x300, s25;
	[sflag:s28] =	ssyncadd.s32 $0xFFFFE000  }
0x114: {  	[tilespmem:s6], [sflag:$0x3] =	stream.indirect.gather [hbm4b:s4+s30], $0x80, s14, s30, $0xb8;
	[tilespmem:$0x1E800] =	vst v63  }
0x115: {  	_ =	swait.ge [sflag:s13], $0x2000  }
0x116: {  	[sflag:s13] =	ssyncset.done $0x0  }
.Ltmp2:
0x117: {  	s14 =	sadd.s32 $0x1580, s25;
	[sflag:s13] =	ssyncadd.s32 $0xFFFFE000;
	(pc) =	sbr.rel @p1 .LBB2_6-.Ltmp2, $4  }
0x118: {  	[spmem:s2] =	stream.indirect.scatter.add.f32 [tilespmem:s8], [sflag:$0x5], $0x80, s14, s30, $0xb8;
	[tilespmem:$0x1E800] =	vst v63  }
0x119: {  	_ =	swait.ge [sflag:s28], $0x2000  }
0x11a: {  	[sflag:s28] =	ssyncset.done $0x0  }
0x11b: {  	s25 =	sadd.s32 $0x380, s25;
	[sflag:s28] =	ssyncadd.s32 $0xFFFFE000  }
0x11c: {  	[tilespmem:s8], [sflag:$0x4] =	stream.indirect.gather [hbm4b:s4+s30], $0x80, s25, s30, $0xb8;
	[tilespmem:$0x1E800] =	vst v63  }
0x11d: {  	_ =	swait.ge [sflag:s9], $0x2000  }
0x11e: {  	[sflag:s9] =	ssyncset.done $0x0  }
0x11f: {  	[sflag:s9] =	ssyncadd.s32 $0xFFFFE000  }
0x120: {  	[spmem:s2] =	stream.indirect.scatter.add.f32 [tilespmem:s26], [sflag:$0x5], $0x80, s20, s30, $0xb8;
	[tilespmem:$0x1E800] =	vst v63  }
0x121: {  	_ =	swait.ge [sflag:s28], $0x2000  }
0x122: {  	[sflag:s28] =	ssyncset.done $0x0  }
0x123: {  	[sflag:s28] =	ssyncadd.s32 $0xFFFFE000  }
0x124: {  	_ =	swait.ge [sflag:s10], $0x2000  }
0x125: {  	[sflag:s10] =	ssyncset.done $0x0  }
0x126: {  	[sflag:s10] =	ssyncadd.s32 $0xFFFFE000  }
0x127: {  	[spmem:s2] =	stream.indirect.scatter.add.f32 [tilespmem:s0], [sflag:$0x5], $0x80, s21, s30, $0xb8;
	[tilespmem:$0x1E800] =	vst v63  }
0x128: {  	_ =	swait.ge [sflag:s28], $0x2000  }
0x129: {  	[sflag:s28] =	ssyncset.done $0x0  }
0x12a: {  	[sflag:s28] =	ssyncadd.s32 $0xFFFFE000  }
0x12b: {  	_ =	swait.ge [sflag:s11], $0x2000  }
0x12c: {  	[sflag:s11] =	ssyncset.done $0x0  }
0x12d: {  	[sflag:s11] =	ssyncadd.s32 $0xFFFFE000  }
0x12e: {  	[spmem:s2] =	stream.indirect.scatter.add.f32 [tilespmem:s6], [sflag:$0x5], $0x80, s22, s30, $0xb8;
	[tilespmem:$0x1E800] =	vst v63  }
0x12f: {  	_ =	swait.ge [sflag:s28], $0x2000  }
0x130: {  	[sflag:s28] =	ssyncset.done $0x0  }
0x131: {  	[sflag:s28] =	ssyncadd.s32 $0xFFFFE000  }
0x132: {  	_ =	swait.ge [sflag:s13], $0x2000  }
0x133: {  	[sflag:s13] =	ssyncset.done $0x0  }
0x134: {  	[sflag:s13] =	ssyncadd.s32 $0xFFFFE000  }
0x135: {  	[spmem:s2] =	stream.indirect.scatter.add.f32 [tilespmem:s8], [sflag:$0x5], $0x80, s23, s30, $0xb8;
	[tilespmem:$0x1E800] =	vst v63  }
0x136: {  	_ =	swait.ge [sflag:s28], $0x2000  }
0x137: {  	[sflag:s28] =	ssyncset.done $0x0  }
0x138: {  	s14 =	simm.s32 $0x0;
	[sflag:s28] =	ssyncadd.s32 $0xFFFFE000  }
0x139: {  	[tilespmem:s14], [sflag:$0x5] =	stream.linear.gather [hbm4b:s16+s14], $0x1400, $0x38;
	[tilespmem:$0x1E800] =	vst v63  }
0x13a: {  	_ =	swait.ge [sflag:s28], $0x1400  }
0x13b: {  	[sflag:s28] =	ssyncset.done $0x0  }
0x13c: {  	[sflag:s28] =	ssyncadd.s32 $0xFFFFEC00  }
0x13d: {  	[tilespmem:s29], [sflag:$0x5] =	stream.linear.gather [hbm4b:s17+s14], $0x1400, $0x38;
	[tilespmem:$0x1E800] =	vst v63  }
0x13e: {  	_ =	swait.ge [sflag:s28], $0x1400  }
0x13f: {  	[sflag:s28] =	ssyncset.done $0x0  }
0x140: {  	[sflag:s28] =	ssyncadd.s32 $0xFFFFEC00  }
0x141: {  	[tilespmem:s26], [sflag:$0x1] =	stream.indirect.gather [hbm4b:s4+s30], $0x80, s14, s30, $0xb8;
	[tilespmem:$0x1E800] =	vst v63  }
0x142: {  	_ = 	snop  }
0x143: {  	[tilespmem:s0], [sflag:$0x2] =	stream.indirect.gather [hbm4b:s4+s30], $0x80, s31, s30, $0xb8;
	[tilespmem:$0x1E800] =	vst v63  }
0x144: {  	_ = 	snop  }
0x145: {  	[tilespmem:s6], [sflag:$0x3] =	stream.indirect.gather [hbm4b:s4+s30], $0x80, s1, s30, $0xb8;
	[tilespmem:$0x1E800] =	vst v63  }
0x146: {  	_ = 	snop  }
0x147: {  	[tilespmem:s8], [sflag:$0x4] =	stream.indirect.gather [hbm4b:s4+s30], $0x80, s7, s30, $0xb8;
	[tilespmem:$0x1E800] =	vst v63  }
0x148: {  	_ =	swait.ge [sflag:s9], $0x2000  }
0x149: {  	[sflag:s9] =	ssyncset.done $0x0  }
0x14a: {  	s25 =	simm.s32 $0x1400;
	[sflag:s9] =	ssyncadd.s32 $0xFFFFE000  }
0x14b: {  	[spmem:s2] =	stream.indirect.scatter.add.f32 [tilespmem:s26], [sflag:$0x5], $0x80, s25, s30, $0xb8;
	[tilespmem:$0x1E800] =	vst v63  }
0x14c: {  	_ =	swait.ge [sflag:s28], $0x2000  }
0x14d: {  	[sflag:s28] =	ssyncset.done $0x0  }
0x14e: {  	s24 =	simm.s32 $0x200;
	[sflag:s28] =	ssyncadd.s32 $0xFFFFE000  }
0x14f: {  	[tilespmem:s26], [sflag:$0x1] =	stream.indirect.gather [hbm4b:s4+s30], $0x80, s24, s30, $0xb8;
	[tilespmem:$0x1E800] =	vst v63  }
0x150: {  	_ =	swait.ge [sflag:s10], $0x2000  }
0x151: {  	[sflag:s10] =	ssyncset.done $0x0  }
0x152: {  	s25 =	simm.s32 $0x1480;
	[sflag:s10] =	ssyncadd.s32 $0xFFFFE000  }
0x153: {  	[spmem:s2] =	stream.indirect.scatter.add.f32 [tilespmem:s0], [sflag:$0x5], $0x80, s25, s30, $0xb8;
	[tilespmem:$0x1E800] =	vst v63  }
0x154: {  	_ =	swait.ge [sflag:s28], $0x2000  }
0x155: {  	[sflag:s28] =	ssyncset.done $0x0  }
0x156: {  	s24 =	simm.s32 $0x280;
	[sflag:s28] =	ssyncadd.s32 $0xFFFFE000  }
0x157: {  	[tilespmem:s0], [sflag:$0x2] =	stream.indirect.gather [hbm4b:s4+s30], $0x80, s24, s30, $0xb8;
	[tilespmem:$0x1E800] =	vst v63  }
0x158: {  	_ =	swait.ge [sflag:s11], $0x2000  }
0x159: {  	[sflag:s11] =	ssyncset.done $0x0  }
0x15a: {  	s25 =	simm.s32 $0x1500;
	[sflag:s11] =	ssyncadd.s32 $0xFFFFE000  }
0x15b: {  	[spmem:s2] =	stream.indirect.scatter.add.f32 [tilespmem:s6], [sflag:$0x5], $0x80, s25, s30, $0xb8;
	[tilespmem:$0x1E800] =	vst v63  }
0x15c: {  	_ =	swait.ge [sflag:s28], $0x2000  }
0x15d: {  	[sflag:s28] =	ssyncset.done $0x0  }
0x15e: {  	s24 =	simm.s32 $0x300;
	[sflag:s28] =	ssyncadd.s32 $0xFFFFE000  }
0x15f: {  	[tilespmem:s6], [sflag:$0x3] =	stream.indirect.gather [hbm4b:s4+s30], $0x80, s24, s30, $0xb8;
	[tilespmem:$0x1E800] =	vst v63  }
0x160: {  	_ =	swait.ge [sflag:s13], $0x2000  }
0x161: {  	[sflag:s13] =	ssyncset.done $0x0  }
0x162: {  	s25 =	simm.s32 $0x1580;
	[sflag:s13] =	ssyncadd.s32 $0xFFFFE000  }
0x163: {  	[spmem:s2] =	stream.indirect.scatter.add.f32 [tilespmem:s8], [sflag:$0x5], $0x80, s25, s30, $0xb8;
	[tilespmem:$0x1E800] =	vst v63  }
0x164: {  	_ =	swait.ge [sflag:s28], $0x2000  }
0x165: {  	[sflag:s28] =	ssyncset.done $0x0  }
0x166: {  	s24 =	simm.s32 $0x800;
	s25 =	simm.s32 $0x380;
	[sflag:s28] =	ssyncadd.s32 $0xFFFFE000  }
.LBB2_8:
0x167: {  	[tilespmem:s8], [sflag:$0x4] =	stream.indirect.gather [hbm4b:s4+s30], $0x80, s25, s30, $0xb8;
	[tilespmem:$0x1E800] =	vst v63  }
0x168: {  	s14 =	smov.u32 s24  }
0x169: {  	p1 =	sne.s32 s24, $0x4000;
	s24 =	sadd.s32 $0x800, s24;
	_ =	swait.ge [sflag:s9], $0x2000  }
0x16a: {  	s25 =	sshra.s32 s14, $0x2;
	[sflag:s9] =	ssyncset.done $0x0  }
0x16b: {  	s14 =	sadd.s32 $0x1400, s25;
	[sflag:s9] =	ssyncadd.s32 $0xFFFFE000  }
0x16c: {  	[spmem:s2] =	stream.indirect.scatter.add.f32 [tilespmem:s26], [sflag:$0x5], $0x80, s14, s30, $0xb8;
	[tilespmem:$0x1E800] =	vst v63  }
0x16d: {  	_ =	swait.ge [sflag:s28], $0x2000  }
0x16e: {  	[sflag:s28] =	ssyncset.done $0x0  }
0x16f: {  	s14 =	sadd.s32 $0x200, s25;
	[sflag:s28] =	ssyncadd.s32 $0xFFFFE000  }
0x170: {  	[tilespmem:s26], [sflag:$0x1] =	stream.indirect.gather [hbm4b:s4+s30], $0x80, s14, s30, $0xb8;
	[tilespmem:$0x1E800] =	vst v63  }
0x171: {  	_ =	swait.ge [sflag:s10], $0x2000  }
0x172: {  	[sflag:s10] =	ssyncset.done $0x0  }
0x173: {  	s14 =	sadd.s32 $0x1480, s25;
	[sflag:s10] =	ssyncadd.s32 $0xFFFFE000  }
0x174: {  	[spmem:s2] =	stream.indirect.scatter.add.f32 [tilespmem:s0], [sflag:$0x5], $0x80, s14, s30, $0xb8;
	[tilespmem:$0x1E800] =	vst v63  }
0x175: {  	_ =	swait.ge [sflag:s28], $0x2000  }
0x176: {  	[sflag:s28] =	ssyncset.done $0x0  }
0x177: {  	s14 =	sadd.s32 $0x280, s25;
	[sflag:s28] =	ssyncadd.s32 $0xFFFFE000  }
0x178: {  	[tilespmem:s0], [sflag:$0x2] =	stream.indirect.gather [hbm4b:s4+s30], $0x80, s14, s30, $0xb8;
	[tilespmem:$0x1E800] =	vst v63  }
0x179: {  	_ =	swait.ge [sflag:s11], $0x2000  }
0x17a: {  	[sflag:s11] =	ssyncset.done $0x0  }
0x17b: {  	s14 =	sadd.s32 $0x1500, s25;
	[sflag:s11] =	ssyncadd.s32 $0xFFFFE000  }
0x17c: {  	[spmem:s2] =	stream.indirect.scatter.add.f32 [tilespmem:s6], [sflag:$0x5], $0x80, s14, s30, $0xb8;
	[tilespmem:$0x1E800] =	vst v63  }
0x17d: {  	_ =	swait.ge [sflag:s28], $0x2000  }
0x17e: {  	[sflag:s28] =	ssyncset.done $0x0  }
0x17f: {  	s14 =	sadd.s32 $0x300, s25;
	[sflag:s28] =	ssyncadd.s32 $0xFFFFE000  }
0x180: {  	[tilespmem:s6], [sflag:$0x3] =	stream.indirect.gather [hbm4b:s4+s30], $0x80, s14, s30, $0xb8;
	[tilespmem:$0x1E800] =	vst v63  }
0x181: {  	_ =	swait.ge [sflag:s13], $0x2000  }
0x182: {  	[sflag:s13] =	ssyncset.done $0x0  }
.Ltmp3:
0x183: {  	s14 =	sadd.s32 $0x1580, s25;
	[sflag:s13] =	ssyncadd.s32 $0xFFFFE000;
	(pc) =	sbr.rel @p1 .LBB2_8-.Ltmp3, $4  }
0x184: {  	[spmem:s2] =	stream.indirect.scatter.add.f32 [tilespmem:s8], [sflag:$0x5], $0x80, s14, s30, $0xb8;
	[tilespmem:$0x1E800] =	vst v63  }
0x185: {  	_ =	swait.ge [sflag:s28], $0x2000  }
0x186: {  	[sflag:s28] =	ssyncset.done $0x0  }
0x187: {  	s25 =	sadd.s32 $0x380, s25;
	[sflag:s28] =	ssyncadd.s32 $0xFFFFE000  }
0x188: {  	[tilespmem:s8], [sflag:$0x4] =	stream.indirect.gather [hbm4b:s4+s30], $0x80, s25, s30, $0xb8;
	[tilespmem:$0x1E800] =	vst v63  }
0x189: {  	_ =	swait.ge [sflag:s9], $0x2000  }
0x18a: {  	[sflag:s9] =	ssyncset.done $0x0  }
0x18b: {  	[sflag:s9] =	ssyncadd.s32 $0xFFFFE000  }
0x18c: {  	[spmem:s2] =	stream.indirect.scatter.add.f32 [tilespmem:s26], [sflag:$0x5], $0x80, s20, s30, $0xb8;
	[tilespmem:$0x1E800] =	vst v63  }
0x18d: {  	_ =	swait.ge [sflag:s28], $0x2000  }
0x18e: {  	[sflag:s28] =	ssyncset.done $0x0  }
0x18f: {  	[sflag:s28] =	ssyncadd.s32 $0xFFFFE000  }
0x190: {  	_ =	swait.ge [sflag:s10], $0x2000  }
0x191: {  	[sflag:s10] =	ssyncset.done $0x0  }
0x192: {  	[sflag:s10] =	ssyncadd.s32 $0xFFFFE000  }
0x193: {  	[spmem:s2] =	stream.indirect.scatter.add.f32 [tilespmem:s0], [sflag:$0x5], $0x80, s21, s30, $0xb8;
	[tilespmem:$0x1E800] =	vst v63  }
0x194: {  	_ =	swait.ge [sflag:s28], $0x2000  }
0x195: {  	[sflag:s28] =	ssyncset.done $0x0  }
0x196: {  	[sflag:s28] =	ssyncadd.s32 $0xFFFFE000  }
0x197: {  	_ =	swait.ge [sflag:s11], $0x2000  }
0x198: {  	[sflag:s11] =	ssyncset.done $0x0  }
0x199: {  	[sflag:s11] =	ssyncadd.s32 $0xFFFFE000  }
0x19a: {  	[spmem:s2] =	stream.indirect.scatter.add.f32 [tilespmem:s6], [sflag:$0x5], $0x80, s22, s30, $0xb8;
	[tilespmem:$0x1E800] =	vst v63  }
0x19b: {  	_ =	swait.ge [sflag:s28], $0x2000  }
0x19c: {  	[sflag:s28] =	ssyncset.done $0x0  }
0x19d: {  	[sflag:s28] =	ssyncadd.s32 $0xFFFFE000  }
0x19e: {  	_ =	swait.ge [sflag:s13], $0x2000  }
0x19f: {  	[sflag:s13] =	ssyncset.done $0x0  }
0x1a0: {  	[sflag:s13] =	ssyncadd.s32 $0xFFFFE000  }
0x1a1: {  	[spmem:s2] =	stream.indirect.scatter.add.f32 [tilespmem:s8], [sflag:$0x5], $0x80, s23, s30, $0xb8;
	[tilespmem:$0x1E800] =	vst v63  }
0x1a2: {  	_ =	swait.ge [sflag:s28], $0x2000  }
0x1a3: {  	[sflag:s28] =	ssyncset.done $0x0  }
0x1a4: {  	s14 =	simm.s32 $0x0;
	[sflag:s28] =	ssyncadd.s32 $0xFFFFE000  }
0x1a5: {  	[tilespmem:s14], [sflag:$0x5] =	stream.linear.gather [hbm4b:s18+s14], $0x1400, $0x38;
	[tilespmem:$0x1E800] =	vst v63  }
0x1a6: {  	_ =	swait.ge [sflag:s28], $0x1400  }
0x1a7: {  	[sflag:s28] =	ssyncset.done $0x0  }
0x1a8: {  	[sflag:s28] =	ssyncadd.s32 $0xFFFFEC00  }
0x1a9: {  	[tilespmem:s29], [sflag:$0x5] =	stream.linear.gather [hbm4b:s19+s14], $0x1400, $0x38;
	[tilespmem:$0x1E800] =	vst v63  }
0x1aa: {  	_ =	swait.ge [sflag:s28], $0x1400  }
0x1ab: {  	[sflag:s28] =	ssyncset.done $0x0  }
0x1ac: {  	[sflag:s28] =	ssyncadd.s32 $0xFFFFEC00  }
0x1ad: {  	[tilespmem:s26], [sflag:$0x1] =	stream.indirect.gather [hbm4b:s4+s30], $0x80, s14, s30, $0xb8;
	[tilespmem:$0x1E800] =	vst v63  }
0x1ae: {  	_ = 	snop  }
0x1af: {  	[tilespmem:s0], [sflag:$0x2] =	stream.indirect.gather [hbm4b:s4+s30], $0x80, s31, s30, $0xb8;
	[tilespmem:$0x1E800] =	vst v63  }
0x1b0: {  	_ = 	snop  }
0x1b1: {  	[tilespmem:s6], [sflag:$0x3] =	stream.indirect.gather [hbm4b:s4+s30], $0x80, s1, s30, $0xb8;
	[tilespmem:$0x1E800] =	vst v63  }
0x1b2: {  	_ = 	snop  }
0x1b3: {  	[tilespmem:s8], [sflag:$0x4] =	stream.indirect.gather [hbm4b:s4+s30], $0x80, s7, s30, $0xb8;
	[tilespmem:$0x1E800] =	vst v63  }
0x1b4: {  	_ =	swait.ge [sflag:s9], $0x2000  }
0x1b5: {  	[sflag:s9] =	ssyncset.done $0x0  }
0x1b6: {  	s25 =	simm.s32 $0x1400;
	[sflag:s9] =	ssyncadd.s32 $0xFFFFE000  }
0x1b7: {  	[spmem:s2] =	stream.indirect.scatter.add.f32 [tilespmem:s26], [sflag:$0x5], $0x80, s25, s30, $0xb8;
	[tilespmem:$0x1E800] =	vst v63  }
0x1b8: {  	_ =	swait.ge [sflag:s28], $0x2000  }
0x1b9: {  	[sflag:s28] =	ssyncset.done $0x0  }
0x1ba: {  	s24 =	simm.s32 $0x200;
	[sflag:s28] =	ssyncadd.s32 $0xFFFFE000  }
0x1bb: {  	[tilespmem:s26], [sflag:$0x1] =	stream.indirect.gather [hbm4b:s4+s30], $0x80, s24, s30, $0xb8;
	[tilespmem:$0x1E800] =	vst v63  }
0x1bc: {  	_ =	swait.ge [sflag:s10], $0x2000  }
0x1bd: {  	[sflag:s10] =	ssyncset.done $0x0  }
0x1be: {  	s25 =	simm.s32 $0x1480;
	[sflag:s10] =	ssyncadd.s32 $0xFFFFE000  }
0x1bf: {  	[spmem:s2] =	stream.indirect.scatter.add.f32 [tilespmem:s0], [sflag:$0x5], $0x80, s25, s30, $0xb8;
	[tilespmem:$0x1E800] =	vst v63  }
0x1c0: {  	_ =	swait.ge [sflag:s28], $0x2000  }
0x1c1: {  	[sflag:s28] =	ssyncset.done $0x0  }
0x1c2: {  	s24 =	simm.s32 $0x280;
	[sflag:s28] =	ssyncadd.s32 $0xFFFFE000  }
0x1c3: {  	[tilespmem:s0], [sflag:$0x2] =	stream.indirect.gather [hbm4b:s4+s30], $0x80, s24, s30, $0xb8;
	[tilespmem:$0x1E800] =	vst v63  }
0x1c4: {  	_ =	swait.ge [sflag:s11], $0x2000  }
0x1c5: {  	[sflag:s11] =	ssyncset.done $0x0  }
0x1c6: {  	s25 =	simm.s32 $0x1500;
	[sflag:s11] =	ssyncadd.s32 $0xFFFFE000  }
0x1c7: {  	[spmem:s2] =	stream.indirect.scatter.add.f32 [tilespmem:s6], [sflag:$0x5], $0x80, s25, s30, $0xb8;
	[tilespmem:$0x1E800] =	vst v63  }
0x1c8: {  	_ =	swait.ge [sflag:s28], $0x2000  }
0x1c9: {  	[sflag:s28] =	ssyncset.done $0x0  }
0x1ca: {  	s24 =	simm.s32 $0x300;
	[sflag:s28] =	ssyncadd.s32 $0xFFFFE000  }
0x1cb: {  	[tilespmem:s6], [sflag:$0x3] =	stream.indirect.gather [hbm4b:s4+s30], $0x80, s24, s30, $0xb8;
	[tilespmem:$0x1E800] =	vst v63  }
0x1cc: {  	_ =	swait.ge [sflag:s13], $0x2000  }
0x1cd: {  	[sflag:s13] =	ssyncset.done $0x0  }
0x1ce: {  	s25 =	simm.s32 $0x1580;
	[sflag:s13] =	ssyncadd.s32 $0xFFFFE000  }
0x1cf: {  	[spmem:s2] =	stream.indirect.scatter.add.f32 [tilespmem:s8], [sflag:$0x5], $0x80, s25, s30, $0xb8;
	[tilespmem:$0x1E800] =	vst v63  }
0x1d0: {  	_ =	swait.ge [sflag:s28], $0x2000  }
0x1d1: {  	[sflag:s28] =	ssyncset.done $0x0  }
0x1d2: {  	s24 =	simm.s32 $0x800;
	s25 =	simm.s32 $0x380;
	[sflag:s28] =	ssyncadd.s32 $0xFFFFE000  }
.LBB2_10:
0x1d3: {  	[tilespmem:s8], [sflag:$0x4] =	stream.indirect.gather [hbm4b:s4+s30], $0x80, s25, s30, $0xb8;
	[tilespmem:$0x1E800] =	vst v63  }
0x1d4: {  	s14 =	smov.u32 s24  }
0x1d5: {  	p1 =	sne.s32 s24, $0x4000;
	s24 =	sadd.s32 $0x800, s24;
	_ =	swait.ge [sflag:s9], $0x2000  }
0x1d6: {  	s25 =	sshra.s32 s14, $0x2;
	[sflag:s9] =	ssyncset.done $0x0  }
0x1d7: {  	s14 =	sadd.s32 $0x1400, s25;
	[sflag:s9] =	ssyncadd.s32 $0xFFFFE000  }
0x1d8: {  	[spmem:s2] =	stream.indirect.scatter.add.f32 [tilespmem:s26], [sflag:$0x5], $0x80, s14, s30, $0xb8;
	[tilespmem:$0x1E800] =	vst v63  }
0x1d9: {  	_ =	swait.ge [sflag:s28], $0x2000  }
0x1da: {  	[sflag:s28] =	ssyncset.done $0x0  }
0x1db: {  	s14 =	sadd.s32 $0x200, s25;
	[sflag:s28] =	ssyncadd.s32 $0xFFFFE000  }
0x1dc: {  	[tilespmem:s26], [sflag:$0x1] =	stream.indirect.gather [hbm4b:s4+s30], $0x80, s14, s30, $0xb8;
	[tilespmem:$0x1E800] =	vst v63  }
0x1dd: {  	_ =	swait.ge [sflag:s10], $0x2000  }
0x1de: {  	[sflag:s10] =	ssyncset.done $0x0  }
0x1df: {  	s14 =	sadd.s32 $0x1480, s25;
	[sflag:s10] =	ssyncadd.s32 $0xFFFFE000  }
0x1e0: {  	[spmem:s2] =	stream.indirect.scatter.add.f32 [tilespmem:s0], [sflag:$0x5], $0x80, s14, s30, $0xb8;
	[tilespmem:$0x1E800] =	vst v63  }
0x1e1: {  	_ =	swait.ge [sflag:s28], $0x2000  }
0x1e2: {  	[sflag:s28] =	ssyncset.done $0x0  }
0x1e3: {  	s14 =	sadd.s32 $0x280, s25;
	[sflag:s28] =	ssyncadd.s32 $0xFFFFE000  }
0x1e4: {  	[tilespmem:s0], [sflag:$0x2] =	stream.indirect.gather [hbm4b:s4+s30], $0x80, s14, s30, $0xb8;
	[tilespmem:$0x1E800] =	vst v63  }
0x1e5: {  	_ =	swait.ge [sflag:s11], $0x2000  }
0x1e6: {  	[sflag:s11] =	ssyncset.done $0x0  }
0x1e7: {  	s14 =	sadd.s32 $0x1500, s25;
	[sflag:s11] =	ssyncadd.s32 $0xFFFFE000  }
0x1e8: {  	[spmem:s2] =	stream.indirect.scatter.add.f32 [tilespmem:s6], [sflag:$0x5], $0x80, s14, s30, $0xb8;
	[tilespmem:$0x1E800] =	vst v63  }
0x1e9: {  	_ =	swait.ge [sflag:s28], $0x2000  }
0x1ea: {  	[sflag:s28] =	ssyncset.done $0x0  }
0x1eb: {  	s14 =	sadd.s32 $0x300, s25;
	[sflag:s28] =	ssyncadd.s32 $0xFFFFE000  }
0x1ec: {  	[tilespmem:s6], [sflag:$0x3] =	stream.indirect.gather [hbm4b:s4+s30], $0x80, s14, s30, $0xb8;
	[tilespmem:$0x1E800] =	vst v63  }
0x1ed: {  	_ =	swait.ge [sflag:s13], $0x2000  }
0x1ee: {  	[sflag:s13] =	ssyncset.done $0x0  }
.Ltmp4:
0x1ef: {  	s14 =	sadd.s32 $0x1580, s25;
	[sflag:s13] =	ssyncadd.s32 $0xFFFFE000;
	(pc) =	sbr.rel @p1 .LBB2_10-.Ltmp4, $4  }
0x1f0: {  	[spmem:s2] =	stream.indirect.scatter.add.f32 [tilespmem:s8], [sflag:$0x5], $0x80, s14, s30, $0xb8;
	[tilespmem:$0x1E800] =	vst v63  }
0x1f1: {  	_ =	swait.ge [sflag:s28], $0x2000  }
0x1f2: {  	[sflag:s28] =	ssyncset.done $0x0  }
0x1f3: {  	s25 =	sadd.s32 $0x380, s25;
	[sflag:s28] =	ssyncadd.s32 $0xFFFFE000  }
0x1f4: {  	[tilespmem:s8], [sflag:$0x4] =	stream.indirect.gather [hbm4b:s4+s30], $0x80, s25, s30, $0xb8;
	[tilespmem:$0x1E800] =	vst v63  }
0x1f5: {  	_ =	swait.ge [sflag:s9], $0x2000  }
0x1f6: {  	[sflag:s9] =	ssyncset.done $0x0  }
0x1f7: {  	[sflag:s9] =	ssyncadd.s32 $0xFFFFE000  }
0x1f8: {  	[spmem:s2] =	stream.indirect.scatter.add.f32 [tilespmem:s26], [sflag:$0x5], $0x80, s20, s30, $0xb8;
	[tilespmem:$0x1E800] =	vst v63  }
0x1f9: {  	_ =	swait.ge [sflag:s28], $0x2000  }
0x1fa: {  	[sflag:s28] =	ssyncset.done $0x0  }
0x1fb: {  	[sflag:s28] =	ssyncadd.s32 $0xFFFFE000  }
0x1fc: {  	_ =	swait.ge [sflag:s10], $0x2000  }
0x1fd: {  	[sflag:s10] =	ssyncset.done $0x0  }
0x1fe: {  	[sflag:s10] =	ssyncadd.s32 $0xFFFFE000  }
0x1ff: {  	[spmem:s2] =	stream.indirect.scatter.add.f32 [tilespmem:s0], [sflag:$0x5], $0x80, s21, s30, $0xb8;
	[tilespmem:$0x1E800] =	vst v63  }
0x200: {  	_ =	swait.ge [sflag:s28], $0x2000  }
0x201: {  	[sflag:s28] =	ssyncset.done $0x0  }
0x202: {  	[sflag:s28] =	ssyncadd.s32 $0xFFFFE000  }
0x203: {  	_ =	swait.ge [sflag:s11], $0x2000  }
0x204: {  	[sflag:s11] =	ssyncset.done $0x0  }
0x205: {  	[sflag:s11] =	ssyncadd.s32 $0xFFFFE000  }
0x206: {  	[spmem:s2] =	stream.indirect.scatter.add.f32 [tilespmem:s6], [sflag:$0x5], $0x80, s22, s30, $0xb8;
	[tilespmem:$0x1E800] =	vst v63  }
0x207: {  	_ =	swait.ge [sflag:s28], $0x2000  }
0x208: {  	[sflag:s28] =	ssyncset.done $0x0  }
0x209: {  	[sflag:s28] =	ssyncadd.s32 $0xFFFFE000  }
0x20a: {  	_ =	swait.ge [sflag:s13], $0x2000  }
0x20b: {  	[sflag:s13] =	ssyncset.done $0x0  }
0x20c: {  	[sflag:s13] =	ssyncadd.s32 $0xFFFFE000  }
0x20d: {  	[spmem:s2] =	stream.indirect.scatter.add.f32 [tilespmem:s8], [sflag:$0x5], $0x80, s23, s30, $0xb8;
	[tilespmem:$0x1E800] =	vst v63  }
0x20e: {  	_ =	swait.ge [sflag:s28], $0x2000  }
0x20f: {  	[sflag:s28] =	ssyncset.done $0x0  }
0x210: {  	s14 =	stileid.u32;
	[sflag:s28] =	ssyncadd.s32 $0xFFFFE000  }
0x211: {  	s14 =	sshll.u32 s14, $0x6;
	[bflag:$0x0] =	sbarrier.arrive $0xFFFF  }
0x212: {  	s24 =	sshrl.u32 s5, $0x3;
	s14 =	sor.u32 $0x1C05, s14;
	s25 =	rddreg [dreg:$0x10]  }
0x213: {  	[hbm:s25], [sflag:s14] =	dma.local [spmem:s24], $0x2800  }
0x214: {  	_ =	swait.ge [sflag:s28], $0x2800  }
0x215: {  	s3 =	sadd.s32 $0x1, s3;
	s25 =	rddreg [dreg:$0x11]  }
0x216: {  	p1 =	sne.s32 s3, s25  }
.Ltmp5:
0x217: {  	_ = 	snop;
	(pc) =	sbr.rel @p1 .LBB2_1-.Ltmp5, $3  }
0x218: {  	_ =	sdelay $0x1  }
0x219: {  	[sflag:s28] =	ssyncset.done $0x0  }
0x21a: {  	[sflag:s28] =	ssyncadd.s32 $0xFFFFD800  }
0x21b: {  	_ =	sfence.sel $0x180000  }
0x21c: {  	[bflag:$0x0] =	sbarrier.arrive $0xFFFF  }
0x21d: {  	_ =	strace $0x9000004A  }
0x21e: {  	s0 =	stileid.u32;
	[bflag:$0x2] =	sbarrier.arrive $0xFFFF  }
0x21f: {  	p0 =	sne.s32 s0, $0x0;
	s0 =	rddreg [dreg:$0x3]  }
0x220: {  	s0 =	sadd.s32 @!p0 $0x100000, s0  }
0x221: {  	[sflag:s0] =	ssyncadd.tile.s32 @!p0 $0x1;
	_ =	shalt  }
.Lfunc_end2:
_tile_overlayer_lowered:
.L_overlay_start_2:
0x222: {  	(tag) =	ssettag $0x2  }
0x223: {  	s0 =	rddreg [dreg:$0x0];
	s2 =	stileid.u32  }
0x224: {  	s1 =	rddreg [dreg:$0x1];
	p0 =	sne.s32 s2, $0x0  }
0x225: {  	s3 =	rddreg [dreg:$0x2];
	[bflag:$0x3] =	sbarrier.arrive $0xFFFF;
	s2 =	simm.s32 @!p0 $0x1C05  }
0x226: {  	[timem:s3], [sflag:s2] =	dma.local @!p0 [hbm:s0], s1  }
0x227: {  	s0 =	simm.s32 @!p0 $0x5  }
0x228: {  	_ =	swait.ge @!p0 [sflag:s0], s1  }
0x229: {  	s1 =	ssub.s32 @!p0 $0x0, s1;
	[sflag:s0] =	ssyncset.done @!p0 $0x0  }
0x22a: {  	[sflag:s0] =	ssyncadd.s32 @!p0 s1  }
0x22b: {  	[bflag:$0x3] =	sbarrier.arrive $0xFFFF  }
0x22c: {  	_ =	shalt  }

</sc_bundles>
